<compile_context>
chip_gen: v7x
topology: tpu7x:2x2x1
jax: 0.10.2.dev20260603
libtpu: 0.0.44.dev20260713+nightly
codegen_flags: <defaults>
</compile_context>

<pallas_src>
import functools

import jax
import jax.numpy as jnp
from jax import lax
from jax.experimental import pallas as pl
from jax.experimental.pallas import tpu as pltpu
from jax.experimental.pallas import tpu_sc as plsc

N = 10000
E = 320000
D_IN = 128
H = 64
C = 2

NC = 2
NS = 16
NW = NC * NS

NPAD = 10240
RPT = NPAD // NS
CHUNK = 80
NCHUNKS = 125
EPT = NCHUNKS * CHUNK
EPAD = NW * EPT
CW = 16


def _fill_rows(ref, ncols, value):
    def row(r, carry):
        for q in range(ncols // 16):
            ref[r, pl.ds(q * 16, 16)] = jnp.full((16,), value, jnp.float32)
        return carry

    lax.fori_loop(0, CHUNK, row, 0)


def _zero_acc_slice(buf, acc, r0):
    for q in range(RPT // 64):
        pltpu.sync_copy(buf.at[pl.ds(0, 64)], acc.at[pl.ds(r0 + q * 64, 64)])


def _sc_degree_body(dst_hbm, out_hbm, didx0, didx1,
                    ones_v, acc, sem_x0, sem_x1):
    c = lax.axis_index("c")
    s = lax.axis_index("s")
    wid = c * NS + s
    r0 = s * RPT
    base = wid * EPT
    _fill_rows(ones_v, CW, 0.0)
    _zero_acc_slice(ones_v, acc, r0)
    _fill_rows(ones_v, CW, 1.0)
    plsc.subcore_barrier()

    def idx_start(k, didx, sem_x):
        pltpu.async_copy(dst_hbm.at[pl.ds(base + k * CHUNK, CHUNK)], didx,
                         sem_x)

    def finish(k, didx, sem_x):
        pltpu.make_async_copy(dst_hbm.at[pl.ds(base + k * CHUNK, CHUNK)],
                              didx, sem_x).wait()
        pltpu.sync_copy(ones_v, acc.at[didx], add=True)

    def half(k, didx_c, sem_c, didx_n, sem_n):
        idx_start(k + 1, didx_n, sem_n)
        finish(k, didx_c, sem_c)

    idx_start(0, didx0, sem_x0)

    def body(j, carry):
        k = 2 * j
        half(k, didx0, sem_x0, didx1, sem_x1)
        half(k + 1, didx1, sem_x1, didx0, sem_x0)
        return carry

    lax.fori_loop(0, (NCHUNKS - 1) // 2, body, 0)
    finish(NCHUNKS - 1, didx0, sem_x0)

    plsc.subcore_barrier()
    pltpu.sync_copy(acc.at[pl.ds(r0, RPT)], out_hbm.at[pl.ds(c * NPAD + r0, RPT)])


def _sc_agg_body(src_hbm, dst_hbm, g_hbm, out_hbm,
                 sidx0, sidx1, sidx2, sidx3,
                 didx0, didx1, didx2, didx3,
                 rows0, rows1, rows2, rows3, acc,
                 sx0, sx1, sx2, sx3, sg0, sg1, sg2, sg3, ss0, ss1, ss2, ss3):
    c = lax.axis_index("c")
    s = lax.axis_index("s")
    wid = c * NS + s
    r0 = s * RPT
    base = wid * EPT
    _fill_rows(rows0, H, 0.0)
    _zero_acc_slice(rows0, acc, r0)
    plsc.subcore_barrier()

    slots = [
        (sidx0, didx0, rows0, sx0, sg0, ss0),
        (sidx1, didx1, rows1, sx1, sg1, ss1),
        (sidx2, didx2, rows2, sx2, sg2, ss2),
        (sidx3, didx3, rows3, sx3, sg3, ss3),
    ]

    def idx_start(k, p):
        sidx, didx, _, sem_x, _, _ = p
        off = base + k * CHUNK
        pltpu.async_copy(src_hbm.at[pl.ds(off, CHUNK)], sidx, sem_x)
        pltpu.async_copy(dst_hbm.at[pl.ds(off, CHUNK)], didx, sem_x)

    def idx_wait(k, p):
        sidx, didx, _, sem_x, _, _ = p
        off = base + k * CHUNK
        pltpu.make_async_copy(src_hbm.at[pl.ds(off, CHUNK)], sidx, sem_x).wait()
        pltpu.make_async_copy(dst_hbm.at[pl.ds(off, CHUNK)], didx, sem_x).wait()

    def gather_start(p):
        sidx, _, rows, _, sem_g, _ = p
        pltpu.async_copy(g_hbm.at[sidx], rows, sem_g)

    def gather_wait(p):
        sidx, _, rows, _, sem_g, _ = p
        pltpu.make_async_copy(g_hbm.at[sidx], rows, sem_g).wait()

    def scatter_start(p):
        _, didx, rows, _, _, sem_s = p
        pltpu.async_copy(rows, acc.at[didx], sem_s, add=True)

    def scatter_wait(p):
        _, didx, rows, _, _, sem_s = p
        pltpu.make_async_copy(rows, acc.at[didx], sem_s).wait()

    def slot(k, t):
        p_cur = slots[t]
        idx_wait(k + 1, slots[(t + 1) % 4])
        gather_start(slots[(t + 1) % 4])
        gather_wait(p_cur)

        @pl.when(k > 0)
        def _():
            scatter_wait(slots[(t + 3) % 4])

        scatter_start(p_cur)

        @pl.when(k + 3 < NCHUNKS)
        def _():
            idx_start(k + 3, slots[(t + 3) % 4])

    idx_start(0, slots[0])
    idx_start(1, slots[1])
    idx_start(2, slots[2])
    idx_wait(0, slots[0])
    gather_start(slots[0])

    def body(j, carry):
        k = 4 * j
        slot(k, 0)
        slot(k + 1, 1)
        slot(k + 2, 2)
        slot(k + 3, 3)
        return carry

    lax.fori_loop(0, (NCHUNKS - 1) // 4, body, 0)
    gather_wait(slots[0])
    scatter_wait(slots[3])
    scatter_start(slots[0])
    scatter_wait(slots[0])

    plsc.subcore_barrier()
    pltpu.sync_copy(acc.at[pl.ds(r0, RPT)], out_hbm.at[pl.ds(c * NPAD + r0, RPT)])


@functools.lru_cache(maxsize=None)
def _sc_kernels():
    mesh = plsc.VectorSubcoreMesh(core_axis_name="c", subcore_axis_name="s")
    params = pltpu.CompilerParams(use_tc_tiling_on_sc=False)
    deg = pl.kernel(
        _sc_degree_body,
        mesh=mesh,
        out_type=jax.ShapeDtypeStruct((NC * NPAD, CW), jnp.float32),
        scratch_types=[
            pltpu.VMEM((CHUNK,), jnp.int32),
            pltpu.VMEM((CHUNK,), jnp.int32),
            pltpu.VMEM((CHUNK, CW), jnp.float32),
            pltpu.VMEM_SHARED((NPAD, CW), jnp.float32),
            pltpu.SemaphoreType.DMA,
            pltpu.SemaphoreType.DMA,
        ],
        compiler_params=params,
    )
    agg = pl.kernel(
        _sc_agg_body,
        mesh=mesh,
        out_type=jax.ShapeDtypeStruct((NC * NPAD, H), jnp.float32),
        scratch_types=(
            [pltpu.VMEM((CHUNK,), jnp.int32) for _ in range(8)]
            + [pltpu.VMEM((CHUNK, H), jnp.float32) for _ in range(4)]
            + [pltpu.VMEM_SHARED((NPAD, H), jnp.float32)]
            + [pltpu.SemaphoreType.DMA for _ in range(12)]
        ),
        compiler_params=params,
    )
    return deg, agg



_RB = 2000


def _dis_from_cnt(cnt):
    deg = cnt[0, :, :1] + cnt[1, :, :1] + 1.0
    return lax.rsqrt(deg)


def _k1_body(x_ref, w_ref, cnt_ref, g_ref):
    dis = _dis_from_cnt(cnt_ref[...])
    h = jnp.dot(x_ref[...], w_ref[...], preferred_element_type=jnp.float32)
    g_ref[...] = dis * h


def _kmid_body(scat_ref, g_ref, cnt_ref, w_ref, b_ref, gout_ref):
    dis = _dis_from_cnt(cnt_ref[...])
    sc = scat_ref[0] + scat_ref[1] + g_ref[...]
    act = jnp.maximum(dis * sc + b_ref[...], 0.0)
    gout_ref[...] = dis * jnp.dot(act, w_ref[...],
                                  preferred_element_type=jnp.float32)


def _kfin_body(scat_ref, g_ref, cnt_ref, b_ref, wc1_ref, bc1_ref, wc2_ref,
               bc2_ref, out_ref):
    cnt = cnt_ref[...]
    deg = cnt[0, :N, :1] + cnt[1, :N, :1] + 1.0
    dis = lax.rsqrt(deg)
    sc = scat_ref[0, :N] + scat_ref[1, :N] + g_ref[...]
    act = jnp.maximum(dis * sc + b_ref[...], 0.0)
    r = jnp.sum(act, axis=0, keepdims=True) * (1.0 / N)
    comb = jnp.concatenate([r, r], axis=1)
    z = jnp.maximum(
        jnp.dot(comb, wc1_ref[...], preferred_element_type=jnp.float32)
        + bc1_ref[...], 0.0)
    out_ref[...] = (jnp.dot(z, wc2_ref[...], preferred_element_type=jnp.float32)
                    + bc2_ref[...])


def _tc_layer1(x, W1, cnt):
    return pl.pallas_call(
        _k1_body,
        grid=(N // _RB,),
        in_specs=[
            pl.BlockSpec((_RB, D_IN), lambda i: (i, 0)),
            pl.BlockSpec((D_IN, H), lambda i: (0, 0)),
            pl.BlockSpec((2, _RB, CW), lambda i: (0, i, 0)),
        ],
        out_specs=pl.BlockSpec((_RB, H), lambda i: (i, 0)),
        out_shape=jax.ShapeDtypeStruct((N, H), jnp.float32),
    )(x, W1, cnt)


def _tc_mid(scat, g, cnt, W, b):
    return pl.pallas_call(
        _kmid_body,
        grid=(N // _RB,),
        in_specs=[
            pl.BlockSpec((2, _RB, H), lambda i: (0, i, 0)),
            pl.BlockSpec((_RB, H), lambda i: (i, 0)),
            pl.BlockSpec((2, _RB, CW), lambda i: (0, i, 0)),
            pl.BlockSpec((H, H), lambda i: (0, 0)),
            pl.BlockSpec((1, H), lambda i: (0, 0)),
        ],
        out_specs=pl.BlockSpec((_RB, H), lambda i: (i, 0)),
        out_shape=jax.ShapeDtypeStruct((N, H), jnp.float32),
    )(scat, g, cnt, W, b)


def _tc_final(scat, g, cnt, b3, Wc1, bc1, Wc2, bc2):
    return pl.pallas_call(
        _kfin_body,
        out_shape=jax.ShapeDtypeStruct((1, C), jnp.float32),
    )(scat, g, cnt, b3, Wc1, bc1, Wc2, bc2)



def kernel(x, edge_index, W1, b1, W2, b2, W3, b3, Wc1, bc1, Wc2, bc2):
    if EPAD > E:
        src = jnp.concatenate([edge_index[0],
                               jnp.zeros((EPAD - E,), jnp.int32)])
        pad_dst = N + jnp.arange(EPAD - E, dtype=jnp.int32) % (NPAD - N)
        dst = jnp.concatenate([edge_index[1], pad_dst])
    else:
        src = edge_index[0]
        dst = edge_index[1]

    sc_degree, sc_agg = _sc_kernels()
    cnt = sc_degree(dst).reshape(NC, NPAD, CW)

    g1 = _tc_layer1(x, W1, cnt)
    s1 = sc_agg(src, dst, g1).reshape(NC, NPAD, H)
    g2 = _tc_mid(s1, g1, cnt, W2, b1.reshape(1, H))
    s2 = sc_agg(src, dst, g2).reshape(NC, NPAD, H)
    g3 = _tc_mid(s2, g2, cnt, W3, b2.reshape(1, H))
    s3 = sc_agg(src, dst, g3).reshape(NC, NPAD, H)
    return _tc_final(s3, g3, cnt, b3.reshape(1, H), Wc1, bc1.reshape(1, H),
                     Wc2, bc2.reshape(1, C))

# --- scband reference (transcript-rebuilt; emitter-appended) ---
"""Pipeline reference for scband-gnnmodel-53334903881954 (READ-ONLY COPY).

The authoritative reference and input builder live on the scoring server;
editing this copy changes nothing except your own understanding.
"""

import jax, jax.numpy as jnp
import numpy as np

N = 10000
E = 320000
D_IN = 128
H = 64
C = 2


def setup_inputs(seed: int = 0) -> dict:
    key = jax.random.key(seed)
    ks = jax.random.split(key, 12)
    x = jax.random.normal(ks[0], (N, D_IN), dtype=jnp.float32)
    edge_index = jax.random.randint(ks[1], (2, E), 0, N, dtype=jnp.int32)
    # GCNConv weights (3 layers) + classifier weights
    W1 = jax.random.normal(ks[2], (D_IN, H), dtype=jnp.float32) * 0.05
    b1 = jnp.zeros((H,), dtype=jnp.float32)
    W2 = jax.random.normal(ks[3], (H, H), dtype=jnp.float32) * 0.05
    b2 = jnp.zeros((H,), dtype=jnp.float32)
    W3 = jax.random.normal(ks[4], (H, H), dtype=jnp.float32) * 0.05
    b3 = jnp.zeros((H,), dtype=jnp.float32)
    Wc1 = jax.random.normal(ks[5], (2 * H, H), dtype=jnp.float32) * 0.05
    bc1 = jnp.zeros((H,), dtype=jnp.float32)
    Wc2 = jax.random.normal(ks[6], (H, C), dtype=jnp.float32) * 0.05
    bc2 = jnp.zeros((C,), dtype=jnp.float32)
    return {"x": x, "edge_index": edge_index, "W1": W1, "b1": b1, "W2": W2, "b2": b2,
            "W3": W3, "b3": b3, "Wc1": Wc1, "bc1": bc1, "Wc2": Wc2, "bc2": bc2}


def _gcn_conv(x, src, dst, W, b):
    # PyG GCNConv: add self-loops, symmetric normalization, linear transform, sum-aggregate
    h = x @ W
    loop = jnp.arange(N, dtype=src.dtype)
    s = jnp.concatenate([src, loop])
    d = jnp.concatenate([dst, loop])
    deg = jax.ops.segment_sum(jnp.ones_like(d, dtype=h.dtype), d, num_segments=N)
    dis = jnp.where(deg > 0, jax.lax.rsqrt(jnp.maximum(deg, 1e-12)), 0.0)
    norm = dis[s] * dis[d]
    msg = h[s] * norm[:, None]
    out = jax.ops.segment_sum(msg, d, num_segments=N)
    return out + b


def reference(x, edge_index, W1, b1, W2, b2, W3, b3, Wc1, bc1, Wc2, bc2):
    src = edge_index[0]
    dst = edge_index[1]
    h = jnp.maximum(_gcn_conv(x, src, dst, W1, b1), 0.0)
    h = jnp.maximum(_gcn_conv(h, src, dst, W2, b2), 0.0)
    h = jnp.maximum(_gcn_conv(h, src, dst, W3, b3), 0.0)
    # batch=None -> single graph; mean readout over all nodes
    readout = jnp.mean(h, axis=0, keepdims=True)
    combined = jnp.concatenate([readout, readout], axis=1)
    z = jnp.maximum(combined @ Wc1 + bc1, 0.0)
    logits = z @ Wc2 + bc2
    return logits

if __name__ == "__main__":
    import jax
    _d = setup_inputs()
    print(jax.jit(kernel)(*tuple(_d.values())))

</pallas_src>

<mosaic_0001>
#map = affine_map<(d0, d1) -> (0)>
#map1 = affine_map<(d0, d1) -> (0, 0)>
module attributes {stable_mosaic.version = 14 : i64} {
  func.func @_sc_degree_body(%arg0: i32, %arg1: i32, %arg2: memref<320000xi32, #tpu.memory_space<hbm>>, %arg3: memref<20480x16xf32, #tpu.memory_space<hbm>>, %arg4: memref<80xi32, #tpu.memory_space<vmem>>, %arg5: memref<80xi32, #tpu.memory_space<vmem>>, %arg6: memref<80x16xf32, #tpu.memory_space<vmem>>, %arg7: memref<10240x16xf32, #tpu.memory_space<vmem_shared>>, %arg8: memref<!tpu.dma_semaphore, #tpu.memory_space<semaphore_mem>>, %arg9: memref<!tpu.dma_semaphore, #tpu.memory_space<semaphore_mem>>) attributes {dimension_semantics = [#tpu.dimension_semantics<core_parallel>, #tpu.dimension_semantics<subcore_parallel>], iteration_bounds = array<i64: 2, 16>, scalar_prefetch = 0 : i64, scratch_operands = 6 : i64, tpu.core_type = #tpu.core_type<sc_vector_subcore>, window_params = [{transform_indices = #map}, {transform_indices = #map1}]} {
    %mul3A = arith.constant 16 : i32
    %mul3A_0 = arith.muli %arg0, %mul3A : i32
    %add3A = arith.addi %mul3A_0, %arg1 : i32
    %mul3A_1 = arith.constant 640 : i32
    %mul3A_2 = arith.muli %arg1, %mul3A_1 : i32
    %mul3A_3 = arith.constant 10000 : i32
    %mul3A_4 = arith.muli %add3A, %mul3A_3 : i32
    %scan3A = arith.constant 0 : i32
    %scan3A_5 = arith.constant 0 : i32
    %scan3A_6 = arith.constant 80 : i32
    %scan3A_7 = arith.addi %scan3A_5, %scan3A_6 : i32
    %scan3A_8 = arith.constant 1 : i32
    scf.for %scan3A_52 = %scan3A_5 to %scan3A_7 step %scan3A_8  : i32 {
      %broadcast_in_dim3A = arith.constant 0.000000e+00 : f32
      %broadcast_in_dim3A_53 = vector.broadcast %broadcast_in_dim3A : f32 to vector<16xf32>
      %swap3A = arith.index_cast %scan3A_52 : i32 to index
      %swap3A_54 = arith.constant 0 : index
      %swap3A_55 = tpu.vector_load %arg6[%swap3A, %swap3A_54] {strides = array<i32>} : memref<80x16xf32, #tpu.memory_space<vmem>>, vector<1x16xf32>,
      %swap3A_56 = vector.shape_cast %swap3A_55 : vector<1x16xf32> to vector<16xf32>
      %swap3A_57 = vector.shape_cast %broadcast_in_dim3A_53 : vector<16xf32> to vector<1x16xf32>
      tpu.vector_store %arg6[%swap3A, %swap3A_54], %swap3A_57 {strides = array<i32>} : memref<80x16xf32, #tpu.memory_space<vmem>>, vector<1x16xf32>,
    }
    %scan3A_9 = arith.constant 80 : i32
    %add3A_10 = arith.constant 0 : i32
    %add3A_11 = arith.addi %mul3A_2, %add3A_10 : i32
    "tpu.region"() ({
      %run_scoped3A = tpu.sem_alloc : memref<!tpu.dma_semaphore, #tpu.memory_space<semaphore_mem>>
      %dma_start3A_52 = arith.constant 0 : i32
      %dma_start3A_53 = arith.constant 0 : i32
      %dma_start3A_54 = tpu.memref_slice %arg6[%dma_start3A_52, %dma_start3A_53] : memref<80x16xf32, #tpu.memory_space<vmem>> -> memref<64x16xf32, #tpu.memory_space<vmem>>
      %dma_start3A_55 = arith.constant 0 : i32
      %dma_start3A_56 = tpu.memref_slice %arg7[%add3A_11, %dma_start3A_55] : memref<10240x16xf32, #tpu.memory_space<vmem_shared>> -> memref<64x16xf32, #tpu.memory_space<vmem_shared>>
      %dma_start3A_57 = arith.constant 0 : i32
      %dma_start3A_58 = tpu.memref_slice %arg7[%add3A_11, %dma_start3A_57] : memref<10240x16xf32, #tpu.memory_space<vmem_shared>> -> memref<64x16xf32, #tpu.memory_space<vmem_shared>>
      %dma_start3A_59 = arith.constant 0 : i32
      %dma_start3A_60 = arith.constant 0 : i32
      %dma_start3A_61 = tpu.memref_slice %arg6[%dma_start3A_59, %dma_start3A_60] : memref<80x16xf32, #tpu.memory_space<vmem>> -> memref<64x16xf32, #tpu.memory_space<vmem>>
      tpu.enqueue_dma source(%dma_start3A_61 : memref<64x16xf32, #tpu.memory_space<vmem>>) target(%dma_start3A_58 : memref<64x16xf32, #tpu.memory_space<vmem_shared>>) target_semaphore(%run_scoped3A : memref<!tpu.dma_semaphore, #tpu.memory_space<semaphore_mem>>)
      %dma_wait3A_62 = arith.constant 0 : i32
      %dma_wait3A_63 = arith.constant 0 : i32
      %dma_wait3A_64 = tpu.memref_slice %arg6[%dma_wait3A_62, %dma_wait3A_63] : memref<80x16xf32, #tpu.memory_space<vmem>> -> memref<64x16xf32, #tpu.memory_space<vmem>>
      %dma_wait3A_65 = arith.constant 0 : i32
      %dma_wait3A_66 = tpu.memref_slice %arg7[%add3A_11, %dma_wait3A_65] : memref<10240x16xf32, #tpu.memory_space<vmem_shared>> -> memref<64x16xf32, #tpu.memory_space<vmem_shared>>
      %dma_wait3A_67 = arith.constant 0 : i32
      %dma_wait3A_68 = tpu.memref_slice %arg7[%add3A_11, %dma_wait3A_67] : memref<10240x16xf32, #tpu.memory_space<vmem_shared>> -> memref<64x16xf32, #tpu.memory_space<vmem_shared>>
      %dma_wait3A_69 = arith.constant 0 : i32
      %dma_wait3A_70 = arith.constant 0 : i32
      %dma_wait3A_71 = tpu.memref_slice %arg6[%dma_wait3A_69, %dma_wait3A_70] : memref<80x16xf32, #tpu.memory_space<vmem>> -> memref<64x16xf32, #tpu.memory_space<vmem>>
      tpu.wait_dma2 semaphore(%run_scoped3A : memref<!tpu.dma_semaphore, #tpu.memory_space<semaphore_mem>>) src(%dma_wait3A_71 : memref<64x16xf32, #tpu.memory_space<vmem>>) dst(%dma_wait3A_68 : memref<64x16xf32, #tpu.memory_space<vmem_shared>>)
      tpu.yield
    }) : () -> ()
    %add3A_12 = arith.constant 64 : i32
    %add3A_13 = arith.addi %mul3A_2, %add3A_12 : i32
    "tpu.region"() ({
      %run_scoped3A = tpu.sem_alloc : memref<!tpu.dma_semaphore, #tpu.memory_space<semaphore_mem>>
      %dma_start3A_52 = arith.constant 0 : i32
      %dma_start3A_53 = arith.constant 0 : i32
      %dma_start3A_54 = tpu.memref_slice %arg6[%dma_start3A_52, %dma_start3A_53] : memref<80x16xf32, #tpu.memory_space<vmem>> -> memref<64x16xf32, #tpu.memory_space<vmem>>
      %dma_start3A_55 = arith.constant 0 : i32
      %dma_start3A_56 = tpu.memref_slice %arg7[%add3A_13, %dma_start3A_55] : memref<10240x16xf32, #tpu.memory_space<vmem_shared>> -> memref<64x16xf32, #tpu.memory_space<vmem_shared>>
      %dma_start3A_57 = arith.constant 0 : i32
      %dma_start3A_58 = tpu.memref_slice %arg7[%add3A_13, %dma_start3A_57] : memref<10240x16xf32, #tpu.memory_space<vmem_shared>> -> memref<64x16xf32, #tpu.memory_space<vmem_shared>>
      %dma_start3A_59 = arith.constant 0 : i32
      %dma_start3A_60 = arith.constant 0 : i32
      %dma_start3A_61 = tpu.memref_slice %arg6[%dma_start3A_59, %dma_start3A_60] : memref<80x16xf32, #tpu.memory_space<vmem>> -> memref<64x16xf32, #tpu.memory_space<vmem>>
      tpu.enqueue_dma source(%dma_start3A_61 : memref<64x16xf32, #tpu.memory_space<vmem>>) target(%dma_start3A_58 : memref<64x16xf32, #tpu.memory_space<vmem_shared>>) target_semaphore(%run_scoped3A : memref<!tpu.dma_semaphore, #tpu.memory_space<semaphore_mem>>)
      %dma_wait3A_62 = arith.constant 0 : i32
      %dma_wait3A_63 = arith.constant 0 : i32
      %dma_wait3A_64 = tpu.memref_slice %arg6[%dma_wait3A_62, %dma_wait3A_63] : memref<80x16xf32, #tpu.memory_space<vmem>> -> memref<64x16xf32, #tpu.memory_space<vmem>>
      %dma_wait3A_65 = arith.constant 0 : i32
      %dma_wait3A_66 = tpu.memref_slice %arg7[%add3A_13, %dma_wait3A_65] : memref<10240x16xf32, #tpu.memory_space<vmem_shared>> -> memref<64x16xf32, #tpu.memory_space<vmem_shared>>
      %dma_wait3A_67 = arith.constant 0 : i32
      %dma_wait3A_68 = tpu.memref_slice %arg7[%add3A_13, %dma_wait3A_67] : memref<10240x16xf32, #tpu.memory_space<vmem_shared>> -> memref<64x16xf32, #tpu.memory_space<vmem_shared>>
      %dma_wait3A_69 = arith.constant 0 : i32
      %dma_wait3A_70 = arith.constant 0 : i32
      %dma_wait3A_71 = tpu.memref_slice %arg6[%dma_wait3A_69, %dma_wait3A_70] : memref<80x16xf32, #tpu.memory_space<vmem>> -> memref<64x16xf32, #tpu.memory_space<vmem>>
      tpu.wait_dma2 semaphore(%run_scoped3A : memref<!tpu.dma_semaphore, #tpu.memory_space<semaphore_mem>>) src(%dma_wait3A_71 : memref<64x16xf32, #tpu.memory_space<vmem>>) dst(%dma_wait3A_68 : memref<64x16xf32, #tpu.memory_space<vmem_shared>>)
      tpu.yield
    }) : () -> ()
    %add3A_14 = arith.constant 128 : i32
    %add3A_15 = arith.addi %mul3A_2, %add3A_14 : i32
    "tpu.region"() ({
      %run_scoped3A = tpu.sem_alloc : memref<!tpu.dma_semaphore, #tpu.memory_space<semaphore_mem>>
      %dma_start3A_52 = arith.constant 0 : i32
      %dma_start3A_53 = arith.constant 0 : i32
      %dma_start3A_54 = tpu.memref_slice %arg6[%dma_start3A_52, %dma_start3A_53] : memref<80x16xf32, #tpu.memory_space<vmem>> -> memref<64x16xf32, #tpu.memory_space<vmem>>
      %dma_start3A_55 = arith.constant 0 : i32
      %dma_start3A_56 = tpu.memref_slice %arg7[%add3A_15, %dma_start3A_55] : memref<10240x16xf32, #tpu.memory_space<vmem_shared>> -> memref<64x16xf32, #tpu.memory_space<vmem_shared>>
      %dma_start3A_57 = arith.constant 0 : i32
      %dma_start3A_58 = tpu.memref_slice %arg7[%add3A_15, %dma_start3A_57] : memref<10240x16xf32, #tpu.memory_space<vmem_shared>> -> memref<64x16xf32, #tpu.memory_space<vmem_shared>>
      %dma_start3A_59 = arith.constant 0 : i32
      %dma_start3A_60 = arith.constant 0 : i32
      %dma_start3A_61 = tpu.memref_slice %arg6[%dma_start3A_59, %dma_start3A_60] : memref<80x16xf32, #tpu.memory_space<vmem>> -> memref<64x16xf32, #tpu.memory_space<vmem>>
      tpu.enqueue_dma source(%dma_start3A_61 : memref<64x16xf32, #tpu.memory_space<vmem>>) target(%dma_start3A_58 : memref<64x16xf32, #tpu.memory_space<vmem_shared>>) target_semaphore(%run_scoped3A : memref<!tpu.dma_semaphore, #tpu.memory_space<semaphore_mem>>)
      %dma_wait3A_62 = arith.constant 0 : i32
      %dma_wait3A_63 = arith.constant 0 : i32
      %dma_wait3A_64 = tpu.memref_slice %arg6[%dma_wait3A_62, %dma_wait3A_63] : memref<80x16xf32, #tpu.memory_space<vmem>> -> memref<64x16xf32, #tpu.memory_space<vmem>>
      %dma_wait3A_65 = arith.constant 0 : i32
      %dma_wait3A_66 = tpu.memref_slice %arg7[%add3A_15, %dma_wait3A_65] : memref<10240x16xf32, #tpu.memory_space<vmem_shared>> -> memref<64x16xf32, #tpu.memory_space<vmem_shared>>
      %dma_wait3A_67 = arith.constant 0 : i32
      %dma_wait3A_68 = tpu.memref_slice %arg7[%add3A_15, %dma_wait3A_67] : memref<10240x16xf32, #tpu.memory_space<vmem_shared>> -> memref<64x16xf32, #tpu.memory_space<vmem_shared>>
      %dma_wait3A_69 = arith.constant 0 : i32
      %dma_wait3A_70 = arith.constant 0 : i32
      %dma_wait3A_71 = tpu.memref_slice %arg6[%dma_wait3A_69, %dma_wait3A_70] : memref<80x16xf32, #tpu.memory_space<vmem>> -> memref<64x16xf32, #tpu.memory_space<vmem>>
      tpu.wait_dma2 semaphore(%run_scoped3A : memref<!tpu.dma_semaphore, #tpu.memory_space<semaphore_mem>>) src(%dma_wait3A_71 : memref<64x16xf32, #tpu.memory_space<vmem>>) dst(%dma_wait3A_68 : memref<64x16xf32, #tpu.memory_space<vmem_shared>>)
      tpu.yield
    }) : () -> ()
    %add3A_16 = arith.constant 192 : i32
    %add3A_17 = arith.addi %mul3A_2, %add3A_16 : i32
    "tpu.region"() ({
      %run_scoped3A = tpu.sem_alloc : memref<!tpu.dma_semaphore, #tpu.memory_space<semaphore_mem>>
      %dma_start3A_52 = arith.constant 0 : i32
      %dma_start3A_53 = arith.constant 0 : i32
      %dma_start3A_54 = tpu.memref_slice %arg6[%dma_start3A_52, %dma_start3A_53] : memref<80x16xf32, #tpu.memory_space<vmem>> -> memref<64x16xf32, #tpu.memory_space<vmem>>
      %dma_start3A_55 = arith.constant 0 : i32
      %dma_start3A_56 = tpu.memref_slice %arg7[%add3A_17, %dma_start3A_55] : memref<10240x16xf32, #tpu.memory_space<vmem_shared>> -> memref<64x16xf32, #tpu.memory_space<vmem_shared>>
      %dma_start3A_57 = arith.constant 0 : i32
      %dma_start3A_58 = tpu.memref_slice %arg7[%add3A_17, %dma_start3A_57] : memref<10240x16xf32, #tpu.memory_space<vmem_shared>> -> memref<64x16xf32, #tpu.memory_space<vmem_shared>>
      %dma_start3A_59 = arith.constant 0 : i32
      %dma_start3A_60 = arith.constant 0 : i32
      %dma_start3A_61 = tpu.memref_slice %arg6[%dma_start3A_59, %dma_start3A_60] : memref<80x16xf32, #tpu.memory_space<vmem>> -> memref<64x16xf32, #tpu.memory_space<vmem>>
      tpu.enqueue_dma source(%dma_start3A_61 : memref<64x16xf32, #tpu.memory_space<vmem>>) target(%dma_start3A_58 : memref<64x16xf32, #tpu.memory_space<vmem_shared>>) target_semaphore(%run_scoped3A : memref<!tpu.dma_semaphore, #tpu.memory_space<semaphore_mem>>)
      %dma_wait3A_62 = arith.constant 0 : i32
      %dma_wait3A_63 = arith.constant 0 : i32
      %dma_wait3A_64 = tpu.memref_slice %arg6[%dma_wait3A_62, %dma_wait3A_63] : memref<80x16xf32, #tpu.memory_space<vmem>> -> memref<64x16xf32, #tpu.memory_space<vmem>>
      %dma_wait3A_65 = arith.constant 0 : i32
      %dma_wait3A_66 = tpu.memref_slice %arg7[%add3A_17, %dma_wait3A_65] : memref<10240x16xf32, #tpu.memory_space<vmem_shared>> -> memref<64x16xf32, #tpu.memory_space<vmem_shared>>
      %dma_wait3A_67 = arith.constant 0 : i32
      %dma_wait3A_68 = tpu.memref_slice %arg7[%add3A_17, %dma_wait3A_67] : memref<10240x16xf32, #tpu.memory_space<vmem_shared>> -> memref<64x16xf32, #tpu.memory_space<vmem_shared>>
      %dma_wait3A_69 = arith.constant 0 : i32
      %dma_wait3A_70 = arith.constant 0 : i32
      %dma_wait3A_71 = tpu.memref_slice %arg6[%dma_wait3A_69, %dma_wait3A_70] : memref<80x16xf32, #tpu.memory_space<vmem>> -> memref<64x16xf32, #tpu.memory_space<vmem>>
      tpu.wait_dma2 semaphore(%run_scoped3A : memref<!tpu.dma_semaphore, #tpu.memory_space<semaphore_mem>>) src(%dma_wait3A_71 : memref<64x16xf32, #tpu.memory_space<vmem>>) dst(%dma_wait3A_68 : memref<64x16xf32, #tpu.memory_space<vmem_shared>>)
      tpu.yield
    }) : () -> ()
    %add3A_18 = arith.constant 256 : i32
    %add3A_19 = arith.addi %mul3A_2, %add3A_18 : i32
    "tpu.region"() ({
      %run_scoped3A = tpu.sem_alloc : memref<!tpu.dma_semaphore, #tpu.memory_space<semaphore_mem>>
      %dma_start3A_52 = arith.constant 0 : i32
      %dma_start3A_53 = arith.constant 0 : i32
      %dma_start3A_54 = tpu.memref_slice %arg6[%dma_start3A_52, %dma_start3A_53] : memref<80x16xf32, #tpu.memory_space<vmem>> -> memref<64x16xf32, #tpu.memory_space<vmem>>
      %dma_start3A_55 = arith.constant 0 : i32
      %dma_start3A_56 = tpu.memref_slice %arg7[%add3A_19, %dma_start3A_55] : memref<10240x16xf32, #tpu.memory_space<vmem_shared>> -> memref<64x16xf32, #tpu.memory_space<vmem_shared>>
      %dma_start3A_57 = arith.constant 0 : i32
      %dma_start3A_58 = tpu.memref_slice %arg7[%add3A_19, %dma_start3A_57] : memref<10240x16xf32, #tpu.memory_space<vmem_shared>> -> memref<64x16xf32, #tpu.memory_space<vmem_shared>>
      %dma_start3A_59 = arith.constant 0 : i32
      %dma_start3A_60 = arith.constant 0 : i32
      %dma_start3A_61 = tpu.memref_slice %arg6[%dma_start3A_59, %dma_start3A_60] : memref<80x16xf32, #tpu.memory_space<vmem>> -> memref<64x16xf32, #tpu.memory_space<vmem>>
      tpu.enqueue_dma source(%dma_start3A_61 : memref<64x16xf32, #tpu.memory_space<vmem>>) target(%dma_start3A_58 : memref<64x16xf32, #tpu.memory_space<vmem_shared>>) target_semaphore(%run_scoped3A : memref<!tpu.dma_semaphore, #tpu.memory_space<semaphore_mem>>)
      %dma_wait3A_62 = arith.constant 0 : i32
      %dma_wait3A_63 = arith.constant 0 : i32
      %dma_wait3A_64 = tpu.memref_slice %arg6[%dma_wait3A_62, %dma_wait3A_63] : memref<80x16xf32, #tpu.memory_space<vmem>> -> memref<64x16xf32, #tpu.memory_space<vmem>>
      %dma_wait3A_65 = arith.constant 0 : i32
      %dma_wait3A_66 = tpu.memref_slice %arg7[%add3A_19, %dma_wait3A_65] : memref<10240x16xf32, #tpu.memory_space<vmem_shared>> -> memref<64x16xf32, #tpu.memory_space<vmem_shared>>
      %dma_wait3A_67 = arith.constant 0 : i32
      %dma_wait3A_68 = tpu.memref_slice %arg7[%add3A_19, %dma_wait3A_67] : memref<10240x16xf32, #tpu.memory_space<vmem_shared>> -> memref<64x16xf32, #tpu.memory_space<vmem_shared>>
      %dma_wait3A_69 = arith.constant 0 : i32
      %dma_wait3A_70 = arith.constant 0 : i32
      %dma_wait3A_71 = tpu.memref_slice %arg6[%dma_wait3A_69, %dma_wait3A_70] : memref<80x16xf32, #tpu.memory_space<vmem>> -> memref<64x16xf32, #tpu.memory_space<vmem>>
      tpu.wait_dma2 semaphore(%run_scoped3A : memref<!tpu.dma_semaphore, #tpu.memory_space<semaphore_mem>>) src(%dma_wait3A_71 : memref<64x16xf32, #tpu.memory_space<vmem>>) dst(%dma_wait3A_68 : memref<64x16xf32, #tpu.memory_space<vmem_shared>>)
      tpu.yield
    }) : () -> ()
    %add3A_20 = arith.constant 320 : i32
    %add3A_21 = arith.addi %mul3A_2, %add3A_20 : i32
    "tpu.region"() ({
      %run_scoped3A = tpu.sem_alloc : memref<!tpu.dma_semaphore, #tpu.memory_space<semaphore_mem>>
      %dma_start3A_52 = arith.constant 0 : i32
      %dma_start3A_53 = arith.constant 0 : i32
      %dma_start3A_54 = tpu.memref_slice %arg6[%dma_start3A_52, %dma_start3A_53] : memref<80x16xf32, #tpu.memory_space<vmem>> -> memref<64x16xf32, #tpu.memory_space<vmem>>
      %dma_start3A_55 = arith.constant 0 : i32
      %dma_start3A_56 = tpu.memref_slice %arg7[%add3A_21, %dma_start3A_55] : memref<10240x16xf32, #tpu.memory_space<vmem_shared>> -> memref<64x16xf32, #tpu.memory_space<vmem_shared>>
      %dma_start3A_57 = arith.constant 0 : i32
      %dma_start3A_58 = tpu.memref_slice %arg7[%add3A_21, %dma_start3A_57] : memref<10240x16xf32, #tpu.memory_space<vmem_shared>> -> memref<64x16xf32, #tpu.memory_space<vmem_shared>>
      %dma_start3A_59 = arith.constant 0 : i32
      %dma_start3A_60 = arith.constant 0 : i32
      %dma_start3A_61 = tpu.memref_slice %arg6[%dma_start3A_59, %dma_start3A_60] : memref<80x16xf32, #tpu.memory_space<vmem>> -> memref<64x16xf32, #tpu.memory_space<vmem>>
      tpu.enqueue_dma source(%dma_start3A_61 : memref<64x16xf32, #tpu.memory_space<vmem>>) target(%dma_start3A_58 : memref<64x16xf32, #tpu.memory_space<vmem_shared>>) target_semaphore(%run_scoped3A : memref<!tpu.dma_semaphore, #tpu.memory_space<semaphore_mem>>)
      %dma_wait3A_62 = arith.constant 0 : i32
      %dma_wait3A_63 = arith.constant 0 : i32
      %dma_wait3A_64 = tpu.memref_slice %arg6[%dma_wait3A_62, %dma_wait3A_63] : memref<80x16xf32, #tpu.memory_space<vmem>> -> memref<64x16xf32, #tpu.memory_space<vmem>>
      %dma_wait3A_65 = arith.constant 0 : i32
      %dma_wait3A_66 = tpu.memref_slice %arg7[%add3A_21, %dma_wait3A_65] : memref<10240x16xf32, #tpu.memory_space<vmem_shared>> -> memref<64x16xf32, #tpu.memory_space<vmem_shared>>
      %dma_wait3A_67 = arith.constant 0 : i32
      %dma_wait3A_68 = tpu.memref_slice %arg7[%add3A_21, %dma_wait3A_67] : memref<10240x16xf32, #tpu.memory_space<vmem_shared>> -> memref<64x16xf32, #tpu.memory_space<vmem_shared>>
      %dma_wait3A_69 = arith.constant 0 : i32
      %dma_wait3A_70 = arith.constant 0 : i32
      %dma_wait3A_71 = tpu.memref_slice %arg6[%dma_wait3A_69, %dma_wait3A_70] : memref<80x16xf32, #tpu.memory_space<vmem>> -> memref<64x16xf32, #tpu.memory_space<vmem>>
      tpu.wait_dma2 semaphore(%run_scoped3A : memref<!tpu.dma_semaphore, #tpu.memory_space<semaphore_mem>>) src(%dma_wait3A_71 : memref<64x16xf32, #tpu.memory_space<vmem>>) dst(%dma_wait3A_68 : memref<64x16xf32, #tpu.memory_space<vmem_shared>>)
      tpu.yield
    }) : () -> ()
    %add3A_22 = arith.constant 384 : i32
    %add3A_23 = arith.addi %mul3A_2, %add3A_22 : i32
    "tpu.region"() ({
      %run_scoped3A = tpu.sem_alloc : memref<!tpu.dma_semaphore, #tpu.memory_space<semaphore_mem>>
      %dma_start3A_52 = arith.constant 0 : i32
      %dma_start3A_53 = arith.constant 0 : i32
      %dma_start3A_54 = tpu.memref_slice %arg6[%dma_start3A_52, %dma_start3A_53] : memref<80x16xf32, #tpu.memory_space<vmem>> -> memref<64x16xf32, #tpu.memory_space<vmem>>
      %dma_start3A_55 = arith.constant 0 : i32
      %dma_start3A_56 = tpu.memref_slice %arg7[%add3A_23, %dma_start3A_55] : memref<10240x16xf32, #tpu.memory_space<vmem_shared>> -> memref<64x16xf32, #tpu.memory_space<vmem_shared>>
      %dma_start3A_57 = arith.constant 0 : i32
      %dma_start3A_58 = tpu.memref_slice %arg7[%add3A_23, %dma_start3A_57] : memref<10240x16xf32, #tpu.memory_space<vmem_shared>> -> memref<64x16xf32, #tpu.memory_space<vmem_shared>>
      %dma_start3A_59 = arith.constant 0 : i32
      %dma_start3A_60 = arith.constant 0 : i32
      %dma_start3A_61 = tpu.memref_slice %arg6[%dma_start3A_59, %dma_start3A_60] : memref<80x16xf32, #tpu.memory_space<vmem>> -> memref<64x16xf32, #tpu.memory_space<vmem>>
      tpu.enqueue_dma source(%dma_start3A_61 : memref<64x16xf32, #tpu.memory_space<vmem>>) target(%dma_start3A_58 : memref<64x16xf32, #tpu.memory_space<vmem_shared>>) target_semaphore(%run_scoped3A : memref<!tpu.dma_semaphore, #tpu.memory_space<semaphore_mem>>)
      %dma_wait3A_62 = arith.constant 0 : i32
      %dma_wait3A_63 = arith.constant 0 : i32
      %dma_wait3A_64 = tpu.memref_slice %arg6[%dma_wait3A_62, %dma_wait3A_63] : memref<80x16xf32, #tpu.memory_space<vmem>> -> memref<64x16xf32, #tpu.memory_space<vmem>>
      %dma_wait3A_65 = arith.constant 0 : i32
      %dma_wait3A_66 = tpu.memref_slice %arg7[%add3A_23, %dma_wait3A_65] : memref<10240x16xf32, #tpu.memory_space<vmem_shared>> -> memref<64x16xf32, #tpu.memory_space<vmem_shared>>
      %dma_wait3A_67 = arith.constant 0 : i32
      %dma_wait3A_68 = tpu.memref_slice %arg7[%add3A_23, %dma_wait3A_67] : memref<10240x16xf32, #tpu.memory_space<vmem_shared>> -> memref<64x16xf32, #tpu.memory_space<vmem_shared>>
      %dma_wait3A_69 = arith.constant 0 : i32
      %dma_wait3A_70 = arith.constant 0 : i32
      %dma_wait3A_71 = tpu.memref_slice %arg6[%dma_wait3A_69, %dma_wait3A_70] : memref<80x16xf32, #tpu.memory_space<vmem>> -> memref<64x16xf32, #tpu.memory_space<vmem>>
      tpu.wait_dma2 semaphore(%run_scoped3A : memref<!tpu.dma_semaphore, #tpu.memory_space<semaphore_mem>>) src(%dma_wait3A_71 : memref<64x16xf32, #tpu.memory_space<vmem>>) dst(%dma_wait3A_68 : memref<64x16xf32, #tpu.memory_space<vmem_shared>>)
      tpu.yield
    }) : () -> ()
    %add3A_24 = arith.constant 448 : i32
    %add3A_25 = arith.addi %mul3A_2, %add3A_24 : i32
    "tpu.region"() ({
      %run_scoped3A = tpu.sem_alloc : memref<!tpu.dma_semaphore, #tpu.memory_space<semaphore_mem>>
      %dma_start3A_52 = arith.constant 0 : i32
      %dma_start3A_53 = arith.constant 0 : i32
      %dma_start3A_54 = tpu.memref_slice %arg6[%dma_start3A_52, %dma_start3A_53] : memref<80x16xf32, #tpu.memory_space<vmem>> -> memref<64x16xf32, #tpu.memory_space<vmem>>
      %dma_start3A_55 = arith.constant 0 : i32
      %dma_start3A_56 = tpu.memref_slice %arg7[%add3A_25, %dma_start3A_55] : memref<10240x16xf32, #tpu.memory_space<vmem_shared>> -> memref<64x16xf32, #tpu.memory_space<vmem_shared>>
      %dma_start3A_57 = arith.constant 0 : i32
      %dma_start3A_58 = tpu.memref_slice %arg7[%add3A_25, %dma_start3A_57] : memref<10240x16xf32, #tpu.memory_space<vmem_shared>> -> memref<64x16xf32, #tpu.memory_space<vmem_shared>>
      %dma_start3A_59 = arith.constant 0 : i32
      %dma_start3A_60 = arith.constant 0 : i32
      %dma_start3A_61 = tpu.memref_slice %arg6[%dma_start3A_59, %dma_start3A_60] : memref<80x16xf32, #tpu.memory_space<vmem>> -> memref<64x16xf32, #tpu.memory_space<vmem>>
      tpu.enqueue_dma source(%dma_start3A_61 : memref<64x16xf32, #tpu.memory_space<vmem>>) target(%dma_start3A_58 : memref<64x16xf32, #tpu.memory_space<vmem_shared>>) target_semaphore(%run_scoped3A : memref<!tpu.dma_semaphore, #tpu.memory_space<semaphore_mem>>)
      %dma_wait3A_62 = arith.constant 0 : i32
      %dma_wait3A_63 = arith.constant 0 : i32
      %dma_wait3A_64 = tpu.memref_slice %arg6[%dma_wait3A_62, %dma_wait3A_63] : memref<80x16xf32, #tpu.memory_space<vmem>> -> memref<64x16xf32, #tpu.memory_space<vmem>>
      %dma_wait3A_65 = arith.constant 0 : i32
      %dma_wait3A_66 = tpu.memref_slice %arg7[%add3A_25, %dma_wait3A_65] : memref<10240x16xf32, #tpu.memory_space<vmem_shared>> -> memref<64x16xf32, #tpu.memory_space<vmem_shared>>
      %dma_wait3A_67 = arith.constant 0 : i32
      %dma_wait3A_68 = tpu.memref_slice %arg7[%add3A_25, %dma_wait3A_67] : memref<10240x16xf32, #tpu.memory_space<vmem_shared>> -> memref<64x16xf32, #tpu.memory_space<vmem_shared>>
      %dma_wait3A_69 = arith.constant 0 : i32
      %dma_wait3A_70 = arith.constant 0 : i32
      %dma_wait3A_71 = tpu.memref_slice %arg6[%dma_wait3A_69, %dma_wait3A_70] : memref<80x16xf32, #tpu.memory_space<vmem>> -> memref<64x16xf32, #tpu.memory_space<vmem>>
      tpu.wait_dma2 semaphore(%run_scoped3A : memref<!tpu.dma_semaphore, #tpu.memory_space<semaphore_mem>>) src(%dma_wait3A_71 : memref<64x16xf32, #tpu.memory_space<vmem>>) dst(%dma_wait3A_68 : memref<64x16xf32, #tpu.memory_space<vmem_shared>>)
      tpu.yield
    }) : () -> ()
    %add3A_26 = arith.constant 512 : i32
    %add3A_27 = arith.addi %mul3A_2, %add3A_26 : i32
    "tpu.region"() ({
      %run_scoped3A = tpu.sem_alloc : memref<!tpu.dma_semaphore, #tpu.memory_space<semaphore_mem>>
      %dma_start3A_52 = arith.constant 0 : i32
      %dma_start3A_53 = arith.constant 0 : i32
      %dma_start3A_54 = tpu.memref_slice %arg6[%dma_start3A_52, %dma_start3A_53] : memref<80x16xf32, #tpu.memory_space<vmem>> -> memref<64x16xf32, #tpu.memory_space<vmem>>
      %dma_start3A_55 = arith.constant 0 : i32
      %dma_start3A_56 = tpu.memref_slice %arg7[%add3A_27, %dma_start3A_55] : memref<10240x16xf32, #tpu.memory_space<vmem_shared>> -> memref<64x16xf32, #tpu.memory_space<vmem_shared>>
      %dma_start3A_57 = arith.constant 0 : i32
      %dma_start3A_58 = tpu.memref_slice %arg7[%add3A_27, %dma_start3A_57] : memref<10240x16xf32, #tpu.memory_space<vmem_shared>> -> memref<64x16xf32, #tpu.memory_space<vmem_shared>>
      %dma_start3A_59 = arith.constant 0 : i32
      %dma_start3A_60 = arith.constant 0 : i32
      %dma_start3A_61 = tpu.memref_slice %arg6[%dma_start3A_59, %dma_start3A_60] : memref<80x16xf32, #tpu.memory_space<vmem>> -> memref<64x16xf32, #tpu.memory_space<vmem>>
      tpu.enqueue_dma source(%dma_start3A_61 : memref<64x16xf32, #tpu.memory_space<vmem>>) target(%dma_start3A_58 : memref<64x16xf32, #tpu.memory_space<vmem_shared>>) target_semaphore(%run_scoped3A : memref<!tpu.dma_semaphore, #tpu.memory_space<semaphore_mem>>)
      %dma_wait3A_62 = arith.constant 0 : i32
      %dma_wait3A_63 = arith.constant 0 : i32
      %dma_wait3A_64 = tpu.memref_slice %arg6[%dma_wait3A_62, %dma_wait3A_63] : memref<80x16xf32, #tpu.memory_space<vmem>> -> memref<64x16xf32, #tpu.memory_space<vmem>>
      %dma_wait3A_65 = arith.constant 0 : i32
      %dma_wait3A_66 = tpu.memref_slice %arg7[%add3A_27, %dma_wait3A_65] : memref<10240x16xf32, #tpu.memory_space<vmem_shared>> -> memref<64x16xf32, #tpu.memory_space<vmem_shared>>
      %dma_wait3A_67 = arith.constant 0 : i32
      %dma_wait3A_68 = tpu.memref_slice %arg7[%add3A_27, %dma_wait3A_67] : memref<10240x16xf32, #tpu.memory_space<vmem_shared>> -> memref<64x16xf32, #tpu.memory_space<vmem_shared>>
      %dma_wait3A_69 = arith.constant 0 : i32
      %dma_wait3A_70 = arith.constant 0 : i32
      %dma_wait3A_71 = tpu.memref_slice %arg6[%dma_wait3A_69, %dma_wait3A_70] : memref<80x16xf32, #tpu.memory_space<vmem>> -> memref<64x16xf32, #tpu.memory_space<vmem>>
      tpu.wait_dma2 semaphore(%run_scoped3A : memref<!tpu.dma_semaphore, #tpu.memory_space<semaphore_mem>>) src(%dma_wait3A_71 : memref<64x16xf32, #tpu.memory_space<vmem>>) dst(%dma_wait3A_68 : memref<64x16xf32, #tpu.memory_space<vmem_shared>>)
      tpu.yield
    }) : () -> ()
    %add3A_28 = arith.constant 576 : i32
    %add3A_29 = arith.addi %mul3A_2, %add3A_28 : i32
    "tpu.region"() ({
      %run_scoped3A = tpu.sem_alloc : memref<!tpu.dma_semaphore, #tpu.memory_space<semaphore_mem>>
      %dma_start3A_52 = arith.constant 0 : i32
      %dma_start3A_53 = arith.constant 0 : i32
      %dma_start3A_54 = tpu.memref_slice %arg6[%dma_start3A_52, %dma_start3A_53] : memref<80x16xf32, #tpu.memory_space<vmem>> -> memref<64x16xf32, #tpu.memory_space<vmem>>
      %dma_start3A_55 = arith.constant 0 : i32
      %dma_start3A_56 = tpu.memref_slice %arg7[%add3A_29, %dma_start3A_55] : memref<10240x16xf32, #tpu.memory_space<vmem_shared>> -> memref<64x16xf32, #tpu.memory_space<vmem_shared>>
      %dma_start3A_57 = arith.constant 0 : i32
      %dma_start3A_58 = tpu.memref_slice %arg7[%add3A_29, %dma_start3A_57] : memref<10240x16xf32, #tpu.memory_space<vmem_shared>> -> memref<64x16xf32, #tpu.memory_space<vmem_shared>>
      %dma_start3A_59 = arith.constant 0 : i32
      %dma_start3A_60 = arith.constant 0 : i32
      %dma_start3A_61 = tpu.memref_slice %arg6[%dma_start3A_59, %dma_start3A_60] : memref<80x16xf32, #tpu.memory_space<vmem>> -> memref<64x16xf32, #tpu.memory_space<vmem>>
      tpu.enqueue_dma source(%dma_start3A_61 : memref<64x16xf32, #tpu.memory_space<vmem>>) target(%dma_start3A_58 : memref<64x16xf32, #tpu.memory_space<vmem_shared>>) target_semaphore(%run_scoped3A : memref<!tpu.dma_semaphore, #tpu.memory_space<semaphore_mem>>)
      %dma_wait3A_62 = arith.constant 0 : i32
      %dma_wait3A_63 = arith.constant 0 : i32
      %dma_wait3A_64 = tpu.memref_slice %arg6[%dma_wait3A_62, %dma_wait3A_63] : memref<80x16xf32, #tpu.memory_space<vmem>> -> memref<64x16xf32, #tpu.memory_space<vmem>>
      %dma_wait3A_65 = arith.constant 0 : i32
      %dma_wait3A_66 = tpu.memref_slice %arg7[%add3A_29, %dma_wait3A_65] : memref<10240x16xf32, #tpu.memory_space<vmem_shared>> -> memref<64x16xf32, #tpu.memory_space<vmem_shared>>
      %dma_wait3A_67 = arith.constant 0 : i32
      %dma_wait3A_68 = tpu.memref_slice %arg7[%add3A_29, %dma_wait3A_67] : memref<10240x16xf32, #tpu.memory_space<vmem_shared>> -> memref<64x16xf32, #tpu.memory_space<vmem_shared>>
      %dma_wait3A_69 = arith.constant 0 : i32
      %dma_wait3A_70 = arith.constant 0 : i32
      %dma_wait3A_71 = tpu.memref_slice %arg6[%dma_wait3A_69, %dma_wait3A_70] : memref<80x16xf32, #tpu.memory_space<vmem>> -> memref<64x16xf32, #tpu.memory_space<vmem>>
      tpu.wait_dma2 semaphore(%run_scoped3A : memref<!tpu.dma_semaphore, #tpu.memory_space<semaphore_mem>>) src(%dma_wait3A_71 : memref<64x16xf32, #tpu.memory_space<vmem>>) dst(%dma_wait3A_68 : memref<64x16xf32, #tpu.memory_space<vmem_shared>>)
      tpu.yield
    }) : () -> ()
    %scan3A_30 = arith.constant 0 : i32
    %scan3A_31 = arith.constant 0 : i32
    %scan3A_32 = arith.constant 80 : i32
    %scan3A_33 = arith.addi %scan3A_31, %scan3A_32 : i32
    %scan3A_34 = arith.constant 1 : i32
    scf.for %scan3A_52 = %scan3A_31 to %scan3A_33 step %scan3A_34  : i32 {
      %broadcast_in_dim3A = arith.constant 1.000000e+00 : f32
      %broadcast_in_dim3A_53 = vector.broadcast %broadcast_in_dim3A : f32 to vector<16xf32>
      %swap3A = arith.index_cast %scan3A_52 : i32 to index
      %swap3A_54 = arith.constant 0 : index
      %swap3A_55 = tpu.vector_load %arg6[%swap3A, %swap3A_54] {strides = array<i32>} : memref<80x16xf32, #tpu.memory_space<vmem>>, vector<1x16xf32>,
      %swap3A_56 = vector.shape_cast %swap3A_55 : vector<1x16xf32> to vector<16xf32>
      %swap3A_57 = vector.shape_cast %broadcast_in_dim3A_53 : vector<16xf32> to vector<1x16xf32>
      tpu.vector_store %arg6[%swap3A, %swap3A_54], %swap3A_57 {strides = array<i32>} : memref<80x16xf32, #tpu.memory_space<vmem>>, vector<1x16xf32>,
    }
    %scan3A_35 = arith.constant 80 : i32
    %barrier3A = arith.constant 0 : index
    tpu.barrier barrier_id(%barrier3A)
    %add3A_36 = arith.constant 0 : i32
    %add3A_37 = arith.addi %mul3A_4, %add3A_36 : i32
    %dma_start3A = tpu.memref_slice %arg2[%add3A_37] : memref<320000xi32, #tpu.memory_space<hbm>> -> memref<80xi32, #tpu.memory_space<hbm>>
    %dma_start3A_38 = tpu.memref_slice %arg2[%add3A_37] : memref<320000xi32, #tpu.memory_space<hbm>> -> memref<80xi32, #tpu.memory_space<hbm>>
    tpu.enqueue_dma source(%dma_start3A_38 : memref<80xi32, #tpu.memory_space<hbm>>) target(%arg4 : memref<80xi32, #tpu.memory_space<vmem>>) target_semaphore(%arg8 : memref<!tpu.dma_semaphore, #tpu.memory_space<semaphore_mem>>)
    %scan3A_39 = arith.constant 0 : i32
    %scan3A_40 = arith.constant 0 : i32
    %scan3A_41 = arith.constant 62 : i32
    %scan3A_42 = arith.addi %scan3A_40, %scan3A_41 : i32
    %scan3A_43 = arith.constant 1 : i32
    scf.for %scan3A_52 = %scan3A_40 to %scan3A_42 step %scan3A_43  : i32 {
      %mul3A_53 = arith.constant 2 : i32
      %mul3A_54 = arith.muli %mul3A_53, %scan3A_52 : i32
      %add3A_55 = arith.constant 1 : i32
      %add3A_56 = arith.addi %mul3A_54, %add3A_55 : i32
      %mul3A_57 = arith.constant 80 : i32
      %mul3A_58 = arith.muli %add3A_56, %mul3A_57 : i32
      %add3A_59 = arith.addi %mul3A_4, %mul3A_58 : i32
      %dma_start3A_60 = tpu.memref_slice %arg2[%add3A_59] : memref<320000xi32, #tpu.memory_space<hbm>> -> memref<80xi32, #tpu.memory_space<hbm>>
      %dma_start3A_61 = tpu.memref_slice %arg2[%add3A_59] : memref<320000xi32, #tpu.memory_space<hbm>> -> memref<80xi32, #tpu.memory_space<hbm>>
      tpu.enqueue_dma source(%dma_start3A_61 : memref<80xi32, #tpu.memory_space<hbm>>) target(%arg5 : memref<80xi32, #tpu.memory_space<vmem>>) target_semaphore(%arg9 : memref<!tpu.dma_semaphore, #tpu.memory_space<semaphore_mem>>)
      %mul3A_62 = arith.constant 80 : i32
      %mul3A_63 = arith.muli %mul3A_54, %mul3A_62 : i32
      %add3A_64 = arith.addi %mul3A_4, %mul3A_63 : i32
      %dma_wait3A_65 = tpu.memref_slice %arg2[%add3A_64] : memref<320000xi32, #tpu.memory_space<hbm>> -> memref<80xi32, #tpu.memory_space<hbm>>
      %dma_wait3A_66 = tpu.memref_slice %arg2[%add3A_64] : memref<320000xi32, #tpu.memory_space<hbm>> -> memref<80xi32, #tpu.memory_space<hbm>>
      tpu.wait_dma2 semaphore(%arg8 : memref<!tpu.dma_semaphore, #tpu.memory_space<semaphore_mem>>) src(%dma_wait3A_66 : memref<80xi32, #tpu.memory_space<hbm>>) dst(%arg4 : memref<80xi32, #tpu.memory_space<vmem>>)
      "tpu.region"() ({
        %run_scoped3A = tpu.sem_alloc : memref<!tpu.dma_semaphore, #tpu.memory_space<semaphore_mem>>
        %dma_start3A_81 = arith.constant 0 : i32
        %dma_start3A_82 = arith.constant 0 : i32
        %dma_start3A_83 = tpu.memref_slice %arg7[%dma_start3A_81, %dma_start3A_82] : memref<10240x16xf32, #tpu.memory_space<vmem_shared>> -> memref<10240x16xf32, #tpu.memory_space<vmem_shared>>
        tpu.enqueue_indirect_dma source(%arg6 : memref<80x16xf32, #tpu.memory_space<vmem>>) target(%dma_start3A_83 : memref<10240x16xf32, #tpu.memory_space<vmem_shared>>) offsets(%arg4 : memref<80xi32, #tpu.memory_space<vmem>>) semaphore(%run_scoped3A : memref<!tpu.dma_semaphore, #tpu.memory_space<semaphore_mem>>) {add = true}
        %dma_wait3A_84 = arith.constant 0 : i32
        %dma_wait3A_85 = arith.constant 0 : i32
        %dma_wait3A_86 = tpu.memref_slice %arg7[%dma_wait3A_84, %dma_wait3A_85] : memref<10240x16xf32, #tpu.memory_space<vmem_shared>> -> memref<10240x16xf32, #tpu.memory_space<vmem_shared>>
        tpu.wait_indirect_dma semaphore(%run_scoped3A : memref<!tpu.dma_semaphore, #tpu.memory_space<semaphore_mem>>) src(%arg6 : memref<80x16xf32, #tpu.memory_space<vmem>>) dst(%dma_wait3A_86 : memref<10240x16xf32, #tpu.memory_space<vmem_shared>>)
        tpu.yield
      }) : () -> ()
      %add3A_67 = arith.constant 1 : i32
      %add3A_68 = arith.addi %mul3A_54, %add3A_67 : i32
      %add3A_69 = arith.constant 1 : i32
      %add3A_70 = arith.addi %add3A_68, %add3A_69 : i32
      %mul3A_71 = arith.constant 80 : i32
      %mul3A_72 = arith.muli %add3A_70, %mul3A_71 : i32
      %add3A_73 = arith.addi %mul3A_4, %mul3A_72 : i32
      %dma_start3A_74 = tpu.memref_slice %arg2[%add3A_73] : memref<320000xi32, #tpu.memory_space<hbm>> -> memref<80xi32, #tpu.memory_space<hbm>>
      %dma_start3A_75 = tpu.memref_slice %arg2[%add3A_73] : memref<320000xi32, #tpu.memory_space<hbm>> -> memref<80xi32, #tpu.memory_space<hbm>>
      tpu.enqueue_dma source(%dma_start3A_75 : memref<80xi32, #tpu.memory_space<hbm>>) target(%arg4 : memref<80xi32, #tpu.memory_space<vmem>>) target_semaphore(%arg8 : memref<!tpu.dma_semaphore, #tpu.memory_space<semaphore_mem>>)
      %mul3A_76 = arith.constant 80 : i32
      %mul3A_77 = arith.muli %add3A_68, %mul3A_76 : i32
      %add3A_78 = arith.addi %mul3A_4, %mul3A_77 : i32
      %dma_wait3A_79 = tpu.memref_slice %arg2[%add3A_78] : memref<320000xi32, #tpu.memory_space<hbm>> -> memref<80xi32, #tpu.memory_space<hbm>>
      %dma_wait3A_80 = tpu.memref_slice %arg2[%add3A_78] : memref<320000xi32, #tpu.memory_space<hbm>> -> memref<80xi32, #tpu.memory_space<hbm>>
      tpu.wait_dma2 semaphore(%arg9 : memref<!tpu.dma_semaphore, #tpu.memory_space<semaphore_mem>>) src(%dma_wait3A_80 : memref<80xi32, #tpu.memory_space<hbm>>) dst(%arg5 : memref<80xi32, #tpu.memory_space<vmem>>)
      "tpu.region"() ({
        %run_scoped3A = tpu.sem_alloc : memref<!tpu.dma_semaphore, #tpu.memory_space<semaphore_mem>>
        %dma_start3A_81 = arith.constant 0 : i32
        %dma_start3A_82 = arith.constant 0 : i32
        %dma_start3A_83 = tpu.memref_slice %arg7[%dma_start3A_81, %dma_start3A_82] : memref<10240x16xf32, #tpu.memory_space<vmem_shared>> -> memref<10240x16xf32, #tpu.memory_space<vmem_shared>>
        tpu.enqueue_indirect_dma source(%arg6 : memref<80x16xf32, #tpu.memory_space<vmem>>) target(%dma_start3A_83 : memref<10240x16xf32, #tpu.memory_space<vmem_shared>>) offsets(%arg5 : memref<80xi32, #tpu.memory_space<vmem>>) semaphore(%run_scoped3A : memref<!tpu.dma_semaphore, #tpu.memory_space<semaphore_mem>>) {add = true}
        %dma_wait3A_84 = arith.constant 0 : i32
        %dma_wait3A_85 = arith.constant 0 : i32
        %dma_wait3A_86 = tpu.memref_slice %arg7[%dma_wait3A_84, %dma_wait3A_85] : memref<10240x16xf32, #tpu.memory_space<vmem_shared>> -> memref<10240x16xf32, #tpu.memory_space<vmem_shared>>
        tpu.wait_indirect_dma semaphore(%run_scoped3A : memref<!tpu.dma_semaphore, #tpu.memory_space<semaphore_mem>>) src(%arg6 : memref<80x16xf32, #tpu.memory_space<vmem>>) dst(%dma_wait3A_86 : memref<10240x16xf32, #tpu.memory_space<vmem_shared>>)
        tpu.yield
      }) : () -> ()
    }
    %scan3A_44 = arith.constant 62 : i32
    %add3A_45 = arith.constant 9920 : i32
    %add3A_46 = arith.addi %mul3A_4, %add3A_45 : i32
    %dma_wait3A = tpu.memref_slice %arg2[%add3A_46] : memref<320000xi32, #tpu.memory_space<hbm>> -> memref<80xi32, #tpu.memory_space<hbm>>
    %dma_wait3A_47 = tpu.memref_slice %arg2[%add3A_46] : memref<320000xi32, #tpu.memory_space<hbm>> -> memref<80xi32, #tpu.memory_space<hbm>>
    tpu.wait_dma2 semaphore(%arg8 : memref<!tpu.dma_semaphore, #tpu.memory_space<semaphore_mem>>) src(%dma_wait3A_47 : memref<80xi32, #tpu.memory_space<hbm>>) dst(%arg4 : memref<80xi32, #tpu.memory_space<vmem>>)
    "tpu.region"() ({
      %run_scoped3A = tpu.sem_alloc : memref<!tpu.dma_semaphore, #tpu.memory_space<semaphore_mem>>
      %dma_start3A_52 = arith.constant 0 : i32
      %dma_start3A_53 = arith.constant 0 : i32
      %dma_start3A_54 = tpu.memref_slice %arg7[%dma_start3A_52, %dma_start3A_53] : memref<10240x16xf32, #tpu.memory_space<vmem_shared>> -> memref<10240x16xf32, #tpu.memory_space<vmem_shared>>
      tpu.enqueue_indirect_dma source(%arg6 : memref<80x16xf32, #tpu.memory_space<vmem>>) target(%dma_start3A_54 : memref<10240x16xf32, #tpu.memory_space<vmem_shared>>) offsets(%arg4 : memref<80xi32, #tpu.memory_space<vmem>>) semaphore(%run_scoped3A : memref<!tpu.dma_semaphore, #tpu.memory_space<semaphore_mem>>) {add = true}
      %dma_wait3A_55 = arith.constant 0 : i32
      %dma_wait3A_56 = arith.constant 0 : i32
      %dma_wait3A_57 = tpu.memref_slice %arg7[%dma_wait3A_55, %dma_wait3A_56] : memref<10240x16xf32, #tpu.memory_space<vmem_shared>> -> memref<10240x16xf32, #tpu.memory_space<vmem_shared>>
      tpu.wait_indirect_dma semaphore(%run_scoped3A : memref<!tpu.dma_semaphore, #tpu.memory_space<semaphore_mem>>) src(%arg6 : memref<80x16xf32, #tpu.memory_space<vmem>>) dst(%dma_wait3A_57 : memref<10240x16xf32, #tpu.memory_space<vmem_shared>>)
      tpu.yield
    }) : () -> ()
    %barrier3A_48 = arith.constant 0 : index
    tpu.barrier barrier_id(%barrier3A_48)
    %mul3A_49 = arith.constant 10240 : i32
    %mul3A_50 = arith.muli %arg0, %mul3A_49 : i32
    %add3A_51 = arith.addi %mul3A_50, %mul3A_2 : i32
    "tpu.region"() ({
      %run_scoped3A = tpu.sem_alloc : memref<!tpu.dma_semaphore, #tpu.memory_space<semaphore_mem>>
      %dma_start3A_52 = arith.constant 0 : i32
      %dma_start3A_53 = tpu.memref_slice %arg3[%add3A_51, %dma_start3A_52] : memref<20480x16xf32, #tpu.memory_space<hbm>> -> memref<640x16xf32, #tpu.memory_space<hbm>>
      %dma_start3A_54 = arith.constant 0 : i32
      %dma_start3A_55 = tpu.memref_slice %arg7[%mul3A_2, %dma_start3A_54] : memref<10240x16xf32, #tpu.memory_space<vmem_shared>> -> memref<640x16xf32, #tpu.memory_space<vmem_shared>>
      tpu.enqueue_dma source(%dma_start3A_55 : memref<640x16xf32, #tpu.memory_space<vmem_shared>>) target(%dma_start3A_53 : memref<640x16xf32, #tpu.memory_space<hbm>>) target_semaphore(%run_scoped3A : memref<!tpu.dma_semaphore, #tpu.memory_space<semaphore_mem>>)
      %dma_wait3A_56 = arith.constant 0 : i32
      %dma_wait3A_57 = tpu.memref_slice %arg3[%add3A_51, %dma_wait3A_56] : memref<20480x16xf32, #tpu.memory_space<hbm>> -> memref<640x16xf32, #tpu.memory_space<hbm>>
      %dma_wait3A_58 = arith.constant 0 : i32
      %dma_wait3A_59 = tpu.memref_slice %arg7[%mul3A_2, %dma_wait3A_58] : memref<10240x16xf32, #tpu.memory_space<vmem_shared>> -> memref<640x16xf32, #tpu.memory_space<vmem_shared>>
      tpu.wait_dma2 semaphore(%run_scoped3A : memref<!tpu.dma_semaphore, #tpu.memory_space<semaphore_mem>>) src(%dma_wait3A_59 : memref<640x16xf32, #tpu.memory_space<vmem_shared>>) dst(%dma_wait3A_57 : memref<640x16xf32, #tpu.memory_space<hbm>>)
      tpu.yield
    }) : () -> ()
    return
  }
}

#map = affine_map<(d0, d1) -> (0)>
#map1 = affine_map<(d0, d1) -> (0, 0)>
module attributes {stable_mosaic.version = 14 : i64} {
  func.func @_sc_agg_body(%arg0: i32, %arg1: i32, %arg2: memref<320000xi32, #tpu.memory_space<hbm>>, %arg3: memref<320000xi32, #tpu.memory_space<hbm>>, %arg4: memref<10000x64xf32, #tpu.memory_space<hbm>>, %arg5: memref<20480x64xf32, #tpu.memory_space<hbm>>, %arg6: memref<80xi32, #tpu.memory_space<vmem>>, %arg7: memref<80xi32, #tpu.memory_space<vmem>>, %arg8: memref<80xi32, #tpu.memory_space<vmem>>, %arg9: memref<80xi32, #tpu.memory_space<vmem>>, %arg10: memref<80xi32, #tpu.memory_space<vmem>>, %arg11: memref<80xi32, #tpu.memory_space<vmem>>, %arg12: memref<80xi32, #tpu.memory_space<vmem>>, %arg13: memref<80xi32, #tpu.memory_space<vmem>>, %arg14: memref<80x64xf32, #tpu.memory_space<vmem>>, %arg15: memref<80x64xf32, #tpu.memory_space<vmem>>, %arg16: memref<80x64xf32, #tpu.memory_space<vmem>>, %arg17: memref<80x64xf32, #tpu.memory_space<vmem>>, %arg18: memref<10240x64xf32, #tpu.memory_space<vmem_shared>>, %arg19: memref<!tpu.dma_semaphore, #tpu.memory_space<semaphore_mem>>, %arg20: memref<!tpu.dma_semaphore, #tpu.memory_space<semaphore_mem>>, %arg21: memref<!tpu.dma_semaphore, #tpu.memory_space<semaphore_mem>>, %arg22: memref<!tpu.dma_semaphore, #tpu.memory_space<semaphore_mem>>, %arg23: memref<!tpu.dma_semaphore, #tpu.memory_space<semaphore_mem>>, %arg24: memref<!tpu.dma_semaphore, #tpu.memory_space<semaphore_mem>>, %arg25: memref<!tpu.dma_semaphore, #tpu.memory_space<semaphore_mem>>, %arg26: memref<!tpu.dma_semaphore, #tpu.memory_space<semaphore_mem>>, %arg27: memref<!tpu.dma_semaphore, #tpu.memory_space<semaphore_mem>>, %arg28: memref<!tpu.dma_semaphore, #tpu.memory_space<semaphore_mem>>, %arg29: memref<!tpu.dma_semaphore, #tpu.memory_space<semaphore_mem>>, %arg30: memref<!tpu.dma_semaphore, #tpu.memory_space<semaphore_mem>>) attributes {dimension_semantics = [#tpu.dimension_semantics<core_parallel>, #tpu.dimension_semantics<subcore_parallel>], iteration_bounds = array<i64: 2, 16>, scalar_prefetch = 0 : i64, scratch_operands = 25 : i64, tpu.core_type = #tpu.core_type<sc_vector_subcore>, window_params = [{transform_indices = #map}, {transform_indices = #map}, {transform_indices = #map1}, {transform_indices = #map1}]} {
    %mul3A = arith.constant 16 : i32
    %mul3A_0 = arith.muli %arg0, %mul3A : i32
    %add3A = arith.addi %mul3A_0, %arg1 : i32
    %mul3A_1 = arith.constant 640 : i32
    %mul3A_2 = arith.muli %arg1, %mul3A_1 : i32
    %mul3A_3 = arith.constant 10000 : i32
    %mul3A_4 = arith.muli %add3A, %mul3A_3 : i32
    %scan3A = arith.constant 0 : i32
    %scan3A_5 = arith.constant 0 : i32
    %scan3A_6 = arith.constant 80 : i32
    %scan3A_7 = arith.addi %scan3A_5, %scan3A_6 : i32
    %scan3A_8 = arith.constant 1 : i32
    scf.for %scan3A_77 = %scan3A_5 to %scan3A_7 step %scan3A_8  : i32 {
      %broadcast_in_dim3A = arith.constant 0.000000e+00 : f32
      %broadcast_in_dim3A_78 = vector.broadcast %broadcast_in_dim3A : f32 to vector<16xf32>
      %swap3A = arith.index_cast %scan3A_77 : i32 to index
      %swap3A_79 = arith.constant 0 : index
      %swap3A_80 = tpu.vector_load %arg14[%swap3A, %swap3A_79] {strides = array<i32>} : memref<80x64xf32, #tpu.memory_space<vmem>>, vector<1x16xf32>,
      %swap3A_81 = vector.shape_cast %swap3A_80 : vector<1x16xf32> to vector<16xf32>
      %swap3A_82 = vector.shape_cast %broadcast_in_dim3A_78 : vector<16xf32> to vector<1x16xf32>
      tpu.vector_store %arg14[%swap3A, %swap3A_79], %swap3A_82 {strides = array<i32>} : memref<80x64xf32, #tpu.memory_space<vmem>>, vector<1x16xf32>,
      %broadcast_in_dim3A_83 = arith.constant 0.000000e+00 : f32
      %broadcast_in_dim3A_84 = vector.broadcast %broadcast_in_dim3A_83 : f32 to vector<16xf32>
      %swap3A_85 = arith.index_cast %scan3A_77 : i32 to index
      %swap3A_86 = arith.constant 16 : index
      %swap3A_87 = tpu.vector_load %arg14[%swap3A_85, %swap3A_86] {strides = array<i32>} : memref<80x64xf32, #tpu.memory_space<vmem>>, vector<1x16xf32>,
      %swap3A_88 = vector.shape_cast %swap3A_87 : vector<1x16xf32> to vector<16xf32>
      %swap3A_89 = vector.shape_cast %broadcast_in_dim3A_84 : vector<16xf32> to vector<1x16xf32>
      tpu.vector_store %arg14[%swap3A_85, %swap3A_86], %swap3A_89 {strides = array<i32>} : memref<80x64xf32, #tpu.memory_space<vmem>>, vector<1x16xf32>,
      %broadcast_in_dim3A_90 = arith.constant 0.000000e+00 : f32
      %broadcast_in_dim3A_91 = vector.broadcast %broadcast_in_dim3A_90 : f32 to vector<16xf32>
      %swap3A_92 = arith.index_cast %scan3A_77 : i32 to index
      %swap3A_93 = arith.constant 32 : index
      %swap3A_94 = tpu.vector_load %arg14[%swap3A_92, %swap3A_93] {strides = array<i32>} : memref<80x64xf32, #tpu.memory_space<vmem>>, vector<1x16xf32>,
      %swap3A_95 = vector.shape_cast %swap3A_94 : vector<1x16xf32> to vector<16xf32>
      %swap3A_96 = vector.shape_cast %broadcast_in_dim3A_91 : vector<16xf32> to vector<1x16xf32>
      tpu.vector_store %arg14[%swap3A_92, %swap3A_93], %swap3A_96 {strides = array<i32>} : memref<80x64xf32, #tpu.memory_space<vmem>>, vector<1x16xf32>,
      %broadcast_in_dim3A_97 = arith.constant 0.000000e+00 : f32
      %broadcast_in_dim3A_98 = vector.broadcast %broadcast_in_dim3A_97 : f32 to vector<16xf32>
      %swap3A_99 = arith.index_cast %scan3A_77 : i32 to index
      %swap3A_100 = arith.constant 48 : index
      %swap3A_101 = tpu.vector_load %arg14[%swap3A_99, %swap3A_100] {strides = array<i32>} : memref<80x64xf32, #tpu.memory_space<vmem>>, vector<1x16xf32>,
      %swap3A_102 = vector.shape_cast %swap3A_101 : vector<1x16xf32> to vector<16xf32>
      %swap3A_103 = vector.shape_cast %broadcast_in_dim3A_98 : vector<16xf32> to vector<1x16xf32>
      tpu.vector_store %arg14[%swap3A_99, %swap3A_100], %swap3A_103 {strides = array<i32>} : memref<80x64xf32, #tpu.memory_space<vmem>>, vector<1x16xf32>,
    }
    %scan3A_9 = arith.constant 80 : i32
    %add3A_10 = arith.constant 0 : i32
    %add3A_11 = arith.addi %mul3A_2, %add3A_10 : i32
    "tpu.region"() ({
      %run_scoped3A = tpu.sem_alloc : memref<!tpu.dma_semaphore, #tpu.memory_space<semaphore_mem>>
      %dma_start3A_77 = arith.constant 0 : i32
      %dma_start3A_78 = arith.constant 0 : i32
      %dma_start3A_79 = tpu.memref_slice %arg14[%dma_start3A_77, %dma_start3A_78] : memref<80x64xf32, #tpu.memory_space<vmem>> -> memref<64x64xf32, #tpu.memory_space<vmem>>
      %dma_start3A_80 = arith.constant 0 : i32
      %dma_start3A_81 = tpu.memref_slice %arg18[%add3A_11, %dma_start3A_80] : memref<10240x64xf32, #tpu.memory_space<vmem_shared>> -> memref<64x64xf32, #tpu.memory_space<vmem_shared>>
      %dma_start3A_82 = arith.constant 0 : i32
      %dma_start3A_83 = tpu.memref_slice %arg18[%add3A_11, %dma_start3A_82] : memref<10240x64xf32, #tpu.memory_space<vmem_shared>> -> memref<64x64xf32, #tpu.memory_space<vmem_shared>>
      %dma_start3A_84 = arith.constant 0 : i32
      %dma_start3A_85 = arith.constant 0 : i32
      %dma_start3A_86 = tpu.memref_slice %arg14[%dma_start3A_84, %dma_start3A_85] : memref<80x64xf32, #tpu.memory_space<vmem>> -> memref<64x64xf32, #tpu.memory_space<vmem>>
      tpu.enqueue_dma source(%dma_start3A_86 : memref<64x64xf32, #tpu.memory_space<vmem>>) target(%dma_start3A_83 : memref<64x64xf32, #tpu.memory_space<vmem_shared>>) target_semaphore(%run_scoped3A : memref<!tpu.dma_semaphore, #tpu.memory_space<semaphore_mem>>)
      %dma_wait3A_87 = arith.constant 0 : i32
      %dma_wait3A_88 = arith.constant 0 : i32
      %dma_wait3A_89 = tpu.memref_slice %arg14[%dma_wait3A_87, %dma_wait3A_88] : memref<80x64xf32, #tpu.memory_space<vmem>> -> memref<64x64xf32, #tpu.memory_space<vmem>>
      %dma_wait3A_90 = arith.constant 0 : i32
      %dma_wait3A_91 = tpu.memref_slice %arg18[%add3A_11, %dma_wait3A_90] : memref<10240x64xf32, #tpu.memory_space<vmem_shared>> -> memref<64x64xf32, #tpu.memory_space<vmem_shared>>
      %dma_wait3A_92 = arith.constant 0 : i32
      %dma_wait3A_93 = tpu.memref_slice %arg18[%add3A_11, %dma_wait3A_92] : memref<10240x64xf32, #tpu.memory_space<vmem_shared>> -> memref<64x64xf32, #tpu.memory_space<vmem_shared>>
      %dma_wait3A_94 = arith.constant 0 : i32
      %dma_wait3A_95 = arith.constant 0 : i32
      %dma_wait3A_96 = tpu.memref_slice %arg14[%dma_wait3A_94, %dma_wait3A_95] : memref<80x64xf32, #tpu.memory_space<vmem>> -> memref<64x64xf32, #tpu.memory_space<vmem>>
      tpu.wait_dma2 semaphore(%run_scoped3A : memref<!tpu.dma_semaphore, #tpu.memory_space<semaphore_mem>>) src(%dma_wait3A_96 : memref<64x64xf32, #tpu.memory_space<vmem>>) dst(%dma_wait3A_93 : memref<64x64xf32, #tpu.memory_space<vmem_shared>>)
      tpu.yield
    }) : () -> ()
    %add3A_12 = arith.constant 64 : i32
    %add3A_13 = arith.addi %mul3A_2, %add3A_12 : i32
    "tpu.region"() ({
      %run_scoped3A = tpu.sem_alloc : memref<!tpu.dma_semaphore, #tpu.memory_space<semaphore_mem>>
      %dma_start3A_77 = arith.constant 0 : i32
      %dma_start3A_78 = arith.constant 0 : i32
      %dma_start3A_79 = tpu.memref_slice %arg14[%dma_start3A_77, %dma_start3A_78] : memref<80x64xf32, #tpu.memory_space<vmem>> -> memref<64x64xf32, #tpu.memory_space<vmem>>
      %dma_start3A_80 = arith.constant 0 : i32
      %dma_start3A_81 = tpu.memref_slice %arg18[%add3A_13, %dma_start3A_80] : memref<10240x64xf32, #tpu.memory_space<vmem_shared>> -> memref<64x64xf32, #tpu.memory_space<vmem_shared>>
      %dma_start3A_82 = arith.constant 0 : i32
      %dma_start3A_83 = tpu.memref_slice %arg18[%add3A_13, %dma_start3A_82] : memref<10240x64xf32, #tpu.memory_space<vmem_shared>> -> memref<64x64xf32, #tpu.memory_space<vmem_shared>>
      %dma_start3A_84 = arith.constant 0 : i32
      %dma_start3A_85 = arith.constant 0 : i32
      %dma_start3A_86 = tpu.memref_slice %arg14[%dma_start3A_84, %dma_start3A_85] : memref<80x64xf32, #tpu.memory_space<vmem>> -> memref<64x64xf32, #tpu.memory_space<vmem>>
      tpu.enqueue_dma source(%dma_start3A_86 : memref<64x64xf32, #tpu.memory_space<vmem>>) target(%dma_start3A_83 : memref<64x64xf32, #tpu.memory_space<vmem_shared>>) target_semaphore(%run_scoped3A : memref<!tpu.dma_semaphore, #tpu.memory_space<semaphore_mem>>)
      %dma_wait3A_87 = arith.constant 0 : i32
      %dma_wait3A_88 = arith.constant 0 : i32
      %dma_wait3A_89 = tpu.memref_slice %arg14[%dma_wait3A_87, %dma_wait3A_88] : memref<80x64xf32, #tpu.memory_space<vmem>> -> memref<64x64xf32, #tpu.memory_space<vmem>>
      %dma_wait3A_90 = arith.constant 0 : i32
      %dma_wait3A_91 = tpu.memref_slice %arg18[%add3A_13, %dma_wait3A_90] : memref<10240x64xf32, #tpu.memory_space<vmem_shared>> -> memref<64x64xf32, #tpu.memory_space<vmem_shared>>
      %dma_wait3A_92 = arith.constant 0 : i32
      %dma_wait3A_93 = tpu.memref_slice %arg18[%add3A_13, %dma_wait3A_92] : memref<10240x64xf32, #tpu.memory_space<vmem_shared>> -> memref<64x64xf32, #tpu.memory_space<vmem_shared>>
      %dma_wait3A_94 = arith.constant 0 : i32
      %dma_wait3A_95 = arith.constant 0 : i32
      %dma_wait3A_96 = tpu.memref_slice %arg14[%dma_wait3A_94, %dma_wait3A_95] : memref<80x64xf32, #tpu.memory_space<vmem>> -> memref<64x64xf32, #tpu.memory_space<vmem>>
      tpu.wait_dma2 semaphore(%run_scoped3A : memref<!tpu.dma_semaphore, #tpu.memory_space<semaphore_mem>>) src(%dma_wait3A_96 : memref<64x64xf32, #tpu.memory_space<vmem>>) dst(%dma_wait3A_93 : memref<64x64xf32, #tpu.memory_space<vmem_shared>>)
      tpu.yield
    }) : () -> ()
    %add3A_14 = arith.constant 128 : i32
    %add3A_15 = arith.addi %mul3A_2, %add3A_14 : i32
    "tpu.region"() ({
      %run_scoped3A = tpu.sem_alloc : memref<!tpu.dma_semaphore, #tpu.memory_space<semaphore_mem>>
      %dma_start3A_77 = arith.constant 0 : i32
      %dma_start3A_78 = arith.constant 0 : i32
      %dma_start3A_79 = tpu.memref_slice %arg14[%dma_start3A_77, %dma_start3A_78] : memref<80x64xf32, #tpu.memory_space<vmem>> -> memref<64x64xf32, #tpu.memory_space<vmem>>
      %dma_start3A_80 = arith.constant 0 : i32
      %dma_start3A_81 = tpu.memref_slice %arg18[%add3A_15, %dma_start3A_80] : memref<10240x64xf32, #tpu.memory_space<vmem_shared>> -> memref<64x64xf32, #tpu.memory_space<vmem_shared>>
      %dma_start3A_82 = arith.constant 0 : i32
      %dma_start3A_83 = tpu.memref_slice %arg18[%add3A_15, %dma_start3A_82] : memref<10240x64xf32, #tpu.memory_space<vmem_shared>> -> memref<64x64xf32, #tpu.memory_space<vmem_shared>>
      %dma_start3A_84 = arith.constant 0 : i32
      %dma_start3A_85 = arith.constant 0 : i32
      %dma_start3A_86 = tpu.memref_slice %arg14[%dma_start3A_84, %dma_start3A_85] : memref<80x64xf32, #tpu.memory_space<vmem>> -> memref<64x64xf32, #tpu.memory_space<vmem>>
      tpu.enqueue_dma source(%dma_start3A_86 : memref<64x64xf32, #tpu.memory_space<vmem>>) target(%dma_start3A_83 : memref<64x64xf32, #tpu.memory_space<vmem_shared>>) target_semaphore(%run_scoped3A : memref<!tpu.dma_semaphore, #tpu.memory_space<semaphore_mem>>)
      %dma_wait3A_87 = arith.constant 0 : i32
      %dma_wait3A_88 = arith.constant 0 : i32
      %dma_wait3A_89 = tpu.memref_slice %arg14[%dma_wait3A_87, %dma_wait3A_88] : memref<80x64xf32, #tpu.memory_space<vmem>> -> memref<64x64xf32, #tpu.memory_space<vmem>>
      %dma_wait3A_90 = arith.constant 0 : i32
      %dma_wait3A_91 = tpu.memref_slice %arg18[%add3A_15, %dma_wait3A_90] : memref<10240x64xf32, #tpu.memory_space<vmem_shared>> -> memref<64x64xf32, #tpu.memory_space<vmem_shared>>
      %dma_wait3A_92 = arith.constant 0 : i32
      %dma_wait3A_93 = tpu.memref_slice %arg18[%add3A_15, %dma_wait3A_92] : memref<10240x64xf32, #tpu.memory_space<vmem_shared>> -> memref<64x64xf32, #tpu.memory_space<vmem_shared>>
      %dma_wait3A_94 = arith.constant 0 : i32
      %dma_wait3A_95 = arith.constant 0 : i32
      %dma_wait3A_96 = tpu.memref_slice %arg14[%dma_wait3A_94, %dma_wait3A_95] : memref<80x64xf32, #tpu.memory_space<vmem>> -> memref<64x64xf32, #tpu.memory_space<vmem>>
      tpu.wait_dma2 semaphore(%run_scoped3A : memref<!tpu.dma_semaphore, #tpu.memory_space<semaphore_mem>>) src(%dma_wait3A_96 : memref<64x64xf32, #tpu.memory_space<vmem>>) dst(%dma_wait3A_93 : memref<64x64xf32, #tpu.memory_space<vmem_shared>>)
      tpu.yield
    }) : () -> ()
    %add3A_16 = arith.constant 192 : i32
    %add3A_17 = arith.addi %mul3A_2, %add3A_16 : i32
    "tpu.region"() ({
      %run_scoped3A = tpu.sem_alloc : memref<!tpu.dma_semaphore, #tpu.memory_space<semaphore_mem>>
      %dma_start3A_77 = arith.constant 0 : i32
      %dma_start3A_78 = arith.constant 0 : i32
      %dma_start3A_79 = tpu.memref_slice %arg14[%dma_start3A_77, %dma_start3A_78] : memref<80x64xf32, #tpu.memory_space<vmem>> -> memref<64x64xf32, #tpu.memory_space<vmem>>
      %dma_start3A_80 = arith.constant 0 : i32
      %dma_start3A_81 = tpu.memref_slice %arg18[%add3A_17, %dma_start3A_80] : memref<10240x64xf32, #tpu.memory_space<vmem_shared>> -> memref<64x64xf32, #tpu.memory_space<vmem_shared>>
      %dma_start3A_82 = arith.constant 0 : i32
      %dma_start3A_83 = tpu.memref_slice %arg18[%add3A_17, %dma_start3A_82] : memref<10240x64xf32, #tpu.memory_space<vmem_shared>> -> memref<64x64xf32, #tpu.memory_space<vmem_shared>>
      %dma_start3A_84 = arith.constant 0 : i32
      %dma_start3A_85 = arith.constant 0 : i32
      %dma_start3A_86 = tpu.memref_slice %arg14[%dma_start3A_84, %dma_start3A_85] : memref<80x64xf32, #tpu.memory_space<vmem>> -> memref<64x64xf32, #tpu.memory_space<vmem>>
      tpu.enqueue_dma source(%dma_start3A_86 : memref<64x64xf32, #tpu.memory_space<vmem>>) target(%dma_start3A_83 : memref<64x64xf32, #tpu.memory_space<vmem_shared>>) target_semaphore(%run_scoped3A : memref<!tpu.dma_semaphore, #tpu.memory_space<semaphore_mem>>)
      %dma_wait3A_87 = arith.constant 0 : i32
      %dma_wait3A_88 = arith.constant 0 : i32
      %dma_wait3A_89 = tpu.memref_slice %arg14[%dma_wait3A_87, %dma_wait3A_88] : memref<80x64xf32, #tpu.memory_space<vmem>> -> memref<64x64xf32, #tpu.memory_space<vmem>>
      %dma_wait3A_90 = arith.constant 0 : i32
      %dma_wait3A_91 = tpu.memref_slice %arg18[%add3A_17, %dma_wait3A_90] : memref<10240x64xf32, #tpu.memory_space<vmem_shared>> -> memref<64x64xf32, #tpu.memory_space<vmem_shared>>
      %dma_wait3A_92 = arith.constant 0 : i32
      %dma_wait3A_93 = tpu.memref_slice %arg18[%add3A_17, %dma_wait3A_92] : memref<10240x64xf32, #tpu.memory_space<vmem_shared>> -> memref<64x64xf32, #tpu.memory_space<vmem_shared>>
      %dma_wait3A_94 = arith.constant 0 : i32
      %dma_wait3A_95 = arith.constant 0 : i32
      %dma_wait3A_96 = tpu.memref_slice %arg14[%dma_wait3A_94, %dma_wait3A_95] : memref<80x64xf32, #tpu.memory_space<vmem>> -> memref<64x64xf32, #tpu.memory_space<vmem>>
      tpu.wait_dma2 semaphore(%run_scoped3A : memref<!tpu.dma_semaphore, #tpu.memory_space<semaphore_mem>>) src(%dma_wait3A_96 : memref<64x64xf32, #tpu.memory_space<vmem>>) dst(%dma_wait3A_93 : memref<64x64xf32, #tpu.memory_space<vmem_shared>>)
      tpu.yield
    }) : () -> ()
    %add3A_18 = arith.constant 256 : i32
    %add3A_19 = arith.addi %mul3A_2, %add3A_18 : i32
    "tpu.region"() ({
      %run_scoped3A = tpu.sem_alloc : memref<!tpu.dma_semaphore, #tpu.memory_space<semaphore_mem>>
      %dma_start3A_77 = arith.constant 0 : i32
      %dma_start3A_78 = arith.constant 0 : i32
      %dma_start3A_79 = tpu.memref_slice %arg14[%dma_start3A_77, %dma_start3A_78] : memref<80x64xf32, #tpu.memory_space<vmem>> -> memref<64x64xf32, #tpu.memory_space<vmem>>
      %dma_start3A_80 = arith.constant 0 : i32
      %dma_start3A_81 = tpu.memref_slice %arg18[%add3A_19, %dma_start3A_80] : memref<10240x64xf32, #tpu.memory_space<vmem_shared>> -> memref<64x64xf32, #tpu.memory_space<vmem_shared>>
      %dma_start3A_82 = arith.constant 0 : i32
      %dma_start3A_83 = tpu.memref_slice %arg18[%add3A_19, %dma_start3A_82] : memref<10240x64xf32, #tpu.memory_space<vmem_shared>> -> memref<64x64xf32, #tpu.memory_space<vmem_shared>>
      %dma_start3A_84 = arith.constant 0 : i32
      %dma_start3A_85 = arith.constant 0 : i32
      %dma_start3A_86 = tpu.memref_slice %arg14[%dma_start3A_84, %dma_start3A_85] : memref<80x64xf32, #tpu.memory_space<vmem>> -> memref<64x64xf32, #tpu.memory_space<vmem>>
      tpu.enqueue_dma source(%dma_start3A_86 : memref<64x64xf32, #tpu.memory_space<vmem>>) target(%dma_start3A_83 : memref<64x64xf32, #tpu.memory_space<vmem_shared>>) target_semaphore(%run_scoped3A : memref<!tpu.dma_semaphore, #tpu.memory_space<semaphore_mem>>)
      %dma_wait3A_87 = arith.constant 0 : i32
      %dma_wait3A_88 = arith.constant 0 : i32
      %dma_wait3A_89 = tpu.memref_slice %arg14[%dma_wait3A_87, %dma_wait3A_88] : memref<80x64xf32, #tpu.memory_space<vmem>> -> memref<64x64xf32, #tpu.memory_space<vmem>>
      %dma_wait3A_90 = arith.constant 0 : i32
      %dma_wait3A_91 = tpu.memref_slice %arg18[%add3A_19, %dma_wait3A_90] : memref<10240x64xf32, #tpu.memory_space<vmem_shared>> -> memref<64x64xf32, #tpu.memory_space<vmem_shared>>
      %dma_wait3A_92 = arith.constant 0 : i32
      %dma_wait3A_93 = tpu.memref_slice %arg18[%add3A_19, %dma_wait3A_92] : memref<10240x64xf32, #tpu.memory_space<vmem_shared>> -> memref<64x64xf32, #tpu.memory_space<vmem_shared>>
      %dma_wait3A_94 = arith.constant 0 : i32
      %dma_wait3A_95 = arith.constant 0 : i32
      %dma_wait3A_96 = tpu.memref_slice %arg14[%dma_wait3A_94, %dma_wait3A_95] : memref<80x64xf32, #tpu.memory_space<vmem>> -> memref<64x64xf32, #tpu.memory_space<vmem>>
      tpu.wait_dma2 semaphore(%run_scoped3A : memref<!tpu.dma_semaphore, #tpu.memory_space<semaphore_mem>>) src(%dma_wait3A_96 : memref<64x64xf32, #tpu.memory_space<vmem>>) dst(%dma_wait3A_93 : memref<64x64xf32, #tpu.memory_space<vmem_shared>>)
      tpu.yield
    }) : () -> ()
    %add3A_20 = arith.constant 320 : i32
    %add3A_21 = arith.addi %mul3A_2, %add3A_20 : i32
    "tpu.region"() ({
      %run_scoped3A = tpu.sem_alloc : memref<!tpu.dma_semaphore, #tpu.memory_space<semaphore_mem>>
      %dma_start3A_77 = arith.constant 0 : i32
      %dma_start3A_78 = arith.constant 0 : i32
      %dma_start3A_79 = tpu.memref_slice %arg14[%dma_start3A_77, %dma_start3A_78] : memref<80x64xf32, #tpu.memory_space<vmem>> -> memref<64x64xf32, #tpu.memory_space<vmem>>
      %dma_start3A_80 = arith.constant 0 : i32
      %dma_start3A_81 = tpu.memref_slice %arg18[%add3A_21, %dma_start3A_80] : memref<10240x64xf32, #tpu.memory_space<vmem_shared>> -> memref<64x64xf32, #tpu.memory_space<vmem_shared>>
      %dma_start3A_82 = arith.constant 0 : i32
      %dma_start3A_83 = tpu.memref_slice %arg18[%add3A_21, %dma_start3A_82] : memref<10240x64xf32, #tpu.memory_space<vmem_shared>> -> memref<64x64xf32, #tpu.memory_space<vmem_shared>>
      %dma_start3A_84 = arith.constant 0 : i32
      %dma_start3A_85 = arith.constant 0 : i32
      %dma_start3A_86 = tpu.memref_slice %arg14[%dma_start3A_84, %dma_start3A_85] : memref<80x64xf32, #tpu.memory_space<vmem>> -> memref<64x64xf32, #tpu.memory_space<vmem>>
      tpu.enqueue_dma source(%dma_start3A_86 : memref<64x64xf32, #tpu.memory_space<vmem>>) target(%dma_start3A_83 : memref<64x64xf32, #tpu.memory_space<vmem_shared>>) target_semaphore(%run_scoped3A : memref<!tpu.dma_semaphore, #tpu.memory_space<semaphore_mem>>)
      %dma_wait3A_87 = arith.constant 0 : i32
      %dma_wait3A_88 = arith.constant 0 : i32
      %dma_wait3A_89 = tpu.memref_slice %arg14[%dma_wait3A_87, %dma_wait3A_88] : memref<80x64xf32, #tpu.memory_space<vmem>> -> memref<64x64xf32, #tpu.memory_space<vmem>>
      %dma_wait3A_90 = arith.constant 0 : i32
      %dma_wait3A_91 = tpu.memref_slice %arg18[%add3A_21, %dma_wait3A_90] : memref<10240x64xf32, #tpu.memory_space<vmem_shared>> -> memref<64x64xf32, #tpu.memory_space<vmem_shared>>
      %dma_wait3A_92 = arith.constant 0 : i32
      %dma_wait3A_93 = tpu.memref_slice %arg18[%add3A_21, %dma_wait3A_92] : memref<10240x64xf32, #tpu.memory_space<vmem_shared>> -> memref<64x64xf32, #tpu.memory_space<vmem_shared>>
      %dma_wait3A_94 = arith.constant 0 : i32
      %dma_wait3A_95 = arith.constant 0 : i32
      %dma_wait3A_96 = tpu.memref_slice %arg14[%dma_wait3A_94, %dma_wait3A_95] : memref<80x64xf32, #tpu.memory_space<vmem>> -> memref<64x64xf32, #tpu.memory_space<vmem>>
      tpu.wait_dma2 semaphore(%run_scoped3A : memref<!tpu.dma_semaphore, #tpu.memory_space<semaphore_mem>>) src(%dma_wait3A_96 : memref<64x64xf32, #tpu.memory_space<vmem>>) dst(%dma_wait3A_93 : memref<64x64xf32, #tpu.memory_space<vmem_shared>>)
      tpu.yield
    }) : () -> ()
    %add3A_22 = arith.constant 384 : i32
    %add3A_23 = arith.addi %mul3A_2, %add3A_22 : i32
    "tpu.region"() ({
      %run_scoped3A = tpu.sem_alloc : memref<!tpu.dma_semaphore, #tpu.memory_space<semaphore_mem>>
      %dma_start3A_77 = arith.constant 0 : i32
      %dma_start3A_78 = arith.constant 0 : i32
      %dma_start3A_79 = tpu.memref_slice %arg14[%dma_start3A_77, %dma_start3A_78] : memref<80x64xf32, #tpu.memory_space<vmem>> -> memref<64x64xf32, #tpu.memory_space<vmem>>
      %dma_start3A_80 = arith.constant 0 : i32
      %dma_start3A_81 = tpu.memref_slice %arg18[%add3A_23, %dma_start3A_80] : memref<10240x64xf32, #tpu.memory_space<vmem_shared>> -> memref<64x64xf32, #tpu.memory_space<vmem_shared>>
      %dma_start3A_82 = arith.constant 0 : i32
      %dma_start3A_83 = tpu.memref_slice %arg18[%add3A_23, %dma_start3A_82] : memref<10240x64xf32, #tpu.memory_space<vmem_shared>> -> memref<64x64xf32, #tpu.memory_space<vmem_shared>>
      %dma_start3A_84 = arith.constant 0 : i32
      %dma_start3A_85 = arith.constant 0 : i32
      %dma_start3A_86 = tpu.memref_slice %arg14[%dma_start3A_84, %dma_start3A_85] : memref<80x64xf32, #tpu.memory_space<vmem>> -> memref<64x64xf32, #tpu.memory_space<vmem>>
      tpu.enqueue_dma source(%dma_start3A_86 : memref<64x64xf32, #tpu.memory_space<vmem>>) target(%dma_start3A_83 : memref<64x64xf32, #tpu.memory_space<vmem_shared>>) target_semaphore(%run_scoped3A : memref<!tpu.dma_semaphore, #tpu.memory_space<semaphore_mem>>)
      %dma_wait3A_87 = arith.constant 0 : i32
      %dma_wait3A_88 = arith.constant 0 : i32
      %dma_wait3A_89 = tpu.memref_slice %arg14[%dma_wait3A_87, %dma_wait3A_88] : memref<80x64xf32, #tpu.memory_space<vmem>> -> memref<64x64xf32, #tpu.memory_space<vmem>>
      %dma_wait3A_90 = arith.constant 0 : i32
      %dma_wait3A_91 = tpu.memref_slice %arg18[%add3A_23, %dma_wait3A_90] : memref<10240x64xf32, #tpu.memory_space<vmem_shared>> -> memref<64x64xf32, #tpu.memory_space<vmem_shared>>
      %dma_wait3A_92 = arith.constant 0 : i32
      %dma_wait3A_93 = tpu.memref_slice %arg18[%add3A_23, %dma_wait3A_92] : memref<10240x64xf32, #tpu.memory_space<vmem_shared>> -> memref<64x64xf32, #tpu.memory_space<vmem_shared>>
      %dma_wait3A_94 = arith.constant 0 : i32
      %dma_wait3A_95 = arith.constant 0 : i32
      %dma_wait3A_96 = tpu.memref_slice %arg14[%dma_wait3A_94, %dma_wait3A_95] : memref<80x64xf32, #tpu.memory_space<vmem>> -> memref<64x64xf32, #tpu.memory_space<vmem>>
      tpu.wait_dma2 semaphore(%run_scoped3A : memref<!tpu.dma_semaphore, #tpu.memory_space<semaphore_mem>>) src(%dma_wait3A_96 : memref<64x64xf32, #tpu.memory_space<vmem>>) dst(%dma_wait3A_93 : memref<64x64xf32, #tpu.memory_space<vmem_shared>>)
      tpu.yield
    }) : () -> ()
    %add3A_24 = arith.constant 448 : i32
    %add3A_25 = arith.addi %mul3A_2, %add3A_24 : i32
    "tpu.region"() ({
      %run_scoped3A = tpu.sem_alloc : memref<!tpu.dma_semaphore, #tpu.memory_space<semaphore_mem>>
      %dma_start3A_77 = arith.constant 0 : i32
      %dma_start3A_78 = arith.constant 0 : i32
      %dma_start3A_79 = tpu.memref_slice %arg14[%dma_start3A_77, %dma_start3A_78] : memref<80x64xf32, #tpu.memory_space<vmem>> -> memref<64x64xf32, #tpu.memory_space<vmem>>
      %dma_start3A_80 = arith.constant 0 : i32
      %dma_start3A_81 = tpu.memref_slice %arg18[%add3A_25, %dma_start3A_80] : memref<10240x64xf32, #tpu.memory_space<vmem_shared>> -> memref<64x64xf32, #tpu.memory_space<vmem_shared>>
      %dma_start3A_82 = arith.constant 0 : i32
      %dma_start3A_83 = tpu.memref_slice %arg18[%add3A_25, %dma_start3A_82] : memref<10240x64xf32, #tpu.memory_space<vmem_shared>> -> memref<64x64xf32, #tpu.memory_space<vmem_shared>>
      %dma_start3A_84 = arith.constant 0 : i32
      %dma_start3A_85 = arith.constant 0 : i32
      %dma_start3A_86 = tpu.memref_slice %arg14[%dma_start3A_84, %dma_start3A_85] : memref<80x64xf32, #tpu.memory_space<vmem>> -> memref<64x64xf32, #tpu.memory_space<vmem>>
      tpu.enqueue_dma source(%dma_start3A_86 : memref<64x64xf32, #tpu.memory_space<vmem>>) target(%dma_start3A_83 : memref<64x64xf32, #tpu.memory_space<vmem_shared>>) target_semaphore(%run_scoped3A : memref<!tpu.dma_semaphore, #tpu.memory_space<semaphore_mem>>)
      %dma_wait3A_87 = arith.constant 0 : i32
      %dma_wait3A_88 = arith.constant 0 : i32
      %dma_wait3A_89 = tpu.memref_slice %arg14[%dma_wait3A_87, %dma_wait3A_88] : memref<80x64xf32, #tpu.memory_space<vmem>> -> memref<64x64xf32, #tpu.memory_space<vmem>>
      %dma_wait3A_90 = arith.constant 0 : i32
      %dma_wait3A_91 = tpu.memref_slice %arg18[%add3A_25, %dma_wait3A_90] : memref<10240x64xf32, #tpu.memory_space<vmem_shared>> -> memref<64x64xf32, #tpu.memory_space<vmem_shared>>
      %dma_wait3A_92 = arith.constant 0 : i32
      %dma_wait3A_93 = tpu.memref_slice %arg18[%add3A_25, %dma_wait3A_92] : memref<10240x64xf32, #tpu.memory_space<vmem_shared>> -> memref<64x64xf32, #tpu.memory_space<vmem_shared>>
      %dma_wait3A_94 = arith.constant 0 : i32
      %dma_wait3A_95 = arith.constant 0 : i32
      %dma_wait3A_96 = tpu.memref_slice %arg14[%dma_wait3A_94, %dma_wait3A_95] : memref<80x64xf32, #tpu.memory_space<vmem>> -> memref<64x64xf32, #tpu.memory_space<vmem>>
      tpu.wait_dma2 semaphore(%run_scoped3A : memref<!tpu.dma_semaphore, #tpu.memory_space<semaphore_mem>>) src(%dma_wait3A_96 : memref<64x64xf32, #tpu.memory_space<vmem>>) dst(%dma_wait3A_93 : memref<64x64xf32, #tpu.memory_space<vmem_shared>>)
      tpu.yield
    }) : () -> ()
    %add3A_26 = arith.constant 512 : i32
    %add3A_27 = arith.addi %mul3A_2, %add3A_26 : i32
    "tpu.region"() ({
      %run_scoped3A = tpu.sem_alloc : memref<!tpu.dma_semaphore, #tpu.memory_space<semaphore_mem>>
      %dma_start3A_77 = arith.constant 0 : i32
      %dma_start3A_78 = arith.constant 0 : i32
      %dma_start3A_79 = tpu.memref_slice %arg14[%dma_start3A_77, %dma_start3A_78] : memref<80x64xf32, #tpu.memory_space<vmem>> -> memref<64x64xf32, #tpu.memory_space<vmem>>
      %dma_start3A_80 = arith.constant 0 : i32
      %dma_start3A_81 = tpu.memref_slice %arg18[%add3A_27, %dma_start3A_80] : memref<10240x64xf32, #tpu.memory_space<vmem_shared>> -> memref<64x64xf32, #tpu.memory_space<vmem_shared>>
      %dma_start3A_82 = arith.constant 0 : i32
      %dma_start3A_83 = tpu.memref_slice %arg18[%add3A_27, %dma_start3A_82] : memref<10240x64xf32, #tpu.memory_space<vmem_shared>> -> memref<64x64xf32, #tpu.memory_space<vmem_shared>>
      %dma_start3A_84 = arith.constant 0 : i32
      %dma_start3A_85 = arith.constant 0 : i32
      %dma_start3A_86 = tpu.memref_slice %arg14[%dma_start3A_84, %dma_start3A_85] : memref<80x64xf32, #tpu.memory_space<vmem>> -> memref<64x64xf32, #tpu.memory_space<vmem>>
      tpu.enqueue_dma source(%dma_start3A_86 : memref<64x64xf32, #tpu.memory_space<vmem>>) target(%dma_start3A_83 : memref<64x64xf32, #tpu.memory_space<vmem_shared>>) target_semaphore(%run_scoped3A : memref<!tpu.dma_semaphore, #tpu.memory_space<semaphore_mem>>)
      %dma_wait3A_87 = arith.constant 0 : i32
      %dma_wait3A_88 = arith.constant 0 : i32
      %dma_wait3A_89 = tpu.memref_slice %arg14[%dma_wait3A_87, %dma_wait3A_88] : memref<80x64xf32, #tpu.memory_space<vmem>> -> memref<64x64xf32, #tpu.memory_space<vmem>>
      %dma_wait3A_90 = arith.constant 0 : i32
      %dma_wait3A_91 = tpu.memref_slice %arg18[%add3A_27, %dma_wait3A_90] : memref<10240x64xf32, #tpu.memory_space<vmem_shared>> -> memref<64x64xf32, #tpu.memory_space<vmem_shared>>
      %dma_wait3A_92 = arith.constant 0 : i32
      %dma_wait3A_93 = tpu.memref_slice %arg18[%add3A_27, %dma_wait3A_92] : memref<10240x64xf32, #tpu.memory_space<vmem_shared>> -> memref<64x64xf32, #tpu.memory_space<vmem_shared>>
      %dma_wait3A_94 = arith.constant 0 : i32
      %dma_wait3A_95 = arith.constant 0 : i32
      %dma_wait3A_96 = tpu.memref_slice %arg14[%dma_wait3A_94, %dma_wait3A_95] : memref<80x64xf32, #tpu.memory_space<vmem>> -> memref<64x64xf32, #tpu.memory_space<vmem>>
      tpu.wait_dma2 semaphore(%run_scoped3A : memref<!tpu.dma_semaphore, #tpu.memory_space<semaphore_mem>>) src(%dma_wait3A_96 : memref<64x64xf32, #tpu.memory_space<vmem>>) dst(%dma_wait3A_93 : memref<64x64xf32, #tpu.memory_space<vmem_shared>>)
      tpu.yield
    }) : () -> ()
    %add3A_28 = arith.constant 576 : i32
    %add3A_29 = arith.addi %mul3A_2, %add3A_28 : i32
    "tpu.region"() ({
      %run_scoped3A = tpu.sem_alloc : memref<!tpu.dma_semaphore, #tpu.memory_space<semaphore_mem>>
      %dma_start3A_77 = arith.constant 0 : i32
      %dma_start3A_78 = arith.constant 0 : i32
      %dma_start3A_79 = tpu.memref_slice %arg14[%dma_start3A_77, %dma_start3A_78] : memref<80x64xf32, #tpu.memory_space<vmem>> -> memref<64x64xf32, #tpu.memory_space<vmem>>
      %dma_start3A_80 = arith.constant 0 : i32
      %dma_start3A_81 = tpu.memref_slice %arg18[%add3A_29, %dma_start3A_80] : memref<10240x64xf32, #tpu.memory_space<vmem_shared>> -> memref<64x64xf32, #tpu.memory_space<vmem_shared>>
      %dma_start3A_82 = arith.constant 0 : i32
      %dma_start3A_83 = tpu.memref_slice %arg18[%add3A_29, %dma_start3A_82] : memref<10240x64xf32, #tpu.memory_space<vmem_shared>> -> memref<64x64xf32, #tpu.memory_space<vmem_shared>>
      %dma_start3A_84 = arith.constant 0 : i32
      %dma_start3A_85 = arith.constant 0 : i32
      %dma_start3A_86 = tpu.memref_slice %arg14[%dma_start3A_84, %dma_start3A_85] : memref<80x64xf32, #tpu.memory_space<vmem>> -> memref<64x64xf32, #tpu.memory_space<vmem>>
      tpu.enqueue_dma source(%dma_start3A_86 : memref<64x64xf32, #tpu.memory_space<vmem>>) target(%dma_start3A_83 : memref<64x64xf32, #tpu.memory_space<vmem_shared>>) target_semaphore(%run_scoped3A : memref<!tpu.dma_semaphore, #tpu.memory_space<semaphore_mem>>)
      %dma_wait3A_87 = arith.constant 0 : i32
      %dma_wait3A_88 = arith.constant 0 : i32
      %dma_wait3A_89 = tpu.memref_slice %arg14[%dma_wait3A_87, %dma_wait3A_88] : memref<80x64xf32, #tpu.memory_space<vmem>> -> memref<64x64xf32, #tpu.memory_space<vmem>>
      %dma_wait3A_90 = arith.constant 0 : i32
      %dma_wait3A_91 = tpu.memref_slice %arg18[%add3A_29, %dma_wait3A_90] : memref<10240x64xf32, #tpu.memory_space<vmem_shared>> -> memref<64x64xf32, #tpu.memory_space<vmem_shared>>
      %dma_wait3A_92 = arith.constant 0 : i32
      %dma_wait3A_93 = tpu.memref_slice %arg18[%add3A_29, %dma_wait3A_92] : memref<10240x64xf32, #tpu.memory_space<vmem_shared>> -> memref<64x64xf32, #tpu.memory_space<vmem_shared>>
      %dma_wait3A_94 = arith.constant 0 : i32
      %dma_wait3A_95 = arith.constant 0 : i32
      %dma_wait3A_96 = tpu.memref_slice %arg14[%dma_wait3A_94, %dma_wait3A_95] : memref<80x64xf32, #tpu.memory_space<vmem>> -> memref<64x64xf32, #tpu.memory_space<vmem>>
      tpu.wait_dma2 semaphore(%run_scoped3A : memref<!tpu.dma_semaphore, #tpu.memory_space<semaphore_mem>>) src(%dma_wait3A_96 : memref<64x64xf32, #tpu.memory_space<vmem>>) dst(%dma_wait3A_93 : memref<64x64xf32, #tpu.memory_space<vmem_shared>>)
      tpu.yield
    }) : () -> ()
    %barrier3A = arith.constant 0 : index
    tpu.barrier barrier_id(%barrier3A)
    %add3A_30 = arith.constant 0 : i32
    %add3A_31 = arith.addi %mul3A_4, %add3A_30 : i32
    %dma_start3A = tpu.memref_slice %arg2[%add3A_31] : memref<320000xi32, #tpu.memory_space<hbm>> -> memref<80xi32, #tpu.memory_space<hbm>>
    %dma_start3A_32 = tpu.memref_slice %arg2[%add3A_31] : memref<320000xi32, #tpu.memory_space<hbm>> -> memref<80xi32, #tpu.memory_space<hbm>>
    tpu.enqueue_dma source(%dma_start3A_32 : memref<80xi32, #tpu.memory_space<hbm>>) target(%arg6 : memref<80xi32, #tpu.memory_space<vmem>>) target_semaphore(%arg19 : memref<!tpu.dma_semaphore, #tpu.memory_space<semaphore_mem>>)
    %dma_start3A_33 = tpu.memref_slice %arg3[%add3A_31] : memref<320000xi32, #tpu.memory_space<hbm>> -> memref<80xi32, #tpu.memory_space<hbm>>
    %dma_start3A_34 = tpu.memref_slice %arg3[%add3A_31] : memref<320000xi32, #tpu.memory_space<hbm>> -> memref<80xi32, #tpu.memory_space<hbm>>
    tpu.enqueue_dma source(%dma_start3A_34 : memref<80xi32, #tpu.memory_space<hbm>>) target(%arg10 : memref<80xi32, #tpu.memory_space<vmem>>) target_semaphore(%arg19 : memref<!tpu.dma_semaphore, #tpu.memory_space<semaphore_mem>>)
    %add3A_35 = arith.constant 80 : i32
    %add3A_36 = arith.addi %mul3A_4, %add3A_35 : i32
    %dma_start3A_37 = tpu.memref_slice %arg2[%add3A_36] : memref<320000xi32, #tpu.memory_space<hbm>> -> memref<80xi32, #tpu.memory_space<hbm>>
    %dma_start3A_38 = tpu.memref_slice %arg2[%add3A_36] : memref<320000xi32, #tpu.memory_space<hbm>> -> memref<80xi32, #tpu.memory_space<hbm>>
    tpu.enqueue_dma source(%dma_start3A_38 : memref<80xi32, #tpu.memory_space<hbm>>) target(%arg7 : memref<80xi32, #tpu.memory_space<vmem>>) target_semaphore(%arg20 : memref<!tpu.dma_semaphore, #tpu.memory_space<semaphore_mem>>)
    %dma_start3A_39 = tpu.memref_slice %arg3[%add3A_36] : memref<320000xi32, #tpu.memory_space<hbm>> -> memref<80xi32, #tpu.memory_space<hbm>>
    %dma_start3A_40 = tpu.memref_slice %arg3[%add3A_36] : memref<320000xi32, #tpu.memory_space<hbm>> -> memref<80xi32, #tpu.memory_space<hbm>>
    tpu.enqueue_dma source(%dma_start3A_40 : memref<80xi32, #tpu.memory_space<hbm>>) target(%arg11 : memref<80xi32, #tpu.memory_space<vmem>>) target_semaphore(%arg20 : memref<!tpu.dma_semaphore, #tpu.memory_space<semaphore_mem>>)
    %add3A_41 = arith.constant 160 : i32
    %add3A_42 = arith.addi %mul3A_4, %add3A_41 : i32
    %dma_start3A_43 = tpu.memref_slice %arg2[%add3A_42] : memref<320000xi32, #tpu.memory_space<hbm>> -> memref<80xi32, #tpu.memory_space<hbm>>
    %dma_start3A_44 = tpu.memref_slice %arg2[%add3A_42] : memref<320000xi32, #tpu.memory_space<hbm>> -> memref<80xi32, #tpu.memory_space<hbm>>
    tpu.enqueue_dma source(%dma_start3A_44 : memref<80xi32, #tpu.memory_space<hbm>>) target(%arg8 : memref<80xi32, #tpu.memory_space<vmem>>) target_semaphore(%arg21 : memref<!tpu.dma_semaphore, #tpu.memory_space<semaphore_mem>>)
    %dma_start3A_45 = tpu.memref_slice %arg3[%add3A_42] : memref<320000xi32, #tpu.memory_space<hbm>> -> memref<80xi32, #tpu.memory_space<hbm>>
    %dma_start3A_46 = tpu.memref_slice %arg3[%add3A_42] : memref<320000xi32, #tpu.memory_space<hbm>> -> memref<80xi32, #tpu.memory_space<hbm>>
    tpu.enqueue_dma source(%dma_start3A_46 : memref<80xi32, #tpu.memory_space<hbm>>) target(%arg12 : memref<80xi32, #tpu.memory_space<vmem>>) target_semaphore(%arg21 : memref<!tpu.dma_semaphore, #tpu.memory_space<semaphore_mem>>)
    %add3A_47 = arith.constant 0 : i32
    %add3A_48 = arith.addi %mul3A_4, %add3A_47 : i32
    %dma_wait3A = tpu.memref_slice %arg2[%add3A_48] : memref<320000xi32, #tpu.memory_space<hbm>> -> memref<80xi32, #tpu.memory_space<hbm>>
    %dma_wait3A_49 = tpu.memref_slice %arg2[%add3A_48] : memref<320000xi32, #tpu.memory_space<hbm>> -> memref<80xi32, #tpu.memory_space<hbm>>
    tpu.wait_dma2 semaphore(%arg19 : memref<!tpu.dma_semaphore, #tpu.memory_space<semaphore_mem>>) src(%dma_wait3A_49 : memref<80xi32, #tpu.memory_space<hbm>>) dst(%arg6 : memref<80xi32, #tpu.memory_space<vmem>>)
    %dma_wait3A_50 = tpu.memref_slice %arg3[%add3A_48] : memref<320000xi32, #tpu.memory_space<hbm>> -> memref<80xi32, #tpu.memory_space<hbm>>
    %dma_wait3A_51 = tpu.memref_slice %arg3[%add3A_48] : memref<320000xi32, #tpu.memory_space<hbm>> -> memref<80xi32, #tpu.memory_space<hbm>>
    tpu.wait_dma2 semaphore(%arg19 : memref<!tpu.dma_semaphore, #tpu.memory_space<semaphore_mem>>) src(%dma_wait3A_51 : memref<80xi32, #tpu.memory_space<hbm>>) dst(%arg10 : memref<80xi32, #tpu.memory_space<vmem>>)
    %dma_start3A_52 = arith.constant 0 : i32
    %dma_start3A_53 = arith.constant 0 : i32
    %dma_start3A_54 = tpu.memref_slice %arg4[%dma_start3A_52, %dma_start3A_53] : memref<10000x64xf32, #tpu.memory_space<hbm>> -> memref<10000x64xf32, #tpu.memory_space<hbm>>
    tpu.enqueue_indirect_dma source(%dma_start3A_54 : memref<10000x64xf32, #tpu.memory_space<hbm>>) target(%arg14 : memref<80x64xf32, #tpu.memory_space<vmem>>) offsets(%arg6 : memref<80xi32, #tpu.memory_space<vmem>>) semaphore(%arg23 : memref<!tpu.dma_semaphore, #tpu.memory_space<semaphore_mem>>)
    %scan3A_55 = arith.constant 0 : i32
    %scan3A_56 = arith.constant 0 : i32
    %scan3A_57 = arith.constant 31 : i32
    %scan3A_58 = arith.addi %scan3A_56, %scan3A_57 : i32
    %scan3A_59 = arith.constant 1 : i32
    scf.for %scan3A_77 = %scan3A_56 to %scan3A_58 step %scan3A_59  : i32 {
      %mul3A_78 = arith.constant 4 : i32
      %mul3A_79 = arith.muli %mul3A_78, %scan3A_77 : i32
      %add3A_80 = arith.constant 1 : i32
      %add3A_81 = arith.addi %mul3A_79, %add3A_80 : i32
      %mul3A_82 = arith.constant 80 : i32
      %mul3A_83 = arith.muli %add3A_81, %mul3A_82 : i32
      %add3A_84 = arith.addi %mul3A_4, %mul3A_83 : i32
      %dma_wait3A_85 = tpu.memref_slice %arg2[%add3A_84] : memref<320000xi32, #tpu.memory_space<hbm>> -> memref<80xi32, #tpu.memory_space<hbm>>
      %dma_wait3A_86 = tpu.memref_slice %arg2[%add3A_84] : memref<320000xi32, #tpu.memory_space<hbm>> -> memref<80xi32, #tpu.memory_space<hbm>>
      tpu.wait_dma2 semaphore(%arg20 : memref<!tpu.dma_semaphore, #tpu.memory_space<semaphore_mem>>) src(%dma_wait3A_86 : memref<80xi32, #tpu.memory_space<hbm>>) dst(%arg7 : memref<80xi32, #tpu.memory_space<vmem>>)
      %dma_wait3A_87 = tpu.memref_slice %arg3[%add3A_84] : memref<320000xi32, #tpu.memory_space<hbm>> -> memref<80xi32, #tpu.memory_space<hbm>>
      %dma_wait3A_88 = tpu.memref_slice %arg3[%add3A_84] : memref<320000xi32, #tpu.memory_space<hbm>> -> memref<80xi32, #tpu.memory_space<hbm>>
      tpu.wait_dma2 semaphore(%arg20 : memref<!tpu.dma_semaphore, #tpu.memory_space<semaphore_mem>>) src(%dma_wait3A_88 : memref<80xi32, #tpu.memory_space<hbm>>) dst(%arg11 : memref<80xi32, #tpu.memory_space<vmem>>)
      %dma_start3A_89 = arith.constant 0 : i32
      %dma_start3A_90 = arith.constant 0 : i32
      %dma_start3A_91 = tpu.memref_slice %arg4[%dma_start3A_89, %dma_start3A_90] : memref<10000x64xf32, #tpu.memory_space<hbm>> -> memref<10000x64xf32, #tpu.memory_space<hbm>>
      tpu.enqueue_indirect_dma source(%dma_start3A_91 : memref<10000x64xf32, #tpu.memory_space<hbm>>) target(%arg15 : memref<80x64xf32, #tpu.memory_space<vmem>>) offsets(%arg7 : memref<80xi32, #tpu.memory_space<vmem>>) semaphore(%arg24 : memref<!tpu.dma_semaphore, #tpu.memory_space<semaphore_mem>>)
      %dma_wait3A_92 = arith.constant 0 : i32
      %dma_wait3A_93 = arith.constant 0 : i32
      %dma_wait3A_94 = tpu.memref_slice %arg4[%dma_wait3A_92, %dma_wait3A_93] : memref<10000x64xf32, #tpu.memory_space<hbm>> -> memref<10000x64xf32, #tpu.memory_space<hbm>>
      tpu.wait_indirect_dma semaphore(%arg23 : memref<!tpu.dma_semaphore, #tpu.memory_space<semaphore_mem>>) src(%dma_wait3A_94 : memref<10000x64xf32, #tpu.memory_space<hbm>>) dst(%arg14 : memref<80x64xf32, #tpu.memory_space<vmem>>)
      %gt3A = arith.constant 0 : i32
      %gt3A_95 = arith.cmpi sgt, %mul3A_79, %gt3A : i32
      %convert_element_type3A = arith.extui %gt3A_95 : i1 to i32
      %cond3A = arith.constant 0 : i32
      %cond3A_96 = arith.cmpi ne, %convert_element_type3A, %cond3A : i32
      scf.if %cond3A_96 {
        %dma_wait3A_202 = arith.constant 0 : i32
        %dma_wait3A_203 = arith.constant 0 : i32
        %dma_wait3A_204 = tpu.memref_slice %arg18[%dma_wait3A_202, %dma_wait3A_203] : memref<10240x64xf32, #tpu.memory_space<vmem_shared>> -> memref<10240x64xf32, #tpu.memory_space<vmem_shared>>
        tpu.wait_indirect_dma semaphore(%arg30 : memref<!tpu.dma_semaphore, #tpu.memory_space<semaphore_mem>>) src(%arg17 : memref<80x64xf32, #tpu.memory_space<vmem>>) dst(%dma_wait3A_204 : memref<10240x64xf32, #tpu.memory_space<vmem_shared>>)
      } else {
      }
      %dma_start3A_97 = arith.constant 0 : i32
      %dma_start3A_98 = arith.constant 0 : i32
      %dma_start3A_99 = tpu.memref_slice %arg18[%dma_start3A_97, %dma_start3A_98] : memref<10240x64xf32, #tpu.memory_space<vmem_shared>> -> memref<10240x64xf32, #tpu.memory_space<vmem_shared>>
      tpu.enqueue_indirect_dma source(%arg14 : memref<80x64xf32, #tpu.memory_space<vmem>>) target(%dma_start3A_99 : memref<10240x64xf32, #tpu.memory_space<vmem_shared>>) offsets(%arg10 : memref<80xi32, #tpu.memory_space<vmem>>) semaphore(%arg27 : memref<!tpu.dma_semaphore, #tpu.memory_space<semaphore_mem>>) {add = true}
      %add3A_100 = arith.constant 3 : i32
      %add3A_101 = arith.addi %mul3A_79, %add3A_100 : i32
      %lt3A = arith.constant 125 : i32
      %lt3A_102 = arith.cmpi slt, %add3A_101, %lt3A : i32
      %convert_element_type3A_103 = arith.extui %lt3A_102 : i1 to i32
      %cond3A_104 = arith.constant 0 : i32
      %cond3A_105 = arith.cmpi ne, %convert_element_type3A_103, %cond3A_104 : i32
      scf.if %cond3A_105 {
        %add3A_202 = arith.constant 3 : i32
        %add3A_203 = arith.addi %mul3A_79, %add3A_202 : i32
        %mul3A_204 = arith.constant 80 : i32
        %mul3A_205 = arith.muli %add3A_203, %mul3A_204 : i32
        %add3A_206 = arith.addi %mul3A_4, %mul3A_205 : i32
        %dma_start3A_207 = tpu.memref_slice %arg2[%add3A_206] : memref<320000xi32, #tpu.memory_space<hbm>> -> memref<80xi32, #tpu.memory_space<hbm>>
        %dma_start3A_208 = tpu.memref_slice %arg2[%add3A_206] : memref<320000xi32, #tpu.memory_space<hbm>> -> memref<80xi32, #tpu.memory_space<hbm>>
        tpu.enqueue_dma source(%dma_start3A_208 : memref<80xi32, #tpu.memory_space<hbm>>) target(%arg9 : memref<80xi32, #tpu.memory_space<vmem>>) target_semaphore(%arg22 : memref<!tpu.dma_semaphore, #tpu.memory_space<semaphore_mem>>)
        %dma_start3A_209 = tpu.memref_slice %arg3[%add3A_206] : memref<320000xi32, #tpu.memory_space<hbm>> -> memref<80xi32, #tpu.memory_space<hbm>>
        %dma_start3A_210 = tpu.memref_slice %arg3[%add3A_206] : memref<320000xi32, #tpu.memory_space<hbm>> -> memref<80xi32, #tpu.memory_space<hbm>>
        tpu.enqueue_dma source(%dma_start3A_210 : memref<80xi32, #tpu.memory_space<hbm>>) target(%arg13 : memref<80xi32, #tpu.memory_space<vmem>>) target_semaphore(%arg22 : memref<!tpu.dma_semaphore, #tpu.memory_space<semaphore_mem>>)
      } else {
      }
      %add3A_106 = arith.constant 1 : i32
      %add3A_107 = arith.addi %mul3A_79, %add3A_106 : i32
      %add3A_108 = arith.constant 1 : i32
      %add3A_109 = arith.addi %add3A_107, %add3A_108 : i32
      %mul3A_110 = arith.constant 80 : i32
      %mul3A_111 = arith.muli %add3A_109, %mul3A_110 : i32
      %add3A_112 = arith.addi %mul3A_4, %mul3A_111 : i32
      %dma_wait3A_113 = tpu.memref_slice %arg2[%add3A_112] : memref<320000xi32, #tpu.memory_space<hbm>> -> memref<80xi32, #tpu.memory_space<hbm>>
      %dma_wait3A_114 = tpu.memref_slice %arg2[%add3A_112] : memref<320000xi32, #tpu.memory_space<hbm>> -> memref<80xi32, #tpu.memory_space<hbm>>
      tpu.wait_dma2 semaphore(%arg21 : memref<!tpu.dma_semaphore, #tpu.memory_space<semaphore_mem>>) src(%dma_wait3A_114 : memref<80xi32, #tpu.memory_space<hbm>>) dst(%arg8 : memref<80xi32, #tpu.memory_space<vmem>>)
      %dma_wait3A_115 = tpu.memref_slice %arg3[%add3A_112] : memref<320000xi32, #tpu.memory_space<hbm>> -> memref<80xi32, #tpu.memory_space<hbm>>
      %dma_wait3A_116 = tpu.memref_slice %arg3[%add3A_112] : memref<320000xi32, #tpu.memory_space<hbm>> -> memref<80xi32, #tpu.memory_space<hbm>>
      tpu.wait_dma2 semaphore(%arg21 : memref<!tpu.dma_semaphore, #tpu.memory_space<semaphore_mem>>) src(%dma_wait3A_116 : memref<80xi32, #tpu.memory_space<hbm>>) dst(%arg12 : memref<80xi32, #tpu.memory_space<vmem>>)
      %dma_start3A_117 = arith.constant 0 : i32
      %dma_start3A_118 = arith.constant 0 : i32
      %dma_start3A_119 = tpu.memref_slice %arg4[%dma_start3A_117, %dma_start3A_118] : memref<10000x64xf32, #tpu.memory_space<hbm>> -> memref<10000x64xf32, #tpu.memory_space<hbm>>
      tpu.enqueue_indirect_dma source(%dma_start3A_119 : memref<10000x64xf32, #tpu.memory_space<hbm>>) target(%arg16 : memref<80x64xf32, #tpu.memory_space<vmem>>) offsets(%arg8 : memref<80xi32, #tpu.memory_space<vmem>>) semaphore(%arg25 : memref<!tpu.dma_semaphore, #tpu.memory_space<semaphore_mem>>)
      %dma_wait3A_120 = arith.constant 0 : i32
      %dma_wait3A_121 = arith.constant 0 : i32
      %dma_wait3A_122 = tpu.memref_slice %arg4[%dma_wait3A_120, %dma_wait3A_121] : memref<10000x64xf32, #tpu.memory_space<hbm>> -> memref<10000x64xf32, #tpu.memory_space<hbm>>
      tpu.wait_indirect_dma semaphore(%arg24 : memref<!tpu.dma_semaphore, #tpu.memory_space<semaphore_mem>>) src(%dma_wait3A_122 : memref<10000x64xf32, #tpu.memory_space<hbm>>) dst(%arg15 : memref<80x64xf32, #tpu.memory_space<vmem>>)
      %gt3A_123 = arith.constant 0 : i32
      %gt3A_124 = arith.cmpi sgt, %add3A_107, %gt3A_123 : i32
      %convert_element_type3A_125 = arith.extui %gt3A_124 : i1 to i32
      %cond3A_126 = arith.constant 0 : i32
      %cond3A_127 = arith.cmpi ne, %convert_element_type3A_125, %cond3A_126 : i32
      scf.if %cond3A_127 {
        %dma_wait3A_202 = arith.constant 0 : i32
        %dma_wait3A_203 = arith.constant 0 : i32
        %dma_wait3A_204 = tpu.memref_slice %arg18[%dma_wait3A_202, %dma_wait3A_203] : memref<10240x64xf32, #tpu.memory_space<vmem_shared>> -> memref<10240x64xf32, #tpu.memory_space<vmem_shared>>
        tpu.wait_indirect_dma semaphore(%arg27 : memref<!tpu.dma_semaphore, #tpu.memory_space<semaphore_mem>>) src(%arg14 : memref<80x64xf32, #tpu.memory_space<vmem>>) dst(%dma_wait3A_204 : memref<10240x64xf32, #tpu.memory_space<vmem_shared>>)
      } else {
      }
      %dma_start3A_128 = arith.constant 0 : i32
      %dma_start3A_129 = arith.constant 0 : i32
      %dma_start3A_130 = tpu.memref_slice %arg18[%dma_start3A_128, %dma_start3A_129] : memref<10240x64xf32, #tpu.memory_space<vmem_shared>> -> memref<10240x64xf32, #tpu.memory_space<vmem_shared>>
      tpu.enqueue_indirect_dma source(%arg15 : memref<80x64xf32, #tpu.memory_space<vmem>>) target(%dma_start3A_130 : memref<10240x64xf32, #tpu.memory_space<vmem_shared>>) offsets(%arg11 : memref<80xi32, #tpu.memory_space<vmem>>) semaphore(%arg28 : memref<!tpu.dma_semaphore, #tpu.memory_space<semaphore_mem>>) {add = true}
      %add3A_131 = arith.constant 3 : i32
      %add3A_132 = arith.addi %add3A_107, %add3A_131 : i32
      %lt3A_133 = arith.constant 125 : i32
      %lt3A_134 = arith.cmpi slt, %add3A_132, %lt3A_133 : i32
      %convert_element_type3A_135 = arith.extui %lt3A_134 : i1 to i32
      %cond3A_136 = arith.constant 0 : i32
      %cond3A_137 = arith.cmpi ne, %convert_element_type3A_135, %cond3A_136 : i32
      scf.if %cond3A_137 {
        %add3A_202 = arith.constant 3 : i32
        %add3A_203 = arith.addi %add3A_107, %add3A_202 : i32
        %mul3A_204 = arith.constant 80 : i32
        %mul3A_205 = arith.muli %add3A_203, %mul3A_204 : i32
        %add3A_206 = arith.addi %mul3A_4, %mul3A_205 : i32
        %dma_start3A_207 = tpu.memref_slice %arg2[%add3A_206] : memref<320000xi32, #tpu.memory_space<hbm>> -> memref<80xi32, #tpu.memory_space<hbm>>
        %dma_start3A_208 = tpu.memref_slice %arg2[%add3A_206] : memref<320000xi32, #tpu.memory_space<hbm>> -> memref<80xi32, #tpu.memory_space<hbm>>
        tpu.enqueue_dma source(%dma_start3A_208 : memref<80xi32, #tpu.memory_space<hbm>>) target(%arg6 : memref<80xi32, #tpu.memory_space<vmem>>) target_semaphore(%arg19 : memref<!tpu.dma_semaphore, #tpu.memory_space<semaphore_mem>>)
        %dma_start3A_209 = tpu.memref_slice %arg3[%add3A_206] : memref<320000xi32, #tpu.memory_space<hbm>> -> memref<80xi32, #tpu.memory_space<hbm>>
        %dma_start3A_210 = tpu.memref_slice %arg3[%add3A_206] : memref<320000xi32, #tpu.memory_space<hbm>> -> memref<80xi32, #tpu.memory_space<hbm>>
        tpu.enqueue_dma source(%dma_start3A_210 : memref<80xi32, #tpu.memory_space<hbm>>) target(%arg10 : memref<80xi32, #tpu.memory_space<vmem>>) target_semaphore(%arg19 : memref<!tpu.dma_semaphore, #tpu.memory_space<semaphore_mem>>)
      } else {
      }
      %add3A_138 = arith.constant 2 : i32
      %add3A_139 = arith.addi %mul3A_79, %add3A_138 : i32
      %add3A_140 = arith.constant 1 : i32
      %add3A_141 = arith.addi %add3A_139, %add3A_140 : i32
      %mul3A_142 = arith.constant 80 : i32
      %mul3A_143 = arith.muli %add3A_141, %mul3A_142 : i32
      %add3A_144 = arith.addi %mul3A_4, %mul3A_143 : i32
      %dma_wait3A_145 = tpu.memref_slice %arg2[%add3A_144] : memref<320000xi32, #tpu.memory_space<hbm>> -> memref<80xi32, #tpu.memory_space<hbm>>
      %dma_wait3A_146 = tpu.memref_slice %arg2[%add3A_144] : memref<320000xi32, #tpu.memory_space<hbm>> -> memref<80xi32, #tpu.memory_space<hbm>>
      tpu.wait_dma2 semaphore(%arg22 : memref<!tpu.dma_semaphore, #tpu.memory_space<semaphore_mem>>) src(%dma_wait3A_146 : memref<80xi32, #tpu.memory_space<hbm>>) dst(%arg9 : memref<80xi32, #tpu.memory_space<vmem>>)
      %dma_wait3A_147 = tpu.memref_slice %arg3[%add3A_144] : memref<320000xi32, #tpu.memory_space<hbm>> -> memref<80xi32, #tpu.memory_space<hbm>>
      %dma_wait3A_148 = tpu.memref_slice %arg3[%add3A_144] : memref<320000xi32, #tpu.memory_space<hbm>> -> memref<80xi32, #tpu.memory_space<hbm>>
      tpu.wait_dma2 semaphore(%arg22 : memref<!tpu.dma_semaphore, #tpu.memory_space<semaphore_mem>>) src(%dma_wait3A_148 : memref<80xi32, #tpu.memory_space<hbm>>) dst(%arg13 : memref<80xi32, #tpu.memory_space<vmem>>)
      %dma_start3A_149 = arith.constant 0 : i32
      %dma_start3A_150 = arith.constant 0 : i32
      %dma_start3A_151 = tpu.memref_slice %arg4[%dma_start3A_149, %dma_start3A_150] : memref<10000x64xf32, #tpu.memory_space<hbm>> -> memref<10000x64xf32, #tpu.memory_space<hbm>>
      tpu.enqueue_indirect_dma source(%dma_start3A_151 : memref<10000x64xf32, #tpu.memory_space<hbm>>) target(%arg17 : memref<80x64xf32, #tpu.memory_space<vmem>>) offsets(%arg9 : memref<80xi32, #tpu.memory_space<vmem>>) semaphore(%arg26 : memref<!tpu.dma_semaphore, #tpu.memory_space<semaphore_mem>>)
      %dma_wait3A_152 = arith.constant 0 : i32
      %dma_wait3A_153 = arith.constant 0 : i32
      %dma_wait3A_154 = tpu.memref_slice %arg4[%dma_wait3A_152, %dma_wait3A_153] : memref<10000x64xf32, #tpu.memory_space<hbm>> -> memref<10000x64xf32, #tpu.memory_space<hbm>>
      tpu.wait_indirect_dma semaphore(%arg25 : memref<!tpu.dma_semaphore, #tpu.memory_space<semaphore_mem>>) src(%dma_wait3A_154 : memref<10000x64xf32, #tpu.memory_space<hbm>>) dst(%arg16 : memref<80x64xf32, #tpu.memory_space<vmem>>)
      %gt3A_155 = arith.constant 0 : i32
      %gt3A_156 = arith.cmpi sgt, %add3A_139, %gt3A_155 : i32
      %convert_element_type3A_157 = arith.extui %gt3A_156 : i1 to i32
      %cond3A_158 = arith.constant 0 : i32
      %cond3A_159 = arith.cmpi ne, %convert_element_type3A_157, %cond3A_158 : i32
      scf.if %cond3A_159 {
        %dma_wait3A_202 = arith.constant 0 : i32
        %dma_wait3A_203 = arith.constant 0 : i32
        %dma_wait3A_204 = tpu.memref_slice %arg18[%dma_wait3A_202, %dma_wait3A_203] : memref<10240x64xf32, #tpu.memory_space<vmem_shared>> -> memref<10240x64xf32, #tpu.memory_space<vmem_shared>>
        tpu.wait_indirect_dma semaphore(%arg28 : memref<!tpu.dma_semaphore, #tpu.memory_space<semaphore_mem>>) src(%arg15 : memref<80x64xf32, #tpu.memory_space<vmem>>) dst(%dma_wait3A_204 : memref<10240x64xf32, #tpu.memory_space<vmem_shared>>)
      } else {
      }
      %dma_start3A_160 = arith.constant 0 : i32
      %dma_start3A_161 = arith.constant 0 : i32
      %dma_start3A_162 = tpu.memref_slice %arg18[%dma_start3A_160, %dma_start3A_161] : memref<10240x64xf32, #tpu.memory_space<vmem_shared>> -> memref<10240x64xf32, #tpu.memory_space<vmem_shared>>
      tpu.enqueue_indirect_dma source(%arg16 : memref<80x64xf32, #tpu.memory_space<vmem>>) target(%dma_start3A_162 : memref<10240x64xf32, #tpu.memory_space<vmem_shared>>) offsets(%arg12 : memref<80xi32, #tpu.memory_space<vmem>>) semaphore(%arg29 : memref<!tpu.dma_semaphore, #tpu.memory_space<semaphore_mem>>) {add = true}
      %add3A_163 = arith.constant 3 : i32
      %add3A_164 = arith.addi %add3A_139, %add3A_163 : i32
      %lt3A_165 = arith.constant 125 : i32
      %lt3A_166 = arith.cmpi slt, %add3A_164, %lt3A_165 : i32
      %convert_element_type3A_167 = arith.extui %lt3A_166 : i1 to i32
      %cond3A_168 = arith.constant 0 : i32
      %cond3A_169 = arith.cmpi ne, %convert_element_type3A_167, %cond3A_168 : i32
      scf.if %cond3A_169 {
        %add3A_202 = arith.constant 3 : i32
        %add3A_203 = arith.addi %add3A_139, %add3A_202 : i32
        %mul3A_204 = arith.constant 80 : i32
        %mul3A_205 = arith.muli %add3A_203, %mul3A_204 : i32
        %add3A_206 = arith.addi %mul3A_4, %mul3A_205 : i32
        %dma_start3A_207 = tpu.memref_slice %arg2[%add3A_206] : memref<320000xi32, #tpu.memory_space<hbm>> -> memref<80xi32, #tpu.memory_space<hbm>>
        %dma_start3A_208 = tpu.memref_slice %arg2[%add3A_206] : memref<320000xi32, #tpu.memory_space<hbm>> -> memref<80xi32, #tpu.memory_space<hbm>>
        tpu.enqueue_dma source(%dma_start3A_208 : memref<80xi32, #tpu.memory_space<hbm>>) target(%arg7 : memref<80xi32, #tpu.memory_space<vmem>>) target_semaphore(%arg20 : memref<!tpu.dma_semaphore, #tpu.memory_space<semaphore_mem>>)
        %dma_start3A_209 = tpu.memref_slice %arg3[%add3A_206] : memref<320000xi32, #tpu.memory_space<hbm>> -> memref<80xi32, #tpu.memory_space<hbm>>
        %dma_start3A_210 = tpu.memref_slice %arg3[%add3A_206] : memref<320000xi32, #tpu.memory_space<hbm>> -> memref<80xi32, #tpu.memory_space<hbm>>
        tpu.enqueue_dma source(%dma_start3A_210 : memref<80xi32, #tpu.memory_space<hbm>>) target(%arg11 : memref<80xi32, #tpu.memory_space<vmem>>) target_semaphore(%arg20 : memref<!tpu.dma_semaphore, #tpu.memory_space<semaphore_mem>>)
      } else {
      }
      %add3A_170 = arith.constant 3 : i32
      %add3A_171 = arith.addi %mul3A_79, %add3A_170 : i32
      %add3A_172 = arith.constant 1 : i32
      %add3A_173 = arith.addi %add3A_171, %add3A_172 : i32
      %mul3A_174 = arith.constant 80 : i32
      %mul3A_175 = arith.muli %add3A_173, %mul3A_174 : i32
      %add3A_176 = arith.addi %mul3A_4, %mul3A_175 : i32
      %dma_wait3A_177 = tpu.memref_slice %arg2[%add3A_176] : memref<320000xi32, #tpu.memory_space<hbm>> -> memref<80xi32, #tpu.memory_space<hbm>>
      %dma_wait3A_178 = tpu.memref_slice %arg2[%add3A_176] : memref<320000xi32, #tpu.memory_space<hbm>> -> memref<80xi32, #tpu.memory_space<hbm>>
      tpu.wait_dma2 semaphore(%arg19 : memref<!tpu.dma_semaphore, #tpu.memory_space<semaphore_mem>>) src(%dma_wait3A_178 : memref<80xi32, #tpu.memory_space<hbm>>) dst(%arg6 : memref<80xi32, #tpu.memory_space<vmem>>)
      %dma_wait3A_179 = tpu.memref_slice %arg3[%add3A_176] : memref<320000xi32, #tpu.memory_space<hbm>> -> memref<80xi32, #tpu.memory_space<hbm>>
      %dma_wait3A_180 = tpu.memref_slice %arg3[%add3A_176] : memref<320000xi32, #tpu.memory_space<hbm>> -> memref<80xi32, #tpu.memory_space<hbm>>
      tpu.wait_dma2 semaphore(%arg19 : memref<!tpu.dma_semaphore, #tpu.memory_space<semaphore_mem>>) src(%dma_wait3A_180 : memref<80xi32, #tpu.memory_space<hbm>>) dst(%arg10 : memref<80xi32, #tpu.memory_space<vmem>>)
      %dma_start3A_181 = arith.constant 0 : i32
      %dma_start3A_182 = arith.constant 0 : i32
      %dma_start3A_183 = tpu.memref_slice %arg4[%dma_start3A_181, %dma_start3A_182] : memref<10000x64xf32, #tpu.memory_space<hbm>> -> memref<10000x64xf32, #tpu.memory_space<hbm>>
      tpu.enqueue_indirect_dma source(%dma_start3A_183 : memref<10000x64xf32, #tpu.memory_space<hbm>>) target(%arg14 : memref<80x64xf32, #tpu.memory_space<vmem>>) offsets(%arg6 : memref<80xi32, #tpu.memory_space<vmem>>) semaphore(%arg23 : memref<!tpu.dma_semaphore, #tpu.memory_space<semaphore_mem>>)
      %dma_wait3A_184 = arith.constant 0 : i32
      %dma_wait3A_185 = arith.constant 0 : i32
      %dma_wait3A_186 = tpu.memref_slice %arg4[%dma_wait3A_184, %dma_wait3A_185] : memref<10000x64xf32, #tpu.memory_space<hbm>> -> memref<10000x64xf32, #tpu.memory_space<hbm>>
      tpu.wait_indirect_dma semaphore(%arg26 : memref<!tpu.dma_semaphore, #tpu.memory_space<semaphore_mem>>) src(%dma_wait3A_186 : memref<10000x64xf32, #tpu.memory_space<hbm>>) dst(%arg17 : memref<80x64xf32, #tpu.memory_space<vmem>>)
      %gt3A_187 = arith.constant 0 : i32
      %gt3A_188 = arith.cmpi sgt, %add3A_171, %gt3A_187 : i32
      %convert_element_type3A_189 = arith.extui %gt3A_188 : i1 to i32
      %cond3A_190 = arith.constant 0 : i32
      %cond3A_191 = arith.cmpi ne, %convert_element_type3A_189, %cond3A_190 : i32
      scf.if %cond3A_191 {
        %dma_wait3A_202 = arith.constant 0 : i32
        %dma_wait3A_203 = arith.constant 0 : i32
        %dma_wait3A_204 = tpu.memref_slice %arg18[%dma_wait3A_202, %dma_wait3A_203] : memref<10240x64xf32, #tpu.memory_space<vmem_shared>> -> memref<10240x64xf32, #tpu.memory_space<vmem_shared>>
        tpu.wait_indirect_dma semaphore(%arg29 : memref<!tpu.dma_semaphore, #tpu.memory_space<semaphore_mem>>) src(%arg16 : memref<80x64xf32, #tpu.memory_space<vmem>>) dst(%dma_wait3A_204 : memref<10240x64xf32, #tpu.memory_space<vmem_shared>>)
      } else {
      }
      %dma_start3A_192 = arith.constant 0 : i32
      %dma_start3A_193 = arith.constant 0 : i32
      %dma_start3A_194 = tpu.memref_slice %arg18[%dma_start3A_192, %dma_start3A_193] : memref<10240x64xf32, #tpu.memory_space<vmem_shared>> -> memref<10240x64xf32, #tpu.memory_space<vmem_shared>>
      tpu.enqueue_indirect_dma source(%arg17 : memref<80x64xf32, #tpu.memory_space<vmem>>) target(%dma_start3A_194 : memref<10240x64xf32, #tpu.memory_space<vmem_shared>>) offsets(%arg13 : memref<80xi32, #tpu.memory_space<vmem>>) semaphore(%arg30 : memref<!tpu.dma_semaphore, #tpu.memory_space<semaphore_mem>>) {add = true}
      %add3A_195 = arith.constant 3 : i32
      %add3A_196 = arith.addi %add3A_171, %add3A_195 : i32
      %lt3A_197 = arith.constant 125 : i32
      %lt3A_198 = arith.cmpi slt, %add3A_196, %lt3A_197 : i32
      %convert_element_type3A_199 = arith.extui %lt3A_198 : i1 to i32
      %cond3A_200 = arith.constant 0 : i32
      %cond3A_201 = arith.cmpi ne, %convert_element_type3A_199, %cond3A_200 : i32
      scf.if %cond3A_201 {
        %add3A_202 = arith.constant 3 : i32
        %add3A_203 = arith.addi %add3A_171, %add3A_202 : i32
        %mul3A_204 = arith.constant 80 : i32
        %mul3A_205 = arith.muli %add3A_203, %mul3A_204 : i32
        %add3A_206 = arith.addi %mul3A_4, %mul3A_205 : i32
        %dma_start3A_207 = tpu.memref_slice %arg2[%add3A_206] : memref<320000xi32, #tpu.memory_space<hbm>> -> memref<80xi32, #tpu.memory_space<hbm>>
        %dma_start3A_208 = tpu.memref_slice %arg2[%add3A_206] : memref<320000xi32, #tpu.memory_space<hbm>> -> memref<80xi32, #tpu.memory_space<hbm>>
        tpu.enqueue_dma source(%dma_start3A_208 : memref<80xi32, #tpu.memory_space<hbm>>) target(%arg8 : memref<80xi32, #tpu.memory_space<vmem>>) target_semaphore(%arg21 : memref<!tpu.dma_semaphore, #tpu.memory_space<semaphore_mem>>)
        %dma_start3A_209 = tpu.memref_slice %arg3[%add3A_206] : memref<320000xi32, #tpu.memory_space<hbm>> -> memref<80xi32, #tpu.memory_space<hbm>>
        %dma_start3A_210 = tpu.memref_slice %arg3[%add3A_206] : memref<320000xi32, #tpu.memory_space<hbm>> -> memref<80xi32, #tpu.memory_space<hbm>>
        tpu.enqueue_dma source(%dma_start3A_210 : memref<80xi32, #tpu.memory_space<hbm>>) target(%arg12 : memref<80xi32, #tpu.memory_space<vmem>>) target_semaphore(%arg21 : memref<!tpu.dma_semaphore, #tpu.memory_space<semaphore_mem>>)
      } else {
      }
    }
    %scan3A_60 = arith.constant 31 : i32
    %dma_wait3A_61 = arith.constant 0 : i32
    %dma_wait3A_62 = arith.constant 0 : i32
    %dma_wait3A_63 = tpu.memref_slice %arg4[%dma_wait3A_61, %dma_wait3A_62] : memref<10000x64xf32, #tpu.memory_space<hbm>> -> memref<10000x64xf32, #tpu.memory_space<hbm>>
    tpu.wait_indirect_dma semaphore(%arg23 : memref<!tpu.dma_semaphore, #tpu.memory_space<semaphore_mem>>) src(%dma_wait3A_63 : memref<10000x64xf32, #tpu.memory_space<hbm>>) dst(%arg14 : memref<80x64xf32, #tpu.memory_space<vmem>>)
    %dma_wait3A_64 = arith.constant 0 : i32
    %dma_wait3A_65 = arith.constant 0 : i32
    %dma_wait3A_66 = tpu.memref_slice %arg18[%dma_wait3A_64, %dma_wait3A_65] : memref<10240x64xf32, #tpu.memory_space<vmem_shared>> -> memref<10240x64xf32, #tpu.memory_space<vmem_shared>>
    tpu.wait_indirect_dma semaphore(%arg30 : memref<!tpu.dma_semaphore, #tpu.memory_space<semaphore_mem>>) src(%arg17 : memref<80x64xf32, #tpu.memory_space<vmem>>) dst(%dma_wait3A_66 : memref<10240x64xf32, #tpu.memory_space<vmem_shared>>)
    %dma_start3A_67 = arith.constant 0 : i32
    %dma_start3A_68 = arith.constant 0 : i32
    %dma_start3A_69 = tpu.memref_slice %arg18[%dma_start3A_67, %dma_start3A_68] : memref<10240x64xf32, #tpu.memory_space<vmem_shared>> -> memref<10240x64xf32, #tpu.memory_space<vmem_shared>>
    tpu.enqueue_indirect_dma source(%arg14 : memref<80x64xf32, #tpu.memory_space<vmem>>) target(%dma_start3A_69 : memref<10240x64xf32, #tpu.memory_space<vmem_shared>>) offsets(%arg10 : memref<80xi32, #tpu.memory_space<vmem>>) semaphore(%arg27 : memref<!tpu.dma_semaphore, #tpu.memory_space<semaphore_mem>>) {add = true}
    %dma_wait3A_70 = arith.constant 0 : i32
    %dma_wait3A_71 = arith.constant 0 : i32
    %dma_wait3A_72 = tpu.memref_slice %arg18[%dma_wait3A_70, %dma_wait3A_71] : memref<10240x64xf32, #tpu.memory_space<vmem_shared>> -> memref<10240x64xf32, #tpu.memory_space<vmem_shared>>
    tpu.wait_indirect_dma semaphore(%arg27 : memref<!tpu.dma_semaphore, #tpu.memory_space<semaphore_mem>>) src(%arg14 : memref<80x64xf32, #tpu.memory_space<vmem>>) dst(%dma_wait3A_72 : memref<10240x64xf32, #tpu.memory_space<vmem_shared>>)
    %barrier3A_73 = arith.constant 0 : index
    tpu.barrier barrier_id(%barrier3A_73)
    %mul3A_74 = arith.constant 10240 : i32
    %mul3A_75 = arith.muli %arg0, %mul3A_74 : i32
    %add3A_76 = arith.addi %mul3A_75, %mul3A_2 : i32
    "tpu.region"() ({
      %run_scoped3A = tpu.sem_alloc : memref<!tpu.dma_semaphore, #tpu.memory_space<semaphore_mem>>
      %dma_start3A_77 = arith.constant 0 : i32
      %dma_start3A_78 = tpu.memref_slice %arg5[%add3A_76, %dma_start3A_77] : memref<20480x64xf32, #tpu.memory_space<hbm>> -> memref<640x64xf32, #tpu.memory_space<hbm>>
      %dma_start3A_79 = arith.constant 0 : i32
      %dma_start3A_80 = tpu.memref_slice %arg18[%mul3A_2, %dma_start3A_79] : memref<10240x64xf32, #tpu.memory_space<vmem_shared>> -> memref<640x64xf32, #tpu.memory_space<vmem_shared>>
      tpu.enqueue_dma source(%dma_start3A_80 : memref<640x64xf32, #tpu.memory_space<vmem_shared>>) target(%dma_start3A_78 : memref<640x64xf32, #tpu.memory_space<hbm>>) target_semaphore(%run_scoped3A : memref<!tpu.dma_semaphore, #tpu.memory_space<semaphore_mem>>)
      %dma_wait3A_81 = arith.constant 0 : i32
      %dma_wait3A_82 = tpu.memref_slice %arg5[%add3A_76, %dma_wait3A_81] : memref<20480x64xf32, #tpu.memory_space<hbm>> -> memref<640x64xf32, #tpu.memory_space<hbm>>
      %dma_wait3A_83 = arith.constant 0 : i32
      %dma_wait3A_84 = tpu.memref_slice %arg18[%mul3A_2, %dma_wait3A_83] : memref<10240x64xf32, #tpu.memory_space<vmem_shared>> -> memref<640x64xf32, #tpu.memory_space<vmem_shared>>
      tpu.wait_dma2 semaphore(%run_scoped3A : memref<!tpu.dma_semaphore, #tpu.memory_space<semaphore_mem>>) src(%dma_wait3A_84 : memref<640x64xf32, #tpu.memory_space<vmem_shared>>) dst(%dma_wait3A_82 : memref<640x64xf32, #tpu.memory_space<hbm>>)
      tpu.yield
    }) : () -> ()
    return
  }
}

#map = affine_map<(d0, d1) -> (0)>
#map1 = affine_map<(d0, d1) -> (0, 0)>
module attributes {stable_mosaic.version = 14 : i64} {
  func.func @_sc_agg_body(%arg0: i32, %arg1: i32, %arg2: memref<320000xi32, #tpu.memory_space<hbm>>, %arg3: memref<320000xi32, #tpu.memory_space<hbm>>, %arg4: memref<10000x64xf32, #tpu.memory_space<hbm>>, %arg5: memref<20480x64xf32, #tpu.memory_space<hbm>>, %arg6: memref<80xi32, #tpu.memory_space<vmem>>, %arg7: memref<80xi32, #tpu.memory_space<vmem>>, %arg8: memref<80xi32, #tpu.memory_space<vmem>>, %arg9: memref<80xi32, #tpu.memory_space<vmem>>, %arg10: memref<80xi32, #tpu.memory_space<vmem>>, %arg11: memref<80xi32, #tpu.memory_space<vmem>>, %arg12: memref<80xi32, #tpu.memory_space<vmem>>, %arg13: memref<80xi32, #tpu.memory_space<vmem>>, %arg14: memref<80x64xf32, #tpu.memory_space<vmem>>, %arg15: memref<80x64xf32, #tpu.memory_space<vmem>>, %arg16: memref<80x64xf32, #tpu.memory_space<vmem>>, %arg17: memref<80x64xf32, #tpu.memory_space<vmem>>, %arg18: memref<10240x64xf32, #tpu.memory_space<vmem_shared>>, %arg19: memref<!tpu.dma_semaphore, #tpu.memory_space<semaphore_mem>>, %arg20: memref<!tpu.dma_semaphore, #tpu.memory_space<semaphore_mem>>, %arg21: memref<!tpu.dma_semaphore, #tpu.memory_space<semaphore_mem>>, %arg22: memref<!tpu.dma_semaphore, #tpu.memory_space<semaphore_mem>>, %arg23: memref<!tpu.dma_semaphore, #tpu.memory_space<semaphore_mem>>, %arg24: memref<!tpu.dma_semaphore, #tpu.memory_space<semaphore_mem>>, %arg25: memref<!tpu.dma_semaphore, #tpu.memory_space<semaphore_mem>>, %arg26: memref<!tpu.dma_semaphore, #tpu.memory_space<semaphore_mem>>, %arg27: memref<!tpu.dma_semaphore, #tpu.memory_space<semaphore_mem>>, %arg28: memref<!tpu.dma_semaphore, #tpu.memory_space<semaphore_mem>>, %arg29: memref<!tpu.dma_semaphore, #tpu.memory_space<semaphore_mem>>, %arg30: memref<!tpu.dma_semaphore, #tpu.memory_space<semaphore_mem>>) attributes {dimension_semantics = [#tpu.dimension_semantics<core_parallel>, #tpu.dimension_semantics<subcore_parallel>], iteration_bounds = array<i64: 2, 16>, scalar_prefetch = 0 : i64, scratch_operands = 25 : i64, tpu.core_type = #tpu.core_type<sc_vector_subcore>, window_params = [{transform_indices = #map}, {transform_indices = #map}, {transform_indices = #map1}, {transform_indices = #map1}]} {
    %mul3A = arith.constant 16 : i32
    %mul3A_0 = arith.muli %arg0, %mul3A : i32
    %add3A = arith.addi %mul3A_0, %arg1 : i32
    %mul3A_1 = arith.constant 640 : i32
    %mul3A_2 = arith.muli %arg1, %mul3A_1 : i32
    %mul3A_3 = arith.constant 10000 : i32
    %mul3A_4 = arith.muli %add3A, %mul3A_3 : i32
    %scan3A = arith.constant 0 : i32
    %scan3A_5 = arith.constant 0 : i32
    %scan3A_6 = arith.constant 80 : i32
    %scan3A_7 = arith.addi %scan3A_5, %scan3A_6 : i32
    %scan3A_8 = arith.constant 1 : i32
    scf.for %scan3A_77 = %scan3A_5 to %scan3A_7 step %scan3A_8  : i32 {
      %broadcast_in_dim3A = arith.constant 0.000000e+00 : f32
      %broadcast_in_dim3A_78 = vector.broadcast %broadcast_in_dim3A : f32 to vector<16xf32>
      %swap3A = arith.index_cast %scan3A_77 : i32 to index
      %swap3A_79 = arith.constant 0 : index
      %swap3A_80 = tpu.vector_load %arg14[%swap3A, %swap3A_79] {strides = array<i32>} : memref<80x64xf32, #tpu.memory_space<vmem>>, vector<1x16xf32>,
      %swap3A_81 = vector.shape_cast %swap3A_80 : vector<1x16xf32> to vector<16xf32>
      %swap3A_82 = vector.shape_cast %broadcast_in_dim3A_78 : vector<16xf32> to vector<1x16xf32>
      tpu.vector_store %arg14[%swap3A, %swap3A_79], %swap3A_82 {strides = array<i32>} : memref<80x64xf32, #tpu.memory_space<vmem>>, vector<1x16xf32>,
      %broadcast_in_dim3A_83 = arith.constant 0.000000e+00 : f32
      %broadcast_in_dim3A_84 = vector.broadcast %broadcast_in_dim3A_83 : f32 to vector<16xf32>
      %swap3A_85 = arith.index_cast %scan3A_77 : i32 to index
      %swap3A_86 = arith.constant 16 : index
      %swap3A_87 = tpu.vector_load %arg14[%swap3A_85, %swap3A_86] {strides = array<i32>} : memref<80x64xf32, #tpu.memory_space<vmem>>, vector<1x16xf32>,
      %swap3A_88 = vector.shape_cast %swap3A_87 : vector<1x16xf32> to vector<16xf32>
      %swap3A_89 = vector.shape_cast %broadcast_in_dim3A_84 : vector<16xf32> to vector<1x16xf32>
      tpu.vector_store %arg14[%swap3A_85, %swap3A_86], %swap3A_89 {strides = array<i32>} : memref<80x64xf32, #tpu.memory_space<vmem>>, vector<1x16xf32>,
      %broadcast_in_dim3A_90 = arith.constant 0.000000e+00 : f32
      %broadcast_in_dim3A_91 = vector.broadcast %broadcast_in_dim3A_90 : f32 to vector<16xf32>
      %swap3A_92 = arith.index_cast %scan3A_77 : i32 to index
      %swap3A_93 = arith.constant 32 : index
      %swap3A_94 = tpu.vector_load %arg14[%swap3A_92, %swap3A_93] {strides = array<i32>} : memref<80x64xf32, #tpu.memory_space<vmem>>, vector<1x16xf32>,
      %swap3A_95 = vector.shape_cast %swap3A_94 : vector<1x16xf32> to vector<16xf32>
      %swap3A_96 = vector.shape_cast %broadcast_in_dim3A_91 : vector<16xf32> to vector<1x16xf32>
      tpu.vector_store %arg14[%swap3A_92, %swap3A_93], %swap3A_96 {strides = array<i32>} : memref<80x64xf32, #tpu.memory_space<vmem>>, vector<1x16xf32>,
      %broadcast_in_dim3A_97 = arith.constant 0.000000e+00 : f32
      %broadcast_in_dim3A_98 = vector.broadcast %broadcast_in_dim3A_97 : f32 to vector<16xf32>
      %swap3A_99 = arith.index_cast %scan3A_77 : i32 to index
      %swap3A_100 = arith.constant 48 : index
      %swap3A_101 = tpu.vector_load %arg14[%swap3A_99, %swap3A_100] {strides = array<i32>} : memref<80x64xf32, #tpu.memory_space<vmem>>, vector<1x16xf32>,
      %swap3A_102 = vector.shape_cast %swap3A_101 : vector<1x16xf32> to vector<16xf32>
      %swap3A_103 = vector.shape_cast %broadcast_in_dim3A_98 : vector<16xf32> to vector<1x16xf32>
      tpu.vector_store %arg14[%swap3A_99, %swap3A_100], %swap3A_103 {strides = array<i32>} : memref<80x64xf32, #tpu.memory_space<vmem>>, vector<1x16xf32>,
    }
    %scan3A_9 = arith.constant 80 : i32
    %add3A_10 = arith.constant 0 : i32
    %add3A_11 = arith.addi %mul3A_2, %add3A_10 : i32
    "tpu.region"() ({
      %run_scoped3A = tpu.sem_alloc : memref<!tpu.dma_semaphore, #tpu.memory_space<semaphore_mem>>
      %dma_start3A_77 = arith.constant 0 : i32
      %dma_start3A_78 = arith.constant 0 : i32
      %dma_start3A_79 = tpu.memref_slice %arg14[%dma_start3A_77, %dma_start3A_78] : memref<80x64xf32, #tpu.memory_space<vmem>> -> memref<64x64xf32, #tpu.memory_space<vmem>>
      %dma_start3A_80 = arith.constant 0 : i32
      %dma_start3A_81 = tpu.memref_slice %arg18[%add3A_11, %dma_start3A_80] : memref<10240x64xf32, #tpu.memory_space<vmem_shared>> -> memref<64x64xf32, #tpu.memory_space<vmem_shared>>
      %dma_start3A_82 = arith.constant 0 : i32
      %dma_start3A_83 = tpu.memref_slice %arg18[%add3A_11, %dma_start3A_82] : memref<10240x64xf32, #tpu.memory_space<vmem_shared>> -> memref<64x64xf32, #tpu.memory_space<vmem_shared>>
      %dma_start3A_84 = arith.constant 0 : i32
      %dma_start3A_85 = arith.constant 0 : i32
      %dma_start3A_86 = tpu.memref_slice %arg14[%dma_start3A_84, %dma_start3A_85] : memref<80x64xf32, #tpu.memory_space<vmem>> -> memref<64x64xf32, #tpu.memory_space<vmem>>
      tpu.enqueue_dma source(%dma_start3A_86 : memref<64x64xf32, #tpu.memory_space<vmem>>) target(%dma_start3A_83 : memref<64x64xf32, #tpu.memory_space<vmem_shared>>) target_semaphore(%run_scoped3A : memref<!tpu.dma_semaphore, #tpu.memory_space<semaphore_mem>>)
      %dma_wait3A_87 = arith.constant 0 : i32
      %dma_wait3A_88 = arith.constant 0 : i32
      %dma_wait3A_89 = tpu.memref_slice %arg14[%dma_wait3A_87, %dma_wait3A_88] : memref<80x64xf32, #tpu.memory_space<vmem>> -> memref<64x64xf32, #tpu.memory_space<vmem>>
      %dma_wait3A_90 = arith.constant 0 : i32
      %dma_wait3A_91 = tpu.memref_slice %arg18[%add3A_11, %dma_wait3A_90] : memref<10240x64xf32, #tpu.memory_space<vmem_shared>> -> memref<64x64xf32, #tpu.memory_space<vmem_shared>>
      %dma_wait3A_92 = arith.constant 0 : i32
      %dma_wait3A_93 = tpu.memref_slice %arg18[%add3A_11, %dma_wait3A_92] : memref<10240x64xf32, #tpu.memory_space<vmem_shared>> -> memref<64x64xf32, #tpu.memory_space<vmem_shared>>
      %dma_wait3A_94 = arith.constant 0 : i32
      %dma_wait3A_95 = arith.constant 0 : i32
      %dma_wait3A_96 = tpu.memref_slice %arg14[%dma_wait3A_94, %dma_wait3A_95] : memref<80x64xf32, #tpu.memory_space<vmem>> -> memref<64x64xf32, #tpu.memory_space<vmem>>
      tpu.wait_dma2 semaphore(%run_scoped3A : memref<!tpu.dma_semaphore, #tpu.memory_space<semaphore_mem>>) src(%dma_wait3A_96 : memref<64x64xf32, #tpu.memory_space<vmem>>) dst(%dma_wait3A_93 : memref<64x64xf32, #tpu.memory_space<vmem_shared>>)
      tpu.yield
    }) : () -> ()
    %add3A_12 = arith.constant 64 : i32
    %add3A_13 = arith.addi %mul3A_2, %add3A_12 : i32
    "tpu.region"() ({
      %run_scoped3A = tpu.sem_alloc : memref<!tpu.dma_semaphore, #tpu.memory_space<semaphore_mem>>
      %dma_start3A_77 = arith.constant 0 : i32
      %dma_start3A_78 = arith.constant 0 : i32
      %dma_start3A_79 = tpu.memref_slice %arg14[%dma_start3A_77, %dma_start3A_78] : memref<80x64xf32, #tpu.memory_space<vmem>> -> memref<64x64xf32, #tpu.memory_space<vmem>>
      %dma_start3A_80 = arith.constant 0 : i32
      %dma_start3A_81 = tpu.memref_slice %arg18[%add3A_13, %dma_start3A_80] : memref<10240x64xf32, #tpu.memory_space<vmem_shared>> -> memref<64x64xf32, #tpu.memory_space<vmem_shared>>
      %dma_start3A_82 = arith.constant 0 : i32
      %dma_start3A_83 = tpu.memref_slice %arg18[%add3A_13, %dma_start3A_82] : memref<10240x64xf32, #tpu.memory_space<vmem_shared>> -> memref<64x64xf32, #tpu.memory_space<vmem_shared>>
      %dma_start3A_84 = arith.constant 0 : i32
      %dma_start3A_85 = arith.constant 0 : i32
      %dma_start3A_86 = tpu.memref_slice %arg14[%dma_start3A_84, %dma_start3A_85] : memref<80x64xf32, #tpu.memory_space<vmem>> -> memref<64x64xf32, #tpu.memory_space<vmem>>
      tpu.enqueue_dma source(%dma_start3A_86 : memref<64x64xf32, #tpu.memory_space<vmem>>) target(%dma_start3A_83 : memref<64x64xf32, #tpu.memory_space<vmem_shared>>) target_semaphore(%run_scoped3A : memref<!tpu.dma_semaphore, #tpu.memory_space<semaphore_mem>>)
      %dma_wait3A_87 = arith.constant 0 : i32
      %dma_wait3A_88 = arith.constant 0 : i32
      %dma_wait3A_89 = tpu.memref_slice %arg14[%dma_wait3A_87, %dma_wait3A_88] : memref<80x64xf32, #tpu.memory_space<vmem>> -> memref<64x64xf32, #tpu.memory_space<vmem>>
      %dma_wait3A_90 = arith.constant 0 : i32
      %dma_wait3A_91 = tpu.memref_slice %arg18[%add3A_13, %dma_wait3A_90] : memref<10240x64xf32, #tpu.memory_space<vmem_shared>> -> memref<64x64xf32, #tpu.memory_space<vmem_shared>>
      %dma_wait3A_92 = arith.constant 0 : i32
      %dma_wait3A_93 = tpu.memref_slice %arg18[%add3A_13, %dma_wait3A_92] : memref<10240x64xf32, #tpu.memory_space<vmem_shared>> -> memref<64x64xf32, #tpu.memory_space<vmem_shared>>
      %dma_wait3A_94 = arith.constant 0 : i32
      %dma_wait3A_95 = arith.constant 0 : i32
      %dma_wait3A_96 = tpu.memref_slice %arg14[%dma_wait3A_94, %dma_wait3A_95] : memref<80x64xf32, #tpu.memory_space<vmem>> -> memref<64x64xf32, #tpu.memory_space<vmem>>
      tpu.wait_dma2 semaphore(%run_scoped3A : memref<!tpu.dma_semaphore, #tpu.memory_space<semaphore_mem>>) src(%dma_wait3A_96 : memref<64x64xf32, #tpu.memory_space<vmem>>) dst(%dma_wait3A_93 : memref<64x64xf32, #tpu.memory_space<vmem_shared>>)
      tpu.yield
    }) : () -> ()
    %add3A_14 = arith.constant 128 : i32
    %add3A_15 = arith.addi %mul3A_2, %add3A_14 : i32
    "tpu.region"() ({
      %run_scoped3A = tpu.sem_alloc : memref<!tpu.dma_semaphore, #tpu.memory_space<semaphore_mem>>
      %dma_start3A_77 = arith.constant 0 : i32
      %dma_start3A_78 = arith.constant 0 : i32
      %dma_start3A_79 = tpu.memref_slice %arg14[%dma_start3A_77, %dma_start3A_78] : memref<80x64xf32, #tpu.memory_space<vmem>> -> memref<64x64xf32, #tpu.memory_space<vmem>>
      %dma_start3A_80 = arith.constant 0 : i32
      %dma_start3A_81 = tpu.memref_slice %arg18[%add3A_15, %dma_start3A_80] : memref<10240x64xf32, #tpu.memory_space<vmem_shared>> -> memref<64x64xf32, #tpu.memory_space<vmem_shared>>
      %dma_start3A_82 = arith.constant 0 : i32
      %dma_start3A_83 = tpu.memref_slice %arg18[%add3A_15, %dma_start3A_82] : memref<10240x64xf32, #tpu.memory_space<vmem_shared>> -> memref<64x64xf32, #tpu.memory_space<vmem_shared>>
      %dma_start3A_84 = arith.constant 0 : i32
      %dma_start3A_85 = arith.constant 0 : i32
      %dma_start3A_86 = tpu.memref_slice %arg14[%dma_start3A_84, %dma_start3A_85] : memref<80x64xf32, #tpu.memory_space<vmem>> -> memref<64x64xf32, #tpu.memory_space<vmem>>
      tpu.enqueue_dma source(%dma_start3A_86 : memref<64x64xf32, #tpu.memory_space<vmem>>) target(%dma_start3A_83 : memref<64x64xf32, #tpu.memory_space<vmem_shared>>) target_semaphore(%run_scoped3A : memref<!tpu.dma_semaphore, #tpu.memory_space<semaphore_mem>>)
      %dma_wait3A_87 = arith.constant 0 : i32
      %dma_wait3A_88 = arith.constant 0 : i32
      %dma_wait3A_89 = tpu.memref_slice %arg14[%dma_wait3A_87, %dma_wait3A_88] : memref<80x64xf32, #tpu.memory_space<vmem>> -> memref<64x64xf32, #tpu.memory_space<vmem>>
      %dma_wait3A_90 = arith.constant 0 : i32
      %dma_wait3A_91 = tpu.memref_slice %arg18[%add3A_15, %dma_wait3A_90] : memref<10240x64xf32, #tpu.memory_space<vmem_shared>> -> memref<64x64xf32, #tpu.memory_space<vmem_shared>>
      %dma_wait3A_92 = arith.constant 0 : i32
      %dma_wait3A_93 = tpu.memref_slice %arg18[%add3A_15, %dma_wait3A_92] : memref<10240x64xf32, #tpu.memory_space<vmem_shared>> -> memref<64x64xf32, #tpu.memory_space<vmem_shared>>
      %dma_wait3A_94 = arith.constant 0 : i32
      %dma_wait3A_95 = arith.constant 0 : i32
      %dma_wait3A_96 = tpu.memref_slice %arg14[%dma_wait3A_94, %dma_wait3A_95] : memref<80x64xf32, #tpu.memory_space<vmem>> -> memref<64x64xf32, #tpu.memory_space<vmem>>
      tpu.wait_dma2 semaphore(%run_scoped3A : memref<!tpu.dma_semaphore, #tpu.memory_space<semaphore_mem>>) src(%dma_wait3A_96 : memref<64x64xf32, #tpu.memory_space<vmem>>) dst(%dma_wait3A_93 : memref<64x64xf32, #tpu.memory_space<vmem_shared>>)
      tpu.yield
    }) : () -> ()
    %add3A_16 = arith.constant 192 : i32
    %add3A_17 = arith.addi %mul3A_2, %add3A_16 : i32
    "tpu.region"() ({
      %run_scoped3A = tpu.sem_alloc : memref<!tpu.dma_semaphore, #tpu.memory_space<semaphore_mem>>
      %dma_start3A_77 = arith.constant 0 : i32
      %dma_start3A_78 = arith.constant 0 : i32
      %dma_start3A_79 = tpu.memref_slice %arg14[%dma_start3A_77, %dma_start3A_78] : memref<80x64xf32, #tpu.memory_space<vmem>> -> memref<64x64xf32, #tpu.memory_space<vmem>>
      %dma_start3A_80 = arith.constant 0 : i32
      %dma_start3A_81 = tpu.memref_slice %arg18[%add3A_17, %dma_start3A_80] : memref<10240x64xf32, #tpu.memory_space<vmem_shared>> -> memref<64x64xf32, #tpu.memory_space<vmem_shared>>
      %dma_start3A_82 = arith.constant 0 : i32
      %dma_start3A_83 = tpu.memref_slice %arg18[%add3A_17, %dma_start3A_82] : memref<10240x64xf32, #tpu.memory_space<vmem_shared>> -> memref<64x64xf32, #tpu.memory_space<vmem_shared>>
      %dma_start3A_84 = arith.constant 0 : i32
      %dma_start3A_85 = arith.constant 0 : i32
      %dma_start3A_86 = tpu.memref_slice %arg14[%dma_start3A_84, %dma_start3A_85] : memref<80x64xf32, #tpu.memory_space<vmem>> -> memref<64x64xf32, #tpu.memory_space<vmem>>
      tpu.enqueue_dma source(%dma_start3A_86 : memref<64x64xf32, #tpu.memory_space<vmem>>) target(%dma_start3A_83 : memref<64x64xf32, #tpu.memory_space<vmem_shared>>) target_semaphore(%run_scoped3A : memref<!tpu.dma_semaphore, #tpu.memory_space<semaphore_mem>>)
      %dma_wait3A_87 = arith.constant 0 : i32
      %dma_wait3A_88 = arith.constant 0 : i32
      %dma_wait3A_89 = tpu.memref_slice %arg14[%dma_wait3A_87, %dma_wait3A_88] : memref<80x64xf32, #tpu.memory_space<vmem>> -> memref<64x64xf32, #tpu.memory_space<vmem>>
      %dma_wait3A_90 = arith.constant 0 : i32
      %dma_wait3A_91 = tpu.memref_slice %arg18[%add3A_17, %dma_wait3A_90] : memref<10240x64xf32, #tpu.memory_space<vmem_shared>> -> memref<64x64xf32, #tpu.memory_space<vmem_shared>>
      %dma_wait3A_92 = arith.constant 0 : i32
      %dma_wait3A_93 = tpu.memref_slice %arg18[%add3A_17, %dma_wait3A_92] : memref<10240x64xf32, #tpu.memory_space<vmem_shared>> -> memref<64x64xf32, #tpu.memory_space<vmem_shared>>
      %dma_wait3A_94 = arith.constant 0 : i32
      %dma_wait3A_95 = arith.constant 0 : i32
      %dma_wait3A_96 = tpu.memref_slice %arg14[%dma_wait3A_94, %dma_wait3A_95] : memref<80x64xf32, #tpu.memory_space<vmem>> -> memref<64x64xf32, #tpu.memory_space<vmem>>
      tpu.wait_dma2 semaphore(%run_scoped3A : memref<!tpu.dma_semaphore, #tpu.memory_space<semaphore_mem>>) src(%dma_wait3A_96 : memref<64x64xf32, #tpu.memory_space<vmem>>) dst(%dma_wait3A_93 : memref<64x64xf32, #tpu.memory_space<vmem_shared>>)
      tpu.yield
    }) : () -> ()
    %add3A_18 = arith.constant 256 : i32
    %add3A_19 = arith.addi %mul3A_2, %add3A_18 : i32
    "tpu.region"() ({
      %run_scoped3A = tpu.sem_alloc : memref<!tpu.dma_semaphore, #tpu.memory_space<semaphore_mem>>
      %dma_start3A_77 = arith.constant 0 : i32
      %dma_start3A_78 = arith.constant 0 : i32
      %dma_start3A_79 = tpu.memref_slice %arg14[%dma_start3A_77, %dma_start3A_78] : memref<80x64xf32, #tpu.memory_space<vmem>> -> memref<64x64xf32, #tpu.memory_space<vmem>>
      %dma_start3A_80 = arith.constant 0 : i32
      %dma_start3A_81 = tpu.memref_slice %arg18[%add3A_19, %dma_start3A_80] : memref<10240x64xf32, #tpu.memory_space<vmem_shared>> -> memref<64x64xf32, #tpu.memory_space<vmem_shared>>
      %dma_start3A_82 = arith.constant 0 : i32
      %dma_start3A_83 = tpu.memref_slice %arg18[%add3A_19, %dma_start3A_82] : memref<10240x64xf32, #tpu.memory_space<vmem_shared>> -> memref<64x64xf32, #tpu.memory_space<vmem_shared>>
      %dma_start3A_84 = arith.constant 0 : i32
      %dma_start3A_85 = arith.constant 0 : i32
      %dma_start3A_86 = tpu.memref_slice %arg14[%dma_start3A_84, %dma_start3A_85] : memref<80x64xf32, #tpu.memory_space<vmem>> -> memref<64x64xf32, #tpu.memory_space<vmem>>
      tpu.enqueue_dma source(%dma_start3A_86 : memref<64x64xf32, #tpu.memory_space<vmem>>) target(%dma_start3A_83 : memref<64x64xf32, #tpu.memory_space<vmem_shared>>) target_semaphore(%run_scoped3A : memref<!tpu.dma_semaphore, #tpu.memory_space<semaphore_mem>>)
      %dma_wait3A_87 = arith.constant 0 : i32
      %dma_wait3A_88 = arith.constant 0 : i32
      %dma_wait3A_89 = tpu.memref_slice %arg14[%dma_wait3A_87, %dma_wait3A_88] : memref<80x64xf32, #tpu.memory_space<vmem>> -> memref<64x64xf32, #tpu.memory_space<vmem>>
      %dma_wait3A_90 = arith.constant 0 : i32
      %dma_wait3A_91 = tpu.memref_slice %arg18[%add3A_19, %dma_wait3A_90] : memref<10240x64xf32, #tpu.memory_space<vmem_shared>> -> memref<64x64xf32, #tpu.memory_space<vmem_shared>>
      %dma_wait3A_92 = arith.constant 0 : i32
      %dma_wait3A_93 = tpu.memref_slice %arg18[%add3A_19, %dma_wait3A_92] : memref<10240x64xf32, #tpu.memory_space<vmem_shared>> -> memref<64x64xf32, #tpu.memory_space<vmem_shared>>
      %dma_wait3A_94 = arith.constant 0 : i32
      %dma_wait3A_95 = arith.constant 0 : i32
      %dma_wait3A_96 = tpu.memref_slice %arg14[%dma_wait3A_94, %dma_wait3A_95] : memref<80x64xf32, #tpu.memory_space<vmem>> -> memref<64x64xf32, #tpu.memory_space<vmem>>
      tpu.wait_dma2 semaphore(%run_scoped3A : memref<!tpu.dma_semaphore, #tpu.memory_space<semaphore_mem>>) src(%dma_wait3A_96 : memref<64x64xf32, #tpu.memory_space<vmem>>) dst(%dma_wait3A_93 : memref<64x64xf32, #tpu.memory_space<vmem_shared>>)
      tpu.yield
    }) : () -> ()
    %add3A_20 = arith.constant 320 : i32
    %add3A_21 = arith.addi %mul3A_2, %add3A_20 : i32
    "tpu.region"() ({
      %run_scoped3A = tpu.sem_alloc : memref<!tpu.dma_semaphore, #tpu.memory_space<semaphore_mem>>
      %dma_start3A_77 = arith.constant 0 : i32
      %dma_start3A_78 = arith.constant 0 : i32
      %dma_start3A_79 = tpu.memref_slice %arg14[%dma_start3A_77, %dma_start3A_78] : memref<80x64xf32, #tpu.memory_space<vmem>> -> memref<64x64xf32, #tpu.memory_space<vmem>>
      %dma_start3A_80 = arith.constant 0 : i32
      %dma_start3A_81 = tpu.memref_slice %arg18[%add3A_21, %dma_start3A_80] : memref<10240x64xf32, #tpu.memory_space<vmem_shared>> -> memref<64x64xf32, #tpu.memory_space<vmem_shared>>
      %dma_start3A_82 = arith.constant 0 : i32
      %dma_start3A_83 = tpu.memref_slice %arg18[%add3A_21, %dma_start3A_82] : memref<10240x64xf32, #tpu.memory_space<vmem_shared>> -> memref<64x64xf32, #tpu.memory_space<vmem_shared>>
      %dma_start3A_84 = arith.constant 0 : i32
      %dma_start3A_85 = arith.constant 0 : i32
      %dma_start3A_86 = tpu.memref_slice %arg14[%dma_start3A_84, %dma_start3A_85] : memref<80x64xf32, #tpu.memory_space<vmem>> -> memref<64x64xf32, #tpu.memory_space<vmem>>
      tpu.enqueue_dma source(%dma_start3A_86 : memref<64x64xf32, #tpu.memory_space<vmem>>) target(%dma_start3A_83 : memref<64x64xf32, #tpu.memory_space<vmem_shared>>) target_semaphore(%run_scoped3A : memref<!tpu.dma_semaphore, #tpu.memory_space<semaphore_mem>>)
      %dma_wait3A_87 = arith.constant 0 : i32
      %dma_wait3A_88 = arith.constant 0 : i32
      %dma_wait3A_89 = tpu.memref_slice %arg14[%dma_wait3A_87, %dma_wait3A_88] : memref<80x64xf32, #tpu.memory_space<vmem>> -> memref<64x64xf32, #tpu.memory_space<vmem>>
      %dma_wait3A_90 = arith.constant 0 : i32
      %dma_wait3A_91 = tpu.memref_slice %arg18[%add3A_21, %dma_wait3A_90] : memref<10240x64xf32, #tpu.memory_space<vmem_shared>> -> memref<64x64xf32, #tpu.memory_space<vmem_shared>>
      %dma_wait3A_92 = arith.constant 0 : i32
      %dma_wait3A_93 = tpu.memref_slice %arg18[%add3A_21, %dma_wait3A_92] : memref<10240x64xf32, #tpu.memory_space<vmem_shared>> -> memref<64x64xf32, #tpu.memory_space<vmem_shared>>
      %dma_wait3A_94 = arith.constant 0 : i32
      %dma_wait3A_95 = arith.constant 0 : i32
      %dma_wait3A_96 = tpu.memref_slice %arg14[%dma_wait3A_94, %dma_wait3A_95] : memref<80x64xf32, #tpu.memory_space<vmem>> -> memref<64x64xf32, #tpu.memory_space<vmem>>
      tpu.wait_dma2 semaphore(%run_scoped3A : memref<!tpu.dma_semaphore, #tpu.memory_space<semaphore_mem>>) src(%dma_wait3A_96 : memref<64x64xf32, #tpu.memory_space<vmem>>) dst(%dma_wait3A_93 : memref<64x64xf32, #tpu.memory_space<vmem_shared>>)
      tpu.yield
    }) : () -> ()
    %add3A_22 = arith.constant 384 : i32
    %add3A_23 = arith.addi %mul3A_2, %add3A_22 : i32
    "tpu.region"() ({
      %run_scoped3A = tpu.sem_alloc : memref<!tpu.dma_semaphore, #tpu.memory_space<semaphore_mem>>
      %dma_start3A_77 = arith.constant 0 : i32
      %dma_start3A_78 = arith.constant 0 : i32
      %dma_start3A_79 = tpu.memref_slice %arg14[%dma_start3A_77, %dma_start3A_78] : memref<80x64xf32, #tpu.memory_space<vmem>> -> memref<64x64xf32, #tpu.memory_space<vmem>>
      %dma_start3A_80 = arith.constant 0 : i32
      %dma_start3A_81 = tpu.memref_slice %arg18[%add3A_23, %dma_start3A_80] : memref<10240x64xf32, #tpu.memory_space<vmem_shared>> -> memref<64x64xf32, #tpu.memory_space<vmem_shared>>
      %dma_start3A_82 = arith.constant 0 : i32
      %dma_start3A_83 = tpu.memref_slice %arg18[%add3A_23, %dma_start3A_82] : memref<10240x64xf32, #tpu.memory_space<vmem_shared>> -> memref<64x64xf32, #tpu.memory_space<vmem_shared>>
      %dma_start3A_84 = arith.constant 0 : i32
      %dma_start3A_85 = arith.constant 0 : i32
      %dma_start3A_86 = tpu.memref_slice %arg14[%dma_start3A_84, %dma_start3A_85] : memref<80x64xf32, #tpu.memory_space<vmem>> -> memref<64x64xf32, #tpu.memory_space<vmem>>
      tpu.enqueue_dma source(%dma_start3A_86 : memref<64x64xf32, #tpu.memory_space<vmem>>) target(%dma_start3A_83 : memref<64x64xf32, #tpu.memory_space<vmem_shared>>) target_semaphore(%run_scoped3A : memref<!tpu.dma_semaphore, #tpu.memory_space<semaphore_mem>>)
      %dma_wait3A_87 = arith.constant 0 : i32
      %dma_wait3A_88 = arith.constant 0 : i32
      %dma_wait3A_89 = tpu.memref_slice %arg14[%dma_wait3A_87, %dma_wait3A_88] : memref<80x64xf32, #tpu.memory_space<vmem>> -> memref<64x64xf32, #tpu.memory_space<vmem>>
      %dma_wait3A_90 = arith.constant 0 : i32
      %dma_wait3A_91 = tpu.memref_slice %arg18[%add3A_23, %dma_wait3A_90] : memref<10240x64xf32, #tpu.memory_space<vmem_shared>> -> memref<64x64xf32, #tpu.memory_space<vmem_shared>>
      %dma_wait3A_92 = arith.constant 0 : i32
      %dma_wait3A_93 = tpu.memref_slice %arg18[%add3A_23, %dma_wait3A_92] : memref<10240x64xf32, #tpu.memory_space<vmem_shared>> -> memref<64x64xf32, #tpu.memory_space<vmem_shared>>
      %dma_wait3A_94 = arith.constant 0 : i32
      %dma_wait3A_95 = arith.constant 0 : i32
      %dma_wait3A_96 = tpu.memref_slice %arg14[%dma_wait3A_94, %dma_wait3A_95] : memref<80x64xf32, #tpu.memory_space<vmem>> -> memref<64x64xf32, #tpu.memory_space<vmem>>
      tpu.wait_dma2 semaphore(%run_scoped3A : memref<!tpu.dma_semaphore, #tpu.memory_space<semaphore_mem>>) src(%dma_wait3A_96 : memref<64x64xf32, #tpu.memory_space<vmem>>) dst(%dma_wait3A_93 : memref<64x64xf32, #tpu.memory_space<vmem_shared>>)
      tpu.yield
    }) : () -> ()
    %add3A_24 = arith.constant 448 : i32
    %add3A_25 = arith.addi %mul3A_2, %add3A_24 : i32
    "tpu.region"() ({
      %run_scoped3A = tpu.sem_alloc : memref<!tpu.dma_semaphore, #tpu.memory_space<semaphore_mem>>
      %dma_start3A_77 = arith.constant 0 : i32
      %dma_start3A_78 = arith.constant 0 : i32
      %dma_start3A_79 = tpu.memref_slice %arg14[%dma_start3A_77, %dma_start3A_78] : memref<80x64xf32, #tpu.memory_space<vmem>> -> memref<64x64xf32, #tpu.memory_space<vmem>>
      %dma_start3A_80 = arith.constant 0 : i32
      %dma_start3A_81 = tpu.memref_slice %arg18[%add3A_25, %dma_start3A_80] : memref<10240x64xf32, #tpu.memory_space<vmem_shared>> -> memref<64x64xf32, #tpu.memory_space<vmem_shared>>
      %dma_start3A_82 = arith.constant 0 : i32
      %dma_start3A_83 = tpu.memref_slice %arg18[%add3A_25, %dma_start3A_82] : memref<10240x64xf32, #tpu.memory_space<vmem_shared>> -> memref<64x64xf32, #tpu.memory_space<vmem_shared>>
      %dma_start3A_84 = arith.constant 0 : i32
      %dma_start3A_85 = arith.constant 0 : i32
      %dma_start3A_86 = tpu.memref_slice %arg14[%dma_start3A_84, %dma_start3A_85] : memref<80x64xf32, #tpu.memory_space<vmem>> -> memref<64x64xf32, #tpu.memory_space<vmem>>
      tpu.enqueue_dma source(%dma_start3A_86 : memref<64x64xf32, #tpu.memory_space<vmem>>) target(%dma_start3A_83 : memref<64x64xf32, #tpu.memory_space<vmem_shared>>) target_semaphore(%run_scoped3A : memref<!tpu.dma_semaphore, #tpu.memory_space<semaphore_mem>>)
      %dma_wait3A_87 = arith.constant 0 : i32
      %dma_wait3A_88 = arith.constant 0 : i32
      %dma_wait3A_89 = tpu.memref_slice %arg14[%dma_wait3A_87, %dma_wait3A_88] : memref<80x64xf32, #tpu.memory_space<vmem>> -> memref<64x64xf32, #tpu.memory_space<vmem>>
      %dma_wait3A_90 = arith.constant 0 : i32
      %dma_wait3A_91 = tpu.memref_slice %arg18[%add3A_25, %dma_wait3A_90] : memref<10240x64xf32, #tpu.memory_space<vmem_shared>> -> memref<64x64xf32, #tpu.memory_space<vmem_shared>>
      %dma_wait3A_92 = arith.constant 0 : i32
      %dma_wait3A_93 = tpu.memref_slice %arg18[%add3A_25, %dma_wait3A_92] : memref<10240x64xf32, #tpu.memory_space<vmem_shared>> -> memref<64x64xf32, #tpu.memory_space<vmem_shared>>
      %dma_wait3A_94 = arith.constant 0 : i32
      %dma_wait3A_95 = arith.constant 0 : i32
      %dma_wait3A_96 = tpu.memref_slice %arg14[%dma_wait3A_94, %dma_wait3A_95] : memref<80x64xf32, #tpu.memory_space<vmem>> -> memref<64x64xf32, #tpu.memory_space<vmem>>
      tpu.wait_dma2 semaphore(%run_scoped3A : memref<!tpu.dma_semaphore, #tpu.memory_space<semaphore_mem>>) src(%dma_wait3A_96 : memref<64x64xf32, #tpu.memory_space<vmem>>) dst(%dma_wait3A_93 : memref<64x64xf32, #tpu.memory_space<vmem_shared>>)
      tpu.yield
    }) : () -> ()
    %add3A_26 = arith.constant 512 : i32
    %add3A_27 = arith.addi %mul3A_2, %add3A_26 : i32
    "tpu.region"() ({
      %run_scoped3A = tpu.sem_alloc : memref<!tpu.dma_semaphore, #tpu.memory_space<semaphore_mem>>
      %dma_start3A_77 = arith.constant 0 : i32
      %dma_start3A_78 = arith.constant 0 : i32
      %dma_start3A_79 = tpu.memref_slice %arg14[%dma_start3A_77, %dma_start3A_78] : memref<80x64xf32, #tpu.memory_space<vmem>> -> memref<64x64xf32, #tpu.memory_space<vmem>>
      %dma_start3A_80 = arith.constant 0 : i32
      %dma_start3A_81 = tpu.memref_slice %arg18[%add3A_27, %dma_start3A_80] : memref<10240x64xf32, #tpu.memory_space<vmem_shared>> -> memref<64x64xf32, #tpu.memory_space<vmem_shared>>
      %dma_start3A_82 = arith.constant 0 : i32
      %dma_start3A_83 = tpu.memref_slice %arg18[%add3A_27, %dma_start3A_82] : memref<10240x64xf32, #tpu.memory_space<vmem_shared>> -> memref<64x64xf32, #tpu.memory_space<vmem_shared>>
      %dma_start3A_84 = arith.constant 0 : i32
      %dma_start3A_85 = arith.constant 0 : i32
      %dma_start3A_86 = tpu.memref_slice %arg14[%dma_start3A_84, %dma_start3A_85] : memref<80x64xf32, #tpu.memory_space<vmem>> -> memref<64x64xf32, #tpu.memory_space<vmem>>
      tpu.enqueue_dma source(%dma_start3A_86 : memref<64x64xf32, #tpu.memory_space<vmem>>) target(%dma_start3A_83 : memref<64x64xf32, #tpu.memory_space<vmem_shared>>) target_semaphore(%run_scoped3A : memref<!tpu.dma_semaphore, #tpu.memory_space<semaphore_mem>>)
      %dma_wait3A_87 = arith.constant 0 : i32
      %dma_wait3A_88 = arith.constant 0 : i32
      %dma_wait3A_89 = tpu.memref_slice %arg14[%dma_wait3A_87, %dma_wait3A_88] : memref<80x64xf32, #tpu.memory_space<vmem>> -> memref<64x64xf32, #tpu.memory_space<vmem>>
      %dma_wait3A_90 = arith.constant 0 : i32
      %dma_wait3A_91 = tpu.memref_slice %arg18[%add3A_27, %dma_wait3A_90] : memref<10240x64xf32, #tpu.memory_space<vmem_shared>> -> memref<64x64xf32, #tpu.memory_space<vmem_shared>>
      %dma_wait3A_92 = arith.constant 0 : i32
      %dma_wait3A_93 = tpu.memref_slice %arg18[%add3A_27, %dma_wait3A_92] : memref<10240x64xf32, #tpu.memory_space<vmem_shared>> -> memref<64x64xf32, #tpu.memory_space<vmem_shared>>
      %dma_wait3A_94 = arith.constant 0 : i32
      %dma_wait3A_95 = arith.constant 0 : i32
      %dma_wait3A_96 = tpu.memref_slice %arg14[%dma_wait3A_94, %dma_wait3A_95] : memref<80x64xf32, #tpu.memory_space<vmem>> -> memref<64x64xf32, #tpu.memory_space<vmem>>
      tpu.wait_dma2 semaphore(%run_scoped3A : memref<!tpu.dma_semaphore, #tpu.memory_space<semaphore_mem>>) src(%dma_wait3A_96 : memref<64x64xf32, #tpu.memory_space<vmem>>) dst(%dma_wait3A_93 : memref<64x64xf32, #tpu.memory_space<vmem_shared>>)
      tpu.yield
    }) : () -> ()
    %add3A_28 = arith.constant 576 : i32
    %add3A_29 = arith.addi %mul3A_2, %add3A_28 : i32
    "tpu.region"() ({
      %run_scoped3A = tpu.sem_alloc : memref<!tpu.dma_semaphore, #tpu.memory_space<semaphore_mem>>
      %dma_start3A_77 = arith.constant 0 : i32
      %dma_start3A_78 = arith.constant 0 : i32
      %dma_start3A_79 = tpu.memref_slice %arg14[%dma_start3A_77, %dma_start3A_78] : memref<80x64xf32, #tpu.memory_space<vmem>> -> memref<64x64xf32, #tpu.memory_space<vmem>>
      %dma_start3A_80 = arith.constant 0 : i32
      %dma_start3A_81 = tpu.memref_slice %arg18[%add3A_29, %dma_start3A_80] : memref<10240x64xf32, #tpu.memory_space<vmem_shared>> -> memref<64x64xf32, #tpu.memory_space<vmem_shared>>
      %dma_start3A_82 = arith.constant 0 : i32
      %dma_start3A_83 = tpu.memref_slice %arg18[%add3A_29, %dma_start3A_82] : memref<10240x64xf32, #tpu.memory_space<vmem_shared>> -> memref<64x64xf32, #tpu.memory_space<vmem_shared>>
      %dma_start3A_84 = arith.constant 0 : i32
      %dma_start3A_85 = arith.constant 0 : i32
      %dma_start3A_86 = tpu.memref_slice %arg14[%dma_start3A_84, %dma_start3A_85] : memref<80x64xf32, #tpu.memory_space<vmem>> -> memref<64x64xf32, #tpu.memory_space<vmem>>
      tpu.enqueue_dma source(%dma_start3A_86 : memref<64x64xf32, #tpu.memory_space<vmem>>) target(%dma_start3A_83 : memref<64x64xf32, #tpu.memory_space<vmem_shared>>) target_semaphore(%run_scoped3A : memref<!tpu.dma_semaphore, #tpu.memory_space<semaphore_mem>>)
      %dma_wait3A_87 = arith.constant 0 : i32
      %dma_wait3A_88 = arith.constant 0 : i32
      %dma_wait3A_89 = tpu.memref_slice %arg14[%dma_wait3A_87, %dma_wait3A_88] : memref<80x64xf32, #tpu.memory_space<vmem>> -> memref<64x64xf32, #tpu.memory_space<vmem>>
      %dma_wait3A_90 = arith.constant 0 : i32
      %dma_wait3A_91 = tpu.memref_slice %arg18[%add3A_29, %dma_wait3A_90] : memref<10240x64xf32, #tpu.memory_space<vmem_shared>> -> memref<64x64xf32, #tpu.memory_space<vmem_shared>>
      %dma_wait3A_92 = arith.constant 0 : i32
      %dma_wait3A_93 = tpu.memref_slice %arg18[%add3A_29, %dma_wait3A_92] : memref<10240x64xf32, #tpu.memory_space<vmem_shared>> -> memref<64x64xf32, #tpu.memory_space<vmem_shared>>
      %dma_wait3A_94 = arith.constant 0 : i32
      %dma_wait3A_95 = arith.constant 0 : i32
      %dma_wait3A_96 = tpu.memref_slice %arg14[%dma_wait3A_94, %dma_wait3A_95] : memref<80x64xf32, #tpu.memory_space<vmem>> -> memref<64x64xf32, #tpu.memory_space<vmem>>
      tpu.wait_dma2 semaphore(%run_scoped3A : memref<!tpu.dma_semaphore, #tpu.memory_space<semaphore_mem>>) src(%dma_wait3A_96 : memref<64x64xf32, #tpu.memory_space<vmem>>) dst(%dma_wait3A_93 : memref<64x64xf32, #tpu.memory_space<vmem_shared>>)
      tpu.yield
    }) : () -> ()
    %barrier3A = arith.constant 0 : index
    tpu.barrier barrier_id(%barrier3A)
    %add3A_30 = arith.constant 0 : i32
    %add3A_31 = arith.addi %mul3A_4, %add3A_30 : i32
    %dma_start3A = tpu.memref_slice %arg2[%add3A_31] : memref<320000xi32, #tpu.memory_space<hbm>> -> memref<80xi32, #tpu.memory_space<hbm>>
    %dma_start3A_32 = tpu.memref_slice %arg2[%add3A_31] : memref<320000xi32, #tpu.memory_space<hbm>> -> memref<80xi32, #tpu.memory_space<hbm>>
    tpu.enqueue_dma source(%dma_start3A_32 : memref<80xi32, #tpu.memory_space<hbm>>) target(%arg6 : memref<80xi32, #tpu.memory_space<vmem>>) target_semaphore(%arg19 : memref<!tpu.dma_semaphore, #tpu.memory_space<semaphore_mem>>)
    %dma_start3A_33 = tpu.memref_slice %arg3[%add3A_31] : memref<320000xi32, #tpu.memory_space<hbm>> -> memref<80xi32, #tpu.memory_space<hbm>>
    %dma_start3A_34 = tpu.memref_slice %arg3[%add3A_31] : memref<320000xi32, #tpu.memory_space<hbm>> -> memref<80xi32, #tpu.memory_space<hbm>>
    tpu.enqueue_dma source(%dma_start3A_34 : memref<80xi32, #tpu.memory_space<hbm>>) target(%arg10 : memref<80xi32, #tpu.memory_space<vmem>>) target_semaphore(%arg19 : memref<!tpu.dma_semaphore, #tpu.memory_space<semaphore_mem>>)
    %add3A_35 = arith.constant 80 : i32
    %add3A_36 = arith.addi %mul3A_4, %add3A_35 : i32
    %dma_start3A_37 = tpu.memref_slice %arg2[%add3A_36] : memref<320000xi32, #tpu.memory_space<hbm>> -> memref<80xi32, #tpu.memory_space<hbm>>
    %dma_start3A_38 = tpu.memref_slice %arg2[%add3A_36] : memref<320000xi32, #tpu.memory_space<hbm>> -> memref<80xi32, #tpu.memory_space<hbm>>
    tpu.enqueue_dma source(%dma_start3A_38 : memref<80xi32, #tpu.memory_space<hbm>>) target(%arg7 : memref<80xi32, #tpu.memory_space<vmem>>) target_semaphore(%arg20 : memref<!tpu.dma_semaphore, #tpu.memory_space<semaphore_mem>>)
    %dma_start3A_39 = tpu.memref_slice %arg3[%add3A_36] : memref<320000xi32, #tpu.memory_space<hbm>> -> memref<80xi32, #tpu.memory_space<hbm>>
    %dma_start3A_40 = tpu.memref_slice %arg3[%add3A_36] : memref<320000xi32, #tpu.memory_space<hbm>> -> memref<80xi32, #tpu.memory_space<hbm>>
    tpu.enqueue_dma source(%dma_start3A_40 : memref<80xi32, #tpu.memory_space<hbm>>) target(%arg11 : memref<80xi32, #tpu.memory_space<vmem>>) target_semaphore(%arg20 : memref<!tpu.dma_semaphore, #tpu.memory_space<semaphore_mem>>)
    %add3A_41 = arith.constant 160 : i32
    %add3A_42 = arith.addi %mul3A_4, %add3A_41 : i32
    %dma_start3A_43 = tpu.memref_slice %arg2[%add3A_42] : memref<320000xi32, #tpu.memory_space<hbm>> -> memref<80xi32, #tpu.memory_space<hbm>>
    %dma_start3A_44 = tpu.memref_slice %arg2[%add3A_42] : memref<320000xi32, #tpu.memory_space<hbm>> -> memref<80xi32, #tpu.memory_space<hbm>>
    tpu.enqueue_dma source(%dma_start3A_44 : memref<80xi32, #tpu.memory_space<hbm>>) target(%arg8 : memref<80xi32, #tpu.memory_space<vmem>>) target_semaphore(%arg21 : memref<!tpu.dma_semaphore, #tpu.memory_space<semaphore_mem>>)
    %dma_start3A_45 = tpu.memref_slice %arg3[%add3A_42] : memref<320000xi32, #tpu.memory_space<hbm>> -> memref<80xi32, #tpu.memory_space<hbm>>
    %dma_start3A_46 = tpu.memref_slice %arg3[%add3A_42] : memref<320000xi32, #tpu.memory_space<hbm>> -> memref<80xi32, #tpu.memory_space<hbm>>
    tpu.enqueue_dma source(%dma_start3A_46 : memref<80xi32, #tpu.memory_space<hbm>>) target(%arg12 : memref<80xi32, #tpu.memory_space<vmem>>) target_semaphore(%arg21 : memref<!tpu.dma_semaphore, #tpu.memory_space<semaphore_mem>>)
    %add3A_47 = arith.constant 0 : i32
    %add3A_48 = arith.addi %mul3A_4, %add3A_47 : i32
    %dma_wait3A = tpu.memref_slice %arg2[%add3A_48] : memref<320000xi32, #tpu.memory_space<hbm>> -> memref<80xi32, #tpu.memory_space<hbm>>
    %dma_wait3A_49 = tpu.memref_slice %arg2[%add3A_48] : memref<320000xi32, #tpu.memory_space<hbm>> -> memref<80xi32, #tpu.memory_space<hbm>>
    tpu.wait_dma2 semaphore(%arg19 : memref<!tpu.dma_semaphore, #tpu.memory_space<semaphore_mem>>) src(%dma_wait3A_49 : memref<80xi32, #tpu.memory_space<hbm>>) dst(%arg6 : memref<80xi32, #tpu.memory_space<vmem>>)
    %dma_wait3A_50 = tpu.memref_slice %arg3[%add3A_48] : memref<320000xi32, #tpu.memory_space<hbm>> -> memref<80xi32, #tpu.memory_space<hbm>>
    %dma_wait3A_51 = tpu.memref_slice %arg3[%add3A_48] : memref<320000xi32, #tpu.memory_space<hbm>> -> memref<80xi32, #tpu.memory_space<hbm>>
    tpu.wait_dma2 semaphore(%arg19 : memref<!tpu.dma_semaphore, #tpu.memory_space<semaphore_mem>>) src(%dma_wait3A_51 : memref<80xi32, #tpu.memory_space<hbm>>) dst(%arg10 : memref<80xi32, #tpu.memory_space<vmem>>)
    %dma_start3A_52 = arith.constant 0 : i32
    %dma_start3A_53 = arith.constant 0 : i32
    %dma_start3A_54 = tpu.memref_slice %arg4[%dma_start3A_52, %dma_start3A_53] : memref<10000x64xf32, #tpu.memory_space<hbm>> -> memref<10000x64xf32, #tpu.memory_space<hbm>>
    tpu.enqueue_indirect_dma source(%dma_start3A_54 : memref<10000x64xf32, #tpu.memory_space<hbm>>) target(%arg14 : memref<80x64xf32, #tpu.memory_space<vmem>>) offsets(%arg6 : memref<80xi32, #tpu.memory_space<vmem>>) semaphore(%arg23 : memref<!tpu.dma_semaphore, #tpu.memory_space<semaphore_mem>>)
    %scan3A_55 = arith.constant 0 : i32
    %scan3A_56 = arith.constant 0 : i32
    %scan3A_57 = arith.constant 31 : i32
    %scan3A_58 = arith.addi %scan3A_56, %scan3A_57 : i32
    %scan3A_59 = arith.constant 1 : i32
    scf.for %scan3A_77 = %scan3A_56 to %scan3A_58 step %scan3A_59  : i32 {
      %mul3A_78 = arith.constant 4 : i32
      %mul3A_79 = arith.muli %mul3A_78, %scan3A_77 : i32
      %add3A_80 = arith.constant 1 : i32
      %add3A_81 = arith.addi %mul3A_79, %add3A_80 : i32
      %mul3A_82 = arith.constant 80 : i32
      %mul3A_83 = arith.muli %add3A_81, %mul3A_82 : i32
      %add3A_84 = arith.addi %mul3A_4, %mul3A_83 : i32
      %dma_wait3A_85 = tpu.memref_slice %arg2[%add3A_84] : memref<320000xi32, #tpu.memory_space<hbm>> -> memref<80xi32, #tpu.memory_space<hbm>>
      %dma_wait3A_86 = tpu.memref_slice %arg2[%add3A_84] : memref<320000xi32, #tpu.memory_space<hbm>> -> memref<80xi32, #tpu.memory_space<hbm>>
      tpu.wait_dma2 semaphore(%arg20 : memref<!tpu.dma_semaphore, #tpu.memory_space<semaphore_mem>>) src(%dma_wait3A_86 : memref<80xi32, #tpu.memory_space<hbm>>) dst(%arg7 : memref<80xi32, #tpu.memory_space<vmem>>)
      %dma_wait3A_87 = tpu.memref_slice %arg3[%add3A_84] : memref<320000xi32, #tpu.memory_space<hbm>> -> memref<80xi32, #tpu.memory_space<hbm>>
      %dma_wait3A_88 = tpu.memref_slice %arg3[%add3A_84] : memref<320000xi32, #tpu.memory_space<hbm>> -> memref<80xi32, #tpu.memory_space<hbm>>
      tpu.wait_dma2 semaphore(%arg20 : memref<!tpu.dma_semaphore, #tpu.memory_space<semaphore_mem>>) src(%dma_wait3A_88 : memref<80xi32, #tpu.memory_space<hbm>>) dst(%arg11 : memref<80xi32, #tpu.memory_space<vmem>>)
      %dma_start3A_89 = arith.constant 0 : i32
      %dma_start3A_90 = arith.constant 0 : i32
      %dma_start3A_91 = tpu.memref_slice %arg4[%dma_start3A_89, %dma_start3A_90] : memref<10000x64xf32, #tpu.memory_space<hbm>> -> memref<10000x64xf32, #tpu.memory_space<hbm>>
      tpu.enqueue_indirect_dma source(%dma_start3A_91 : memref<10000x64xf32, #tpu.memory_space<hbm>>) target(%arg15 : memref<80x64xf32, #tpu.memory_space<vmem>>) offsets(%arg7 : memref<80xi32, #tpu.memory_space<vmem>>) semaphore(%arg24 : memref<!tpu.dma_semaphore, #tpu.memory_space<semaphore_mem>>)
      %dma_wait3A_92 = arith.constant 0 : i32
      %dma_wait3A_93 = arith.constant 0 : i32
      %dma_wait3A_94 = tpu.memref_slice %arg4[%dma_wait3A_92, %dma_wait3A_93] : memref<10000x64xf32, #tpu.memory_space<hbm>> -> memref<10000x64xf32, #tpu.memory_space<hbm>>
      tpu.wait_indirect_dma semaphore(%arg23 : memref<!tpu.dma_semaphore, #tpu.memory_space<semaphore_mem>>) src(%dma_wait3A_94 : memref<10000x64xf32, #tpu.memory_space<hbm>>) dst(%arg14 : memref<80x64xf32, #tpu.memory_space<vmem>>)
      %gt3A = arith.constant 0 : i32
      %gt3A_95 = arith.cmpi sgt, %mul3A_79, %gt3A : i32
      %convert_element_type3A = arith.extui %gt3A_95 : i1 to i32
      %cond3A = arith.constant 0 : i32
      %cond3A_96 = arith.cmpi ne, %convert_element_type3A, %cond3A : i32
      scf.if %cond3A_96 {
        %dma_wait3A_202 = arith.constant 0 : i32
        %dma_wait3A_203 = arith.constant 0 : i32
        %dma_wait3A_204 = tpu.memref_slice %arg18[%dma_wait3A_202, %dma_wait3A_203] : memref<10240x64xf32, #tpu.memory_space<vmem_shared>> -> memref<10240x64xf32, #tpu.memory_space<vmem_shared>>
        tpu.wait_indirect_dma semaphore(%arg30 : memref<!tpu.dma_semaphore, #tpu.memory_space<semaphore_mem>>) src(%arg17 : memref<80x64xf32, #tpu.memory_space<vmem>>) dst(%dma_wait3A_204 : memref<10240x64xf32, #tpu.memory_space<vmem_shared>>)
      } else {
      }
      %dma_start3A_97 = arith.constant 0 : i32
      %dma_start3A_98 = arith.constant 0 : i32
      %dma_start3A_99 = tpu.memref_slice %arg18[%dma_start3A_97, %dma_start3A_98] : memref<10240x64xf32, #tpu.memory_space<vmem_shared>> -> memref<10240x64xf32, #tpu.memory_space<vmem_shared>>
      tpu.enqueue_indirect_dma source(%arg14 : memref<80x64xf32, #tpu.memory_space<vmem>>) target(%dma_start3A_99 : memref<10240x64xf32, #tpu.memory_space<vmem_shared>>) offsets(%arg10 : memref<80xi32, #tpu.memory_space<vmem>>) semaphore(%arg27 : memref<!tpu.dma_semaphore, #tpu.memory_space<semaphore_mem>>) {add = true}
      %add3A_100 = arith.constant 3 : i32
      %add3A_101 = arith.addi %mul3A_79, %add3A_100 : i32
      %lt3A = arith.constant 125 : i32
      %lt3A_102 = arith.cmpi slt, %add3A_101, %lt3A : i32
      %convert_element_type3A_103 = arith.extui %lt3A_102 : i1 to i32
      %cond3A_104 = arith.constant 0 : i32
      %cond3A_105 = arith.cmpi ne, %convert_element_type3A_103, %cond3A_104 : i32
      scf.if %cond3A_105 {
        %add3A_202 = arith.constant 3 : i32
        %add3A_203 = arith.addi %mul3A_79, %add3A_202 : i32
        %mul3A_204 = arith.constant 80 : i32
        %mul3A_205 = arith.muli %add3A_203, %mul3A_204 : i32
        %add3A_206 = arith.addi %mul3A_4, %mul3A_205 : i32
        %dma_start3A_207 = tpu.memref_slice %arg2[%add3A_206] : memref<320000xi32, #tpu.memory_space<hbm>> -> memref<80xi32, #tpu.memory_space<hbm>>
        %dma_start3A_208 = tpu.memref_slice %arg2[%add3A_206] : memref<320000xi32, #tpu.memory_space<hbm>> -> memref<80xi32, #tpu.memory_space<hbm>>
        tpu.enqueue_dma source(%dma_start3A_208 : memref<80xi32, #tpu.memory_space<hbm>>) target(%arg9 : memref<80xi32, #tpu.memory_space<vmem>>) target_semaphore(%arg22 : memref<!tpu.dma_semaphore, #tpu.memory_space<semaphore_mem>>)
        %dma_start3A_209 = tpu.memref_slice %arg3[%add3A_206] : memref<320000xi32, #tpu.memory_space<hbm>> -> memref<80xi32, #tpu.memory_space<hbm>>
        %dma_start3A_210 = tpu.memref_slice %arg3[%add3A_206] : memref<320000xi32, #tpu.memory_space<hbm>> -> memref<80xi32, #tpu.memory_space<hbm>>
        tpu.enqueue_dma source(%dma_start3A_210 : memref<80xi32, #tpu.memory_space<hbm>>) target(%arg13 : memref<80xi32, #tpu.memory_space<vmem>>) target_semaphore(%arg22 : memref<!tpu.dma_semaphore, #tpu.memory_space<semaphore_mem>>)
      } else {
      }
      %add3A_106 = arith.constant 1 : i32
      %add3A_107 = arith.addi %mul3A_79, %add3A_106 : i32
      %add3A_108 = arith.constant 1 : i32
      %add3A_109 = arith.addi %add3A_107, %add3A_108 : i32
      %mul3A_110 = arith.constant 80 : i32
      %mul3A_111 = arith.muli %add3A_109, %mul3A_110 : i32
      %add3A_112 = arith.addi %mul3A_4, %mul3A_111 : i32
      %dma_wait3A_113 = tpu.memref_slice %arg2[%add3A_112] : memref<320000xi32, #tpu.memory_space<hbm>> -> memref<80xi32, #tpu.memory_space<hbm>>
      %dma_wait3A_114 = tpu.memref_slice %arg2[%add3A_112] : memref<320000xi32, #tpu.memory_space<hbm>> -> memref<80xi32, #tpu.memory_space<hbm>>
      tpu.wait_dma2 semaphore(%arg21 : memref<!tpu.dma_semaphore, #tpu.memory_space<semaphore_mem>>) src(%dma_wait3A_114 : memref<80xi32, #tpu.memory_space<hbm>>) dst(%arg8 : memref<80xi32, #tpu.memory_space<vmem>>)
      %dma_wait3A_115 = tpu.memref_slice %arg3[%add3A_112] : memref<320000xi32, #tpu.memory_space<hbm>> -> memref<80xi32, #tpu.memory_space<hbm>>
      %dma_wait3A_116 = tpu.memref_slice %arg3[%add3A_112] : memref<320000xi32, #tpu.memory_space<hbm>> -> memref<80xi32, #tpu.memory_space<hbm>>
      tpu.wait_dma2 semaphore(%arg21 : memref<!tpu.dma_semaphore, #tpu.memory_space<semaphore_mem>>) src(%dma_wait3A_116 : memref<80xi32, #tpu.memory_space<hbm>>) dst(%arg12 : memref<80xi32, #tpu.memory_space<vmem>>)
      %dma_start3A_117 = arith.constant 0 : i32
      %dma_start3A_118 = arith.constant 0 : i32
      %dma_start3A_119 = tpu.memref_slice %arg4[%dma_start3A_117, %dma_start3A_118] : memref<10000x64xf32, #tpu.memory_space<hbm>> -> memref<10000x64xf32, #tpu.memory_space<hbm>>
      tpu.enqueue_indirect_dma source(%dma_start3A_119 : memref<10000x64xf32, #tpu.memory_space<hbm>>) target(%arg16 : memref<80x64xf32, #tpu.memory_space<vmem>>) offsets(%arg8 : memref<80xi32, #tpu.memory_space<vmem>>) semaphore(%arg25 : memref<!tpu.dma_semaphore, #tpu.memory_space<semaphore_mem>>)
      %dma_wait3A_120 = arith.constant 0 : i32
      %dma_wait3A_121 = arith.constant 0 : i32
      %dma_wait3A_122 = tpu.memref_slice %arg4[%dma_wait3A_120, %dma_wait3A_121] : memref<10000x64xf32, #tpu.memory_space<hbm>> -> memref<10000x64xf32, #tpu.memory_space<hbm>>
      tpu.wait_indirect_dma semaphore(%arg24 : memref<!tpu.dma_semaphore, #tpu.memory_space<semaphore_mem>>) src(%dma_wait3A_122 : memref<10000x64xf32, #tpu.memory_space<hbm>>) dst(%arg15 : memref<80x64xf32, #tpu.memory_space<vmem>>)
      %gt3A_123 = arith.constant 0 : i32
      %gt3A_124 = arith.cmpi sgt, %add3A_107, %gt3A_123 : i32
      %convert_element_type3A_125 = arith.extui %gt3A_124 : i1 to i32
      %cond3A_126 = arith.constant 0 : i32
      %cond3A_127 = arith.cmpi ne, %convert_element_type3A_125, %cond3A_126 : i32
      scf.if %cond3A_127 {
        %dma_wait3A_202 = arith.constant 0 : i32
        %dma_wait3A_203 = arith.constant 0 : i32
        %dma_wait3A_204 = tpu.memref_slice %arg18[%dma_wait3A_202, %dma_wait3A_203] : memref<10240x64xf32, #tpu.memory_space<vmem_shared>> -> memref<10240x64xf32, #tpu.memory_space<vmem_shared>>
        tpu.wait_indirect_dma semaphore(%arg27 : memref<!tpu.dma_semaphore, #tpu.memory_space<semaphore_mem>>) src(%arg14 : memref<80x64xf32, #tpu.memory_space<vmem>>) dst(%dma_wait3A_204 : memref<10240x64xf32, #tpu.memory_space<vmem_shared>>)
      } else {
      }
      %dma_start3A_128 = arith.constant 0 : i32
      %dma_start3A_129 = arith.constant 0 : i32
      %dma_start3A_130 = tpu.memref_slice %arg18[%dma_start3A_128, %dma_start3A_129] : memref<10240x64xf32, #tpu.memory_space<vmem_shared>> -> memref<10240x64xf32, #tpu.memory_space<vmem_shared>>
      tpu.enqueue_indirect_dma source(%arg15 : memref<80x64xf32, #tpu.memory_space<vmem>>) target(%dma_start3A_130 : memref<10240x64xf32, #tpu.memory_space<vmem_shared>>) offsets(%arg11 : memref<80xi32, #tpu.memory_space<vmem>>) semaphore(%arg28 : memref<!tpu.dma_semaphore, #tpu.memory_space<semaphore_mem>>) {add = true}
      %add3A_131 = arith.constant 3 : i32
      %add3A_132 = arith.addi %add3A_107, %add3A_131 : i32
      %lt3A_133 = arith.constant 125 : i32
      %lt3A_134 = arith.cmpi slt, %add3A_132, %lt3A_133 : i32
      %convert_element_type3A_135 = arith.extui %lt3A_134 : i1 to i32
      %cond3A_136 = arith.constant 0 : i32
      %cond3A_137 = arith.cmpi ne, %convert_element_type3A_135, %cond3A_136 : i32
      scf.if %cond3A_137 {
        %add3A_202 = arith.constant 3 : i32
        %add3A_203 = arith.addi %add3A_107, %add3A_202 : i32
        %mul3A_204 = arith.constant 80 : i32
        %mul3A_205 = arith.muli %add3A_203, %mul3A_204 : i32
        %add3A_206 = arith.addi %mul3A_4, %mul3A_205 : i32
        %dma_start3A_207 = tpu.memref_slice %arg2[%add3A_206] : memref<320000xi32, #tpu.memory_space<hbm>> -> memref<80xi32, #tpu.memory_space<hbm>>
        %dma_start3A_208 = tpu.memref_slice %arg2[%add3A_206] : memref<320000xi32, #tpu.memory_space<hbm>> -> memref<80xi32, #tpu.memory_space<hbm>>
        tpu.enqueue_dma source(%dma_start3A_208 : memref<80xi32, #tpu.memory_space<hbm>>) target(%arg6 : memref<80xi32, #tpu.memory_space<vmem>>) target_semaphore(%arg19 : memref<!tpu.dma_semaphore, #tpu.memory_space<semaphore_mem>>)
        %dma_start3A_209 = tpu.memref_slice %arg3[%add3A_206] : memref<320000xi32, #tpu.memory_space<hbm>> -> memref<80xi32, #tpu.memory_space<hbm>>
        %dma_start3A_210 = tpu.memref_slice %arg3[%add3A_206] : memref<320000xi32, #tpu.memory_space<hbm>> -> memref<80xi32, #tpu.memory_space<hbm>>
        tpu.enqueue_dma source(%dma_start3A_210 : memref<80xi32, #tpu.memory_space<hbm>>) target(%arg10 : memref<80xi32, #tpu.memory_space<vmem>>) target_semaphore(%arg19 : memref<!tpu.dma_semaphore, #tpu.memory_space<semaphore_mem>>)
      } else {
      }
      %add3A_138 = arith.constant 2 : i32
      %add3A_139 = arith.addi %mul3A_79, %add3A_138 : i32
      %add3A_140 = arith.constant 1 : i32
      %add3A_141 = arith.addi %add3A_139, %add3A_140 : i32
      %mul3A_142 = arith.constant 80 : i32
      %mul3A_143 = arith.muli %add3A_141, %mul3A_142 : i32
      %add3A_144 = arith.addi %mul3A_4, %mul3A_143 : i32
      %dma_wait3A_145 = tpu.memref_slice %arg2[%add3A_144] : memref<320000xi32, #tpu.memory_space<hbm>> -> memref<80xi32, #tpu.memory_space<hbm>>
      %dma_wait3A_146 = tpu.memref_slice %arg2[%add3A_144] : memref<320000xi32, #tpu.memory_space<hbm>> -> memref<80xi32, #tpu.memory_space<hbm>>
      tpu.wait_dma2 semaphore(%arg22 : memref<!tpu.dma_semaphore, #tpu.memory_space<semaphore_mem>>) src(%dma_wait3A_146 : memref<80xi32, #tpu.memory_space<hbm>>) dst(%arg9 : memref<80xi32, #tpu.memory_space<vmem>>)
      %dma_wait3A_147 = tpu.memref_slice %arg3[%add3A_144] : memref<320000xi32, #tpu.memory_space<hbm>> -> memref<80xi32, #tpu.memory_space<hbm>>
      %dma_wait3A_148 = tpu.memref_slice %arg3[%add3A_144] : memref<320000xi32, #tpu.memory_space<hbm>> -> memref<80xi32, #tpu.memory_space<hbm>>
      tpu.wait_dma2 semaphore(%arg22 : memref<!tpu.dma_semaphore, #tpu.memory_space<semaphore_mem>>) src(%dma_wait3A_148 : memref<80xi32, #tpu.memory_space<hbm>>) dst(%arg13 : memref<80xi32, #tpu.memory_space<vmem>>)
      %dma_start3A_149 = arith.constant 0 : i32
      %dma_start3A_150 = arith.constant 0 : i32
      %dma_start3A_151 = tpu.memref_slice %arg4[%dma_start3A_149, %dma_start3A_150] : memref<10000x64xf32, #tpu.memory_space<hbm>> -> memref<10000x64xf32, #tpu.memory_space<hbm>>
      tpu.enqueue_indirect_dma source(%dma_start3A_151 : memref<10000x64xf32, #tpu.memory_space<hbm>>) target(%arg17 : memref<80x64xf32, #tpu.memory_space<vmem>>) offsets(%arg9 : memref<80xi32, #tpu.memory_space<vmem>>) semaphore(%arg26 : memref<!tpu.dma_semaphore, #tpu.memory_space<semaphore_mem>>)
      %dma_wait3A_152 = arith.constant 0 : i32
      %dma_wait3A_153 = arith.constant 0 : i32
      %dma_wait3A_154 = tpu.memref_slice %arg4[%dma_wait3A_152, %dma_wait3A_153] : memref<10000x64xf32, #tpu.memory_space<hbm>> -> memref<10000x64xf32, #tpu.memory_space<hbm>>
      tpu.wait_indirect_dma semaphore(%arg25 : memref<!tpu.dma_semaphore, #tpu.memory_space<semaphore_mem>>) src(%dma_wait3A_154 : memref<10000x64xf32, #tpu.memory_space<hbm>>) dst(%arg16 : memref<80x64xf32, #tpu.memory_space<vmem>>)
      %gt3A_155 = arith.constant 0 : i32
      %gt3A_156 = arith.cmpi sgt, %add3A_139, %gt3A_155 : i32
      %convert_element_type3A_157 = arith.extui %gt3A_156 : i1 to i32
      %cond3A_158 = arith.constant 0 : i32
      %cond3A_159 = arith.cmpi ne, %convert_element_type3A_157, %cond3A_158 : i32
      scf.if %cond3A_159 {
        %dma_wait3A_202 = arith.constant 0 : i32
        %dma_wait3A_203 = arith.constant 0 : i32
        %dma_wait3A_204 = tpu.memref_slice %arg18[%dma_wait3A_202, %dma_wait3A_203] : memref<10240x64xf32, #tpu.memory_space<vmem_shared>> -> memref<10240x64xf32, #tpu.memory_space<vmem_shared>>
        tpu.wait_indirect_dma semaphore(%arg28 : memref<!tpu.dma_semaphore, #tpu.memory_space<semaphore_mem>>) src(%arg15 : memref<80x64xf32, #tpu.memory_space<vmem>>) dst(%dma_wait3A_204 : memref<10240x64xf32, #tpu.memory_space<vmem_shared>>)
      } else {
      }
      %dma_start3A_160 = arith.constant 0 : i32
      %dma_start3A_161 = arith.constant 0 : i32
      %dma_start3A_162 = tpu.memref_slice %arg18[%dma_start3A_160, %dma_start3A_161] : memref<10240x64xf32, #tpu.memory_space<vmem_shared>> -> memref<10240x64xf32, #tpu.memory_space<vmem_shared>>
      tpu.enqueue_indirect_dma source(%arg16 : memref<80x64xf32, #tpu.memory_space<vmem>>) target(%dma_start3A_162 : memref<10240x64xf32, #tpu.memory_space<vmem_shared>>) offsets(%arg12 : memref<80xi32, #tpu.memory_space<vmem>>) semaphore(%arg29 : memref<!tpu.dma_semaphore, #tpu.memory_space<semaphore_mem>>) {add = true}
      %add3A_163 = arith.constant 3 : i32
      %add3A_164 = arith.addi %add3A_139, %add3A_163 : i32
      %lt3A_165 = arith.constant 125 : i32
      %lt3A_166 = arith.cmpi slt, %add3A_164, %lt3A_165 : i32
      %convert_element_type3A_167 = arith.extui %lt3A_166 : i1 to i32
      %cond3A_168 = arith.constant 0 : i32
      %cond3A_169 = arith.cmpi ne, %convert_element_type3A_167, %cond3A_168 : i32
      scf.if %cond3A_169 {
        %add3A_202 = arith.constant 3 : i32
        %add3A_203 = arith.addi %add3A_139, %add3A_202 : i32
        %mul3A_204 = arith.constant 80 : i32
        %mul3A_205 = arith.muli %add3A_203, %mul3A_204 : i32
        %add3A_206 = arith.addi %mul3A_4, %mul3A_205 : i32
        %dma_start3A_207 = tpu.memref_slice %arg2[%add3A_206] : memref<320000xi32, #tpu.memory_space<hbm>> -> memref<80xi32, #tpu.memory_space<hbm>>
        %dma_start3A_208 = tpu.memref_slice %arg2[%add3A_206] : memref<320000xi32, #tpu.memory_space<hbm>> -> memref<80xi32, #tpu.memory_space<hbm>>
        tpu.enqueue_dma source(%dma_start3A_208 : memref<80xi32, #tpu.memory_space<hbm>>) target(%arg7 : memref<80xi32, #tpu.memory_space<vmem>>) target_semaphore(%arg20 : memref<!tpu.dma_semaphore, #tpu.memory_space<semaphore_mem>>)
        %dma_start3A_209 = tpu.memref_slice %arg3[%add3A_206] : memref<320000xi32, #tpu.memory_space<hbm>> -> memref<80xi32, #tpu.memory_space<hbm>>
        %dma_start3A_210 = tpu.memref_slice %arg3[%add3A_206] : memref<320000xi32, #tpu.memory_space<hbm>> -> memref<80xi32, #tpu.memory_space<hbm>>
        tpu.enqueue_dma source(%dma_start3A_210 : memref<80xi32, #tpu.memory_space<hbm>>) target(%arg11 : memref<80xi32, #tpu.memory_space<vmem>>) target_semaphore(%arg20 : memref<!tpu.dma_semaphore, #tpu.memory_space<semaphore_mem>>)
      } else {
      }
      %add3A_170 = arith.constant 3 : i32
      %add3A_171 = arith.addi %mul3A_79, %add3A_170 : i32
      %add3A_172 = arith.constant 1 : i32
      %add3A_173 = arith.addi %add3A_171, %add3A_172 : i32
      %mul3A_174 = arith.constant 80 : i32
      %mul3A_175 = arith.muli %add3A_173, %mul3A_174 : i32
      %add3A_176 = arith.addi %mul3A_4, %mul3A_175 : i32
      %dma_wait3A_177 = tpu.memref_slice %arg2[%add3A_176] : memref<320000xi32, #tpu.memory_space<hbm>> -> memref<80xi32, #tpu.memory_space<hbm>>
      %dma_wait3A_178 = tpu.memref_slice %arg2[%add3A_176] : memref<320000xi32, #tpu.memory_space<hbm>> -> memref<80xi32, #tpu.memory_space<hbm>>
      tpu.wait_dma2 semaphore(%arg19 : memref<!tpu.dma_semaphore, #tpu.memory_space<semaphore_mem>>) src(%dma_wait3A_178 : memref<80xi32, #tpu.memory_space<hbm>>) dst(%arg6 : memref<80xi32, #tpu.memory_space<vmem>>)
      %dma_wait3A_179 = tpu.memref_slice %arg3[%add3A_176] : memref<320000xi32, #tpu.memory_space<hbm>> -> memref<80xi32, #tpu.memory_space<hbm>>
      %dma_wait3A_180 = tpu.memref_slice %arg3[%add3A_176] : memref<320000xi32, #tpu.memory_space<hbm>> -> memref<80xi32, #tpu.memory_space<hbm>>
      tpu.wait_dma2 semaphore(%arg19 : memref<!tpu.dma_semaphore, #tpu.memory_space<semaphore_mem>>) src(%dma_wait3A_180 : memref<80xi32, #tpu.memory_space<hbm>>) dst(%arg10 : memref<80xi32, #tpu.memory_space<vmem>>)
      %dma_start3A_181 = arith.constant 0 : i32
      %dma_start3A_182 = arith.constant 0 : i32
      %dma_start3A_183 = tpu.memref_slice %arg4[%dma_start3A_181, %dma_start3A_182] : memref<10000x64xf32, #tpu.memory_space<hbm>> -> memref<10000x64xf32, #tpu.memory_space<hbm>>
      tpu.enqueue_indirect_dma source(%dma_start3A_183 : memref<10000x64xf32, #tpu.memory_space<hbm>>) target(%arg14 : memref<80x64xf32, #tpu.memory_space<vmem>>) offsets(%arg6 : memref<80xi32, #tpu.memory_space<vmem>>) semaphore(%arg23 : memref<!tpu.dma_semaphore, #tpu.memory_space<semaphore_mem>>)
      %dma_wait3A_184 = arith.constant 0 : i32
      %dma_wait3A_185 = arith.constant 0 : i32
      %dma_wait3A_186 = tpu.memref_slice %arg4[%dma_wait3A_184, %dma_wait3A_185] : memref<10000x64xf32, #tpu.memory_space<hbm>> -> memref<10000x64xf32, #tpu.memory_space<hbm>>
      tpu.wait_indirect_dma semaphore(%arg26 : memref<!tpu.dma_semaphore, #tpu.memory_space<semaphore_mem>>) src(%dma_wait3A_186 : memref<10000x64xf32, #tpu.memory_space<hbm>>) dst(%arg17 : memref<80x64xf32, #tpu.memory_space<vmem>>)
      %gt3A_187 = arith.constant 0 : i32
      %gt3A_188 = arith.cmpi sgt, %add3A_171, %gt3A_187 : i32
      %convert_element_type3A_189 = arith.extui %gt3A_188 : i1 to i32
      %cond3A_190 = arith.constant 0 : i32
      %cond3A_191 = arith.cmpi ne, %convert_element_type3A_189, %cond3A_190 : i32
      scf.if %cond3A_191 {
        %dma_wait3A_202 = arith.constant 0 : i32
        %dma_wait3A_203 = arith.constant 0 : i32
        %dma_wait3A_204 = tpu.memref_slice %arg18[%dma_wait3A_202, %dma_wait3A_203] : memref<10240x64xf32, #tpu.memory_space<vmem_shared>> -> memref<10240x64xf32, #tpu.memory_space<vmem_shared>>
        tpu.wait_indirect_dma semaphore(%arg29 : memref<!tpu.dma_semaphore, #tpu.memory_space<semaphore_mem>>) src(%arg16 : memref<80x64xf32, #tpu.memory_space<vmem>>) dst(%dma_wait3A_204 : memref<10240x64xf32, #tpu.memory_space<vmem_shared>>)
      } else {
      }
      %dma_start3A_192 = arith.constant 0 : i32
      %dma_start3A_193 = arith.constant 0 : i32
      %dma_start3A_194 = tpu.memref_slice %arg18[%dma_start3A_192, %dma_start3A_193] : memref<10240x64xf32, #tpu.memory_space<vmem_shared>> -> memref<10240x64xf32, #tpu.memory_space<vmem_shared>>
      tpu.enqueue_indirect_dma source(%arg17 : memref<80x64xf32, #tpu.memory_space<vmem>>) target(%dma_start3A_194 : memref<10240x64xf32, #tpu.memory_space<vmem_shared>>) offsets(%arg13 : memref<80xi32, #tpu.memory_space<vmem>>) semaphore(%arg30 : memref<!tpu.dma_semaphore, #tpu.memory_space<semaphore_mem>>) {add = true}
      %add3A_195 = arith.constant 3 : i32
      %add3A_196 = arith.addi %add3A_171, %add3A_195 : i32
      %lt3A_197 = arith.constant 125 : i32
      %lt3A_198 = arith.cmpi slt, %add3A_196, %lt3A_197 : i32
      %convert_element_type3A_199 = arith.extui %lt3A_198 : i1 to i32
      %cond3A_200 = arith.constant 0 : i32
      %cond3A_201 = arith.cmpi ne, %convert_element_type3A_199, %cond3A_200 : i32
      scf.if %cond3A_201 {
        %add3A_202 = arith.constant 3 : i32
        %add3A_203 = arith.addi %add3A_171, %add3A_202 : i32
        %mul3A_204 = arith.constant 80 : i32
        %mul3A_205 = arith.muli %add3A_203, %mul3A_204 : i32
        %add3A_206 = arith.addi %mul3A_4, %mul3A_205 : i32
        %dma_start3A_207 = tpu.memref_slice %arg2[%add3A_206] : memref<320000xi32, #tpu.memory_space<hbm>> -> memref<80xi32, #tpu.memory_space<hbm>>
        %dma_start3A_208 = tpu.memref_slice %arg2[%add3A_206] : memref<320000xi32, #tpu.memory_space<hbm>> -> memref<80xi32, #tpu.memory_space<hbm>>
        tpu.enqueue_dma source(%dma_start3A_208 : memref<80xi32, #tpu.memory_space<hbm>>) target(%arg8 : memref<80xi32, #tpu.memory_space<vmem>>) target_semaphore(%arg21 : memref<!tpu.dma_semaphore, #tpu.memory_space<semaphore_mem>>)
        %dma_start3A_209 = tpu.memref_slice %arg3[%add3A_206] : memref<320000xi32, #tpu.memory_space<hbm>> -> memref<80xi32, #tpu.memory_space<hbm>>
        %dma_start3A_210 = tpu.memref_slice %arg3[%add3A_206] : memref<320000xi32, #tpu.memory_space<hbm>> -> memref<80xi32, #tpu.memory_space<hbm>>
        tpu.enqueue_dma source(%dma_start3A_210 : memref<80xi32, #tpu.memory_space<hbm>>) target(%arg12 : memref<80xi32, #tpu.memory_space<vmem>>) target_semaphore(%arg21 : memref<!tpu.dma_semaphore, #tpu.memory_space<semaphore_mem>>)
      } else {
      }
    }
    %scan3A_60 = arith.constant 31 : i32
    %dma_wait3A_61 = arith.constant 0 : i32
    %dma_wait3A_62 = arith.constant 0 : i32
    %dma_wait3A_63 = tpu.memref_slice %arg4[%dma_wait3A_61, %dma_wait3A_62] : memref<10000x64xf32, #tpu.memory_space<hbm>> -> memref<10000x64xf32, #tpu.memory_space<hbm>>
    tpu.wait_indirect_dma semaphore(%arg23 : memref<!tpu.dma_semaphore, #tpu.memory_space<semaphore_mem>>) src(%dma_wait3A_63 : memref<10000x64xf32, #tpu.memory_space<hbm>>) dst(%arg14 : memref<80x64xf32, #tpu.memory_space<vmem>>)
    %dma_wait3A_64 = arith.constant 0 : i32
    %dma_wait3A_65 = arith.constant 0 : i32
    %dma_wait3A_66 = tpu.memref_slice %arg18[%dma_wait3A_64, %dma_wait3A_65] : memref<10240x64xf32, #tpu.memory_space<vmem_shared>> -> memref<10240x64xf32, #tpu.memory_space<vmem_shared>>
    tpu.wait_indirect_dma semaphore(%arg30 : memref<!tpu.dma_semaphore, #tpu.memory_space<semaphore_mem>>) src(%arg17 : memref<80x64xf32, #tpu.memory_space<vmem>>) dst(%dma_wait3A_66 : memref<10240x64xf32, #tpu.memory_space<vmem_shared>>)
    %dma_start3A_67 = arith.constant 0 : i32
    %dma_start3A_68 = arith.constant 0 : i32
    %dma_start3A_69 = tpu.memref_slice %arg18[%dma_start3A_67, %dma_start3A_68] : memref<10240x64xf32, #tpu.memory_space<vmem_shared>> -> memref<10240x64xf32, #tpu.memory_space<vmem_shared>>
    tpu.enqueue_indirect_dma source(%arg14 : memref<80x64xf32, #tpu.memory_space<vmem>>) target(%dma_start3A_69 : memref<10240x64xf32, #tpu.memory_space<vmem_shared>>) offsets(%arg10 : memref<80xi32, #tpu.memory_space<vmem>>) semaphore(%arg27 : memref<!tpu.dma_semaphore, #tpu.memory_space<semaphore_mem>>) {add = true}
    %dma_wait3A_70 = arith.constant 0 : i32
    %dma_wait3A_71 = arith.constant 0 : i32
    %dma_wait3A_72 = tpu.memref_slice %arg18[%dma_wait3A_70, %dma_wait3A_71] : memref<10240x64xf32, #tpu.memory_space<vmem_shared>> -> memref<10240x64xf32, #tpu.memory_space<vmem_shared>>
    tpu.wait_indirect_dma semaphore(%arg27 : memref<!tpu.dma_semaphore, #tpu.memory_space<semaphore_mem>>) src(%arg14 : memref<80x64xf32, #tpu.memory_space<vmem>>) dst(%dma_wait3A_72 : memref<10240x64xf32, #tpu.memory_space<vmem_shared>>)
    %barrier3A_73 = arith.constant 0 : index
    tpu.barrier barrier_id(%barrier3A_73)
    %mul3A_74 = arith.constant 10240 : i32
    %mul3A_75 = arith.muli %arg0, %mul3A_74 : i32
    %add3A_76 = arith.addi %mul3A_75, %mul3A_2 : i32
    "tpu.region"() ({
      %run_scoped3A = tpu.sem_alloc : memref<!tpu.dma_semaphore, #tpu.memory_space<semaphore_mem>>
      %dma_start3A_77 = arith.constant 0 : i32
      %dma_start3A_78 = tpu.memref_slice %arg5[%add3A_76, %dma_start3A_77] : memref<20480x64xf32, #tpu.memory_space<hbm>> -> memref<640x64xf32, #tpu.memory_space<hbm>>
      %dma_start3A_79 = arith.constant 0 : i32
      %dma_start3A_80 = tpu.memref_slice %arg18[%mul3A_2, %dma_start3A_79] : memref<10240x64xf32, #tpu.memory_space<vmem_shared>> -> memref<640x64xf32, #tpu.memory_space<vmem_shared>>
      tpu.enqueue_dma source(%dma_start3A_80 : memref<640x64xf32, #tpu.memory_space<vmem_shared>>) target(%dma_start3A_78 : memref<640x64xf32, #tpu.memory_space<hbm>>) target_semaphore(%run_scoped3A : memref<!tpu.dma_semaphore, #tpu.memory_space<semaphore_mem>>)
      %dma_wait3A_81 = arith.constant 0 : i32
      %dma_wait3A_82 = tpu.memref_slice %arg5[%add3A_76, %dma_wait3A_81] : memref<20480x64xf32, #tpu.memory_space<hbm>> -> memref<640x64xf32, #tpu.memory_space<hbm>>
      %dma_wait3A_83 = arith.constant 0 : i32
      %dma_wait3A_84 = tpu.memref_slice %arg18[%mul3A_2, %dma_wait3A_83] : memref<10240x64xf32, #tpu.memory_space<vmem_shared>> -> memref<640x64xf32, #tpu.memory_space<vmem_shared>>
      tpu.wait_dma2 semaphore(%run_scoped3A : memref<!tpu.dma_semaphore, #tpu.memory_space<semaphore_mem>>) src(%dma_wait3A_84 : memref<640x64xf32, #tpu.memory_space<vmem_shared>>) dst(%dma_wait3A_82 : memref<640x64xf32, #tpu.memory_space<hbm>>)
      tpu.yield
    }) : () -> ()
    return
  }
}

#map = affine_map<(d0, d1) -> (0)>
#map1 = affine_map<(d0, d1) -> (0, 0)>
module attributes {stable_mosaic.version = 14 : i64} {
  func.func @_sc_agg_body(%arg0: i32, %arg1: i32, %arg2: memref<320000xi32, #tpu.memory_space<hbm>>, %arg3: memref<320000xi32, #tpu.memory_space<hbm>>, %arg4: memref<10000x64xf32, #tpu.memory_space<hbm>>, %arg5: memref<20480x64xf32, #tpu.memory_space<hbm>>, %arg6: memref<80xi32, #tpu.memory_space<vmem>>, %arg7: memref<80xi32, #tpu.memory_space<vmem>>, %arg8: memref<80xi32, #tpu.memory_space<vmem>>, %arg9: memref<80xi32, #tpu.memory_space<vmem>>, %arg10: memref<80xi32, #tpu.memory_space<vmem>>, %arg11: memref<80xi32, #tpu.memory_space<vmem>>, %arg12: memref<80xi32, #tpu.memory_space<vmem>>, %arg13: memref<80xi32, #tpu.memory_space<vmem>>, %arg14: memref<80x64xf32, #tpu.memory_space<vmem>>, %arg15: memref<80x64xf32, #tpu.memory_space<vmem>>, %arg16: memref<80x64xf32, #tpu.memory_space<vmem>>, %arg17: memref<80x64xf32, #tpu.memory_space<vmem>>, %arg18: memref<10240x64xf32, #tpu.memory_space<vmem_shared>>, %arg19: memref<!tpu.dma_semaphore, #tpu.memory_space<semaphore_mem>>, %arg20: memref<!tpu.dma_semaphore, #tpu.memory_space<semaphore_mem>>, %arg21: memref<!tpu.dma_semaphore, #tpu.memory_space<semaphore_mem>>, %arg22: memref<!tpu.dma_semaphore, #tpu.memory_space<semaphore_mem>>, %arg23: memref<!tpu.dma_semaphore, #tpu.memory_space<semaphore_mem>>, %arg24: memref<!tpu.dma_semaphore, #tpu.memory_space<semaphore_mem>>, %arg25: memref<!tpu.dma_semaphore, #tpu.memory_space<semaphore_mem>>, %arg26: memref<!tpu.dma_semaphore, #tpu.memory_space<semaphore_mem>>, %arg27: memref<!tpu.dma_semaphore, #tpu.memory_space<semaphore_mem>>, %arg28: memref<!tpu.dma_semaphore, #tpu.memory_space<semaphore_mem>>, %arg29: memref<!tpu.dma_semaphore, #tpu.memory_space<semaphore_mem>>, %arg30: memref<!tpu.dma_semaphore, #tpu.memory_space<semaphore_mem>>) attributes {dimension_semantics = [#tpu.dimension_semantics<core_parallel>, #tpu.dimension_semantics<subcore_parallel>], iteration_bounds = array<i64: 2, 16>, scalar_prefetch = 0 : i64, scratch_operands = 25 : i64, tpu.core_type = #tpu.core_type<sc_vector_subcore>, window_params = [{transform_indices = #map}, {transform_indices = #map}, {transform_indices = #map1}, {transform_indices = #map1}]} {
    %mul3A = arith.constant 16 : i32
    %mul3A_0 = arith.muli %arg0, %mul3A : i32
    %add3A = arith.addi %mul3A_0, %arg1 : i32
    %mul3A_1 = arith.constant 640 : i32
    %mul3A_2 = arith.muli %arg1, %mul3A_1 : i32
    %mul3A_3 = arith.constant 10000 : i32
    %mul3A_4 = arith.muli %add3A, %mul3A_3 : i32
    %scan3A = arith.constant 0 : i32
    %scan3A_5 = arith.constant 0 : i32
    %scan3A_6 = arith.constant 80 : i32
    %scan3A_7 = arith.addi %scan3A_5, %scan3A_6 : i32
    %scan3A_8 = arith.constant 1 : i32
    scf.for %scan3A_77 = %scan3A_5 to %scan3A_7 step %scan3A_8  : i32 {
      %broadcast_in_dim3A = arith.constant 0.000000e+00 : f32
      %broadcast_in_dim3A_78 = vector.broadcast %broadcast_in_dim3A : f32 to vector<16xf32>
      %swap3A = arith.index_cast %scan3A_77 : i32 to index
      %swap3A_79 = arith.constant 0 : index
      %swap3A_80 = tpu.vector_load %arg14[%swap3A, %swap3A_79] {strides = array<i32>} : memref<80x64xf32, #tpu.memory_space<vmem>>, vector<1x16xf32>,
      %swap3A_81 = vector.shape_cast %swap3A_80 : vector<1x16xf32> to vector<16xf32>
      %swap3A_82 = vector.shape_cast %broadcast_in_dim3A_78 : vector<16xf32> to vector<1x16xf32>
      tpu.vector_store %arg14[%swap3A, %swap3A_79], %swap3A_82 {strides = array<i32>} : memref<80x64xf32, #tpu.memory_space<vmem>>, vector<1x16xf32>,
      %broadcast_in_dim3A_83 = arith.constant 0.000000e+00 : f32
      %broadcast_in_dim3A_84 = vector.broadcast %broadcast_in_dim3A_83 : f32 to vector<16xf32>
      %swap3A_85 = arith.index_cast %scan3A_77 : i32 to index
      %swap3A_86 = arith.constant 16 : index
      %swap3A_87 = tpu.vector_load %arg14[%swap3A_85, %swap3A_86] {strides = array<i32>} : memref<80x64xf32, #tpu.memory_space<vmem>>, vector<1x16xf32>,
      %swap3A_88 = vector.shape_cast %swap3A_87 : vector<1x16xf32> to vector<16xf32>
      %swap3A_89 = vector.shape_cast %broadcast_in_dim3A_84 : vector<16xf32> to vector<1x16xf32>
      tpu.vector_store %arg14[%swap3A_85, %swap3A_86], %swap3A_89 {strides = array<i32>} : memref<80x64xf32, #tpu.memory_space<vmem>>, vector<1x16xf32>,
      %broadcast_in_dim3A_90 = arith.constant 0.000000e+00 : f32
      %broadcast_in_dim3A_91 = vector.broadcast %broadcast_in_dim3A_90 : f32 to vector<16xf32>
      %swap3A_92 = arith.index_cast %scan3A_77 : i32 to index
      %swap3A_93 = arith.constant 32 : index
      %swap3A_94 = tpu.vector_load %arg14[%swap3A_92, %swap3A_93] {strides = array<i32>} : memref<80x64xf32, #tpu.memory_space<vmem>>, vector<1x16xf32>,
      %swap3A_95 = vector.shape_cast %swap3A_94 : vector<1x16xf32> to vector<16xf32>
      %swap3A_96 = vector.shape_cast %broadcast_in_dim3A_91 : vector<16xf32> to vector<1x16xf32>
      tpu.vector_store %arg14[%swap3A_92, %swap3A_93], %swap3A_96 {strides = array<i32>} : memref<80x64xf32, #tpu.memory_space<vmem>>, vector<1x16xf32>,
      %broadcast_in_dim3A_97 = arith.constant 0.000000e+00 : f32
      %broadcast_in_dim3A_98 = vector.broadcast %broadcast_in_dim3A_97 : f32 to vector<16xf32>
      %swap3A_99 = arith.index_cast %scan3A_77 : i32 to index
      %swap3A_100 = arith.constant 48 : index
      %swap3A_101 = tpu.vector_load %arg14[%swap3A_99, %swap3A_100] {strides = array<i32>} : memref<80x64xf32, #tpu.memory_space<vmem>>, vector<1x16xf32>,
      %swap3A_102 = vector.shape_cast %swap3A_101 : vector<1x16xf32> to vector<16xf32>
      %swap3A_103 = vector.shape_cast %broadcast_in_dim3A_98 : vector<16xf32> to vector<1x16xf32>
      tpu.vector_store %arg14[%swap3A_99, %swap3A_100], %swap3A_103 {strides = array<i32>} : memref<80x64xf32, #tpu.memory_space<vmem>>, vector<1x16xf32>,
    }
    %scan3A_9 = arith.constant 80 : i32
    %add3A_10 = arith.constant 0 : i32
    %add3A_11 = arith.addi %mul3A_2, %add3A_10 : i32
    "tpu.region"() ({
      %run_scoped3A = tpu.sem_alloc : memref<!tpu.dma_semaphore, #tpu.memory_space<semaphore_mem>>
      %dma_start3A_77 = arith.constant 0 : i32
      %dma_start3A_78 = arith.constant 0 : i32
      %dma_start3A_79 = tpu.memref_slice %arg14[%dma_start3A_77, %dma_start3A_78] : memref<80x64xf32, #tpu.memory_space<vmem>> -> memref<64x64xf32, #tpu.memory_space<vmem>>
      %dma_start3A_80 = arith.constant 0 : i32
      %dma_start3A_81 = tpu.memref_slice %arg18[%add3A_11, %dma_start3A_80] : memref<10240x64xf32, #tpu.memory_space<vmem_shared>> -> memref<64x64xf32, #tpu.memory_space<vmem_shared>>
      %dma_start3A_82 = arith.constant 0 : i32
      %dma_start3A_83 = tpu.memref_slice %arg18[%add3A_11, %dma_start3A_82] : memref<10240x64xf32, #tpu.memory_space<vmem_shared>> -> memref<64x64xf32, #tpu.memory_space<vmem_shared>>
      %dma_start3A_84 = arith.constant 0 : i32
      %dma_start3A_85 = arith.constant 0 : i32
      %dma_start3A_86 = tpu.memref_slice %arg14[%dma_start3A_84, %dma_start3A_85] : memref<80x64xf32, #tpu.memory_space<vmem>> -> memref<64x64xf32, #tpu.memory_space<vmem>>
      tpu.enqueue_dma source(%dma_start3A_86 : memref<64x64xf32, #tpu.memory_space<vmem>>) target(%dma_start3A_83 : memref<64x64xf32, #tpu.memory_space<vmem_shared>>) target_semaphore(%run_scoped3A : memref<!tpu.dma_semaphore, #tpu.memory_space<semaphore_mem>>)
      %dma_wait3A_87 = arith.constant 0 : i32
      %dma_wait3A_88 = arith.constant 0 : i32
      %dma_wait3A_89 = tpu.memref_slice %arg14[%dma_wait3A_87, %dma_wait3A_88] : memref<80x64xf32, #tpu.memory_space<vmem>> -> memref<64x64xf32, #tpu.memory_space<vmem>>
      %dma_wait3A_90 = arith.constant 0 : i32
      %dma_wait3A_91 = tpu.memref_slice %arg18[%add3A_11, %dma_wait3A_90] : memref<10240x64xf32, #tpu.memory_space<vmem_shared>> -> memref<64x64xf32, #tpu.memory_space<vmem_shared>>
      %dma_wait3A_92 = arith.constant 0 : i32
      %dma_wait3A_93 = tpu.memref_slice %arg18[%add3A_11, %dma_wait3A_92] : memref<10240x64xf32, #tpu.memory_space<vmem_shared>> -> memref<64x64xf32, #tpu.memory_space<vmem_shared>>
      %dma_wait3A_94 = arith.constant 0 : i32
      %dma_wait3A_95 = arith.constant 0 : i32
      %dma_wait3A_96 = tpu.memref_slice %arg14[%dma_wait3A_94, %dma_wait3A_95] : memref<80x64xf32, #tpu.memory_space<vmem>> -> memref<64x64xf32, #tpu.memory_space<vmem>>
      tpu.wait_dma2 semaphore(%run_scoped3A : memref<!tpu.dma_semaphore, #tpu.memory_space<semaphore_mem>>) src(%dma_wait3A_96 : memref<64x64xf32, #tpu.memory_space<vmem>>) dst(%dma_wait3A_93 : memref<64x64xf32, #tpu.memory_space<vmem_shared>>)
      tpu.yield
    }) : () -> ()
    %add3A_12 = arith.constant 64 : i32
    %add3A_13 = arith.addi %mul3A_2, %add3A_12 : i32
    "tpu.region"() ({
      %run_scoped3A = tpu.sem_alloc : memref<!tpu.dma_semaphore, #tpu.memory_space<semaphore_mem>>
      %dma_start3A_77 = arith.constant 0 : i32
      %dma_start3A_78 = arith.constant 0 : i32
      %dma_start3A_79 = tpu.memref_slice %arg14[%dma_start3A_77, %dma_start3A_78] : memref<80x64xf32, #tpu.memory_space<vmem>> -> memref<64x64xf32, #tpu.memory_space<vmem>>
      %dma_start3A_80 = arith.constant 0 : i32
      %dma_start3A_81 = tpu.memref_slice %arg18[%add3A_13, %dma_start3A_80] : memref<10240x64xf32, #tpu.memory_space<vmem_shared>> -> memref<64x64xf32, #tpu.memory_space<vmem_shared>>
      %dma_start3A_82 = arith.constant 0 : i32
      %dma_start3A_83 = tpu.memref_slice %arg18[%add3A_13, %dma_start3A_82] : memref<10240x64xf32, #tpu.memory_space<vmem_shared>> -> memref<64x64xf32, #tpu.memory_space<vmem_shared>>
      %dma_start3A_84 = arith.constant 0 : i32
      %dma_start3A_85 = arith.constant 0 : i32
      %dma_start3A_86 = tpu.memref_slice %arg14[%dma_start3A_84, %dma_start3A_85] : memref<80x64xf32, #tpu.memory_space<vmem>> -> memref<64x64xf32, #tpu.memory_space<vmem>>
      tpu.enqueue_dma source(%dma_start3A_86 : memref<64x64xf32, #tpu.memory_space<vmem>>) target(%dma_start3A_83 : memref<64x64xf32, #tpu.memory_space<vmem_shared>>) target_semaphore(%run_scoped3A : memref<!tpu.dma_semaphore, #tpu.memory_space<semaphore_mem>>)
      %dma_wait3A_87 = arith.constant 0 : i32
      %dma_wait3A_88 = arith.constant 0 : i32
      %dma_wait3A_89 = tpu.memref_slice %arg14[%dma_wait3A_87, %dma_wait3A_88] : memref<80x64xf32, #tpu.memory_space<vmem>> -> memref<64x64xf32, #tpu.memory_space<vmem>>
      %dma_wait3A_90 = arith.constant 0 : i32
      %dma_wait3A_91 = tpu.memref_slice %arg18[%add3A_13, %dma_wait3A_90] : memref<10240x64xf32, #tpu.memory_space<vmem_shared>> -> memref<64x64xf32, #tpu.memory_space<vmem_shared>>
      %dma_wait3A_92 = arith.constant 0 : i32
      %dma_wait3A_93 = tpu.memref_slice %arg18[%add3A_13, %dma_wait3A_92] : memref<10240x64xf32, #tpu.memory_space<vmem_shared>> -> memref<64x64xf32, #tpu.memory_space<vmem_shared>>
      %dma_wait3A_94 = arith.constant 0 : i32
      %dma_wait3A_95 = arith.constant 0 : i32
      %dma_wait3A_96 = tpu.memref_slice %arg14[%dma_wait3A_94, %dma_wait3A_95] : memref<80x64xf32, #tpu.memory_space<vmem>> -> memref<64x64xf32, #tpu.memory_space<vmem>>
      tpu.wait_dma2 semaphore(%run_scoped3A : memref<!tpu.dma_semaphore, #tpu.memory_space<semaphore_mem>>) src(%dma_wait3A_96 : memref<64x64xf32, #tpu.memory_space<vmem>>) dst(%dma_wait3A_93 : memref<64x64xf32, #tpu.memory_space<vmem_shared>>)
      tpu.yield
    }) : () -> ()
    %add3A_14 = arith.constant 128 : i32
    %add3A_15 = arith.addi %mul3A_2, %add3A_14 : i32
    "tpu.region"() ({
      %run_scoped3A = tpu.sem_alloc : memref<!tpu.dma_semaphore, #tpu.memory_space<semaphore_mem>>
      %dma_start3A_77 = arith.constant 0 : i32
      %dma_start3A_78 = arith.constant 0 : i32
      %dma_start3A_79 = tpu.memref_slice %arg14[%dma_start3A_77, %dma_start3A_78] : memref<80x64xf32, #tpu.memory_space<vmem>> -> memref<64x64xf32, #tpu.memory_space<vmem>>
      %dma_start3A_80 = arith.constant 0 : i32
      %dma_start3A_81 = tpu.memref_slice %arg18[%add3A_15, %dma_start3A_80] : memref<10240x64xf32, #tpu.memory_space<vmem_shared>> -> memref<64x64xf32, #tpu.memory_space<vmem_shared>>
      %dma_start3A_82 = arith.constant 0 : i32
      %dma_start3A_83 = tpu.memref_slice %arg18[%add3A_15, %dma_start3A_82] : memref<10240x64xf32, #tpu.memory_space<vmem_shared>> -> memref<64x64xf32, #tpu.memory_space<vmem_shared>>
      %dma_start3A_84 = arith.constant 0 : i32
      %dma_start3A_85 = arith.constant 0 : i32
      %dma_start3A_86 = tpu.memref_slice %arg14[%dma_start3A_84, %dma_start3A_85] : memref<80x64xf32, #tpu.memory_space<vmem>> -> memref<64x64xf32, #tpu.memory_space<vmem>>
      tpu.enqueue_dma source(%dma_start3A_86 : memref<64x64xf32, #tpu.memory_space<vmem>>) target(%dma_start3A_83 : memref<64x64xf32, #tpu.memory_space<vmem_shared>>) target_semaphore(%run_scoped3A : memref<!tpu.dma_semaphore, #tpu.memory_space<semaphore_mem>>)
      %dma_wait3A_87 = arith.constant 0 : i32
      %dma_wait3A_88 = arith.constant 0 : i32
      %dma_wait3A_89 = tpu.memref_slice %arg14[%dma_wait3A_87, %dma_wait3A_88] : memref<80x64xf32, #tpu.memory_space<vmem>> -> memref<64x64xf32, #tpu.memory_space<vmem>>
      %dma_wait3A_90 = arith.constant 0 : i32
      %dma_wait3A_91 = tpu.memref_slice %arg18[%add3A_15, %dma_wait3A_90] : memref<10240x64xf32, #tpu.memory_space<vmem_shared>> -> memref<64x64xf32, #tpu.memory_space<vmem_shared>>
      %dma_wait3A_92 = arith.constant 0 : i32
      %dma_wait3A_93 = tpu.memref_slice %arg18[%add3A_15, %dma_wait3A_92] : memref<10240x64xf32, #tpu.memory_space<vmem_shared>> -> memref<64x64xf32, #tpu.memory_space<vmem_shared>>
      %dma_wait3A_94 = arith.constant 0 : i32
      %dma_wait3A_95 = arith.constant 0 : i32
      %dma_wait3A_96 = tpu.memref_slice %arg14[%dma_wait3A_94, %dma_wait3A_95] : memref<80x64xf32, #tpu.memory_space<vmem>> -> memref<64x64xf32, #tpu.memory_space<vmem>>
      tpu.wait_dma2 semaphore(%run_scoped3A : memref<!tpu.dma_semaphore, #tpu.memory_space<semaphore_mem>>) src(%dma_wait3A_96 : memref<64x64xf32, #tpu.memory_space<vmem>>) dst(%dma_wait3A_93 : memref<64x64xf32, #tpu.memory_space<vmem_shared>>)
      tpu.yield
    }) : () -> ()
    %add3A_16 = arith.constant 192 : i32
    %add3A_17 = arith.addi %mul3A_2, %add3A_16 : i32
    "tpu.region"() ({
      %run_scoped3A = tpu.sem_alloc : memref<!tpu.dma_semaphore, #tpu.memory_space<semaphore_mem>>
      %dma_start3A_77 = arith.constant 0 : i32
      %dma_start3A_78 = arith.constant 0 : i32
      %dma_start3A_79 = tpu.memref_slice %arg14[%dma_start3A_77, %dma_start3A_78] : memref<80x64xf32, #tpu.memory_space<vmem>> -> memref<64x64xf32, #tpu.memory_space<vmem>>
      %dma_start3A_80 = arith.constant 0 : i32
      %dma_start3A_81 = tpu.memref_slice %arg18[%add3A_17, %dma_start3A_80] : memref<10240x64xf32, #tpu.memory_space<vmem_shared>> -> memref<64x64xf32, #tpu.memory_space<vmem_shared>>
      %dma_start3A_82 = arith.constant 0 : i32
      %dma_start3A_83 = tpu.memref_slice %arg18[%add3A_17, %dma_start3A_82] : memref<10240x64xf32, #tpu.memory_space<vmem_shared>> -> memref<64x64xf32, #tpu.memory_space<vmem_shared>>
      %dma_start3A_84 = arith.constant 0 : i32
      %dma_start3A_85 = arith.constant 0 : i32
      %dma_start3A_86 = tpu.memref_slice %arg14[%dma_start3A_84, %dma_start3A_85] : memref<80x64xf32, #tpu.memory_space<vmem>> -> memref<64x64xf32, #tpu.memory_space<vmem>>
      tpu.enqueue_dma source(%dma_start3A_86 : memref<64x64xf32, #tpu.memory_space<vmem>>) target(%dma_start3A_83 : memref<64x64xf32, #tpu.memory_space<vmem_shared>>) target_semaphore(%run_scoped3A : memref<!tpu.dma_semaphore, #tpu.memory_space<semaphore_mem>>)
      %dma_wait3A_87 = arith.constant 0 : i32
      %dma_wait3A_88 = arith.constant 0 : i32
      %dma_wait3A_89 = tpu.memref_slice %arg14[%dma_wait3A_87, %dma_wait3A_88] : memref<80x64xf32, #tpu.memory_space<vmem>> -> memref<64x64xf32, #tpu.memory_space<vmem>>
      %dma_wait3A_90 = arith.constant 0 : i32
      %dma_wait3A_91 = tpu.memref_slice %arg18[%add3A_17, %dma_wait3A_90] : memref<10240x64xf32, #tpu.memory_space<vmem_shared>> -> memref<64x64xf32, #tpu.memory_space<vmem_shared>>
      %dma_wait3A_92 = arith.constant 0 : i32
      %dma_wait3A_93 = tpu.memref_slice %arg18[%add3A_17, %dma_wait3A_92] : memref<10240x64xf32, #tpu.memory_space<vmem_shared>> -> memref<64x64xf32, #tpu.memory_space<vmem_shared>>
      %dma_wait3A_94 = arith.constant 0 : i32
      %dma_wait3A_95 = arith.constant 0 : i32
      %dma_wait3A_96 = tpu.memref_slice %arg14[%dma_wait3A_94, %dma_wait3A_95] : memref<80x64xf32, #tpu.memory_space<vmem>> -> memref<64x64xf32, #tpu.memory_space<vmem>>
      tpu.wait_dma2 semaphore(%run_scoped3A : memref<!tpu.dma_semaphore, #tpu.memory_space<semaphore_mem>>) src(%dma_wait3A_96 : memref<64x64xf32, #tpu.memory_space<vmem>>) dst(%dma_wait3A_93 : memref<64x64xf32, #tpu.memory_space<vmem_shared>>)
      tpu.yield
    }) : () -> ()
    %add3A_18 = arith.constant 256 : i32
    %add3A_19 = arith.addi %mul3A_2, %add3A_18 : i32
    "tpu.region"() ({
      %run_scoped3A = tpu.sem_alloc : memref<!tpu.dma_semaphore, #tpu.memory_space<semaphore_mem>>
      %dma_start3A_77 = arith.constant 0 : i32
      %dma_start3A_78 = arith.constant 0 : i32
      %dma_start3A_79 = tpu.memref_slice %arg14[%dma_start3A_77, %dma_start3A_78] : memref<80x64xf32, #tpu.memory_space<vmem>> -> memref<64x64xf32, #tpu.memory_space<vmem>>
      %dma_start3A_80 = arith.constant 0 : i32
      %dma_start3A_81 = tpu.memref_slice %arg18[%add3A_19, %dma_start3A_80] : memref<10240x64xf32, #tpu.memory_space<vmem_shared>> -> memref<64x64xf32, #tpu.memory_space<vmem_shared>>
      %dma_start3A_82 = arith.constant 0 : i32
      %dma_start3A_83 = tpu.memref_slice %arg18[%add3A_19, %dma_start3A_82] : memref<10240x64xf32, #tpu.memory_space<vmem_shared>> -> memref<64x64xf32, #tpu.memory_space<vmem_shared>>
      %dma_start3A_84 = arith.constant 0 : i32
      %dma_start3A_85 = arith.constant 0 : i32
      %dma_start3A_86 = tpu.memref_slice %arg14[%dma_start3A_84, %dma_start3A_85] : memref<80x64xf32, #tpu.memory_space<vmem>> -> memref<64x64xf32, #tpu.memory_space<vmem>>
      tpu.enqueue_dma source(%dma_start3A_86 : memref<64x64xf32, #tpu.memory_space<vmem>>) target(%dma_start3A_83 : memref<64x64xf32, #tpu.memory_space<vmem_shared>>) target_semaphore(%run_scoped3A : memref<!tpu.dma_semaphore, #tpu.memory_space<semaphore_mem>>)
      %dma_wait3A_87 = arith.constant 0 : i32
      %dma_wait3A_88 = arith.constant 0 : i32
      %dma_wait3A_89 = tpu.memref_slice %arg14[%dma_wait3A_87, %dma_wait3A_88] : memref<80x64xf32, #tpu.memory_space<vmem>> -> memref<64x64xf32, #tpu.memory_space<vmem>>
      %dma_wait3A_90 = arith.constant 0 : i32
      %dma_wait3A_91 = tpu.memref_slice %arg18[%add3A_19, %dma_wait3A_90] : memref<10240x64xf32, #tpu.memory_space<vmem_shared>> -> memref<64x64xf32, #tpu.memory_space<vmem_shared>>
      %dma_wait3A_92 = arith.constant 0 : i32
      %dma_wait3A_93 = tpu.memref_slice %arg18[%add3A_19, %dma_wait3A_92] : memref<10240x64xf32, #tpu.memory_space<vmem_shared>> -> memref<64x64xf32, #tpu.memory_space<vmem_shared>>
      %dma_wait3A_94 = arith.constant 0 : i32
      %dma_wait3A_95 = arith.constant 0 : i32
      %dma_wait3A_96 = tpu.memref_slice %arg14[%dma_wait3A_94, %dma_wait3A_95] : memref<80x64xf32, #tpu.memory_space<vmem>> -> memref<64x64xf32, #tpu.memory_space<vmem>>
      tpu.wait_dma2 semaphore(%run_scoped3A : memref<!tpu.dma_semaphore, #tpu.memory_space<semaphore_mem>>) src(%dma_wait3A_96 : memref<64x64xf32, #tpu.memory_space<vmem>>) dst(%dma_wait3A_93 : memref<64x64xf32, #tpu.memory_space<vmem_shared>>)
      tpu.yield
    }) : () -> ()
    %add3A_20 = arith.constant 320 : i32
    %add3A_21 = arith.addi %mul3A_2, %add3A_20 : i32
    "tpu.region"() ({
      %run_scoped3A = tpu.sem_alloc : memref<!tpu.dma_semaphore, #tpu.memory_space<semaphore_mem>>
      %dma_start3A_77 = arith.constant 0 : i32
      %dma_start3A_78 = arith.constant 0 : i32
      %dma_start3A_79 = tpu.memref_slice %arg14[%dma_start3A_77, %dma_start3A_78] : memref<80x64xf32, #tpu.memory_space<vmem>> -> memref<64x64xf32, #tpu.memory_space<vmem>>
      %dma_start3A_80 = arith.constant 0 : i32
      %dma_start3A_81 = tpu.memref_slice %arg18[%add3A_21, %dma_start3A_80] : memref<10240x64xf32, #tpu.memory_space<vmem_shared>> -> memref<64x64xf32, #tpu.memory_space<vmem_shared>>
      %dma_start3A_82 = arith.constant 0 : i32
      %dma_start3A_83 = tpu.memref_slice %arg18[%add3A_21, %dma_start3A_82] : memref<10240x64xf32, #tpu.memory_space<vmem_shared>> -> memref<64x64xf32, #tpu.memory_space<vmem_shared>>
      %dma_start3A_84 = arith.constant 0 : i32
      %dma_start3A_85 = arith.constant 0 : i32
      %dma_start3A_86 = tpu.memref_slice %arg14[%dma_start3A_84, %dma_start3A_85] : memref<80x64xf32, #tpu.memory_space<vmem>> -> memref<64x64xf32, #tpu.memory_space<vmem>>
      tpu.enqueue_dma source(%dma_start3A_86 : memref<64x64xf32, #tpu.memory_space<vmem>>) target(%dma_start3A_83 : memref<64x64xf32, #tpu.memory_space<vmem_shared>>) target_semaphore(%run_scoped3A : memref<!tpu.dma_semaphore, #tpu.memory_space<semaphore_mem>>)
      %dma_wait3A_87 = arith.constant 0 : i32
      %dma_wait3A_88 = arith.constant 0 : i32
      %dma_wait3A_89 = tpu.memref_slice %arg14[%dma_wait3A_87, %dma_wait3A_88] : memref<80x64xf32, #tpu.memory_space<vmem>> -> memref<64x64xf32, #tpu.memory_space<vmem>>
      %dma_wait3A_90 = arith.constant 0 : i32
      %dma_wait3A_91 = tpu.memref_slice %arg18[%add3A_21, %dma_wait3A_90] : memref<10240x64xf32, #tpu.memory_space<vmem_shared>> -> memref<64x64xf32, #tpu.memory_space<vmem_shared>>
      %dma_wait3A_92 = arith.constant 0 : i32
      %dma_wait3A_93 = tpu.memref_slice %arg18[%add3A_21, %dma_wait3A_92] : memref<10240x64xf32, #tpu.memory_space<vmem_shared>> -> memref<64x64xf32, #tpu.memory_space<vmem_shared>>
      %dma_wait3A_94 = arith.constant 0 : i32
      %dma_wait3A_95 = arith.constant 0 : i32
      %dma_wait3A_96 = tpu.memref_slice %arg14[%dma_wait3A_94, %dma_wait3A_95] : memref<80x64xf32, #tpu.memory_space<vmem>> -> memref<64x64xf32, #tpu.memory_space<vmem>>
      tpu.wait_dma2 semaphore(%run_scoped3A : memref<!tpu.dma_semaphore, #tpu.memory_space<semaphore_mem>>) src(%dma_wait3A_96 : memref<64x64xf32, #tpu.memory_space<vmem>>) dst(%dma_wait3A_93 : memref<64x64xf32, #tpu.memory_space<vmem_shared>>)
      tpu.yield
    }) : () -> ()
    %add3A_22 = arith.constant 384 : i32
    %add3A_23 = arith.addi %mul3A_2, %add3A_22 : i32
    "tpu.region"() ({
      %run_scoped3A = tpu.sem_alloc : memref<!tpu.dma_semaphore, #tpu.memory_space<semaphore_mem>>
      %dma_start3A_77 = arith.constant 0 : i32
      %dma_start3A_78 = arith.constant 0 : i32
      %dma_start3A_79 = tpu.memref_slice %arg14[%dma_start3A_77, %dma_start3A_78] : memref<80x64xf32, #tpu.memory_space<vmem>> -> memref<64x64xf32, #tpu.memory_space<vmem>>
      %dma_start3A_80 = arith.constant 0 : i32
      %dma_start3A_81 = tpu.memref_slice %arg18[%add3A_23, %dma_start3A_80] : memref<10240x64xf32, #tpu.memory_space<vmem_shared>> -> memref<64x64xf32, #tpu.memory_space<vmem_shared>>
      %dma_start3A_82 = arith.constant 0 : i32
      %dma_start3A_83 = tpu.memref_slice %arg18[%add3A_23, %dma_start3A_82] : memref<10240x64xf32, #tpu.memory_space<vmem_shared>> -> memref<64x64xf32, #tpu.memory_space<vmem_shared>>
      %dma_start3A_84 = arith.constant 0 : i32
      %dma_start3A_85 = arith.constant 0 : i32
      %dma_start3A_86 = tpu.memref_slice %arg14[%dma_start3A_84, %dma_start3A_85] : memref<80x64xf32, #tpu.memory_space<vmem>> -> memref<64x64xf32, #tpu.memory_space<vmem>>
      tpu.enqueue_dma source(%dma_start3A_86 : memref<64x64xf32, #tpu.memory_space<vmem>>) target(%dma_start3A_83 : memref<64x64xf32, #tpu.memory_space<vmem_shared>>) target_semaphore(%run_scoped3A : memref<!tpu.dma_semaphore, #tpu.memory_space<semaphore_mem>>)
      %dma_wait3A_87 = arith.constant 0 : i32
      %dma_wait3A_88 = arith.constant 0 : i32
      %dma_wait3A_89 = tpu.memref_slice %arg14[%dma_wait3A_87, %dma_wait3A_88] : memref<80x64xf32, #tpu.memory_space<vmem>> -> memref<64x64xf32, #tpu.memory_space<vmem>>
      %dma_wait3A_90 = arith.constant 0 : i32
      %dma_wait3A_91 = tpu.memref_slice %arg18[%add3A_23, %dma_wait3A_90] : memref<10240x64xf32, #tpu.memory_space<vmem_shared>> -> memref<64x64xf32, #tpu.memory_space<vmem_shared>>
      %dma_wait3A_92 = arith.constant 0 : i32
      %dma_wait3A_93 = tpu.memref_slice %arg18[%add3A_23, %dma_wait3A_92] : memref<10240x64xf32, #tpu.memory_space<vmem_shared>> -> memref<64x64xf32, #tpu.memory_space<vmem_shared>>
      %dma_wait3A_94 = arith.constant 0 : i32
      %dma_wait3A_95 = arith.constant 0 : i32
      %dma_wait3A_96 = tpu.memref_slice %arg14[%dma_wait3A_94, %dma_wait3A_95] : memref<80x64xf32, #tpu.memory_space<vmem>> -> memref<64x64xf32, #tpu.memory_space<vmem>>
      tpu.wait_dma2 semaphore(%run_scoped3A : memref<!tpu.dma_semaphore, #tpu.memory_space<semaphore_mem>>) src(%dma_wait3A_96 : memref<64x64xf32, #tpu.memory_space<vmem>>) dst(%dma_wait3A_93 : memref<64x64xf32, #tpu.memory_space<vmem_shared>>)
      tpu.yield
    }) : () -> ()
    %add3A_24 = arith.constant 448 : i32
    %add3A_25 = arith.addi %mul3A_2, %add3A_24 : i32
    "tpu.region"() ({
      %run_scoped3A = tpu.sem_alloc : memref<!tpu.dma_semaphore, #tpu.memory_space<semaphore_mem>>
      %dma_start3A_77 = arith.constant 0 : i32
      %dma_start3A_78 = arith.constant 0 : i32
      %dma_start3A_79 = tpu.memref_slice %arg14[%dma_start3A_77, %dma_start3A_78] : memref<80x64xf32, #tpu.memory_space<vmem>> -> memref<64x64xf32, #tpu.memory_space<vmem>>
      %dma_start3A_80 = arith.constant 0 : i32
      %dma_start3A_81 = tpu.memref_slice %arg18[%add3A_25, %dma_start3A_80] : memref<10240x64xf32, #tpu.memory_space<vmem_shared>> -> memref<64x64xf32, #tpu.memory_space<vmem_shared>>
      %dma_start3A_82 = arith.constant 0 : i32
      %dma_start3A_83 = tpu.memref_slice %arg18[%add3A_25, %dma_start3A_82] : memref<10240x64xf32, #tpu.memory_space<vmem_shared>> -> memref<64x64xf32, #tpu.memory_space<vmem_shared>>
      %dma_start3A_84 = arith.constant 0 : i32
      %dma_start3A_85 = arith.constant 0 : i32
      %dma_start3A_86 = tpu.memref_slice %arg14[%dma_start3A_84, %dma_start3A_85] : memref<80x64xf32, #tpu.memory_space<vmem>> -> memref<64x64xf32, #tpu.memory_space<vmem>>
      tpu.enqueue_dma source(%dma_start3A_86 : memref<64x64xf32, #tpu.memory_space<vmem>>) target(%dma_start3A_83 : memref<64x64xf32, #tpu.memory_space<vmem_shared>>) target_semaphore(%run_scoped3A : memref<!tpu.dma_semaphore, #tpu.memory_space<semaphore_mem>>)
      %dma_wait3A_87 = arith.constant 0 : i32
      %dma_wait3A_88 = arith.constant 0 : i32
      %dma_wait3A_89 = tpu.memref_slice %arg14[%dma_wait3A_87, %dma_wait3A_88] : memref<80x64xf32, #tpu.memory_space<vmem>> -> memref<64x64xf32, #tpu.memory_space<vmem>>
      %dma_wait3A_90 = arith.constant 0 : i32
      %dma_wait3A_91 = tpu.memref_slice %arg18[%add3A_25, %dma_wait3A_90] : memref<10240x64xf32, #tpu.memory_space<vmem_shared>> -> memref<64x64xf32, #tpu.memory_space<vmem_shared>>
      %dma_wait3A_92 = arith.constant 0 : i32
      %dma_wait3A_93 = tpu.memref_slice %arg18[%add3A_25, %dma_wait3A_92] : memref<10240x64xf32, #tpu.memory_space<vmem_shared>> -> memref<64x64xf32, #tpu.memory_space<vmem_shared>>
      %dma_wait3A_94 = arith.constant 0 : i32
      %dma_wait3A_95 = arith.constant 0 : i32
      %dma_wait3A_96 = tpu.memref_slice %arg14[%dma_wait3A_94, %dma_wait3A_95] : memref<80x64xf32, #tpu.memory_space<vmem>> -> memref<64x64xf32, #tpu.memory_space<vmem>>
      tpu.wait_dma2 semaphore(%run_scoped3A : memref<!tpu.dma_semaphore, #tpu.memory_space<semaphore_mem>>) src(%dma_wait3A_96 : memref<64x64xf32, #tpu.memory_space<vmem>>) dst(%dma_wait3A_93 : memref<64x64xf32, #tpu.memory_space<vmem_shared>>)
      tpu.yield
    }) : () -> ()
    %add3A_26 = arith.constant 512 : i32
    %add3A_27 = arith.addi %mul3A_2, %add3A_26 : i32
    "tpu.region"() ({
      %run_scoped3A = tpu.sem_alloc : memref<!tpu.dma_semaphore, #tpu.memory_space<semaphore_mem>>
      %dma_start3A_77 = arith.constant 0 : i32
      %dma_start3A_78 = arith.constant 0 : i32
      %dma_start3A_79 = tpu.memref_slice %arg14[%dma_start3A_77, %dma_start3A_78] : memref<80x64xf32, #tpu.memory_space<vmem>> -> memref<64x64xf32, #tpu.memory_space<vmem>>
      %dma_start3A_80 = arith.constant 0 : i32
      %dma_start3A_81 = tpu.memref_slice %arg18[%add3A_27, %dma_start3A_80] : memref<10240x64xf32, #tpu.memory_space<vmem_shared>> -> memref<64x64xf32, #tpu.memory_space<vmem_shared>>
      %dma_start3A_82 = arith.constant 0 : i32
      %dma_start3A_83 = tpu.memref_slice %arg18[%add3A_27, %dma_start3A_82] : memref<10240x64xf32, #tpu.memory_space<vmem_shared>> -> memref<64x64xf32, #tpu.memory_space<vmem_shared>>
      %dma_start3A_84 = arith.constant 0 : i32
      %dma_start3A_85 = arith.constant 0 : i32
      %dma_start3A_86 = tpu.memref_slice %arg14[%dma_start3A_84, %dma_start3A_85] : memref<80x64xf32, #tpu.memory_space<vmem>> -> memref<64x64xf32, #tpu.memory_space<vmem>>
      tpu.enqueue_dma source(%dma_start3A_86 : memref<64x64xf32, #tpu.memory_space<vmem>>) target(%dma_start3A_83 : memref<64x64xf32, #tpu.memory_space<vmem_shared>>) target_semaphore(%run_scoped3A : memref<!tpu.dma_semaphore, #tpu.memory_space<semaphore_mem>>)
      %dma_wait3A_87 = arith.constant 0 : i32
      %dma_wait3A_88 = arith.constant 0 : i32
      %dma_wait3A_89 = tpu.memref_slice %arg14[%dma_wait3A_87, %dma_wait3A_88] : memref<80x64xf32, #tpu.memory_space<vmem>> -> memref<64x64xf32, #tpu.memory_space<vmem>>
      %dma_wait3A_90 = arith.constant 0 : i32
      %dma_wait3A_91 = tpu.memref_slice %arg18[%add3A_27, %dma_wait3A_90] : memref<10240x64xf32, #tpu.memory_space<vmem_shared>> -> memref<64x64xf32, #tpu.memory_space<vmem_shared>>
      %dma_wait3A_92 = arith.constant 0 : i32
      %dma_wait3A_93 = tpu.memref_slice %arg18[%add3A_27, %dma_wait3A_92] : memref<10240x64xf32, #tpu.memory_space<vmem_shared>> -> memref<64x64xf32, #tpu.memory_space<vmem_shared>>
      %dma_wait3A_94 = arith.constant 0 : i32
      %dma_wait3A_95 = arith.constant 0 : i32
      %dma_wait3A_96 = tpu.memref_slice %arg14[%dma_wait3A_94, %dma_wait3A_95] : memref<80x64xf32, #tpu.memory_space<vmem>> -> memref<64x64xf32, #tpu.memory_space<vmem>>
      tpu.wait_dma2 semaphore(%run_scoped3A : memref<!tpu.dma_semaphore, #tpu.memory_space<semaphore_mem>>) src(%dma_wait3A_96 : memref<64x64xf32, #tpu.memory_space<vmem>>) dst(%dma_wait3A_93 : memref<64x64xf32, #tpu.memory_space<vmem_shared>>)
      tpu.yield
    }) : () -> ()
    %add3A_28 = arith.constant 576 : i32
    %add3A_29 = arith.addi %mul3A_2, %add3A_28 : i32
    "tpu.region"() ({
      %run_scoped3A = tpu.sem_alloc : memref<!tpu.dma_semaphore, #tpu.memory_space<semaphore_mem>>
      %dma_start3A_77 = arith.constant 0 : i32
      %dma_start3A_78 = arith.constant 0 : i32
      %dma_start3A_79 = tpu.memref_slice %arg14[%dma_start3A_77, %dma_start3A_78] : memref<80x64xf32, #tpu.memory_space<vmem>> -> memref<64x64xf32, #tpu.memory_space<vmem>>
      %dma_start3A_80 = arith.constant 0 : i32
      %dma_start3A_81 = tpu.memref_slice %arg18[%add3A_29, %dma_start3A_80] : memref<10240x64xf32, #tpu.memory_space<vmem_shared>> -> memref<64x64xf32, #tpu.memory_space<vmem_shared>>
      %dma_start3A_82 = arith.constant 0 : i32
      %dma_start3A_83 = tpu.memref_slice %arg18[%add3A_29, %dma_start3A_82] : memref<10240x64xf32, #tpu.memory_space<vmem_shared>> -> memref<64x64xf32, #tpu.memory_space<vmem_shared>>
      %dma_start3A_84 = arith.constant 0 : i32
      %dma_start3A_85 = arith.constant 0 : i32
      %dma_start3A_86 = tpu.memref_slice %arg14[%dma_start3A_84, %dma_start3A_85] : memref<80x64xf32, #tpu.memory_space<vmem>> -> memref<64x64xf32, #tpu.memory_space<vmem>>
      tpu.enqueue_dma source(%dma_start3A_86 : memref<64x64xf32, #tpu.memory_space<vmem>>) target(%dma_start3A_83 : memref<64x64xf32, #tpu.memory_space<vmem_shared>>) target_semaphore(%run_scoped3A : memref<!tpu.dma_semaphore, #tpu.memory_space<semaphore_mem>>)
      %dma_wait3A_87 = arith.constant 0 : i32
      %dma_wait3A_88 = arith.constant 0 : i32
      %dma_wait3A_89 = tpu.memref_slice %arg14[%dma_wait3A_87, %dma_wait3A_88] : memref<80x64xf32, #tpu.memory_space<vmem>> -> memref<64x64xf32, #tpu.memory_space<vmem>>
      %dma_wait3A_90 = arith.constant 0 : i32
      %dma_wait3A_91 = tpu.memref_slice %arg18[%add3A_29, %dma_wait3A_90] : memref<10240x64xf32, #tpu.memory_space<vmem_shared>> -> memref<64x64xf32, #tpu.memory_space<vmem_shared>>
      %dma_wait3A_92 = arith.constant 0 : i32
      %dma_wait3A_93 = tpu.memref_slice %arg18[%add3A_29, %dma_wait3A_92] : memref<10240x64xf32, #tpu.memory_space<vmem_shared>> -> memref<64x64xf32, #tpu.memory_space<vmem_shared>>
      %dma_wait3A_94 = arith.constant 0 : i32
      %dma_wait3A_95 = arith.constant 0 : i32
      %dma_wait3A_96 = tpu.memref_slice %arg14[%dma_wait3A_94, %dma_wait3A_95] : memref<80x64xf32, #tpu.memory_space<vmem>> -> memref<64x64xf32, #tpu.memory_space<vmem>>
      tpu.wait_dma2 semaphore(%run_scoped3A : memref<!tpu.dma_semaphore, #tpu.memory_space<semaphore_mem>>) src(%dma_wait3A_96 : memref<64x64xf32, #tpu.memory_space<vmem>>) dst(%dma_wait3A_93 : memref<64x64xf32, #tpu.memory_space<vmem_shared>>)
      tpu.yield
    }) : () -> ()
    %barrier3A = arith.constant 0 : index
    tpu.barrier barrier_id(%barrier3A)
    %add3A_30 = arith.constant 0 : i32
    %add3A_31 = arith.addi %mul3A_4, %add3A_30 : i32
    %dma_start3A = tpu.memref_slice %arg2[%add3A_31] : memref<320000xi32, #tpu.memory_space<hbm>> -> memref<80xi32, #tpu.memory_space<hbm>>
    %dma_start3A_32 = tpu.memref_slice %arg2[%add3A_31] : memref<320000xi32, #tpu.memory_space<hbm>> -> memref<80xi32, #tpu.memory_space<hbm>>
    tpu.enqueue_dma source(%dma_start3A_32 : memref<80xi32, #tpu.memory_space<hbm>>) target(%arg6 : memref<80xi32, #tpu.memory_space<vmem>>) target_semaphore(%arg19 : memref<!tpu.dma_semaphore, #tpu.memory_space<semaphore_mem>>)
    %dma_start3A_33 = tpu.memref_slice %arg3[%add3A_31] : memref<320000xi32, #tpu.memory_space<hbm>> -> memref<80xi32, #tpu.memory_space<hbm>>
    %dma_start3A_34 = tpu.memref_slice %arg3[%add3A_31] : memref<320000xi32, #tpu.memory_space<hbm>> -> memref<80xi32, #tpu.memory_space<hbm>>
    tpu.enqueue_dma source(%dma_start3A_34 : memref<80xi32, #tpu.memory_space<hbm>>) target(%arg10 : memref<80xi32, #tpu.memory_space<vmem>>) target_semaphore(%arg19 : memref<!tpu.dma_semaphore, #tpu.memory_space<semaphore_mem>>)
    %add3A_35 = arith.constant 80 : i32
    %add3A_36 = arith.addi %mul3A_4, %add3A_35 : i32
    %dma_start3A_37 = tpu.memref_slice %arg2[%add3A_36] : memref<320000xi32, #tpu.memory_space<hbm>> -> memref<80xi32, #tpu.memory_space<hbm>>
    %dma_start3A_38 = tpu.memref_slice %arg2[%add3A_36] : memref<320000xi32, #tpu.memory_space<hbm>> -> memref<80xi32, #tpu.memory_space<hbm>>
    tpu.enqueue_dma source(%dma_start3A_38 : memref<80xi32, #tpu.memory_space<hbm>>) target(%arg7 : memref<80xi32, #tpu.memory_space<vmem>>) target_semaphore(%arg20 : memref<!tpu.dma_semaphore, #tpu.memory_space<semaphore_mem>>)
    %dma_start3A_39 = tpu.memref_slice %arg3[%add3A_36] : memref<320000xi32, #tpu.memory_space<hbm>> -> memref<80xi32, #tpu.memory_space<hbm>>
    %dma_start3A_40 = tpu.memref_slice %arg3[%add3A_36] : memref<320000xi32, #tpu.memory_space<hbm>> -> memref<80xi32, #tpu.memory_space<hbm>>
    tpu.enqueue_dma source(%dma_start3A_40 : memref<80xi32, #tpu.memory_space<hbm>>) target(%arg11 : memref<80xi32, #tpu.memory_space<vmem>>) target_semaphore(%arg20 : memref<!tpu.dma_semaphore, #tpu.memory_space<semaphore_mem>>)
    %add3A_41 = arith.constant 160 : i32
    %add3A_42 = arith.addi %mul3A_4, %add3A_41 : i32
    %dma_start3A_43 = tpu.memref_slice %arg2[%add3A_42] : memref<320000xi32, #tpu.memory_space<hbm>> -> memref<80xi32, #tpu.memory_space<hbm>>
    %dma_start3A_44 = tpu.memref_slice %arg2[%add3A_42] : memref<320000xi32, #tpu.memory_space<hbm>> -> memref<80xi32, #tpu.memory_space<hbm>>
    tpu.enqueue_dma source(%dma_start3A_44 : memref<80xi32, #tpu.memory_space<hbm>>) target(%arg8 : memref<80xi32, #tpu.memory_space<vmem>>) target_semaphore(%arg21 : memref<!tpu.dma_semaphore, #tpu.memory_space<semaphore_mem>>)
    %dma_start3A_45 = tpu.memref_slice %arg3[%add3A_42] : memref<320000xi32, #tpu.memory_space<hbm>> -> memref<80xi32, #tpu.memory_space<hbm>>
    %dma_start3A_46 = tpu.memref_slice %arg3[%add3A_42] : memref<320000xi32, #tpu.memory_space<hbm>> -> memref<80xi32, #tpu.memory_space<hbm>>
    tpu.enqueue_dma source(%dma_start3A_46 : memref<80xi32, #tpu.memory_space<hbm>>) target(%arg12 : memref<80xi32, #tpu.memory_space<vmem>>) target_semaphore(%arg21 : memref<!tpu.dma_semaphore, #tpu.memory_space<semaphore_mem>>)
    %add3A_47 = arith.constant 0 : i32
    %add3A_48 = arith.addi %mul3A_4, %add3A_47 : i32
    %dma_wait3A = tpu.memref_slice %arg2[%add3A_48] : memref<320000xi32, #tpu.memory_space<hbm>> -> memref<80xi32, #tpu.memory_space<hbm>>
    %dma_wait3A_49 = tpu.memref_slice %arg2[%add3A_48] : memref<320000xi32, #tpu.memory_space<hbm>> -> memref<80xi32, #tpu.memory_space<hbm>>
    tpu.wait_dma2 semaphore(%arg19 : memref<!tpu.dma_semaphore, #tpu.memory_space<semaphore_mem>>) src(%dma_wait3A_49 : memref<80xi32, #tpu.memory_space<hbm>>) dst(%arg6 : memref<80xi32, #tpu.memory_space<vmem>>)
    %dma_wait3A_50 = tpu.memref_slice %arg3[%add3A_48] : memref<320000xi32, #tpu.memory_space<hbm>> -> memref<80xi32, #tpu.memory_space<hbm>>
    %dma_wait3A_51 = tpu.memref_slice %arg3[%add3A_48] : memref<320000xi32, #tpu.memory_space<hbm>> -> memref<80xi32, #tpu.memory_space<hbm>>
    tpu.wait_dma2 semaphore(%arg19 : memref<!tpu.dma_semaphore, #tpu.memory_space<semaphore_mem>>) src(%dma_wait3A_51 : memref<80xi32, #tpu.memory_space<hbm>>) dst(%arg10 : memref<80xi32, #tpu.memory_space<vmem>>)
    %dma_start3A_52 = arith.constant 0 : i32
    %dma_start3A_53 = arith.constant 0 : i32
    %dma_start3A_54 = tpu.memref_slice %arg4[%dma_start3A_52, %dma_start3A_53] : memref<10000x64xf32, #tpu.memory_space<hbm>> -> memref<10000x64xf32, #tpu.memory_space<hbm>>
    tpu.enqueue_indirect_dma source(%dma_start3A_54 : memref<10000x64xf32, #tpu.memory_space<hbm>>) target(%arg14 : memref<80x64xf32, #tpu.memory_space<vmem>>) offsets(%arg6 : memref<80xi32, #tpu.memory_space<vmem>>) semaphore(%arg23 : memref<!tpu.dma_semaphore, #tpu.memory_space<semaphore_mem>>)
    %scan3A_55 = arith.constant 0 : i32
    %scan3A_56 = arith.constant 0 : i32
    %scan3A_57 = arith.constant 31 : i32
    %scan3A_58 = arith.addi %scan3A_56, %scan3A_57 : i32
    %scan3A_59 = arith.constant 1 : i32
    scf.for %scan3A_77 = %scan3A_56 to %scan3A_58 step %scan3A_59  : i32 {
      %mul3A_78 = arith.constant 4 : i32
      %mul3A_79 = arith.muli %mul3A_78, %scan3A_77 : i32
      %add3A_80 = arith.constant 1 : i32
      %add3A_81 = arith.addi %mul3A_79, %add3A_80 : i32
      %mul3A_82 = arith.constant 80 : i32
      %mul3A_83 = arith.muli %add3A_81, %mul3A_82 : i32
      %add3A_84 = arith.addi %mul3A_4, %mul3A_83 : i32
      %dma_wait3A_85 = tpu.memref_slice %arg2[%add3A_84] : memref<320000xi32, #tpu.memory_space<hbm>> -> memref<80xi32, #tpu.memory_space<hbm>>
      %dma_wait3A_86 = tpu.memref_slice %arg2[%add3A_84] : memref<320000xi32, #tpu.memory_space<hbm>> -> memref<80xi32, #tpu.memory_space<hbm>>
      tpu.wait_dma2 semaphore(%arg20 : memref<!tpu.dma_semaphore, #tpu.memory_space<semaphore_mem>>) src(%dma_wait3A_86 : memref<80xi32, #tpu.memory_space<hbm>>) dst(%arg7 : memref<80xi32, #tpu.memory_space<vmem>>)
      %dma_wait3A_87 = tpu.memref_slice %arg3[%add3A_84] : memref<320000xi32, #tpu.memory_space<hbm>> -> memref<80xi32, #tpu.memory_space<hbm>>
      %dma_wait3A_88 = tpu.memref_slice %arg3[%add3A_84] : memref<320000xi32, #tpu.memory_space<hbm>> -> memref<80xi32, #tpu.memory_space<hbm>>
      tpu.wait_dma2 semaphore(%arg20 : memref<!tpu.dma_semaphore, #tpu.memory_space<semaphore_mem>>) src(%dma_wait3A_88 : memref<80xi32, #tpu.memory_space<hbm>>) dst(%arg11 : memref<80xi32, #tpu.memory_space<vmem>>)
      %dma_start3A_89 = arith.constant 0 : i32
      %dma_start3A_90 = arith.constant 0 : i32
      %dma_start3A_91 = tpu.memref_slice %arg4[%dma_start3A_89, %dma_start3A_90] : memref<10000x64xf32, #tpu.memory_space<hbm>> -> memref<10000x64xf32, #tpu.memory_space<hbm>>
      tpu.enqueue_indirect_dma source(%dma_start3A_91 : memref<10000x64xf32, #tpu.memory_space<hbm>>) target(%arg15 : memref<80x64xf32, #tpu.memory_space<vmem>>) offsets(%arg7 : memref<80xi32, #tpu.memory_space<vmem>>) semaphore(%arg24 : memref<!tpu.dma_semaphore, #tpu.memory_space<semaphore_mem>>)
      %dma_wait3A_92 = arith.constant 0 : i32
      %dma_wait3A_93 = arith.constant 0 : i32
      %dma_wait3A_94 = tpu.memref_slice %arg4[%dma_wait3A_92, %dma_wait3A_93] : memref<10000x64xf32, #tpu.memory_space<hbm>> -> memref<10000x64xf32, #tpu.memory_space<hbm>>
      tpu.wait_indirect_dma semaphore(%arg23 : memref<!tpu.dma_semaphore, #tpu.memory_space<semaphore_mem>>) src(%dma_wait3A_94 : memref<10000x64xf32, #tpu.memory_space<hbm>>) dst(%arg14 : memref<80x64xf32, #tpu.memory_space<vmem>>)
      %gt3A = arith.constant 0 : i32
      %gt3A_95 = arith.cmpi sgt, %mul3A_79, %gt3A : i32
      %convert_element_type3A = arith.extui %gt3A_95 : i1 to i32
      %cond3A = arith.constant 0 : i32
      %cond3A_96 = arith.cmpi ne, %convert_element_type3A, %cond3A : i32
      scf.if %cond3A_96 {
        %dma_wait3A_202 = arith.constant 0 : i32
        %dma_wait3A_203 = arith.constant 0 : i32
        %dma_wait3A_204 = tpu.memref_slice %arg18[%dma_wait3A_202, %dma_wait3A_203] : memref<10240x64xf32, #tpu.memory_space<vmem_shared>> -> memref<10240x64xf32, #tpu.memory_space<vmem_shared>>
        tpu.wait_indirect_dma semaphore(%arg30 : memref<!tpu.dma_semaphore, #tpu.memory_space<semaphore_mem>>) src(%arg17 : memref<80x64xf32, #tpu.memory_space<vmem>>) dst(%dma_wait3A_204 : memref<10240x64xf32, #tpu.memory_space<vmem_shared>>)
      } else {
      }
      %dma_start3A_97 = arith.constant 0 : i32
      %dma_start3A_98 = arith.constant 0 : i32
      %dma_start3A_99 = tpu.memref_slice %arg18[%dma_start3A_97, %dma_start3A_98] : memref<10240x64xf32, #tpu.memory_space<vmem_shared>> -> memref<10240x64xf32, #tpu.memory_space<vmem_shared>>
      tpu.enqueue_indirect_dma source(%arg14 : memref<80x64xf32, #tpu.memory_space<vmem>>) target(%dma_start3A_99 : memref<10240x64xf32, #tpu.memory_space<vmem_shared>>) offsets(%arg10 : memref<80xi32, #tpu.memory_space<vmem>>) semaphore(%arg27 : memref<!tpu.dma_semaphore, #tpu.memory_space<semaphore_mem>>) {add = true}
      %add3A_100 = arith.constant 3 : i32
      %add3A_101 = arith.addi %mul3A_79, %add3A_100 : i32
      %lt3A = arith.constant 125 : i32
      %lt3A_102 = arith.cmpi slt, %add3A_101, %lt3A : i32
      %convert_element_type3A_103 = arith.extui %lt3A_102 : i1 to i32
      %cond3A_104 = arith.constant 0 : i32
      %cond3A_105 = arith.cmpi ne, %convert_element_type3A_103, %cond3A_104 : i32
      scf.if %cond3A_105 {
        %add3A_202 = arith.constant 3 : i32
        %add3A_203 = arith.addi %mul3A_79, %add3A_202 : i32
        %mul3A_204 = arith.constant 80 : i32
        %mul3A_205 = arith.muli %add3A_203, %mul3A_204 : i32
        %add3A_206 = arith.addi %mul3A_4, %mul3A_205 : i32
        %dma_start3A_207 = tpu.memref_slice %arg2[%add3A_206] : memref<320000xi32, #tpu.memory_space<hbm>> -> memref<80xi32, #tpu.memory_space<hbm>>
        %dma_start3A_208 = tpu.memref_slice %arg2[%add3A_206] : memref<320000xi32, #tpu.memory_space<hbm>> -> memref<80xi32, #tpu.memory_space<hbm>>
        tpu.enqueue_dma source(%dma_start3A_208 : memref<80xi32, #tpu.memory_space<hbm>>) target(%arg9 : memref<80xi32, #tpu.memory_space<vmem>>) target_semaphore(%arg22 : memref<!tpu.dma_semaphore, #tpu.memory_space<semaphore_mem>>)
        %dma_start3A_209 = tpu.memref_slice %arg3[%add3A_206] : memref<320000xi32, #tpu.memory_space<hbm>> -> memref<80xi32, #tpu.memory_space<hbm>>
        %dma_start3A_210 = tpu.memref_slice %arg3[%add3A_206] : memref<320000xi32, #tpu.memory_space<hbm>> -> memref<80xi32, #tpu.memory_space<hbm>>
        tpu.enqueue_dma source(%dma_start3A_210 : memref<80xi32, #tpu.memory_space<hbm>>) target(%arg13 : memref<80xi32, #tpu.memory_space<vmem>>) target_semaphore(%arg22 : memref<!tpu.dma_semaphore, #tpu.memory_space<semaphore_mem>>)
      } else {
      }
      %add3A_106 = arith.constant 1 : i32
      %add3A_107 = arith.addi %mul3A_79, %add3A_106 : i32
      %add3A_108 = arith.constant 1 : i32
      %add3A_109 = arith.addi %add3A_107, %add3A_108 : i32
      %mul3A_110 = arith.constant 80 : i32
      %mul3A_111 = arith.muli %add3A_109, %mul3A_110 : i32
      %add3A_112 = arith.addi %mul3A_4, %mul3A_111 : i32
      %dma_wait3A_113 = tpu.memref_slice %arg2[%add3A_112] : memref<320000xi32, #tpu.memory_space<hbm>> -> memref<80xi32, #tpu.memory_space<hbm>>
      %dma_wait3A_114 = tpu.memref_slice %arg2[%add3A_112] : memref<320000xi32, #tpu.memory_space<hbm>> -> memref<80xi32, #tpu.memory_space<hbm>>
      tpu.wait_dma2 semaphore(%arg21 : memref<!tpu.dma_semaphore, #tpu.memory_space<semaphore_mem>>) src(%dma_wait3A_114 : memref<80xi32, #tpu.memory_space<hbm>>) dst(%arg8 : memref<80xi32, #tpu.memory_space<vmem>>)
      %dma_wait3A_115 = tpu.memref_slice %arg3[%add3A_112] : memref<320000xi32, #tpu.memory_space<hbm>> -> memref<80xi32, #tpu.memory_space<hbm>>
      %dma_wait3A_116 = tpu.memref_slice %arg3[%add3A_112] : memref<320000xi32, #tpu.memory_space<hbm>> -> memref<80xi32, #tpu.memory_space<hbm>>
      tpu.wait_dma2 semaphore(%arg21 : memref<!tpu.dma_semaphore, #tpu.memory_space<semaphore_mem>>) src(%dma_wait3A_116 : memref<80xi32, #tpu.memory_space<hbm>>) dst(%arg12 : memref<80xi32, #tpu.memory_space<vmem>>)
      %dma_start3A_117 = arith.constant 0 : i32
      %dma_start3A_118 = arith.constant 0 : i32
      %dma_start3A_119 = tpu.memref_slice %arg4[%dma_start3A_117, %dma_start3A_118] : memref<10000x64xf32, #tpu.memory_space<hbm>> -> memref<10000x64xf32, #tpu.memory_space<hbm>>
      tpu.enqueue_indirect_dma source(%dma_start3A_119 : memref<10000x64xf32, #tpu.memory_space<hbm>>) target(%arg16 : memref<80x64xf32, #tpu.memory_space<vmem>>) offsets(%arg8 : memref<80xi32, #tpu.memory_space<vmem>>) semaphore(%arg25 : memref<!tpu.dma_semaphore, #tpu.memory_space<semaphore_mem>>)
      %dma_wait3A_120 = arith.constant 0 : i32
      %dma_wait3A_121 = arith.constant 0 : i32
      %dma_wait3A_122 = tpu.memref_slice %arg4[%dma_wait3A_120, %dma_wait3A_121] : memref<10000x64xf32, #tpu.memory_space<hbm>> -> memref<10000x64xf32, #tpu.memory_space<hbm>>
      tpu.wait_indirect_dma semaphore(%arg24 : memref<!tpu.dma_semaphore, #tpu.memory_space<semaphore_mem>>) src(%dma_wait3A_122 : memref<10000x64xf32, #tpu.memory_space<hbm>>) dst(%arg15 : memref<80x64xf32, #tpu.memory_space<vmem>>)
      %gt3A_123 = arith.constant 0 : i32
      %gt3A_124 = arith.cmpi sgt, %add3A_107, %gt3A_123 : i32
      %convert_element_type3A_125 = arith.extui %gt3A_124 : i1 to i32
      %cond3A_126 = arith.constant 0 : i32
      %cond3A_127 = arith.cmpi ne, %convert_element_type3A_125, %cond3A_126 : i32
      scf.if %cond3A_127 {
        %dma_wait3A_202 = arith.constant 0 : i32
        %dma_wait3A_203 = arith.constant 0 : i32
        %dma_wait3A_204 = tpu.memref_slice %arg18[%dma_wait3A_202, %dma_wait3A_203] : memref<10240x64xf32, #tpu.memory_space<vmem_shared>> -> memref<10240x64xf32, #tpu.memory_space<vmem_shared>>
        tpu.wait_indirect_dma semaphore(%arg27 : memref<!tpu.dma_semaphore, #tpu.memory_space<semaphore_mem>>) src(%arg14 : memref<80x64xf32, #tpu.memory_space<vmem>>) dst(%dma_wait3A_204 : memref<10240x64xf32, #tpu.memory_space<vmem_shared>>)
      } else {
      }
      %dma_start3A_128 = arith.constant 0 : i32
      %dma_start3A_129 = arith.constant 0 : i32
      %dma_start3A_130 = tpu.memref_slice %arg18[%dma_start3A_128, %dma_start3A_129] : memref<10240x64xf32, #tpu.memory_space<vmem_shared>> -> memref<10240x64xf32, #tpu.memory_space<vmem_shared>>
      tpu.enqueue_indirect_dma source(%arg15 : memref<80x64xf32, #tpu.memory_space<vmem>>) target(%dma_start3A_130 : memref<10240x64xf32, #tpu.memory_space<vmem_shared>>) offsets(%arg11 : memref<80xi32, #tpu.memory_space<vmem>>) semaphore(%arg28 : memref<!tpu.dma_semaphore, #tpu.memory_space<semaphore_mem>>) {add = true}
      %add3A_131 = arith.constant 3 : i32
      %add3A_132 = arith.addi %add3A_107, %add3A_131 : i32
      %lt3A_133 = arith.constant 125 : i32
      %lt3A_134 = arith.cmpi slt, %add3A_132, %lt3A_133 : i32
      %convert_element_type3A_135 = arith.extui %lt3A_134 : i1 to i32
      %cond3A_136 = arith.constant 0 : i32
      %cond3A_137 = arith.cmpi ne, %convert_element_type3A_135, %cond3A_136 : i32
      scf.if %cond3A_137 {
        %add3A_202 = arith.constant 3 : i32
        %add3A_203 = arith.addi %add3A_107, %add3A_202 : i32
        %mul3A_204 = arith.constant 80 : i32
        %mul3A_205 = arith.muli %add3A_203, %mul3A_204 : i32
        %add3A_206 = arith.addi %mul3A_4, %mul3A_205 : i32
        %dma_start3A_207 = tpu.memref_slice %arg2[%add3A_206] : memref<320000xi32, #tpu.memory_space<hbm>> -> memref<80xi32, #tpu.memory_space<hbm>>
        %dma_start3A_208 = tpu.memref_slice %arg2[%add3A_206] : memref<320000xi32, #tpu.memory_space<hbm>> -> memref<80xi32, #tpu.memory_space<hbm>>
        tpu.enqueue_dma source(%dma_start3A_208 : memref<80xi32, #tpu.memory_space<hbm>>) target(%arg6 : memref<80xi32, #tpu.memory_space<vmem>>) target_semaphore(%arg19 : memref<!tpu.dma_semaphore, #tpu.memory_space<semaphore_mem>>)
        %dma_start3A_209 = tpu.memref_slice %arg3[%add3A_206] : memref<320000xi32, #tpu.memory_space<hbm>> -> memref<80xi32, #tpu.memory_space<hbm>>
        %dma_start3A_210 = tpu.memref_slice %arg3[%add3A_206] : memref<320000xi32, #tpu.memory_space<hbm>> -> memref<80xi32, #tpu.memory_space<hbm>>
        tpu.enqueue_dma source(%dma_start3A_210 : memref<80xi32, #tpu.memory_space<hbm>>) target(%arg10 : memref<80xi32, #tpu.memory_space<vmem>>) target_semaphore(%arg19 : memref<!tpu.dma_semaphore, #tpu.memory_space<semaphore_mem>>)
      } else {
      }
      %add3A_138 = arith.constant 2 : i32
      %add3A_139 = arith.addi %mul3A_79, %add3A_138 : i32
      %add3A_140 = arith.constant 1 : i32
      %add3A_141 = arith.addi %add3A_139, %add3A_140 : i32
      %mul3A_142 = arith.constant 80 : i32
      %mul3A_143 = arith.muli %add3A_141, %mul3A_142 : i32
      %add3A_144 = arith.addi %mul3A_4, %mul3A_143 : i32
      %dma_wait3A_145 = tpu.memref_slice %arg2[%add3A_144] : memref<320000xi32, #tpu.memory_space<hbm>> -> memref<80xi32, #tpu.memory_space<hbm>>
      %dma_wait3A_146 = tpu.memref_slice %arg2[%add3A_144] : memref<320000xi32, #tpu.memory_space<hbm>> -> memref<80xi32, #tpu.memory_space<hbm>>
      tpu.wait_dma2 semaphore(%arg22 : memref<!tpu.dma_semaphore, #tpu.memory_space<semaphore_mem>>) src(%dma_wait3A_146 : memref<80xi32, #tpu.memory_space<hbm>>) dst(%arg9 : memref<80xi32, #tpu.memory_space<vmem>>)
      %dma_wait3A_147 = tpu.memref_slice %arg3[%add3A_144] : memref<320000xi32, #tpu.memory_space<hbm>> -> memref<80xi32, #tpu.memory_space<hbm>>
      %dma_wait3A_148 = tpu.memref_slice %arg3[%add3A_144] : memref<320000xi32, #tpu.memory_space<hbm>> -> memref<80xi32, #tpu.memory_space<hbm>>
      tpu.wait_dma2 semaphore(%arg22 : memref<!tpu.dma_semaphore, #tpu.memory_space<semaphore_mem>>) src(%dma_wait3A_148 : memref<80xi32, #tpu.memory_space<hbm>>) dst(%arg13 : memref<80xi32, #tpu.memory_space<vmem>>)
      %dma_start3A_149 = arith.constant 0 : i32
      %dma_start3A_150 = arith.constant 0 : i32
      %dma_start3A_151 = tpu.memref_slice %arg4[%dma_start3A_149, %dma_start3A_150] : memref<10000x64xf32, #tpu.memory_space<hbm>> -> memref<10000x64xf32, #tpu.memory_space<hbm>>
      tpu.enqueue_indirect_dma source(%dma_start3A_151 : memref<10000x64xf32, #tpu.memory_space<hbm>>) target(%arg17 : memref<80x64xf32, #tpu.memory_space<vmem>>) offsets(%arg9 : memref<80xi32, #tpu.memory_space<vmem>>) semaphore(%arg26 : memref<!tpu.dma_semaphore, #tpu.memory_space<semaphore_mem>>)
      %dma_wait3A_152 = arith.constant 0 : i32
      %dma_wait3A_153 = arith.constant 0 : i32
      %dma_wait3A_154 = tpu.memref_slice %arg4[%dma_wait3A_152, %dma_wait3A_153] : memref<10000x64xf32, #tpu.memory_space<hbm>> -> memref<10000x64xf32, #tpu.memory_space<hbm>>
      tpu.wait_indirect_dma semaphore(%arg25 : memref<!tpu.dma_semaphore, #tpu.memory_space<semaphore_mem>>) src(%dma_wait3A_154 : memref<10000x64xf32, #tpu.memory_space<hbm>>) dst(%arg16 : memref<80x64xf32, #tpu.memory_space<vmem>>)
      %gt3A_155 = arith.constant 0 : i32
      %gt3A_156 = arith.cmpi sgt, %add3A_139, %gt3A_155 : i32
      %convert_element_type3A_157 = arith.extui %gt3A_156 : i1 to i32
      %cond3A_158 = arith.constant 0 : i32
      %cond3A_159 = arith.cmpi ne, %convert_element_type3A_157, %cond3A_158 : i32
      scf.if %cond3A_159 {
        %dma_wait3A_202 = arith.constant 0 : i32
        %dma_wait3A_203 = arith.constant 0 : i32
        %dma_wait3A_204 = tpu.memref_slice %arg18[%dma_wait3A_202, %dma_wait3A_203] : memref<10240x64xf32, #tpu.memory_space<vmem_shared>> -> memref<10240x64xf32, #tpu.memory_space<vmem_shared>>
        tpu.wait_indirect_dma semaphore(%arg28 : memref<!tpu.dma_semaphore, #tpu.memory_space<semaphore_mem>>) src(%arg15 : memref<80x64xf32, #tpu.memory_space<vmem>>) dst(%dma_wait3A_204 : memref<10240x64xf32, #tpu.memory_space<vmem_shared>>)
      } else {
      }
      %dma_start3A_160 = arith.constant 0 : i32
      %dma_start3A_161 = arith.constant 0 : i32
      %dma_start3A_162 = tpu.memref_slice %arg18[%dma_start3A_160, %dma_start3A_161] : memref<10240x64xf32, #tpu.memory_space<vmem_shared>> -> memref<10240x64xf32, #tpu.memory_space<vmem_shared>>
      tpu.enqueue_indirect_dma source(%arg16 : memref<80x64xf32, #tpu.memory_space<vmem>>) target(%dma_start3A_162 : memref<10240x64xf32, #tpu.memory_space<vmem_shared>>) offsets(%arg12 : memref<80xi32, #tpu.memory_space<vmem>>) semaphore(%arg29 : memref<!tpu.dma_semaphore, #tpu.memory_space<semaphore_mem>>) {add = true}
      %add3A_163 = arith.constant 3 : i32
      %add3A_164 = arith.addi %add3A_139, %add3A_163 : i32
      %lt3A_165 = arith.constant 125 : i32
      %lt3A_166 = arith.cmpi slt, %add3A_164, %lt3A_165 : i32
      %convert_element_type3A_167 = arith.extui %lt3A_166 : i1 to i32
      %cond3A_168 = arith.constant 0 : i32
      %cond3A_169 = arith.cmpi ne, %convert_element_type3A_167, %cond3A_168 : i32
      scf.if %cond3A_169 {
        %add3A_202 = arith.constant 3 : i32
        %add3A_203 = arith.addi %add3A_139, %add3A_202 : i32
        %mul3A_204 = arith.constant 80 : i32
        %mul3A_205 = arith.muli %add3A_203, %mul3A_204 : i32
        %add3A_206 = arith.addi %mul3A_4, %mul3A_205 : i32
        %dma_start3A_207 = tpu.memref_slice %arg2[%add3A_206] : memref<320000xi32, #tpu.memory_space<hbm>> -> memref<80xi32, #tpu.memory_space<hbm>>
        %dma_start3A_208 = tpu.memref_slice %arg2[%add3A_206] : memref<320000xi32, #tpu.memory_space<hbm>> -> memref<80xi32, #tpu.memory_space<hbm>>
        tpu.enqueue_dma source(%dma_start3A_208 : memref<80xi32, #tpu.memory_space<hbm>>) target(%arg7 : memref<80xi32, #tpu.memory_space<vmem>>) target_semaphore(%arg20 : memref<!tpu.dma_semaphore, #tpu.memory_space<semaphore_mem>>)
        %dma_start3A_209 = tpu.memref_slice %arg3[%add3A_206] : memref<320000xi32, #tpu.memory_space<hbm>> -> memref<80xi32, #tpu.memory_space<hbm>>
        %dma_start3A_210 = tpu.memref_slice %arg3[%add3A_206] : memref<320000xi32, #tpu.memory_space<hbm>> -> memref<80xi32, #tpu.memory_space<hbm>>
        tpu.enqueue_dma source(%dma_start3A_210 : memref<80xi32, #tpu.memory_space<hbm>>) target(%arg11 : memref<80xi32, #tpu.memory_space<vmem>>) target_semaphore(%arg20 : memref<!tpu.dma_semaphore, #tpu.memory_space<semaphore_mem>>)
      } else {
      }
      %add3A_170 = arith.constant 3 : i32
      %add3A_171 = arith.addi %mul3A_79, %add3A_170 : i32
      %add3A_172 = arith.constant 1 : i32
      %add3A_173 = arith.addi %add3A_171, %add3A_172 : i32
      %mul3A_174 = arith.constant 80 : i32
      %mul3A_175 = arith.muli %add3A_173, %mul3A_174 : i32
      %add3A_176 = arith.addi %mul3A_4, %mul3A_175 : i32
      %dma_wait3A_177 = tpu.memref_slice %arg2[%add3A_176] : memref<320000xi32, #tpu.memory_space<hbm>> -> memref<80xi32, #tpu.memory_space<hbm>>
      %dma_wait3A_178 = tpu.memref_slice %arg2[%add3A_176] : memref<320000xi32, #tpu.memory_space<hbm>> -> memref<80xi32, #tpu.memory_space<hbm>>
      tpu.wait_dma2 semaphore(%arg19 : memref<!tpu.dma_semaphore, #tpu.memory_space<semaphore_mem>>) src(%dma_wait3A_178 : memref<80xi32, #tpu.memory_space<hbm>>) dst(%arg6 : memref<80xi32, #tpu.memory_space<vmem>>)
      %dma_wait3A_179 = tpu.memref_slice %arg3[%add3A_176] : memref<320000xi32, #tpu.memory_space<hbm>> -> memref<80xi32, #tpu.memory_space<hbm>>
      %dma_wait3A_180 = tpu.memref_slice %arg3[%add3A_176] : memref<320000xi32, #tpu.memory_space<hbm>> -> memref<80xi32, #tpu.memory_space<hbm>>
      tpu.wait_dma2 semaphore(%arg19 : memref<!tpu.dma_semaphore, #tpu.memory_space<semaphore_mem>>) src(%dma_wait3A_180 : memref<80xi32, #tpu.memory_space<hbm>>) dst(%arg10 : memref<80xi32, #tpu.memory_space<vmem>>)
      %dma_start3A_181 = arith.constant 0 : i32
      %dma_start3A_182 = arith.constant 0 : i32
      %dma_start3A_183 = tpu.memref_slice %arg4[%dma_start3A_181, %dma_start3A_182] : memref<10000x64xf32, #tpu.memory_space<hbm>> -> memref<10000x64xf32, #tpu.memory_space<hbm>>
      tpu.enqueue_indirect_dma source(%dma_start3A_183 : memref<10000x64xf32, #tpu.memory_space<hbm>>) target(%arg14 : memref<80x64xf32, #tpu.memory_space<vmem>>) offsets(%arg6 : memref<80xi32, #tpu.memory_space<vmem>>) semaphore(%arg23 : memref<!tpu.dma_semaphore, #tpu.memory_space<semaphore_mem>>)
      %dma_wait3A_184 = arith.constant 0 : i32
      %dma_wait3A_185 = arith.constant 0 : i32
      %dma_wait3A_186 = tpu.memref_slice %arg4[%dma_wait3A_184, %dma_wait3A_185] : memref<10000x64xf32, #tpu.memory_space<hbm>> -> memref<10000x64xf32, #tpu.memory_space<hbm>>
      tpu.wait_indirect_dma semaphore(%arg26 : memref<!tpu.dma_semaphore, #tpu.memory_space<semaphore_mem>>) src(%dma_wait3A_186 : memref<10000x64xf32, #tpu.memory_space<hbm>>) dst(%arg17 : memref<80x64xf32, #tpu.memory_space<vmem>>)
      %gt3A_187 = arith.constant 0 : i32
      %gt3A_188 = arith.cmpi sgt, %add3A_171, %gt3A_187 : i32
      %convert_element_type3A_189 = arith.extui %gt3A_188 : i1 to i32
      %cond3A_190 = arith.constant 0 : i32
      %cond3A_191 = arith.cmpi ne, %convert_element_type3A_189, %cond3A_190 : i32
      scf.if %cond3A_191 {
        %dma_wait3A_202 = arith.constant 0 : i32
        %dma_wait3A_203 = arith.constant 0 : i32
        %dma_wait3A_204 = tpu.memref_slice %arg18[%dma_wait3A_202, %dma_wait3A_203] : memref<10240x64xf32, #tpu.memory_space<vmem_shared>> -> memref<10240x64xf32, #tpu.memory_space<vmem_shared>>
        tpu.wait_indirect_dma semaphore(%arg29 : memref<!tpu.dma_semaphore, #tpu.memory_space<semaphore_mem>>) src(%arg16 : memref<80x64xf32, #tpu.memory_space<vmem>>) dst(%dma_wait3A_204 : memref<10240x64xf32, #tpu.memory_space<vmem_shared>>)
      } else {
      }
      %dma_start3A_192 = arith.constant 0 : i32
      %dma_start3A_193 = arith.constant 0 : i32
      %dma_start3A_194 = tpu.memref_slice %arg18[%dma_start3A_192, %dma_start3A_193] : memref<10240x64xf32, #tpu.memory_space<vmem_shared>> -> memref<10240x64xf32, #tpu.memory_space<vmem_shared>>
      tpu.enqueue_indirect_dma source(%arg17 : memref<80x64xf32, #tpu.memory_space<vmem>>) target(%dma_start3A_194 : memref<10240x64xf32, #tpu.memory_space<vmem_shared>>) offsets(%arg13 : memref<80xi32, #tpu.memory_space<vmem>>) semaphore(%arg30 : memref<!tpu.dma_semaphore, #tpu.memory_space<semaphore_mem>>) {add = true}
      %add3A_195 = arith.constant 3 : i32
      %add3A_196 = arith.addi %add3A_171, %add3A_195 : i32
      %lt3A_197 = arith.constant 125 : i32
      %lt3A_198 = arith.cmpi slt, %add3A_196, %lt3A_197 : i32
      %convert_element_type3A_199 = arith.extui %lt3A_198 : i1 to i32
      %cond3A_200 = arith.constant 0 : i32
      %cond3A_201 = arith.cmpi ne, %convert_element_type3A_199, %cond3A_200 : i32
      scf.if %cond3A_201 {
        %add3A_202 = arith.constant 3 : i32
        %add3A_203 = arith.addi %add3A_171, %add3A_202 : i32
        %mul3A_204 = arith.constant 80 : i32
        %mul3A_205 = arith.muli %add3A_203, %mul3A_204 : i32
        %add3A_206 = arith.addi %mul3A_4, %mul3A_205 : i32
        %dma_start3A_207 = tpu.memref_slice %arg2[%add3A_206] : memref<320000xi32, #tpu.memory_space<hbm>> -> memref<80xi32, #tpu.memory_space<hbm>>
        %dma_start3A_208 = tpu.memref_slice %arg2[%add3A_206] : memref<320000xi32, #tpu.memory_space<hbm>> -> memref<80xi32, #tpu.memory_space<hbm>>
        tpu.enqueue_dma source(%dma_start3A_208 : memref<80xi32, #tpu.memory_space<hbm>>) target(%arg8 : memref<80xi32, #tpu.memory_space<vmem>>) target_semaphore(%arg21 : memref<!tpu.dma_semaphore, #tpu.memory_space<semaphore_mem>>)
        %dma_start3A_209 = tpu.memref_slice %arg3[%add3A_206] : memref<320000xi32, #tpu.memory_space<hbm>> -> memref<80xi32, #tpu.memory_space<hbm>>
        %dma_start3A_210 = tpu.memref_slice %arg3[%add3A_206] : memref<320000xi32, #tpu.memory_space<hbm>> -> memref<80xi32, #tpu.memory_space<hbm>>
        tpu.enqueue_dma source(%dma_start3A_210 : memref<80xi32, #tpu.memory_space<hbm>>) target(%arg12 : memref<80xi32, #tpu.memory_space<vmem>>) target_semaphore(%arg21 : memref<!tpu.dma_semaphore, #tpu.memory_space<semaphore_mem>>)
      } else {
      }
    }
    %scan3A_60 = arith.constant 31 : i32
    %dma_wait3A_61 = arith.constant 0 : i32
    %dma_wait3A_62 = arith.constant 0 : i32
    %dma_wait3A_63 = tpu.memref_slice %arg4[%dma_wait3A_61, %dma_wait3A_62] : memref<10000x64xf32, #tpu.memory_space<hbm>> -> memref<10000x64xf32, #tpu.memory_space<hbm>>
    tpu.wait_indirect_dma semaphore(%arg23 : memref<!tpu.dma_semaphore, #tpu.memory_space<semaphore_mem>>) src(%dma_wait3A_63 : memref<10000x64xf32, #tpu.memory_space<hbm>>) dst(%arg14 : memref<80x64xf32, #tpu.memory_space<vmem>>)
    %dma_wait3A_64 = arith.constant 0 : i32
    %dma_wait3A_65 = arith.constant 0 : i32
    %dma_wait3A_66 = tpu.memref_slice %arg18[%dma_wait3A_64, %dma_wait3A_65] : memref<10240x64xf32, #tpu.memory_space<vmem_shared>> -> memref<10240x64xf32, #tpu.memory_space<vmem_shared>>
    tpu.wait_indirect_dma semaphore(%arg30 : memref<!tpu.dma_semaphore, #tpu.memory_space<semaphore_mem>>) src(%arg17 : memref<80x64xf32, #tpu.memory_space<vmem>>) dst(%dma_wait3A_66 : memref<10240x64xf32, #tpu.memory_space<vmem_shared>>)
    %dma_start3A_67 = arith.constant 0 : i32
    %dma_start3A_68 = arith.constant 0 : i32
    %dma_start3A_69 = tpu.memref_slice %arg18[%dma_start3A_67, %dma_start3A_68] : memref<10240x64xf32, #tpu.memory_space<vmem_shared>> -> memref<10240x64xf32, #tpu.memory_space<vmem_shared>>
    tpu.enqueue_indirect_dma source(%arg14 : memref<80x64xf32, #tpu.memory_space<vmem>>) target(%dma_start3A_69 : memref<10240x64xf32, #tpu.memory_space<vmem_shared>>) offsets(%arg10 : memref<80xi32, #tpu.memory_space<vmem>>) semaphore(%arg27 : memref<!tpu.dma_semaphore, #tpu.memory_space<semaphore_mem>>) {add = true}
    %dma_wait3A_70 = arith.constant 0 : i32
    %dma_wait3A_71 = arith.constant 0 : i32
    %dma_wait3A_72 = tpu.memref_slice %arg18[%dma_wait3A_70, %dma_wait3A_71] : memref<10240x64xf32, #tpu.memory_space<vmem_shared>> -> memref<10240x64xf32, #tpu.memory_space<vmem_shared>>
    tpu.wait_indirect_dma semaphore(%arg27 : memref<!tpu.dma_semaphore, #tpu.memory_space<semaphore_mem>>) src(%arg14 : memref<80x64xf32, #tpu.memory_space<vmem>>) dst(%dma_wait3A_72 : memref<10240x64xf32, #tpu.memory_space<vmem_shared>>)
    %barrier3A_73 = arith.constant 0 : index
    tpu.barrier barrier_id(%barrier3A_73)
    %mul3A_74 = arith.constant 10240 : i32
    %mul3A_75 = arith.muli %arg0, %mul3A_74 : i32
    %add3A_76 = arith.addi %mul3A_75, %mul3A_2 : i32
    "tpu.region"() ({
      %run_scoped3A = tpu.sem_alloc : memref<!tpu.dma_semaphore, #tpu.memory_space<semaphore_mem>>
      %dma_start3A_77 = arith.constant 0 : i32
      %dma_start3A_78 = tpu.memref_slice %arg5[%add3A_76, %dma_start3A_77] : memref<20480x64xf32, #tpu.memory_space<hbm>> -> memref<640x64xf32, #tpu.memory_space<hbm>>
      %dma_start3A_79 = arith.constant 0 : i32
      %dma_start3A_80 = tpu.memref_slice %arg18[%mul3A_2, %dma_start3A_79] : memref<10240x64xf32, #tpu.memory_space<vmem_shared>> -> memref<640x64xf32, #tpu.memory_space<vmem_shared>>
      tpu.enqueue_dma source(%dma_start3A_80 : memref<640x64xf32, #tpu.memory_space<vmem_shared>>) target(%dma_start3A_78 : memref<640x64xf32, #tpu.memory_space<hbm>>) target_semaphore(%run_scoped3A : memref<!tpu.dma_semaphore, #tpu.memory_space<semaphore_mem>>)
      %dma_wait3A_81 = arith.constant 0 : i32
      %dma_wait3A_82 = tpu.memref_slice %arg5[%add3A_76, %dma_wait3A_81] : memref<20480x64xf32, #tpu.memory_space<hbm>> -> memref<640x64xf32, #tpu.memory_space<hbm>>
      %dma_wait3A_83 = arith.constant 0 : i32
      %dma_wait3A_84 = tpu.memref_slice %arg18[%mul3A_2, %dma_wait3A_83] : memref<10240x64xf32, #tpu.memory_space<vmem_shared>> -> memref<640x64xf32, #tpu.memory_space<vmem_shared>>
      tpu.wait_dma2 semaphore(%run_scoped3A : memref<!tpu.dma_semaphore, #tpu.memory_space<semaphore_mem>>) src(%dma_wait3A_84 : memref<640x64xf32, #tpu.memory_space<vmem_shared>>) dst(%dma_wait3A_82 : memref<640x64xf32, #tpu.memory_space<hbm>>)
      tpu.yield
    }) : () -> ()
    return
  }
}

module attributes {stable_mosaic.version = 14 : i64} {
  func.func @_k1_body(%arg0: i32, %arg1: memref<2000x128xf32, #tpu.memory_space<vmem>>, %arg2: memref<128x64xf32, #tpu.memory_space<vmem>>, %arg3: memref<2x2000x16xf32, #tpu.memory_space<vmem>>, %arg4: memref<2000x64xf32, #tpu.memory_space<vmem>>) attributes {dimension_semantics = [#tpu.dimension_semantics<arbitrary>], iteration_bounds = array<i64: 5>, scalar_prefetch = 0 : i64, scratch_operands = 0 : i64, tpu.core_type = #tpu.core_type<tc>, window_params = [{transform_indices = @transform_0, window_bounds = array<i64: 2000, 128>}, {pipeline_mode = #tpu.pipeline_mode<synchronous>, transform_indices = @transform_1, window_bounds = array<i64: 128, 64>}, {transform_indices = @transform_2, window_bounds = array<i64: 2, 2000, 16>}, {transform_indices = @transform_3, window_bounds = array<i64: 2000, 64>}]} {
    %get3A = arith.constant 0 : index
    %get3A_0 = arith.constant 0 : index
    %get3A_1 = arith.constant 0 : index
    %get3A_2 = vector.load %arg3[%get3A, %get3A_0, %get3A_1] : memref<2x2000x16xf32, #tpu.memory_space<vmem>>, vector<2x2000x16xf32>
    %slice3A = vector.extract_strided_slice %get3A_2 {offsets = [0, 0, 0], sizes = [1, 2000, 1], strides = [1, 1, 1]} : vector<2x2000x16xf32> to vector<1x2000x1xf32>
    %squeeze3A = vector.shape_cast %slice3A : vector<1x2000x1xf32> to vector<2000x1xf32>
    %slice3A_3 = vector.extract_strided_slice %get3A_2 {offsets = [1, 0, 0], sizes = [1, 2000, 1], strides = [1, 1, 1]} : vector<2x2000x16xf32> to vector<1x2000x1xf32>
    %squeeze3A_4 = vector.shape_cast %slice3A_3 : vector<1x2000x1xf32> to vector<2000x1xf32>
    %add3A = arith.addf %squeeze3A, %squeeze3A_4 : vector<2000x1xf32>
    %add3A_5 = arith.constant 1.000000e+00 : f32
    %add3A_6 = vector.broadcast %add3A_5 : f32 to vector<2000x1xf32>
    %add3A_7 = arith.addf %add3A, %add3A_6 : vector<2000x1xf32>
    %rsqrt3A = math.rsqrt %add3A_7 : vector<2000x1xf32>
    %get3A_8 = arith.constant 0 : index
    %get3A_9 = arith.constant 0 : index
    %get3A_10 = vector.load %arg1[%get3A_8, %get3A_9] : memref<2000x128xf32, #tpu.memory_space<vmem>>, vector<2000x128xf32>
    %get3A_11 = arith.constant 0 : index
    %get3A_12 = arith.constant 0 : index
    %get3A_13 = vector.load %arg2[%get3A_11, %get3A_12] : memref<128x64xf32, #tpu.memory_space<vmem>>, vector<128x64xf32>
    %dot_general3A = arith.constant dense<0.000000e+00> : vector<2000x64xf32>
    %dot_general3A_14 = tpu.matmul %get3A_10, %get3A_13, %dot_general3A {dimension_numbers = #tpu.dot_dimension_numbers<[1], [0], [0], [1], [0, 0, 1, 1], [], []>, transpose_lhs_hint = false} : vector<2000x128xf32>, vector<128x64xf32>, vector<2000x64xf32> -> vector<2000x64xf32>
    %mul3A = vector.broadcast %rsqrt3A : vector<2000x1xf32> to vector<2000x64xf32>
    %mul3A_15 = arith.mulf %mul3A, %dot_general3A_14 : vector<2000x64xf32>
    %swap3A = arith.constant 0 : index
    %swap3A_16 = arith.constant 0 : index
    %swap3A_17 = vector.load %arg4[%swap3A, %swap3A_16] : memref<2000x64xf32, #tpu.memory_space<vmem>>, vector<2000x64xf32>
    tpu.vector_store %arg4[%swap3A, %swap3A_16], %mul3A_15 {strides = array<i32>} : memref<2000x64xf32, #tpu.memory_space<vmem>>, vector<2000x64xf32>,
    return
  }
  func.func @transform_0(%arg0: i32) -> (i32, i32) {
    %c0_i32 = arith.constant 0 : i32
    %c0_i32_0 = arith.constant 0 : i32
    return %arg0, %c0_i32 : i32, i32
  }
  func.func @transform_1(%arg0: i32) -> (i32, i32) {
    %c0_i32 = arith.constant 0 : i32
    %c0_i32_0 = arith.constant 0 : i32
    %c0_i32_1 = arith.constant 0 : i32
    return %c0_i32, %c0_i32_0 : i32, i32
  }
  func.func @transform_2(%arg0: i32) -> (i32, i32, i32) {
    %c0_i32 = arith.constant 0 : i32
    %c0_i32_0 = arith.constant 0 : i32
    %c0_i32_1 = arith.constant 0 : i32
    return %c0_i32, %arg0, %c0_i32_0 : i32, i32, i32
  }
  func.func @transform_3(%arg0: i32) -> (i32, i32) {
    %c0_i32 = arith.constant 0 : i32
    %c0_i32_0 = arith.constant 0 : i32
    return %arg0, %c0_i32 : i32, i32
  }
}

module attributes {stable_mosaic.version = 14 : i64} {
  func.func @_kmid_body(%arg0: i32, %arg1: memref<2x2000x64xf32, #tpu.memory_space<vmem>>, %arg2: memref<2000x64xf32, #tpu.memory_space<vmem>>, %arg3: memref<2x2000x16xf32, #tpu.memory_space<vmem>>, %arg4: memref<64x64xf32, #tpu.memory_space<vmem>>, %arg5: memref<1x64xf32, #tpu.memory_space<vmem>>, %arg6: memref<2000x64xf32, #tpu.memory_space<vmem>>) attributes {dimension_semantics = [#tpu.dimension_semantics<arbitrary>], iteration_bounds = array<i64: 5>, scalar_prefetch = 0 : i64, scratch_operands = 0 : i64, tpu.core_type = #tpu.core_type<tc>, window_params = [{transform_indices = @transform_0, window_bounds = array<i64: 2, 2000, 64>}, {transform_indices = @transform_1, window_bounds = array<i64: 2000, 64>}, {transform_indices = @transform_2, window_bounds = array<i64: 2, 2000, 16>}, {pipeline_mode = #tpu.pipeline_mode<synchronous>, transform_indices = @transform_3, window_bounds = array<i64: 64, 64>}, {pipeline_mode = #tpu.pipeline_mode<synchronous>, transform_indices = @transform_4, window_bounds = array<i64: 1, 64>}, {transform_indices = @transform_5, window_bounds = array<i64: 2000, 64>}]} {
    %get3A = arith.constant 0 : index
    %get3A_0 = arith.constant 0 : index
    %get3A_1 = arith.constant 0 : index
    %get3A_2 = vector.load %arg3[%get3A, %get3A_0, %get3A_1] : memref<2x2000x16xf32, #tpu.memory_space<vmem>>, vector<2x2000x16xf32>
    %slice3A = vector.extract_strided_slice %get3A_2 {offsets = [0, 0, 0], sizes = [1, 2000, 1], strides = [1, 1, 1]} : vector<2x2000x16xf32> to vector<1x2000x1xf32>
    %squeeze3A = vector.shape_cast %slice3A : vector<1x2000x1xf32> to vector<2000x1xf32>
    %slice3A_3 = vector.extract_strided_slice %get3A_2 {offsets = [1, 0, 0], sizes = [1, 2000, 1], strides = [1, 1, 1]} : vector<2x2000x16xf32> to vector<1x2000x1xf32>
    %squeeze3A_4 = vector.shape_cast %slice3A_3 : vector<1x2000x1xf32> to vector<2000x1xf32>
    %add3A = arith.addf %squeeze3A, %squeeze3A_4 : vector<2000x1xf32>
    %add3A_5 = arith.constant 1.000000e+00 : f32
    %add3A_6 = vector.broadcast %add3A_5 : f32 to vector<2000x1xf32>
    %add3A_7 = arith.addf %add3A, %add3A_6 : vector<2000x1xf32>
    %rsqrt3A = math.rsqrt %add3A_7 : vector<2000x1xf32>
    %get3A_8 = arith.constant 0 : index
    %get3A_9 = arith.constant 0 : index
    %get3A_10 = arith.constant 0 : index
    %get3A_11 = vector.load %arg1[%get3A_8, %get3A_9, %get3A_10] : memref<2x2000x64xf32, #tpu.memory_space<vmem>>, vector<1x2000x64xf32>
    %get3A_12 = vector.shape_cast %get3A_11 : vector<1x2000x64xf32> to vector<2000x64xf32>
    %get3A_13 = arith.constant 1 : index
    %get3A_14 = arith.constant 0 : index
    %get3A_15 = arith.constant 0 : index
    %get3A_16 = vector.load %arg1[%get3A_13, %get3A_14, %get3A_15] : memref<2x2000x64xf32, #tpu.memory_space<vmem>>, vector<1x2000x64xf32>
    %get3A_17 = vector.shape_cast %get3A_16 : vector<1x2000x64xf32> to vector<2000x64xf32>
    %add3A_18 = arith.addf %get3A_12, %get3A_17 : vector<2000x64xf32>
    %get3A_19 = arith.constant 0 : index
    %get3A_20 = arith.constant 0 : index
    %get3A_21 = vector.load %arg2[%get3A_19, %get3A_20] : memref<2000x64xf32, #tpu.memory_space<vmem>>, vector<2000x64xf32>
    %add3A_22 = arith.addf %add3A_18, %get3A_21 : vector<2000x64xf32>
    %mul3A = vector.broadcast %rsqrt3A : vector<2000x1xf32> to vector<2000x64xf32>
    %mul3A_23 = arith.mulf %mul3A, %add3A_22 : vector<2000x64xf32>
    %get3A_24 = arith.constant 0 : index
    %get3A_25 = arith.constant 0 : index
    %get3A_26 = vector.load %arg5[%get3A_24, %get3A_25] : memref<1x64xf32, #tpu.memory_space<vmem>>, vector<1x64xf32>
    %add3A_27 = vector.broadcast %get3A_26 : vector<1x64xf32> to vector<2000x64xf32>
    %add3A_28 = arith.addf %mul3A_23, %add3A_27 : vector<2000x64xf32>
    %max3A = arith.constant 0.000000e+00 : f32
    %max3A_29 = vector.broadcast %max3A : f32 to vector<2000x64xf32>
    %max3A_30 = arith.maximumf %add3A_28, %max3A_29 : vector<2000x64xf32>
    %get3A_31 = arith.constant 0 : index
    %get3A_32 = arith.constant 0 : index
    %get3A_33 = vector.load %arg4[%get3A_31, %get3A_32] : memref<64x64xf32, #tpu.memory_space<vmem>>, vector<64x64xf32>
    %dot_general3A = arith.constant dense<0.000000e+00> : vector<2000x64xf32>
    %dot_general3A_34 = tpu.matmul %max3A_30, %get3A_33, %dot_general3A {dimension_numbers = #tpu.dot_dimension_numbers<[1], [0], [0], [1], [0, 0, 1, 1], [], []>, transpose_lhs_hint = false} : vector<2000x64xf32>, vector<64x64xf32>, vector<2000x64xf32> -> vector<2000x64xf32>
    %mul3A_35 = vector.broadcast %rsqrt3A : vector<2000x1xf32> to vector<2000x64xf32>
    %mul3A_36 = arith.mulf %mul3A_35, %dot_general3A_34 : vector<2000x64xf32>
    %swap3A = arith.constant 0 : index
    %swap3A_37 = arith.constant 0 : index
    %swap3A_38 = vector.load %arg6[%swap3A, %swap3A_37] : memref<2000x64xf32, #tpu.memory_space<vmem>>, vector<2000x64xf32>
    tpu.vector_store %arg6[%swap3A, %swap3A_37], %mul3A_36 {strides = array<i32>} : memref<2000x64xf32, #tpu.memory_space<vmem>>, vector<2000x64xf32>,
    return
  }
  func.func @transform_0(%arg0: i32) -> (i32, i32, i32) {
    %c0_i32 = arith.constant 0 : i32
    %c0_i32_0 = arith.constant 0 : i32
    %c0_i32_1 = arith.constant 0 : i32
    return %c0_i32, %arg0, %c0_i32_0 : i32, i32, i32
  }
  func.func @transform_1(%arg0: i32) -> (i32, i32) {
    %c0_i32 = arith.constant 0 : i32
    %c0_i32_0 = arith.constant 0 : i32
    return %arg0, %c0_i32 : i32, i32
  }
  func.func @transform_2(%arg0: i32) -> (i32, i32, i32) {
    %c0_i32 = arith.constant 0 : i32
    %c0_i32_0 = arith.constant 0 : i32
    %c0_i32_1 = arith.constant 0 : i32
    return %c0_i32, %arg0, %c0_i32_0 : i32, i32, i32
  }
  func.func @transform_3(%arg0: i32) -> (i32, i32) {
    %c0_i32 = arith.constant 0 : i32
    %c0_i32_0 = arith.constant 0 : i32
    %c0_i32_1 = arith.constant 0 : i32
    return %c0_i32, %c0_i32_0 : i32, i32
  }
  func.func @transform_4(%arg0: i32) -> (i32, i32) {
    %c0_i32 = arith.constant 0 : i32
    %c0_i32_0 = arith.constant 0 : i32
    %c0_i32_1 = arith.constant 0 : i32
    return %c0_i32, %c0_i32_0 : i32, i32
  }
  func.func @transform_5(%arg0: i32) -> (i32, i32) {
    %c0_i32 = arith.constant 0 : i32
    %c0_i32_0 = arith.constant 0 : i32
    return %arg0, %c0_i32 : i32, i32
  }
}

module attributes {stable_mosaic.version = 14 : i64} {
  func.func @_kfin_body(%arg0: memref<2x10240x64xf32, #tpu.memory_space<vmem>>, %arg1: memref<10000x64xf32, #tpu.memory_space<vmem>>, %arg2: memref<2x10240x16xf32, #tpu.memory_space<vmem>>, %arg3: memref<1x64xf32, #tpu.memory_space<vmem>>, %arg4: memref<128x64xf32, #tpu.memory_space<vmem>>, %arg5: memref<1x64xf32, #tpu.memory_space<vmem>>, %arg6: memref<64x2xf32, #tpu.memory_space<vmem>>, %arg7: memref<1x2xf32, #tpu.memory_space<vmem>>, %arg8: memref<1x2xf32, #tpu.memory_space<vmem>>) attributes {dimension_semantics = [], scalar_prefetch = 0 : i64, scratch_operands = 0 : i64, tpu.core_type = #tpu.core_type<tc>} {
    %get3A = arith.constant 0 : index
    %get3A_0 = arith.constant 0 : index
    %get3A_1 = arith.constant 0 : index
    %get3A_2 = vector.load %arg2[%get3A, %get3A_0, %get3A_1] : memref<2x10240x16xf32, #tpu.memory_space<vmem>>, vector<2x10240x16xf32>
    %slice3A = vector.extract_strided_slice %get3A_2 {offsets = [0, 0, 0], sizes = [1, 10000, 1], strides = [1, 1, 1]} : vector<2x10240x16xf32> to vector<1x10000x1xf32>
    %squeeze3A = vector.shape_cast %slice3A : vector<1x10000x1xf32> to vector<10000x1xf32>
    %slice3A_3 = vector.extract_strided_slice %get3A_2 {offsets = [1, 0, 0], sizes = [1, 10000, 1], strides = [1, 1, 1]} : vector<2x10240x16xf32> to vector<1x10000x1xf32>
    %squeeze3A_4 = vector.shape_cast %slice3A_3 : vector<1x10000x1xf32> to vector<10000x1xf32>
    %add3A = arith.addf %squeeze3A, %squeeze3A_4 : vector<10000x1xf32>
    %add3A_5 = arith.constant 1.000000e+00 : f32
    %add3A_6 = vector.broadcast %add3A_5 : f32 to vector<10000x1xf32>
    %add3A_7 = arith.addf %add3A, %add3A_6 : vector<10000x1xf32>
    %rsqrt3A = math.rsqrt %add3A_7 : vector<10000x1xf32>
    %get3A_8 = arith.constant 0 : index
    %get3A_9 = arith.constant 0 : index
    %get3A_10 = arith.constant 0 : index
    %get3A_11 = vector.load %arg0[%get3A_8, %get3A_9, %get3A_10] : memref<2x10240x64xf32, #tpu.memory_space<vmem>>, vector<1x10000x64xf32>
    %get3A_12 = vector.shape_cast %get3A_11 : vector<1x10000x64xf32> to vector<10000x64xf32>
    %get3A_13 = arith.constant 1 : index
    %get3A_14 = arith.constant 0 : index
    %get3A_15 = arith.constant 0 : index
    %get3A_16 = vector.load %arg0[%get3A_13, %get3A_14, %get3A_15] : memref<2x10240x64xf32, #tpu.memory_space<vmem>>, vector<1x10000x64xf32>
    %get3A_17 = vector.shape_cast %get3A_16 : vector<1x10000x64xf32> to vector<10000x64xf32>
    %add3A_18 = arith.addf %get3A_12, %get3A_17 : vector<10000x64xf32>
    %get3A_19 = arith.constant 0 : index
    %get3A_20 = arith.constant 0 : index
    %get3A_21 = vector.load %arg1[%get3A_19, %get3A_20] : memref<10000x64xf32, #tpu.memory_space<vmem>>, vector<10000x64xf32>
    %add3A_22 = arith.addf %add3A_18, %get3A_21 : vector<10000x64xf32>
    %mul3A = vector.broadcast %rsqrt3A : vector<10000x1xf32> to vector<10000x64xf32>
    %mul3A_23 = arith.mulf %mul3A, %add3A_22 : vector<10000x64xf32>
    %get3A_24 = arith.constant 0 : index
    %get3A_25 = arith.constant 0 : index
    %get3A_26 = vector.load %arg3[%get3A_24, %get3A_25] : memref<1x64xf32, #tpu.memory_space<vmem>>, vector<1x64xf32>
    %add3A_27 = vector.broadcast %get3A_26 : vector<1x64xf32> to vector<10000x64xf32>
    %add3A_28 = arith.addf %mul3A_23, %add3A_27 : vector<10000x64xf32>
    %max3A = arith.constant 0.000000e+00 : f32
    %max3A_29 = vector.broadcast %max3A : f32 to vector<10000x64xf32>
    %max3A_30 = arith.maximumf %add3A_28, %max3A_29 : vector<10000x64xf32>
    %reduce_sum3A = arith.constant dense<0.000000e+00> : vector<64xf32>
    %reduce_sum3A_31 = vector.multi_reduction <add>, %max3A_30, %reduce_sum3A [0] : vector<10000x64xf32> to vector<64xf32>
    %broadcast_in_dim3A = vector.shape_cast %reduce_sum3A_31 : vector<64xf32> to vector<1x64xf32>
    %mul3A_32 = arith.constant 9.99999974E-5 : f32
    %mul3A_33 = vector.broadcast %mul3A_32 : f32 to vector<1x64xf32>
    %mul3A_34 = arith.mulf %broadcast_in_dim3A, %mul3A_33 : vector<1x64xf32>
    %concatenate3A = tpu.concatenate %mul3A_34, %mul3A_34 in 1 : vector<1x64xf32>, vector<1x64xf32> -> vector<1x128xf32>
    %get3A_35 = arith.constant 0 : index
    %get3A_36 = arith.constant 0 : index
    %get3A_37 = vector.load %arg4[%get3A_35, %get3A_36] : memref<128x64xf32, #tpu.memory_space<vmem>>, vector<128x64xf32>
    %dot_general3A = arith.constant dense<0.000000e+00> : vector<1x64xf32>
    %dot_general3A_38 = tpu.matmul %concatenate3A, %get3A_37, %dot_general3A {dimension_numbers = #tpu.dot_dimension_numbers<[1], [0], [0], [1], [0, 0, 1, 1], [], []>, transpose_lhs_hint = false} : vector<1x128xf32>, vector<128x64xf32>, vector<1x64xf32> -> vector<1x64xf32>
    %get3A_39 = arith.constant 0 : index
    %get3A_40 = arith.constant 0 : index
    %get3A_41 = vector.load %arg5[%get3A_39, %get3A_40] : memref<1x64xf32, #tpu.memory_space<vmem>>, vector<1x64xf32>
    %add3A_42 = arith.addf %dot_general3A_38, %get3A_41 : vector<1x64xf32>
    %max3A_43 = arith.constant 0.000000e+00 : f32
    %max3A_44 = vector.broadcast %max3A_43 : f32 to vector<1x64xf32>
    %max3A_45 = arith.maximumf %add3A_42, %max3A_44 : vector<1x64xf32>
    %get3A_46 = arith.constant 0 : index
    %get3A_47 = arith.constant 0 : index
    %get3A_48 = vector.load %arg6[%get3A_46, %get3A_47] : memref<64x2xf32, #tpu.memory_space<vmem>>, vector<64x2xf32>
    %dot_general3A_49 = arith.constant dense<0.000000e+00> : vector<1x2xf32>
    %dot_general3A_50 = tpu.matmul %max3A_45, %get3A_48, %dot_general3A_49 {dimension_numbers = #tpu.dot_dimension_numbers<[1], [0], [0], [1], [0, 0, 1, 1], [], []>, transpose_lhs_hint = false} : vector<1x64xf32>, vector<64x2xf32>, vector<1x2xf32> -> vector<1x2xf32>
    %get3A_51 = arith.constant 0 : index
    %get3A_52 = arith.constant 0 : index
    %get3A_53 = vector.load %arg7[%get3A_51, %get3A_52] : memref<1x2xf32, #tpu.memory_space<vmem>>, vector<1x2xf32>
    %add3A_54 = arith.addf %dot_general3A_50, %get3A_53 : vector<1x2xf32>
    %swap3A = arith.constant 0 : index
    %swap3A_55 = arith.constant 0 : index
    %swap3A_56 = vector.load %arg8[%swap3A, %swap3A_55] : memref<1x2xf32, #tpu.memory_space<vmem>>, vector<1x2xf32>
    tpu.vector_store %arg8[%swap3A, %swap3A_55], %add3A_54 {strides = array<i32>} : memref<1x2xf32, #tpu.memory_space<vmem>>, vector<1x2xf32>,
    return
  }
}

</mosaic_0001>

<sc_bundles>
// kernel: kernel.10.cloned.1.call-start
scs
__scs_entry_jumppad:
0x0: {  	(pc) =	sbr.rel $0x88, $3  }
0x1: {  	(tag) =	ssettag $0x0;
	lr =	simm.s32 $0x1  }
0x2: {  	[smem:$0x3F95] =	sst lr;
	_ =	strace $0xD0000000  }
0x3: {  	_ = 	snop  }
0x4: {  	_ = 	snop  }
0x5: {  	_ = 	snop  }
0x6: {  	_ = 	snop  }
0x7: {  	_ = 	snop  }
__scs_overlays_trampoline_lowered:
0x8: {  	[smem:$0x3FA4] =	sst s0  }
0x9: {  	[smem:$0x3FA5] =	sst s1  }
0xa: {  	[smem:$0x3FA6] =	sst s2  }
0xb: {  	[smem:$0x3FA7] =	sst s3  }
0xc: {  	[smem:$0x3FA8] =	sst s4  }
0xd: {  	[smem:$0x3FA9] =	sst s5  }
0xe: {  	[smem:$0x3FAA] =	sst s6  }
0xf: {  	[smem:$0x3FAB] =	sst s7  }
0x10: {  	[smem:$0x3FAC] =	sst s8  }
0x11: {  	[smem:$0x3FAD] =	sst s9;
	s0 =	simm.s32 @!p0 $0x0  }
0x12: {  	s1 =	sld [smem:$0x3F93];
	s0 =	simm.s32 @p0 $0x1  }
0x13: {  	[smem:$0x3FAE] =	sst s0;
	s0 =	simm.s32 @!p1 $0x0  }
0x14: {  	s2 =	sld [smem:$0x3F92];
	s0 =	simm.s32 @p1 $0x1  }
0x15: {  	[smem:$0x3FAF] =	sst s0;
	s0 =	simm.s32 @!p2 $0x0  }
0x16: {  	s3 =	sld [smem:$0x3FDB];
	s0 =	simm.s32 @p2 $0x1  }
0x17: {  	s4 =	simm.s32 $0x1BF5;
	[smem:$0x3FB1] =	sst s0  }
0x18: {  	s0 =	sld [smem:$0x3F94];
	_ =	swait.ge [sflag:s4], $0x0  }
0x19: {  	s7 =	sld [smem:$0x3F95]  }
0x1a: {  	s8 =	sadd.s32 $0xFFFFE003, lr  }
0x1b: {  	s9 =	sadd.s32 $0xFFFFFEF7, lr;
	s5 =	simm.s32 $0xFFFFFFFF;
	p2 =	slt.u32 s8, $0xFFFFF086  }
0x1c: {  	p1 =	slt.u32 s9, $0xF7A;
	s5 =	simm.s32 @!p2 $0x0  }
0x1d: {  	s5 =	simm.s32 @p1 $0x1;
	p0 =	seq.s32 s7, s2  }
0x1e: {  	s7 =	smul.u32 @!p0 $0xF7A, s2;
	p2 =	seq.s32 @!p0 s5, $0x0  }
0x1f: {  	s9 =	smul.u32 $0xF7A, s1;
	s8 =	simm.s32 @!p0 $0x1BF5;
	p2 =	por !p2, p0  }
0x20: {  	[sflag:s8] =	ssyncset.s32 @!p0 $0xFFFFF086;
	s6 =	sadd.s32 @!p0 s3, s7;
	s7 =	simm.s32 @!p0 $0x108  }
0x21: {  	s3 =	sadd.s32 s3, s9;
	s6 =	sadd.s32 @!p0 $0x88, s6;
	s7 =	simm.s32 @p2 $0x1082  }
0x22: {  	[simem:s7], [sflag:s8] =	dma.local @!p0 [hbm:s6], $0xF7A  }
0x23: {  	s9 =	sor.u32 $0xD0000000, s2;
	s6 =	simm.s32 $0x108;
	_ =	swait.ge @!p0 [sflag:s8], $0x0  }
0x24: {  	s3 =	sadd.s32 $0x88, s3;
	s6 =	simm.s32 @!p1 $0x1082;
	[sflag:s4] =	ssyncset.s32 $0xFFFFF086  }
0x25: {  	[simem:s6], [sflag:s4] =	dma.local [hbm:s3], $0xF7A  }
0x26: {  	[smem:$0x3F95] =	sst s1;
	(tag) =	ssettag s2;
	_ =	strace s9  }
0x27: {  	s1 =	sld [smem:$0x3FA5]  }
0x28: {  	s2 =	sld [smem:$0x3FA6]  }
0x29: {  	s4 =	sld [smem:$0x3FA8]  }
0x2a: {  	p0 =	seq.s32 s5, $0x0;
	s5 =	sld [smem:$0x3FA9]  }
0x2b: {  	s6 =	sld [smem:$0x3FAA]  }
0x2c: {  	s7 =	sld [smem:$0x3FAB]  }
0x2d: {  	s3 =	simm.s32 $0x108;
	s8 =	sld [smem:$0x3FAC]  }
0x2e: {  	s3 =	simm.s32 @!p0 $0x1082;
	s9 =	sld [smem:$0x3FAD]  }
0x2f: {  	lr =	sadd.s32 s0, s3;
	s0 =	sld [smem:$0x3FA4]  }
0x30: {  	s3 =	sld [smem:$0x3FA7]  }
0x31: {  	[smem:$0x3FB0] =	sst s10  }
0x32: {  	s10 =	sld [smem:$0x3FAE];
	_ =	sdelay $0x3  }
0x33: {  	p0 =	seq.s32 s10, $0x1;
	s10 =	sld [smem:$0x3FB0];
	_ =	sdelay $0x3  }
0x34: {  	[smem:$0x3FB0] =	sst s10  }
0x35: {  	s10 =	sld [smem:$0x3FAF];
	_ =	sdelay $0x3  }
0x36: {  	p1 =	seq.s32 s10, $0x1;
	s10 =	sld [smem:$0x3FB0];
	_ =	sdelay $0x3  }
0x37: {  	[smem:$0x3FB0] =	sst s10  }
0x38: {  	s10 =	sld [smem:$0x3FB1]  }
0x39: {  	_ = 	snop;
	(pc) =	sbr.ind lr, $3  }
0x3a: {  	_ = 	snop  }
0x3b: {  	_ = 	snop  }
0x3c: {  	p2 =	seq.s32 s10, $0x1;
	s10 =	sld [smem:$0x3FB0]  }
0x3d: {  	_ =	shalt  }
0x3e: {  	_ =	shalt  }
0x3f: {  	_ =	shalt  }
0x40: {  	_ =	shalt  }
0x41: {  	_ =	shalt  }
0x42: {  	_ =	shalt  }
0x43: {  	_ =	shalt  }
0x44: {  	_ =	shalt  }
0x45: {  	_ =	shalt  }
0x46: {  	_ =	shalt  }
0x47: {  	_ =	shalt  }
0x48: {  	_ =	shalt  }
0x49: {  	_ =	shalt  }
0x4a: {  	_ =	shalt  }
0x4b: {  	_ =	shalt  }
0x4c: {  	_ =	shalt  }
0x4d: {  	_ =	shalt  }
0x4e: {  	_ =	shalt  }
0x4f: {  	_ =	shalt  }
0x50: {  	_ =	shalt  }
0x51: {  	_ =	shalt  }
0x52: {  	_ =	shalt  }
0x53: {  	_ =	shalt  }
0x54: {  	_ =	shalt  }
0x55: {  	_ =	shalt  }
0x56: {  	_ =	shalt  }
0x57: {  	_ =	shalt  }
0x58: {  	_ =	shalt  }
0x59: {  	_ =	shalt  }
0x5a: {  	_ =	shalt  }
0x5b: {  	_ =	shalt  }
0x5c: {  	_ =	shalt  }
0x5d: {  	_ =	shalt  }
0x5e: {  	_ =	shalt  }
0x5f: {  	_ =	shalt  }
0x60: {  	_ =	shalt  }
0x61: {  	_ =	shalt  }
0x62: {  	_ =	shalt  }
0x63: {  	_ =	shalt  }
0x64: {  	_ =	shalt  }
0x65: {  	_ =	shalt  }
0x66: {  	_ =	shalt  }
0x67: {  	_ =	shalt  }
0x68: {  	_ =	shalt  }
0x69: {  	_ =	shalt  }
0x6a: {  	_ =	shalt  }
0x6b: {  	_ =	shalt  }
0x6c: {  	_ =	shalt  }
0x6d: {  	_ =	shalt  }
0x6e: {  	_ =	shalt  }
0x6f: {  	_ =	shalt  }
0x70: {  	_ =	shalt  }
0x71: {  	_ =	shalt  }
0x72: {  	_ =	shalt  }
0x73: {  	_ =	shalt  }
0x74: {  	_ =	shalt  }
0x75: {  	_ =	shalt  }
0x76: {  	_ =	shalt  }
0x77: {  	_ =	shalt  }
0x78: {  	_ =	shalt  }
0x79: {  	_ =	shalt  }
0x7a: {  	_ =	shalt  }
0x7b: {  	_ =	shalt  }
0x7c: {  	_ =	shalt  }
0x7d: {  	_ =	shalt  }
0x7e: {  	_ =	shalt  }
0x7f: {  	_ =	shalt  }
0x80: {  	_ =	shalt  }
0x81: {  	_ =	shalt  }
0x82: {  	_ =	shalt  }
0x83: {  	_ =	shalt  }
0x84: {  	_ =	shalt  }
0x85: {  	_ =	shalt  }
0x86: {  	_ =	shalt  }
0x87: {  	_ =	shalt  }
.Lfunc_end0:
.L_simem_size_0:
called_computation_lowered:
.L_overlay_start_0:
0x88: {  	s2 =	sld [smem:$0x3FD9]  }
0x89: {  	s3 =	sld [smem:$0x3FFE];
	_ =	sdelay $0x1  }
0x8a: {  	s1 =	srdreg.scid  }
0x8b: {  	s0 =	sand.u32 $0x1, s1  }
0x8c: {  	s16 =	sshll.u32 s0, $0xA;
	s2 =	sadd.s32 s3, s2  }
0x8d: {  	s2 =	sadd.s32 s2, s16  }
0x8e: {  	[smem:$0x3FBC] =	sst s2  }
0x8f: {  	_ = 	snop  }
0x90: {  	(tm) =	ssettm $0x1  }
0x91: {  	s17 =	sld [smem:$0x3FFB];
	_ =	sdelay $0x3  }
0x92: {  	_ =	strace s17  }
0x93: {  	s2 =	sld [smem:$0x3FFC];
	_ =	sdelay $0x3  }
0x94: {  	_ =	strace s2  }
0x95: {  	s2 =	sld [smem:$0x3FFD];
	_ =	sdelay $0x3  }
0x96: {  	_ =	strace s2  }
0x97: {  	_ =	strace $0x8FFFFFFF  }
0x98: {  	s18 =	sld [smem:$0x3FDB];
	_ =	sdelay $0x1  }
0x99: {  	s19 =	simm.s32 $_scs_section_size  }
0x9a: {  	s4 =	simm.s32 $_size__tile_overlayer_lowered;
	s5 =	simm.s32 $_tile_overlayer_lowered  }
0x9b: {  	s22 =	simm.s32 $0x1BFF;
	s21 =	sshll.u32 s5, $0x1;
	s2 =	sadd.s32 s19, s18  }
0x9c: {  	s6 =	simm.s32 $0x0;
	s20 =	sshll.u32 s4, $0x1;
	s4 =	sadd.s32 s21, s2  }
0x9d: {  	[timem:s6], [sflag:s22] =	dma.local [hbm:s4], s20  }
0x9e: {  	_ =	swait.ge [sflag:s22], s20  }
0x9f: {  	s3 =	ssub.s32 $0x0, s20;
	[sflag:s22] =	ssyncset.done $0x0  }
0xa0: {  	[sflag:s22] =	ssyncadd.s32 s3;
	_ =	sdelay $0x1  }
0xa1: {  	s23 =	simm.s32 $0x1B8B  }
0xa2: {  	_ =	swait.ge [sflag:s23], $0x1  }
0xa3: {  	[sflag:s23] =	ssyncset.done $0x0  }
0xa4: {  	s25 =	simm.s32 $0x1B8E;
	s24 =	sld [smem:$0x3FFE];
	[sflag:s23] =	ssyncadd.s32 $0xFFFFFFFF  }
0xa5: {  	s26 =	simm.s32 $execute0_lowered;
	[smem:$0x3FD2] =	sst s25  }
0xa6: {  	s4 =	sshll.u32 s26, $0x1;
	_ =	strace $0x80000046;
	[dreg:$0x1] =	wrdreg $0xFFFFFFFF  }
0xa7: {  	s28 =	simm.s32 $_size_execute0_lowered;
	s2 =	sadd.s32 s2, s4;
	[dreg:$0x0] =	wrdreg $0x0  }
0xa8: {  	s4 =	sshll.u32 s28, $0x1;
	[dreg:$0x2] =	wrdreg s2  }
0xa9: {  	[dreg:$0x3] =	wrdreg s4  }
0xaa: {  	[dreg:$0x4] =	wrdreg $0xC0  }
0xab: {  	_ =	task [dreg:s6], $0x5FFFF  }
0xac: {  	[dreg:$0x1] =	wrdreg $0xFFFFFFFF  }
0xad: {  	[dreg:$0x0] =	wrdreg $0x60  }
0xae: {  	[dreg:$0x2] =	wrdreg s24  }
0xaf: {  	[dreg:$0x3] =	wrdreg $0x5A00  }
0xb0: {  	[dreg:$0x4] =	wrdreg $0x9  }
0xb1: {  	_ =	task.clear_ibuf [dreg:s6], $0x5FFFF;
	_ =	strace $0x90000046  }
0xb2: {  	s29 =	simm.s32 $0x9;
	_ =	strace $0x80000048  }
0xb3: {  	_ =	swait.ge [sflag:s29], $0x1  }
0xb4: {  	[sflag:s29] =	ssyncadd.s32 $0xFFFFFFFF  }
0xb5: {  	_ =	strace $0x90000048  }
0xb6: {  	_ =	sfence  }
0xb7: {  	s30 =	sld [smem:$0x0];
	_ =	sdelay $0x2  }
0xb8: {  	s31 =	sshll.u32 s1, $0xD;
	s1 =	sshrl.u32 s1, $0x2  }
0xb9: {  	s3 =	sand.u32 $0x4000, s31;
	s1 =	sadd.s32 s1, s30  }
0xba: {  	s0 =	sor.u32 s3, s0;
	s1 =	sshll.u32 s1, $0x11  }
0xbb: {  	s0 =	sor.u32 s1, s0  }
0xbc: {  	s0 =	sadd.s32 $0x8F2B, s0  }
0xbd: {  	[sflag:s0] =	ssyncadd.remote.s32 $0x1  }
0xbe: {  	_ =	sfence.sel $0xFFFF  }
0xbf: {  	[dreg:$0x0] =	wrdreg $0xFFFFFFFF;
	(pc) =	sbr.abs _section_cstart, $3  }
0xc0: {  	[dreg:$0x1] =	wrdreg $0xFFFFFFFF  }
0xc1: {  	_ =	task.clear_ibuf [dreg:s6], $0x2FFFF;
	_ =	strace $0x9FFFFFFF  }
0xc2: {  	(tm) =	ssettm $0x7FFFFFFF  }
0xc3: {  	_ =	shalt  }
tec
execute0_lowered:
.L_overlay_start_1:
0x0: {  	(tag) =	ssettag $0x1  }
0x1: {  	s5 =	rddreg [dreg:$0x0];
	s1 =	srdreg.scid  }
0x2: {  	s0 =	stileid.u32;
	s2 =	rddreg [dreg:$0x1]  }
0x3: {  	s3 =	simm.s32 $0x0;
	s20 =	simm.s32 $0xA0;
	s21 =	simm.s32 $0x3  }
0x4: {  	s22 =	simm.s32 $0x50;
	s23 =	simm.s32 $0x1;
	s4 =	smul.u32 $0x500, s0  }
0x5: {  	s24 =	simm.s32 $0x2;
	s25 =	simm.s32 $0x0;
	s8 =	smul.u32 $0xA000, s0  }
0x6: {  	s7 =	sand.u32 $0x1, s1;
	[smem:$0x7FF] =	sst s3;
	s18 =	smul.u32 $0x2710, s0  }
0x7: {  	s1 =	rddreg [dreg:$0x2];
	s6 =	smul.u32 $0x5000, s7;
	_ =	strace $0x80000047  }
0x8: {  	s30 =	sshll.u32 s7, $0x4;
	s31 =	ssub.s32 $0x2, s7;
	s14 =	smul.u32 $0x27100, s7  }
0x9: {  	s8 =	sshrl.u32 s8, $0x2;
	s9 =	sshrl.u32 s31, $0x1;
	s6 =	sadd.s32 s4, s6  }
0xa: {  	s4 =	sadd.s32 $0x2600, s5;
	s17 =	ssub.s32 s31, s9;
	s18 =	sadd.s32 s18, s14  }
0xb: {  	s16 =	sadd.s32 s6, s5;
	s5 =	sor.u32 s0, s30;
	s19 =	sadd.s32 $0x50, s18  }
0xc: {  	s17 =	smax.u32 s17, $0x1;
	s18 =	sadd.s32 $0xA0, s18;
	s15 =	smul.u32 $0x2710, s5  }
0xd: {  	s5 =	sadd.s32 s8, s2;
	s16 =	sadd.s32 $0x16200, s16;
	s19 =	sshrl.u32 s19, $0x3  }
0xe: {  	s6 =	sadd.s32 $0x400, s5;
	s7 =	sadd.s32 $0x800, s5;
	s8 =	sadd.s32 $0xC00, s5  }
0xf: {  	s9 =	sadd.s32 $0x1000, s5;
	s10 =	sadd.s32 $0x1400, s5;
	s11 =	sadd.s32 $0x1800, s5  }
0x10: {  	s12 =	sadd.s32 $0x1C00, s5;
	s13 =	sadd.s32 $0x2000, s5;
	s15 =	sshrl.u32 s15, $0x3  }
0x11: {  	v0 =	vimm.f32 $0.0e+00;
	v1 =	vimm.f32 $1.000000000e+00;
	s14 =	sadd.s32 $0x2400, s5;
	s19 =	sadd.s32 s19, s4;
	s15 =	sadd.s32 s4, s15  }
.LBB2_1:
0x12: {  	s26 =	simm.s32 $0x40;
	s28 =	simm.s32 $0x0  }
.LBB2_2:
0x13: {  	p0 =	sne.s32 s26, $0x13C0;
	[tilespmem:s28+$0xA0] =	vst v0;
	s28 =	smov.u32 s26;
	s26 =	sadd.s32 $0x40, s26  }
.Ltmp0:
0x14: {  	(pc) =	sbr.rel @p0 .LBB2_2-.Ltmp0, $2  }
0x15: {  	_ =	sdelay $0x2  }
0x16: {  	s28 =	sshra.s32 s28, $0x2  }
0x17: {  	[tilespmem:s28+$0xA0] =	vst v0  }
0x18: {  	[spmem:s5] =	stream.linear.scatter [tilespmem:s20], [sflag:$0x3], $0x400, $0x38;
	[tilespmem:$0x2DA0] =	vst v63  }
0x19: {  	_ =	swait.ge [sflag:s21], $0x400  }
0x1a: {  	[sflag:s21] =	ssyncset.done $0x0  }
0x1b: {  	[sflag:s21] =	ssyncadd.s32 $0xFFFFFC00  }
0x1c: {  	[spmem:s6] =	stream.linear.scatter [tilespmem:s20], [sflag:$0x3], $0x400, $0x38;
	[tilespmem:$0x2DA0] =	vst v63  }
0x1d: {  	_ =	swait.ge [sflag:s21], $0x400  }
0x1e: {  	[sflag:s21] =	ssyncset.done $0x0  }
0x1f: {  	[sflag:s21] =	ssyncadd.s32 $0xFFFFFC00  }
0x20: {  	[spmem:s7] =	stream.linear.scatter [tilespmem:s20], [sflag:$0x3], $0x400, $0x38;
	[tilespmem:$0x2DA0] =	vst v63  }
0x21: {  	_ =	swait.ge [sflag:s21], $0x400  }
0x22: {  	[sflag:s21] =	ssyncset.done $0x0  }
0x23: {  	[sflag:s21] =	ssyncadd.s32 $0xFFFFFC00  }
0x24: {  	[spmem:s8] =	stream.linear.scatter [tilespmem:s20], [sflag:$0x3], $0x400, $0x38;
	[tilespmem:$0x2DA0] =	vst v63  }
0x25: {  	_ =	swait.ge [sflag:s21], $0x400  }
0x26: {  	[sflag:s21] =	ssyncset.done $0x0  }
0x27: {  	[sflag:s21] =	ssyncadd.s32 $0xFFFFFC00  }
0x28: {  	[spmem:s9] =	stream.linear.scatter [tilespmem:s20], [sflag:$0x3], $0x400, $0x38;
	[tilespmem:$0x2DA0] =	vst v63  }
0x29: {  	_ =	swait.ge [sflag:s21], $0x400  }
0x2a: {  	[sflag:s21] =	ssyncset.done $0x0  }
0x2b: {  	[sflag:s21] =	ssyncadd.s32 $0xFFFFFC00  }
0x2c: {  	[spmem:s10] =	stream.linear.scatter [tilespmem:s20], [sflag:$0x3], $0x400, $0x38;
	[tilespmem:$0x2DA0] =	vst v63  }
0x2d: {  	_ =	swait.ge [sflag:s21], $0x400  }
0x2e: {  	[sflag:s21] =	ssyncset.done $0x0  }
0x2f: {  	[sflag:s21] =	ssyncadd.s32 $0xFFFFFC00  }
0x30: {  	[spmem:s11] =	stream.linear.scatter [tilespmem:s20], [sflag:$0x3], $0x400, $0x38;
	[tilespmem:$0x2DA0] =	vst v63  }
0x31: {  	_ =	swait.ge [sflag:s21], $0x400  }
0x32: {  	[sflag:s21] =	ssyncset.done $0x0  }
0x33: {  	[sflag:s21] =	ssyncadd.s32 $0xFFFFFC00  }
0x34: {  	[spmem:s12] =	stream.linear.scatter [tilespmem:s20], [sflag:$0x3], $0x400, $0x38;
	[tilespmem:$0x2DA0] =	vst v63  }
0x35: {  	_ =	swait.ge [sflag:s21], $0x400  }
0x36: {  	[sflag:s21] =	ssyncset.done $0x0  }
0x37: {  	[sflag:s21] =	ssyncadd.s32 $0xFFFFFC00  }
0x38: {  	[spmem:s13] =	stream.linear.scatter [tilespmem:s20], [sflag:$0x3], $0x400, $0x38;
	[tilespmem:$0x2DA0] =	vst v63  }
0x39: {  	_ =	swait.ge [sflag:s21], $0x400  }
0x3a: {  	[sflag:s21] =	ssyncset.done $0x0  }
0x3b: {  	[sflag:s21] =	ssyncadd.s32 $0xFFFFFC00  }
0x3c: {  	[spmem:s14] =	stream.linear.scatter [tilespmem:s20], [sflag:$0x3], $0x400, $0x38;
	[tilespmem:$0x2DA0] =	vst v63  }
0x3d: {  	_ =	swait.ge [sflag:s21], $0x400  }
0x3e: {  	[sflag:s21] =	ssyncset.done $0x0  }
0x3f: {  	s26 =	simm.s32 $0x40;
	s28 =	simm.s32 $0x0;
	[sflag:s21] =	ssyncadd.s32 $0xFFFFFC00  }
.LBB2_4:
0x40: {  	p0 =	sne.s32 s26, $0x13C0;
	[tilespmem:s28+$0xA0] =	vst v1;
	s28 =	smov.u32 s26;
	s26 =	sadd.s32 $0x40, s26  }
.Ltmp1:
0x41: {  	(pc) =	sbr.rel @p0 .LBB2_4-.Ltmp1, $2  }
0x42: {  	_ =	sdelay $0x2  }
0x43: {  	s28 =	sshra.s32 s28, $0x2  }
0x44: {  	[tilespmem:s28+$0xA0] =	vst v1  }
0x45: {  	s26 =	simm.s32 $0x0;
	[bflag:$0x0] =	sbarrier.arrive $0xFFFF  }
0x46: {  	[tilespmem:s26], [sflag:$0x1] =	stream.linear.gather [hbm4b:s15+s26], $0x50, $0x38;
	[tilespmem:$0x2DA0] =	vst v63  }
0x47: {  	s30 =	sadd.s32 $0x0, s19  }
0x48: {  	[tilespmem:s22], [sflag:$0x2] =	stream.linear.gather [hbm4b:s30+s3], $0x50, $0x38;
	[tilespmem:$0x2DA0] =	vst v63  }
0x49: {  	_ =	swait.ge [sflag:s23], $0x50  }
0x4a: {  	[sflag:s23] =	ssyncset.done $0x0  }
0x4b: {  	[sflag:s23] =	ssyncadd.s32 $0xFFFFFFB0  }
0x4c: {  	[spmem:s2] =	stream.indirect.scatter.add.f32 [tilespmem:s20], [sflag:$0x3], $0x10, s3, s22, $0xb8;
	[tilespmem:$0x2DA0] =	vst v63  }
0x4d: {  	_ =	swait.ge [sflag:s21], $0x500  }
0x4e: {  	s31 =	sshrl.u32 s18, $0x3;
	[sflag:s21] =	ssyncset.done $0x0  }
0x4f: {  	s26 =	sadd.s32 s4, s31;
	[sflag:s21] =	ssyncadd.s32 $0xFFFFFB00  }
0x50: {  	[tilespmem:s3], [sflag:$0x1] =	stream.linear.gather [hbm4b:s26+s3], $0x50, $0x38;
	[tilespmem:$0x2DA0] =	vst v63  }
0x51: {  	_ =	swait.ge [sflag:s24], $0x50  }
0x52: {  	[sflag:s24] =	ssyncset.done $0x0  }
0x53: {  	[sflag:s24] =	ssyncadd.s32 $0xFFFFFFB0  }
0x54: {  	[spmem:s2] =	stream.indirect.scatter.add.f32 [tilespmem:s20], [sflag:$0x3], $0x10, s22, s22, $0xb8;
	[tilespmem:$0x2DA0] =	vst v63  }
0x55: {  	s28 =	simm.s32 $0x14;
	_ =	swait.ge [sflag:s21], $0x500  }
0x56: {  	s29 =	simm.s32 $0x28;
	s26 =	sadd.s32 $0xA0, s18;
	[sflag:s21] =	ssyncset.done $0x0  }
.LBB2_6:
0x57: {  	s30 =	sadd.s32 s28, s19  }
0x58: {  	[sflag:s21] =	ssyncadd.s32 $0xFFFFFB00;
	s28 =	smov.u32 s29;
	s31 =	sadd.s32 $0x14, s29  }
0x59: {  	[tilespmem:s22], [sflag:$0x2] =	stream.linear.gather [hbm4b:s30+s3], $0x50, $0x38;
	[tilespmem:$0x2DA0] =	vst v63  }
0x5a: {  	p0 =	sne.s32 s29, $0x4C4;
	_ =	swait.ge [sflag:s23], $0x50  }
0x5b: {  	[sflag:s23] =	ssyncset.done $0x0  }
0x5c: {  	[sflag:s23] =	ssyncadd.s32 $0xFFFFFFB0  }
0x5d: {  	[spmem:s2] =	stream.indirect.scatter.add.f32 [tilespmem:s20], [sflag:$0x3], $0x10, s3, s22, $0xb8;
	[tilespmem:$0x2DA0] =	vst v63  }
0x5e: {  	_ =	swait.ge [sflag:s21], $0x500  }
0x5f: {  	s29 =	sshrl.u32 s26, $0x3;
	[sflag:s21] =	ssyncset.done $0x0  }
0x60: {  	s29 =	sadd.s32 s4, s29;
	[sflag:s21] =	ssyncadd.s32 $0xFFFFFB00  }
0x61: {  	[tilespmem:s3], [sflag:$0x1] =	stream.linear.gather [hbm4b:s29+s3], $0x50, $0x38;
	[tilespmem:$0x2DA0] =	vst v63  }
0x62: {  	_ =	swait.ge [sflag:s24], $0x50  }
.Ltmp2:
0x63: {  	[sflag:s24] =	ssyncset.done $0x0;
	(pc) =	sbr.rel @p0 .LBB2_6-.Ltmp2, $4  }
0x64: {  	[sflag:s24] =	ssyncadd.s32 $0xFFFFFFB0  }
0x65: {  	[spmem:s2] =	stream.indirect.scatter.add.f32 [tilespmem:s20], [sflag:$0x3], $0x10, s22, s22, $0xb8;
	[tilespmem:$0x2DA0] =	vst v63  }
0x66: {  	_ =	swait.ge [sflag:s21], $0x500  }
0x67: {  	s26 =	sadd.s32 $0xA0, s26;
	s29 =	smov.u32 s31;
	[sflag:s21] =	ssyncset.done $0x0  }
0x68: {  	s28 =	sadd.s32 s28, s19;
	[sflag:s21] =	ssyncadd.s32 $0xFFFFFB00  }
0x69: {  	[tilespmem:s22], [sflag:$0x2] =	stream.linear.gather [hbm4b:s28+s3], $0x50, $0x38;
	[tilespmem:$0x2DA0] =	vst v63  }
0x6a: {  	_ =	swait.ge [sflag:s23], $0x50  }
0x6b: {  	[sflag:s23] =	ssyncset.done $0x0  }
0x6c: {  	[sflag:s23] =	ssyncadd.s32 $0xFFFFFFB0  }
0x6d: {  	[spmem:s2] =	stream.indirect.scatter.add.f32 [tilespmem:s20], [sflag:$0x3], $0x10, s3, s22, $0xb8;
	[tilespmem:$0x2DA0] =	vst v63  }
0x6e: {  	_ =	swait.ge [sflag:s21], $0x500  }
0x6f: {  	s26 =	sshrl.u32 s26, $0x3;
	[sflag:s21] =	ssyncset.done $0x0  }
0x70: {  	s26 =	sadd.s32 s4, s26;
	[sflag:s21] =	ssyncadd.s32 $0xFFFFFB00  }
0x71: {  	[tilespmem:s3], [sflag:$0x1] =	stream.linear.gather [hbm4b:s26+s3], $0x50, $0x38;
	[tilespmem:$0x2DA0] =	vst v63  }
0x72: {  	_ =	swait.ge [sflag:s24], $0x50  }
0x73: {  	[sflag:s24] =	ssyncset.done $0x0  }
0x74: {  	[sflag:s24] =	ssyncadd.s32 $0xFFFFFFB0  }
0x75: {  	[spmem:s2] =	stream.indirect.scatter.add.f32 [tilespmem:s20], [sflag:$0x3], $0x10, s22, s22, $0xb8;
	[tilespmem:$0x2DA0] =	vst v63  }
0x76: {  	_ =	swait.ge [sflag:s21], $0x500  }
0x77: {  	[sflag:s21] =	ssyncset.done $0x0  }
0x78: {  	[sflag:s21] =	ssyncadd.s32 $0xFFFFFB00  }
0x79: {  	_ =	swait.ge [sflag:s23], $0x50  }
0x7a: {  	[sflag:s23] =	ssyncset.done $0x0  }
0x7b: {  	[sflag:s23] =	ssyncadd.s32 $0xFFFFFFB0  }
0x7c: {  	[spmem:s2] =	stream.indirect.scatter.add.f32 [tilespmem:s20], [sflag:$0x3], $0x10, s3, s22, $0xb8;
	[tilespmem:$0x2DA0] =	vst v63  }
0x7d: {  	_ =	swait.ge [sflag:s21], $0x500  }
0x7e: {  	s30 =	sshll.u32 s0, $0x6;
	s25 =	sadd.s32 $0x1, s25;
	[sflag:s21] =	ssyncset.done $0x0  }
0x7f: {  	s31 =	sshrl.u32 s5, $0x3;
	p0 =	sne.s32 s25, s17;
	[sflag:s21] =	ssyncadd.s32 $0xFFFFFB00  }
.Ltmp3:
0x80: {  	s26 =	sor.u32 $0x1C03, s30;
	[bflag:$0x0] =	sbarrier.arrive $0xFFFF;
	(pc) =	sbr.rel @p0 .LBB2_1-.Ltmp3, $4  }
0x81: {  	[hbm:s16], [sflag:s26] =	dma.local [spmem:s31], $0x500  }
0x82: {  	_ =	swait.ge [sflag:s21], $0x500  }
0x83: {  	[sflag:s21] =	ssyncset.done $0x0  }
0x84: {  	[sflag:s21] =	ssyncadd.s32 $0xFFFFFB00  }
0x85: {  	_ =	sfence.sel $0x180000  }
0x86: {  	[bflag:$0x0] =	sbarrier.arrive $0xFFFF  }
0x87: {  	p0 =	sne.s32 s0, $0x0;
	_ =	strace $0x90000047  }
0x88: {  	s0 =	sadd.s32 @!p0 $0x100000, s1;
	[bflag:$0x2] =	sbarrier.arrive $0xFFFF  }
0x89: {  	[sflag:s0] =	ssyncadd.tile.s32 @!p0 $0x1;
	_ =	shalt  }
.Lfunc_end2:
_tile_overlayer_lowered:
.L_overlay_start_2:
0x8a: {  	(tag) =	ssettag $0x2  }
0x8b: {  	s0 =	rddreg [dreg:$0x0];
	s2 =	stileid.u32  }
0x8c: {  	s1 =	rddreg [dreg:$0x1];
	p0 =	sne.s32 s2, $0x0  }
0x8d: {  	s3 =	rddreg [dreg:$0x2];
	[bflag:$0x3] =	sbarrier.arrive $0xFFFF;
	s2 =	simm.s32 @!p0 $0x1C03  }
0x8e: {  	[timem:s3], [sflag:s2] =	dma.local @!p0 [hbm:s0], s1  }
0x8f: {  	s0 =	simm.s32 @!p0 $0x3  }
0x90: {  	_ =	swait.ge @!p0 [sflag:s0], s1  }
0x91: {  	s1 =	ssub.s32 @!p0 $0x0, s1;
	[sflag:s0] =	ssyncset.done @!p0 $0x0  }
0x92: {  	[sflag:s0] =	ssyncadd.s32 @!p0 s1  }
0x93: {  	[bflag:$0x3] =	sbarrier.arrive $0xFFFF  }
0x94: {  	_ =	shalt  }

// kernel: kernel.13.cloned.1.call-start
scs
__scs_entry_jumppad:
0x0: {  	(pc) =	sbr.rel $0x88, $3  }
0x1: {  	(tag) =	ssettag $0x0;
	lr =	simm.s32 $0x1  }
0x2: {  	[smem:$0x3F95] =	sst lr;
	_ =	strace $0xD0000000  }
0x3: {  	_ = 	snop  }
0x4: {  	_ = 	snop  }
0x5: {  	_ = 	snop  }
0x6: {  	_ = 	snop  }
0x7: {  	_ = 	snop  }
__scs_overlays_trampoline_lowered:
0x8: {  	[smem:$0x3FA4] =	sst s0  }
0x9: {  	[smem:$0x3FA5] =	sst s1  }
0xa: {  	[smem:$0x3FA6] =	sst s2  }
0xb: {  	[smem:$0x3FA7] =	sst s3  }
0xc: {  	[smem:$0x3FA8] =	sst s4  }
0xd: {  	[smem:$0x3FA9] =	sst s5  }
0xe: {  	[smem:$0x3FAA] =	sst s6  }
0xf: {  	[smem:$0x3FAB] =	sst s7  }
0x10: {  	[smem:$0x3FAC] =	sst s8  }
0x11: {  	[smem:$0x3FAD] =	sst s9;
	s0 =	simm.s32 @!p0 $0x0  }
0x12: {  	s1 =	sld [smem:$0x3F93];
	s0 =	simm.s32 @p0 $0x1  }
0x13: {  	[smem:$0x3FAE] =	sst s0;
	s0 =	simm.s32 @!p1 $0x0  }
0x14: {  	s2 =	sld [smem:$0x3F92];
	s0 =	simm.s32 @p1 $0x1  }
0x15: {  	[smem:$0x3FAF] =	sst s0;
	s0 =	simm.s32 @!p2 $0x0  }
0x16: {  	s3 =	sld [smem:$0x3FDB];
	s0 =	simm.s32 @p2 $0x1  }
0x17: {  	s4 =	simm.s32 $0x1BF5;
	[smem:$0x3FB1] =	sst s0  }
0x18: {  	s0 =	sld [smem:$0x3F94];
	_ =	swait.ge [sflag:s4], $0x0  }
0x19: {  	s7 =	sld [smem:$0x3F95]  }
0x1a: {  	s8 =	sadd.s32 $0xFFFFE003, lr  }
0x1b: {  	s9 =	sadd.s32 $0xFFFFFEF7, lr;
	s5 =	simm.s32 $0xFFFFFFFF;
	p2 =	slt.u32 s8, $0xFFFFF086  }
0x1c: {  	p1 =	slt.u32 s9, $0xF7A;
	s5 =	simm.s32 @!p2 $0x0  }
0x1d: {  	s5 =	simm.s32 @p1 $0x1;
	p0 =	seq.s32 s7, s2  }
0x1e: {  	s7 =	smul.u32 @!p0 $0xF7A, s2;
	p2 =	seq.s32 @!p0 s5, $0x0  }
0x1f: {  	s9 =	smul.u32 $0xF7A, s1;
	s8 =	simm.s32 @!p0 $0x1BF5;
	p2 =	por !p2, p0  }
0x20: {  	[sflag:s8] =	ssyncset.s32 @!p0 $0xFFFFF086;
	s6 =	sadd.s32 @!p0 s3, s7;
	s7 =	simm.s32 @!p0 $0x108  }
0x21: {  	s3 =	sadd.s32 s3, s9;
	s6 =	sadd.s32 @!p0 $0x88, s6;
	s7 =	simm.s32 @p2 $0x1082  }
0x22: {  	[simem:s7], [sflag:s8] =	dma.local @!p0 [hbm:s6], $0xF7A  }
0x23: {  	s9 =	sor.u32 $0xD0000000, s2;
	s6 =	simm.s32 $0x108;
	_ =	swait.ge @!p0 [sflag:s8], $0x0  }
0x24: {  	s3 =	sadd.s32 $0x88, s3;
	s6 =	simm.s32 @!p1 $0x1082;
	[sflag:s4] =	ssyncset.s32 $0xFFFFF086  }
0x25: {  	[simem:s6], [sflag:s4] =	dma.local [hbm:s3], $0xF7A  }
0x26: {  	[smem:$0x3F95] =	sst s1;
	(tag) =	ssettag s2;
	_ =	strace s9  }
0x27: {  	s1 =	sld [smem:$0x3FA5]  }
0x28: {  	s2 =	sld [smem:$0x3FA6]  }
0x29: {  	s4 =	sld [smem:$0x3FA8]  }
0x2a: {  	p0 =	seq.s32 s5, $0x0;
	s5 =	sld [smem:$0x3FA9]  }
0x2b: {  	s6 =	sld [smem:$0x3FAA]  }
0x2c: {  	s7 =	sld [smem:$0x3FAB]  }
0x2d: {  	s3 =	simm.s32 $0x108;
	s8 =	sld [smem:$0x3FAC]  }
0x2e: {  	s3 =	simm.s32 @!p0 $0x1082;
	s9 =	sld [smem:$0x3FAD]  }
0x2f: {  	lr =	sadd.s32 s0, s3;
	s0 =	sld [smem:$0x3FA4]  }
0x30: {  	s3 =	sld [smem:$0x3FA7]  }
0x31: {  	[smem:$0x3FB0] =	sst s10  }
0x32: {  	s10 =	sld [smem:$0x3FAE];
	_ =	sdelay $0x3  }
0x33: {  	p0 =	seq.s32 s10, $0x1;
	s10 =	sld [smem:$0x3FB0];
	_ =	sdelay $0x3  }
0x34: {  	[smem:$0x3FB0] =	sst s10  }
0x35: {  	s10 =	sld [smem:$0x3FAF];
	_ =	sdelay $0x3  }
0x36: {  	p1 =	seq.s32 s10, $0x1;
	s10 =	sld [smem:$0x3FB0];
	_ =	sdelay $0x3  }
0x37: {  	[smem:$0x3FB0] =	sst s10  }
0x38: {  	s10 =	sld [smem:$0x3FB1]  }
0x39: {  	_ = 	snop;
	(pc) =	sbr.ind lr, $3  }
0x3a: {  	_ = 	snop  }
0x3b: {  	_ = 	snop  }
0x3c: {  	p2 =	seq.s32 s10, $0x1;
	s10 =	sld [smem:$0x3FB0]  }
0x3d: {  	_ =	shalt  }
0x3e: {  	_ =	shalt  }
0x3f: {  	_ =	shalt  }
0x40: {  	_ =	shalt  }
0x41: {  	_ =	shalt  }
0x42: {  	_ =	shalt  }
0x43: {  	_ =	shalt  }
0x44: {  	_ =	shalt  }
0x45: {  	_ =	shalt  }
0x46: {  	_ =	shalt  }
0x47: {  	_ =	shalt  }
0x48: {  	_ =	shalt  }
0x49: {  	_ =	shalt  }
0x4a: {  	_ =	shalt  }
0x4b: {  	_ =	shalt  }
0x4c: {  	_ =	shalt  }
0x4d: {  	_ =	shalt  }
0x4e: {  	_ =	shalt  }
0x4f: {  	_ =	shalt  }
0x50: {  	_ =	shalt  }
0x51: {  	_ =	shalt  }
0x52: {  	_ =	shalt  }
0x53: {  	_ =	shalt  }
0x54: {  	_ =	shalt  }
0x55: {  	_ =	shalt  }
0x56: {  	_ =	shalt  }
0x57: {  	_ =	shalt  }
0x58: {  	_ =	shalt  }
0x59: {  	_ =	shalt  }
0x5a: {  	_ =	shalt  }
0x5b: {  	_ =	shalt  }
0x5c: {  	_ =	shalt  }
0x5d: {  	_ =	shalt  }
0x5e: {  	_ =	shalt  }
0x5f: {  	_ =	shalt  }
0x60: {  	_ =	shalt  }
0x61: {  	_ =	shalt  }
0x62: {  	_ =	shalt  }
0x63: {  	_ =	shalt  }
0x64: {  	_ =	shalt  }
0x65: {  	_ =	shalt  }
0x66: {  	_ =	shalt  }
0x67: {  	_ =	shalt  }
0x68: {  	_ =	shalt  }
0x69: {  	_ =	shalt  }
0x6a: {  	_ =	shalt  }
0x6b: {  	_ =	shalt  }
0x6c: {  	_ =	shalt  }
0x6d: {  	_ =	shalt  }
0x6e: {  	_ =	shalt  }
0x6f: {  	_ =	shalt  }
0x70: {  	_ =	shalt  }
0x71: {  	_ =	shalt  }
0x72: {  	_ =	shalt  }
0x73: {  	_ =	shalt  }
0x74: {  	_ =	shalt  }
0x75: {  	_ =	shalt  }
0x76: {  	_ =	shalt  }
0x77: {  	_ =	shalt  }
0x78: {  	_ =	shalt  }
0x79: {  	_ =	shalt  }
0x7a: {  	_ =	shalt  }
0x7b: {  	_ =	shalt  }
0x7c: {  	_ =	shalt  }
0x7d: {  	_ =	shalt  }
0x7e: {  	_ =	shalt  }
0x7f: {  	_ =	shalt  }
0x80: {  	_ =	shalt  }
0x81: {  	_ =	shalt  }
0x82: {  	_ =	shalt  }
0x83: {  	_ =	shalt  }
0x84: {  	_ =	shalt  }
0x85: {  	_ =	shalt  }
0x86: {  	_ =	shalt  }
0x87: {  	_ =	shalt  }
.Lfunc_end0:
.L_simem_size_0:
called_computation.1_lowered:
.L_overlay_start_0:
0x88: {  	s2 =	sld [smem:$0x3FD9]  }
0x89: {  	s3 =	sld [smem:$0x3FFE];
	_ =	sdelay $0x1  }
0x8a: {  	s1 =	srdreg.scid  }
0x8b: {  	s0 =	sand.u32 $0x1, s1  }
0x8c: {  	s16 =	sshll.u32 s0, $0xA;
	s2 =	sadd.s32 s3, s2  }
0x8d: {  	s2 =	sadd.s32 s2, s16  }
0x8e: {  	[smem:$0x3FBC] =	sst s2  }
0x8f: {  	_ = 	snop  }
0x90: {  	(tm) =	ssettm $0x1  }
0x91: {  	s17 =	sld [smem:$0x3FFB];
	_ =	sdelay $0x3  }
0x92: {  	_ =	strace s17  }
0x93: {  	s2 =	sld [smem:$0x3FFC];
	_ =	sdelay $0x3  }
0x94: {  	_ =	strace s2  }
0x95: {  	s2 =	sld [smem:$0x3FFD];
	_ =	sdelay $0x3  }
0x96: {  	_ =	strace s2  }
0x97: {  	_ =	strace $0x8FFFFFFF  }
0x98: {  	s18 =	sld [smem:$0x3FDB];
	_ =	sdelay $0x1  }
0x99: {  	s19 =	simm.s32 $_scs_section_size  }
0x9a: {  	s4 =	simm.s32 $_size__tile_overlayer_lowered;
	s5 =	simm.s32 $_tile_overlayer_lowered  }
0x9b: {  	s22 =	simm.s32 $0x1BFF;
	s21 =	sshll.u32 s5, $0x1;
	s2 =	sadd.s32 s19, s18  }
0x9c: {  	s6 =	simm.s32 $0x0;
	s20 =	sshll.u32 s4, $0x1;
	s4 =	sadd.s32 s21, s2  }
0x9d: {  	[timem:s6], [sflag:s22] =	dma.local [hbm:s4], s20  }
0x9e: {  	_ =	swait.ge [sflag:s22], s20  }
0x9f: {  	s3 =	ssub.s32 $0x0, s20;
	[sflag:s22] =	ssyncset.done $0x0  }
0xa0: {  	[sflag:s22] =	ssyncadd.s32 s3;
	_ =	sdelay $0x1  }
0xa1: {  	s23 =	simm.s32 $0x1B8B  }
0xa2: {  	_ =	swait.ge [sflag:s23], $0x1  }
0xa3: {  	[sflag:s23] =	ssyncset.done $0x0  }
0xa4: {  	s25 =	simm.s32 $0x1B8E;
	s24 =	sld [smem:$0x3FFE];
	[sflag:s23] =	ssyncadd.s32 $0xFFFFFFFF  }
0xa5: {  	s26 =	simm.s32 $execute0_lowered;
	[smem:$0x3FD2] =	sst s25  }
0xa6: {  	s4 =	sshll.u32 s26, $0x1;
	_ =	strace $0x80000049;
	[dreg:$0x1] =	wrdreg $0xFFFFFFFF  }
0xa7: {  	s28 =	simm.s32 $_size_execute0_lowered;
	s2 =	sadd.s32 s2, s4;
	[dreg:$0x0] =	wrdreg $0x0  }
0xa8: {  	s4 =	sshll.u32 s28, $0x1;
	[dreg:$0x2] =	wrdreg s2  }
0xa9: {  	[dreg:$0x3] =	wrdreg s4  }
0xaa: {  	[dreg:$0x4] =	wrdreg $0xC0  }
0xab: {  	_ =	task [dreg:s6], $0x5FFFF  }
0xac: {  	[dreg:$0x1] =	wrdreg $0xFFFFFFFF  }
0xad: {  	[dreg:$0x0] =	wrdreg $0x60  }
0xae: {  	[dreg:$0x2] =	wrdreg s24  }
0xaf: {  	[dreg:$0x3] =	wrdreg $0x52800  }
0xb0: {  	[dreg:$0x4] =	wrdreg $0x9  }
0xb1: {  	_ =	task.clear_ibuf [dreg:s6], $0x5FFFF;
	_ =	strace $0x90000049  }
0xb2: {  	s29 =	simm.s32 $0x9;
	_ =	strace $0x8000004B  }
0xb3: {  	_ =	swait.ge [sflag:s29], $0x1  }
0xb4: {  	[sflag:s29] =	ssyncadd.s32 $0xFFFFFFFF  }
0xb5: {  	_ =	strace $0x9000004B  }
0xb6: {  	_ =	sfence  }
0xb7: {  	s30 =	sld [smem:$0x0];
	_ =	sdelay $0x2  }
0xb8: {  	s31 =	sshll.u32 s1, $0xD;
	s1 =	sshrl.u32 s1, $0x2  }
0xb9: {  	s3 =	sand.u32 $0x4000, s31;
	s1 =	sadd.s32 s1, s30  }
0xba: {  	s0 =	sor.u32 s3, s0;
	s1 =	sshll.u32 s1, $0x11  }
0xbb: {  	s0 =	sor.u32 s1, s0  }
0xbc: {  	s0 =	sadd.s32 $0x8F2B, s0  }
0xbd: {  	[sflag:s0] =	ssyncadd.remote.s32 $0x1  }
0xbe: {  	_ =	sfence.sel $0xFFFF  }
0xbf: {  	[dreg:$0x0] =	wrdreg $0xFFFFFFFF;
	(pc) =	sbr.abs _section_cstart, $3  }
0xc0: {  	[dreg:$0x1] =	wrdreg $0xFFFFFFFF  }
0xc1: {  	_ =	task.clear_ibuf [dreg:s6], $0x2FFFF;
	_ =	strace $0x9FFFFFFF  }
0xc2: {  	(tm) =	ssettm $0x7FFFFFFF  }
0xc3: {  	_ =	shalt  }
tec
execute0_lowered:
.L_overlay_start_1:
0x0: {  	(tag) =	ssettag $0x1  }
0x1: {  	s0 =	rddreg [dreg:$0x0]  }
0x2: {  	s2 =	rddreg [dreg:$0x1]  }
0x3: {  	s1 =	srdreg.scid;
	s10 =	stileid.u32  }
0x4: {  	s3 =	simm.s32 $0x0;
	s1 =	sand.u32 $0x1, s1;
	s7 =	smul.u32 $0x1400, s10  }
0x5: {  	s31 =	simm.s32 $0xB;
	s26 =	smul.u32 $0x28000, s10;
	s29 =	ssub.s32 $0x2, s1  }
0x6: {  	[smem:$0x7FF] =	sst s3;
	s8 =	smul.u32 $0x14000, s1;
	s9 =	sshrl.u32 s29, $0x1  }
0x7: {  	s4 =	sadd.s32 $0xC400, s0;
	_ =	strace $0x8000004A;
	s9 =	ssub.s32 s29, s9  }
0x8: {  	s7 =	sadd.s32 s7, s8;
	s8 =	sshrl.u32 s26, $0x2;
	s24 =	smax.u32 s9, $0x1  }
0x9: {  	s1 =	sshll.u32 s1, $0x4;
	s26 =	sadd.s32 s8, s2;
	[dreg:$0x14] =	wrdreg s24  }
0xa: {  	s1 =	sor.u32 s10, s1;
	s10 =	sadd.s32 $0x1000, s26;
	[dreg:$0x3] =	wrdreg s26  }
0xb: {  	s5 =	sadd.s32 $0x2600, s0;
	s11 =	sadd.s32 $0x2000, s26;
	[dreg:$0x4] =	wrdreg s10  }
0xc: {  	s6 =	sadd.s32 $0x66200, s0;
	s12 =	sadd.s32 $0x3000, s26;
	[dreg:$0x5] =	wrdreg s11  }
0xd: {  	s30 =	smul.u32 $0x2710, s1;
	s13 =	sadd.s32 $0x4000, s26;
	[dreg:$0x6] =	wrdreg s12  }
0xe: {  	s0 =	sadd.s32 s7, s0;
	s14 =	sadd.s32 $0x5000, s26;
	[dreg:$0x7] =	wrdreg s13  }
0xf: {  	s7 =	simm.s32 $0xD;
	s15 =	sadd.s32 $0x6000, s26;
	[dreg:$0x8] =	wrdreg s14  }
0x10: {  	s9 =	simm.s32 $0x0;
	s16 =	sadd.s32 $0x7000, s26;
	[dreg:$0x9] =	wrdreg s15  }
0x11: {  	s17 =	sadd.s32 $0x8000, s26;
	s18 =	sshrl.u32 s30, $0x3;
	[dreg:$0xa] =	wrdreg s16  }
0x12: {  	s8 =	sadd.s32 $0x9000, s26;
	s0 =	sadd.s32 $0x79C00, s0;
	[dreg:$0xb] =	wrdreg s17  }
0x13: {  	s25 =	sadd.s32 $0x140, s30;
	s29 =	sadd.s32 $0x190, s30;
	[dreg:$0xc] =	wrdreg s8  }
0x14: {  	s28 =	smov.u32 s30;
	s30 =	sadd.s32 $0x1E0, s30;
	[dreg:$0x13] =	wrdreg s0  }
0x15: {  	s24 =	simm.s32 $0x7;
	s19 =	sadd.s32 s4, s18;
	[dreg:$0x15] =	wrdreg s25  }
0x16: {  	s20 =	sadd.s32 $0xA, s18;
	s21 =	sadd.s32 s5, s18;
	[dreg:$0x16] =	wrdreg s29  }
0x17: {  	s1 =	sadd.s32 $0x14, s18;
	[dreg:$0x17] =	wrdreg s30;
	s10 =	simm.s32 $0xA0  }
0x18: {  	s11 =	simm.s32 $0x1E0;
	s12 =	simm.s32 $0x1;
	s13 =	simm.s32 $0x2  }
0x19: {  	s14 =	simm.s32 $0x1680;
	s15 =	simm.s32 $0x5;
	s16 =	simm.s32 $0xF0  }
0x1a: {  	s17 =	simm.s32 $0x230;
	s18 =	simm.s32 $0x3;
	[dreg:$0xd] =	wrdreg s19  }
0x1b: {  	s25 =	simm.s32 $0xA;
	[dreg:$0xe] =	wrdreg s21;
	s22 =	sadd.s32 s4, s20  }
.Ltmp0:
0x1c: {  	s8 =	sadd.s32 s5, s20;
	[dreg:$0xf] =	wrdreg s22;
	(pc) =	sbr.rel .LBB2_1-.Ltmp0, $4  }
0x1d: {  	s23 =	sadd.s32 s4, s1;
	s1 =	sadd.s32 s5, s1;
	[dreg:$0x10] =	wrdreg s8  }
0x1e: {  	s19 =	simm.s32 $0x2A80;
	s20 =	simm.s32 $0x6;
	[dreg:$0x11] =	wrdreg s23  }
0x1f: {  	s21 =	simm.s32 $0x9;
	[dreg:$0x12] =	wrdreg s1;
	s1 =	simm.s32 $0x50  }
0x20: {  	v0 =	vimm.f32 $0.0e+00;
	s22 =	simm.s32 $0x4;
	s23 =	simm.s32 $0x3E80;
	s8 =	simm.s32 $0x8  }
.LBB2_6:
0x21: {  	_ =	swait.ge [sflag:s15], $0x1400  }
0x22: {  	[sflag:s15] =	ssyncset.done $0x0  }
0x23: {  	s0 =	simm.s32 $0xC;
	[sflag:s15] =	ssyncadd.s32 $0xFFFFEC00  }
0x24: {  	_ =	swait.ge [sflag:s0], $0x1400  }
0x25: {  	[sflag:s0] =	ssyncset.done $0x0  }
0x26: {  	s26 =	simm.s32 $0x280;
	s7 =	simm.s32 $0x140;
	[sflag:s0] =	ssyncadd.s32 $0xFFFFEC00  }
0x27: {  	[spmem:s2] =	stream.indirect.scatter.add.f32 [tilespmem:s26], [sflag:$0x9], $0x40, s7, s1, $0xb8;
	[tilespmem:$0xF280] =	vst v63  }
0x28: {  	_ =	swait.ge [sflag:s21], $0x1400  }
0x29: {  	[sflag:s21] =	ssyncset.done $0x0  }
0x2a: {  	s29 =	stileid.u32;
	[sflag:s21] =	ssyncadd.s32 $0xFFFFEC00  }
0x2b: {  	s0 =	sshll.u32 s29, $0x6;
	[bflag:$0x0] =	sbarrier.arrive $0xFFFF  }
0x2c: {  	s0 =	sor.u32 $0x1C0D, s0;
	s26 =	rddreg [dreg:$0x3]  }
0x2d: {  	s7 =	simm.s32 $0xD;
	s9 =	rddreg [dreg:$0x13];
	s30 =	sshrl.u32 s26, $0x3  }
0x2e: {  	[hbm:s9], [sflag:s0] =	dma.local [spmem:s30], $0x1400  }
0x2f: {  	_ =	swait.ge [sflag:s7], $0x1400  }
0x30: {  	s29 =	rddreg [dreg:$0x18]  }
0x31: {  	s30 =	rddreg [dreg:$0x14];
	s9 =	sadd.s32 $0x1, s29  }
0x32: {  	p0 =	sne.s32 s9, s30  }
.Ltmp1:
0x33: {  	_ = 	snop;
	(pc) =	sbr.rel @!p0 .LBB2_7-.Ltmp1, $3  }
0x34: {  	_ =	sdelay $0x1  }
0x35: {  	[sflag:s7] =	ssyncset.done $0x0  }
0x36: {  	[sflag:s7] =	ssyncadd.s32 $0xFFFFEC00  }
.LBB2_1:
0x37: {  	[dreg:$0x18] =	wrdreg s9;
	s9 =	simm.s32 $0x100;
	s0 =	simm.s32 $0x0  }
.LBB2_2:
0x38: {  	p0 =	sne.s32 s9, $0x4F00;
	[tilespmem:s0+$0x2B0] =	vst v0;
	s30 =	smov.u32 s9;
	s9 =	sadd.s32 $0x100, s9  }
.Ltmp2:
0x39: {  	[tilespmem:s0+$0x2A0] =	vst v0;
	(pc) =	sbr.rel @p0 .LBB2_2-.Ltmp2, $3  }
0x3a: {  	[tilespmem:s0+$0x280] =	vst v0  }
0x3b: {  	[tilespmem:s0+$0x290] =	vst v0;
	_ =	sdelay $0x1  }
0x3c: {  	s0 =	sshra.s32 s30, $0x2  }
0x3d: {  	[tilespmem:s0+$0x2B0] =	vst v0  }
0x3e: {  	[tilespmem:s0+$0x2A0] =	vst v0  }
0x3f: {  	[tilespmem:s0+$0x280] =	vst v0  }
0x40: {  	[tilespmem:s0+$0x290] =	vst v0;
	s9 =	simm.s32 $0x280  }
0x41: {  	[spmem:s26] =	stream.linear.scatter [tilespmem:s9], [sflag:$0xD], $0x1000, $0x38;
	[tilespmem:$0xF280] =	vst v63  }
0x42: {  	_ =	swait.ge [sflag:s7], $0x1000  }
0x43: {  	[sflag:s7] =	ssyncset.done $0x0  }
0x44: {  	s26 =	rddreg [dreg:$0x4];
	[sflag:s7] =	ssyncadd.s32 $0xFFFFF000  }
0x45: {  	[spmem:s26] =	stream.linear.scatter [tilespmem:s9], [sflag:$0xD], $0x1000, $0x38;
	[tilespmem:$0xF280] =	vst v63  }
0x46: {  	_ =	swait.ge [sflag:s7], $0x1000  }
0x47: {  	[sflag:s7] =	ssyncset.done $0x0  }
0x48: {  	s29 =	rddreg [dreg:$0x5];
	[sflag:s7] =	ssyncadd.s32 $0xFFFFF000  }
0x49: {  	[spmem:s29] =	stream.linear.scatter [tilespmem:s9], [sflag:$0xD], $0x1000, $0x38;
	[tilespmem:$0xF280] =	vst v63  }
0x4a: {  	_ =	swait.ge [sflag:s7], $0x1000  }
0x4b: {  	[sflag:s7] =	ssyncset.done $0x0  }
0x4c: {  	s30 =	rddreg [dreg:$0x6];
	[sflag:s7] =	ssyncadd.s32 $0xFFFFF000  }
0x4d: {  	[spmem:s30] =	stream.linear.scatter [tilespmem:s9], [sflag:$0xD], $0x1000, $0x38;
	[tilespmem:$0xF280] =	vst v63  }
0x4e: {  	_ =	swait.ge [sflag:s7], $0x1000  }
0x4f: {  	[sflag:s7] =	ssyncset.done $0x0  }
0x50: {  	s26 =	rddreg [dreg:$0x7];
	[sflag:s7] =	ssyncadd.s32 $0xFFFFF000  }
0x51: {  	[spmem:s26] =	stream.linear.scatter [tilespmem:s9], [sflag:$0xD], $0x1000, $0x38;
	[tilespmem:$0xF280] =	vst v63  }
0x52: {  	_ =	swait.ge [sflag:s7], $0x1000  }
0x53: {  	[sflag:s7] =	ssyncset.done $0x0  }
0x54: {  	s29 =	rddreg [dreg:$0x8];
	[sflag:s7] =	ssyncadd.s32 $0xFFFFF000  }
0x55: {  	[spmem:s29] =	stream.linear.scatter [tilespmem:s9], [sflag:$0xD], $0x1000, $0x38;
	[tilespmem:$0xF280] =	vst v63  }
0x56: {  	_ =	swait.ge [sflag:s7], $0x1000  }
0x57: {  	[sflag:s7] =	ssyncset.done $0x0  }
0x58: {  	s30 =	rddreg [dreg:$0x9];
	[sflag:s7] =	ssyncadd.s32 $0xFFFFF000  }
0x59: {  	[spmem:s30] =	stream.linear.scatter [tilespmem:s9], [sflag:$0xD], $0x1000, $0x38;
	[tilespmem:$0xF280] =	vst v63  }
0x5a: {  	_ =	swait.ge [sflag:s7], $0x1000  }
0x5b: {  	[sflag:s7] =	ssyncset.done $0x0  }
0x5c: {  	s26 =	rddreg [dreg:$0xa];
	[sflag:s7] =	ssyncadd.s32 $0xFFFFF000  }
0x5d: {  	[spmem:s26] =	stream.linear.scatter [tilespmem:s9], [sflag:$0xD], $0x1000, $0x38;
	[tilespmem:$0xF280] =	vst v63  }
0x5e: {  	_ =	swait.ge [sflag:s7], $0x1000  }
0x5f: {  	[sflag:s7] =	ssyncset.done $0x0  }
0x60: {  	s29 =	rddreg [dreg:$0xb];
	[sflag:s7] =	ssyncadd.s32 $0xFFFFF000  }
0x61: {  	[spmem:s29] =	stream.linear.scatter [tilespmem:s9], [sflag:$0xD], $0x1000, $0x38;
	[tilespmem:$0xF280] =	vst v63  }
0x62: {  	_ =	swait.ge [sflag:s7], $0x1000  }
0x63: {  	[sflag:s7] =	ssyncset.done $0x0  }
0x64: {  	s30 =	rddreg [dreg:$0xc];
	[sflag:s7] =	ssyncadd.s32 $0xFFFFF000  }
0x65: {  	[spmem:s30] =	stream.linear.scatter [tilespmem:s9], [sflag:$0xD], $0x1000, $0x38;
	[tilespmem:$0xF280] =	vst v63  }
0x66: {  	_ =	swait.ge [sflag:s7], $0x1000  }
0x67: {  	[sflag:s7] =	ssyncset.done $0x0  }
0x68: {  	[sflag:s7] =	ssyncadd.s32 $0xFFFFF000  }
0x69: {  	[bflag:$0x0] =	sbarrier.arrive $0xFFFF  }
0x6a: {  	s0 =	simm.s32 $0x0;
	s26 =	rddreg [dreg:$0xd]  }
0x6b: {  	[tilespmem:s0], [sflag:$0x1] =	stream.linear.gather [hbm4b:s26+s0], $0x50, $0x38;
	[tilespmem:$0xF280] =	vst v63  }
0x6c: {  	s30 =	simm.s32 $0x140;
	s29 =	rddreg [dreg:$0xe]  }
0x6d: {  	[tilespmem:s30], [sflag:$0x1] =	stream.linear.gather [hbm4b:s29+s0], $0x50, $0x38;
	[tilespmem:$0xF280] =	vst v63  }
0x6e: {  	s26 =	rddreg [dreg:$0xf]  }
0x6f: {  	[tilespmem:s1], [sflag:$0x2] =	stream.linear.gather [hbm4b:s26+s0], $0x50, $0x38;
	[tilespmem:$0xF280] =	vst v63  }
0x70: {  	s29 =	rddreg [dreg:$0x10];
	s30 =	simm.s32 $0x190  }
0x71: {  	[tilespmem:s30], [sflag:$0x2] =	stream.linear.gather [hbm4b:s29+s0], $0x50, $0x38;
	[tilespmem:$0xF280] =	vst v63  }
0x72: {  	s29 =	rddreg [dreg:$0x11]  }
0x73: {  	[tilespmem:s10], [sflag:$0x3] =	stream.linear.gather [hbm4b:s29+s0], $0x50, $0x38;
	[tilespmem:$0xF280] =	vst v63  }
0x74: {  	s30 =	rddreg [dreg:$0x12]  }
0x75: {  	[tilespmem:s11], [sflag:$0x3] =	stream.linear.gather [hbm4b:s30+s0], $0x50, $0x38;
	[tilespmem:$0xF280] =	vst v63  }
0x76: {  	_ =	swait.ge [sflag:s12], $0x50  }
0x77: {  	[sflag:s12] =	ssyncset.done $0x0  }
0x78: {  	[sflag:s12] =	ssyncadd.s32 $0xFFFFFFB0  }
0x79: {  	_ =	swait.ge [sflag:s12], $0x50  }
0x7a: {  	[sflag:s12] =	ssyncset.done $0x0  }
0x7b: {  	[sflag:s12] =	ssyncadd.s32 $0xFFFFFFB0  }
0x7c: {  	[tilespmem:s9], [sflag:$0x5] =	stream.indirect.gather [hbm4b:s6+s1], $0x40, s0, s1, $0xb8;
	[tilespmem:$0xF280] =	vst v63  }
.LBB2_4:
0x7d: {  	_ =	swait.ge [sflag:s13], $0x50  }
0x7e: {  	[sflag:s13] =	ssyncset.done $0x0  }
0x7f: {  	[sflag:s13] =	ssyncadd.s32 $0xFFFFFFB0  }
0x80: {  	_ =	swait.ge [sflag:s13], $0x50  }
0x81: {  	[sflag:s13] =	ssyncset.done $0x0  }
0x82: {  	[sflag:s13] =	ssyncadd.s32 $0xFFFFFFB0  }
0x83: {  	[tilespmem:s14], [sflag:$0x6] =	stream.indirect.gather [hbm4b:s6+s1], $0x40, s1, s1, $0xb8;
	[tilespmem:$0xF280] =	vst v63  }
0x84: {  	_ =	swait.ge [sflag:s15], $0x1400  }
0x85: {  	p0 =	sne.s32 s0, $0x0;
	[sflag:s15] =	ssyncset.done $0x0  }
0x86: {  	s9 =	simm.s32 @p0 $0xC;
	[sflag:s15] =	ssyncadd.s32 $0xFFFFEC00  }
0x87: {  	_ =	swait.ge @p0 [sflag:s9], $0x1400  }
0x88: {  	s30 =	simm.s32 @p0 $0x140;
	[sflag:s9] =	ssyncset.done @p0 $0x0  }
0x89: {  	s7 =	simm.s32 @p0 $0x280;
	[sflag:s9] =	ssyncadd.s32 @p0 $0xFFFFEC00;
	s9 =	simm.s32 @p0 $0x50  }
0x8a: {  	[spmem:s2] =	stream.indirect.scatter.add.f32 @p0 [tilespmem:s7], [sflag:$0x9], $0x40, s30, s9, $0xb8;
	[tilespmem:$0xF280] =	vst v63  }
0x8b: {  	s29 =	simm.s32 @!p0 $0x280;
	s7 =	sadd.s32 @p0 $0xF0, s0  }
0x8c: {  	s9 =	simm.s32 @!p0 $0x50;
	s30 =	simm.s32 @!p0 $0x140;
	s7 =	simm.s32 @!p0 $0xF0  }
0x8d: {  	[spmem:s2] =	stream.indirect.scatter.add.f32 @!p0 [tilespmem:s29], [sflag:$0x9], $0x40, s30, s9, $0xb8;
	[tilespmem:$0xF280] =	vst v63  }
0x8e: {  	s7 =	sadd.s32 s28, s7  }
0x8f: {  	s7 =	sshrl.u32 s7, $0x3  }
0x90: {  	s26 =	sadd.s32 s4, s7  }
0x91: {  	[tilespmem:s16], [sflag:$0x4] =	stream.linear.gather [hbm4b:s26+s3], $0x50, $0x38;
	[tilespmem:$0xF280] =	vst v63  }
0x92: {  	s7 =	sadd.s32 s5, s7  }
0x93: {  	[tilespmem:s17], [sflag:$0x4] =	stream.linear.gather [hbm4b:s7+s3], $0x50, $0x38;
	[tilespmem:$0xF280] =	vst v63  }
0x94: {  	_ =	swait.ge [sflag:s18], $0x50  }
0x95: {  	[sflag:s18] =	ssyncset.done $0x0  }
0x96: {  	[sflag:s18] =	ssyncadd.s32 $0xFFFFFFB0  }
0x97: {  	_ =	swait.ge [sflag:s18], $0x50  }
0x98: {  	[sflag:s18] =	ssyncset.done $0x0  }
0x99: {  	[sflag:s18] =	ssyncadd.s32 $0xFFFFFFB0  }
0x9a: {  	[tilespmem:s19], [sflag:$0x7] =	stream.indirect.gather [hbm4b:s6+s1], $0x40, s10, s1, $0xb8;
	[tilespmem:$0xF280] =	vst v63  }
0x9b: {  	_ =	swait.ge [sflag:s20], $0x1400  }
0x9c: {  	[sflag:s20] =	ssyncset.done $0x0  }
0x9d: {  	[sflag:s20] =	ssyncadd.s32 $0xFFFFEC00  }
0x9e: {  	s9 =	smov.u32 s0;
	_ =	swait.ge [sflag:s21], $0x1400  }
0x9f: {  	s9 =	simm.s32 @!p0 $0x0;
	[sflag:s21] =	ssyncset.done $0x0;
	s30 =	rddreg [dreg:$0x15]  }
0xa0: {  	s29 =	simm.s32 $0x190;
	[sflag:s21] =	ssyncadd.s32 $0xFFFFEC00;
	s7 =	sadd.s32 s9, s30  }
0xa1: {  	[spmem:s2] =	stream.indirect.scatter.add.f32 [tilespmem:s14], [sflag:$0xA], $0x40, s29, s1, $0xb8;
	[tilespmem:$0xF280] =	vst v63  }
0xa2: {  	s7 =	sshrl.u32 s7, $0x3  }
0xa3: {  	s26 =	sadd.s32 s4, s7  }
0xa4: {  	[tilespmem:s3], [sflag:$0x1] =	stream.linear.gather [hbm4b:s26+s3], $0x50, $0x38;
	[tilespmem:$0xF280] =	vst v63  }
0xa5: {  	s7 =	sadd.s32 s5, s7;
	s26 =	simm.s32 $0x140  }
0xa6: {  	[tilespmem:s26], [sflag:$0x1] =	stream.linear.gather [hbm4b:s7+s3], $0x50, $0x38;
	[tilespmem:$0xF280] =	vst v63  }
0xa7: {  	_ =	swait.ge [sflag:s22], $0x50  }
0xa8: {  	[sflag:s22] =	ssyncset.done $0x0  }
0xa9: {  	[sflag:s22] =	ssyncadd.s32 $0xFFFFFFB0  }
0xaa: {  	_ =	swait.ge [sflag:s22], $0x50  }
0xab: {  	[sflag:s22] =	ssyncset.done $0x0  }
0xac: {  	[sflag:s22] =	ssyncadd.s32 $0xFFFFFFB0  }
0xad: {  	[tilespmem:s23], [sflag:$0x8] =	stream.indirect.gather [hbm4b:s6+s1], $0x40, s16, s1, $0xb8;
	[tilespmem:$0xF280] =	vst v63  }
0xae: {  	_ =	swait.ge [sflag:s24], $0x1400  }
0xaf: {  	[sflag:s24] =	ssyncset.done $0x0  }
0xb0: {  	[sflag:s24] =	ssyncadd.s32 $0xFFFFEC00  }
0xb1: {  	_ =	swait.ge [sflag:s25], $0x1400  }
0xb2: {  	p0 =	seq.s32 s0, $0x2580;
	[sflag:s25] =	ssyncset.done $0x0;
	s7 =	rddreg [dreg:$0x16]  }
0xb3: {  	[sflag:s25] =	ssyncadd.s32 $0xFFFFEC00;
	s7 =	sadd.s32 @!p0 s9, s7  }
0xb4: {  	[spmem:s2] =	stream.indirect.scatter.add.f32 [tilespmem:s19], [sflag:$0xB], $0x40, s11, s1, $0xb8;
	[tilespmem:$0xF280] =	vst v63  }
0xb5: {  	s7 =	sshrl.u32 @!p0 s7, $0x3  }
0xb6: {  	s30 =	simm.s32 @!p0 $0x0;
	s26 =	simm.s32 @!p0 $0x50;
	s29 =	sadd.s32 @!p0 s4, s7  }
0xb7: {  	[tilespmem:s26], [sflag:$0x2] =	stream.linear.gather @!p0 [hbm4b:s29+s30], $0x50, $0x38;
	[tilespmem:$0xF280] =	vst v63  }
0xb8: {  	s7 =	sadd.s32 @!p0 s5, s7;
	s26 =	simm.s32 @!p0 $0x190  }
0xb9: {  	[tilespmem:s26], [sflag:$0x2] =	stream.linear.gather @!p0 [hbm4b:s7+s30], $0x50, $0x38;
	[tilespmem:$0xF280] =	vst v63  }
0xba: {  	_ =	swait.ge [sflag:s12], $0x50  }
0xbb: {  	[sflag:s12] =	ssyncset.done $0x0  }
0xbc: {  	[sflag:s12] =	ssyncadd.s32 $0xFFFFFFB0  }
0xbd: {  	_ =	swait.ge [sflag:s12], $0x50  }
0xbe: {  	[sflag:s12] =	ssyncset.done $0x0  }
0xbf: {  	s30 =	simm.s32 $0x280;
	[sflag:s12] =	ssyncadd.s32 $0xFFFFFFB0  }
0xc0: {  	[tilespmem:s30], [sflag:$0x5] =	stream.indirect.gather [hbm4b:s6+s1], $0x40, s3, s1, $0xb8;
	[tilespmem:$0xF280] =	vst v63  }
0xc1: {  	_ =	swait.ge [sflag:s8], $0x1400  }
0xc2: {  	[sflag:s8] =	ssyncset.done $0x0  }
.Ltmp3:
0xc3: {  	[sflag:s8] =	ssyncadd.s32 $0xFFFFEC00;
	(pc) =	sbr.rel @p0 .LBB2_6-.Ltmp3, $4  }
0xc4: {  	_ =	swait.ge [sflag:s31], $0x1400  }
0xc5: {  	[sflag:s31] =	ssyncset.done $0x0  }
0xc6: {  	[sflag:s31] =	ssyncadd.s32 $0xFFFFEC00  }
0xc7: {  	[spmem:s2] =	stream.indirect.scatter.add.f32 [tilespmem:s23], [sflag:$0xC], $0x40, s17, s1, $0xb8;
	[tilespmem:$0xF280] =	vst v63  }
0xc8: {  	s7 =	rddreg [dreg:$0x17]  }
0xc9: {  	s7 =	sadd.s32 s9, s7  }
.Ltmp4:
0xca: {  	s7 =	sshrl.u32 s7, $0x3;
	(pc) =	sbr.rel .LBB2_4-.Ltmp4, $4  }
0xcb: {  	s30 =	sadd.s32 s4, s7  }
0xcc: {  	[tilespmem:s10], [sflag:$0x3] =	stream.linear.gather [hbm4b:s30+s3], $0x50, $0x38;
	[tilespmem:$0xF280] =	vst v63  }
0xcd: {  	s0 =	sadd.s32 $0x140, s0;
	s7 =	sadd.s32 s5, s7  }
0xce: {  	[tilespmem:s11], [sflag:$0x3] =	stream.linear.gather [hbm4b:s7+s3], $0x50, $0x38;
	[tilespmem:$0xF280] =	vst v63  }
.LBB2_7:
0xcf: {  	_ =	sfence.sel $0x180000  }
0xd0: {  	[bflag:$0x0] =	sbarrier.arrive $0xFFFF  }
0xd1: {  	_ =	strace $0x9000004A  }
0xd2: {  	s0 =	stileid.u32;
	[bflag:$0x2] =	sbarrier.arrive $0xFFFF  }
0xd3: {  	p0 =	sne.s32 s0, $0x0;
	s0 =	rddreg [dreg:$0x2]  }
0xd4: {  	s0 =	sadd.s32 @!p0 $0x100000, s0  }
0xd5: {  	[sflag:s0] =	ssyncadd.tile.s32 @!p0 $0x1;
	_ =	shalt  }
.Lfunc_end2:
_tile_overlayer_lowered:
.L_overlay_start_2:
0xd6: {  	(tag) =	ssettag $0x2  }
0xd7: {  	s0 =	rddreg [dreg:$0x0];
	s2 =	stileid.u32  }
0xd8: {  	s1 =	rddreg [dreg:$0x1];
	p0 =	sne.s32 s2, $0x0  }
0xd9: {  	s3 =	rddreg [dreg:$0x2];
	[bflag:$0x3] =	sbarrier.arrive $0xFFFF;
	s2 =	simm.s32 @!p0 $0x1C0D  }
0xda: {  	[timem:s3], [sflag:s2] =	dma.local @!p0 [hbm:s0], s1  }
0xdb: {  	s0 =	simm.s32 @!p0 $0xD  }
0xdc: {  	_ =	swait.ge @!p0 [sflag:s0], s1  }
0xdd: {  	s1 =	ssub.s32 @!p0 $0x0, s1;
	[sflag:s0] =	ssyncset.done @!p0 $0x0  }
0xde: {  	[sflag:s0] =	ssyncadd.s32 @!p0 s1  }
0xdf: {  	[bflag:$0x3] =	sbarrier.arrive $0xFFFF  }
0xe0: {  	_ =	shalt  }

// kernel: kernel.16.cloned.1.call-start
scs
__scs_entry_jumppad:
0x0: {  	(pc) =	sbr.rel $0x88, $3  }
0x1: {  	(tag) =	ssettag $0x0;
	lr =	simm.s32 $0x1  }
0x2: {  	[smem:$0x3F95] =	sst lr;
	_ =	strace $0xD0000000  }
0x3: {  	_ = 	snop  }
0x4: {  	_ = 	snop  }
0x5: {  	_ = 	snop  }
0x6: {  	_ = 	snop  }
0x7: {  	_ = 	snop  }
__scs_overlays_trampoline_lowered:
0x8: {  	[smem:$0x3FA4] =	sst s0  }
0x9: {  	[smem:$0x3FA5] =	sst s1  }
0xa: {  	[smem:$0x3FA6] =	sst s2  }
0xb: {  	[smem:$0x3FA7] =	sst s3  }
0xc: {  	[smem:$0x3FA8] =	sst s4  }
0xd: {  	[smem:$0x3FA9] =	sst s5  }
0xe: {  	[smem:$0x3FAA] =	sst s6  }
0xf: {  	[smem:$0x3FAB] =	sst s7  }
0x10: {  	[smem:$0x3FAC] =	sst s8  }
0x11: {  	[smem:$0x3FAD] =	sst s9;
	s0 =	simm.s32 @!p0 $0x0  }
0x12: {  	s1 =	sld [smem:$0x3F93];
	s0 =	simm.s32 @p0 $0x1  }
0x13: {  	[smem:$0x3FAE] =	sst s0;
	s0 =	simm.s32 @!p1 $0x0  }
0x14: {  	s2 =	sld [smem:$0x3F92];
	s0 =	simm.s32 @p1 $0x1  }
0x15: {  	[smem:$0x3FAF] =	sst s0;
	s0 =	simm.s32 @!p2 $0x0  }
0x16: {  	s3 =	sld [smem:$0x3FDB];
	s0 =	simm.s32 @p2 $0x1  }
0x17: {  	s4 =	simm.s32 $0x1BF5;
	[smem:$0x3FB1] =	sst s0  }
0x18: {  	s0 =	sld [smem:$0x3F94];
	_ =	swait.ge [sflag:s4], $0x0  }
0x19: {  	s7 =	sld [smem:$0x3F95]  }
0x1a: {  	s8 =	sadd.s32 $0xFFFFE003, lr  }
0x1b: {  	s9 =	sadd.s32 $0xFFFFFEF7, lr;
	s5 =	simm.s32 $0xFFFFFFFF;
	p2 =	slt.u32 s8, $0xFFFFF086  }
0x1c: {  	p1 =	slt.u32 s9, $0xF7A;
	s5 =	simm.s32 @!p2 $0x0  }
0x1d: {  	s5 =	simm.s32 @p1 $0x1;
	p0 =	seq.s32 s7, s2  }
0x1e: {  	s7 =	smul.u32 @!p0 $0xF7A, s2;
	p2 =	seq.s32 @!p0 s5, $0x0  }
0x1f: {  	s9 =	smul.u32 $0xF7A, s1;
	s8 =	simm.s32 @!p0 $0x1BF5;
	p2 =	por !p2, p0  }
0x20: {  	[sflag:s8] =	ssyncset.s32 @!p0 $0xFFFFF086;
	s6 =	sadd.s32 @!p0 s3, s7;
	s7 =	simm.s32 @!p0 $0x108  }
0x21: {  	s3 =	sadd.s32 s3, s9;
	s6 =	sadd.s32 @!p0 $0x88, s6;
	s7 =	simm.s32 @p2 $0x1082  }
0x22: {  	[simem:s7], [sflag:s8] =	dma.local @!p0 [hbm:s6], $0xF7A  }
0x23: {  	s9 =	sor.u32 $0xD0000000, s2;
	s6 =	simm.s32 $0x108;
	_ =	swait.ge @!p0 [sflag:s8], $0x0  }
0x24: {  	s3 =	sadd.s32 $0x88, s3;
	s6 =	simm.s32 @!p1 $0x1082;
	[sflag:s4] =	ssyncset.s32 $0xFFFFF086  }
0x25: {  	[simem:s6], [sflag:s4] =	dma.local [hbm:s3], $0xF7A  }
0x26: {  	[smem:$0x3F95] =	sst s1;
	(tag) =	ssettag s2;
	_ =	strace s9  }
0x27: {  	s1 =	sld [smem:$0x3FA5]  }
0x28: {  	s2 =	sld [smem:$0x3FA6]  }
0x29: {  	s4 =	sld [smem:$0x3FA8]  }
0x2a: {  	p0 =	seq.s32 s5, $0x0;
	s5 =	sld [smem:$0x3FA9]  }
0x2b: {  	s6 =	sld [smem:$0x3FAA]  }
0x2c: {  	s7 =	sld [smem:$0x3FAB]  }
0x2d: {  	s3 =	simm.s32 $0x108;
	s8 =	sld [smem:$0x3FAC]  }
0x2e: {  	s3 =	simm.s32 @!p0 $0x1082;
	s9 =	sld [smem:$0x3FAD]  }
0x2f: {  	lr =	sadd.s32 s0, s3;
	s0 =	sld [smem:$0x3FA4]  }
0x30: {  	s3 =	sld [smem:$0x3FA7]  }
0x31: {  	[smem:$0x3FB0] =	sst s10  }
0x32: {  	s10 =	sld [smem:$0x3FAE];
	_ =	sdelay $0x3  }
0x33: {  	p0 =	seq.s32 s10, $0x1;
	s10 =	sld [smem:$0x3FB0];
	_ =	sdelay $0x3  }
0x34: {  	[smem:$0x3FB0] =	sst s10  }
0x35: {  	s10 =	sld [smem:$0x3FAF];
	_ =	sdelay $0x3  }
0x36: {  	p1 =	seq.s32 s10, $0x1;
	s10 =	sld [smem:$0x3FB0];
	_ =	sdelay $0x3  }
0x37: {  	[smem:$0x3FB0] =	sst s10  }
0x38: {  	s10 =	sld [smem:$0x3FB1]  }
0x39: {  	_ = 	snop;
	(pc) =	sbr.ind lr, $3  }
0x3a: {  	_ = 	snop  }
0x3b: {  	_ = 	snop  }
0x3c: {  	p2 =	seq.s32 s10, $0x1;
	s10 =	sld [smem:$0x3FB0]  }
0x3d: {  	_ =	shalt  }
0x3e: {  	_ =	shalt  }
0x3f: {  	_ =	shalt  }
0x40: {  	_ =	shalt  }
0x41: {  	_ =	shalt  }
0x42: {  	_ =	shalt  }
0x43: {  	_ =	shalt  }
0x44: {  	_ =	shalt  }
0x45: {  	_ =	shalt  }
0x46: {  	_ =	shalt  }
0x47: {  	_ =	shalt  }
0x48: {  	_ =	shalt  }
0x49: {  	_ =	shalt  }
0x4a: {  	_ =	shalt  }
0x4b: {  	_ =	shalt  }
0x4c: {  	_ =	shalt  }
0x4d: {  	_ =	shalt  }
0x4e: {  	_ =	shalt  }
0x4f: {  	_ =	shalt  }
0x50: {  	_ =	shalt  }
0x51: {  	_ =	shalt  }
0x52: {  	_ =	shalt  }
0x53: {  	_ =	shalt  }
0x54: {  	_ =	shalt  }
0x55: {  	_ =	shalt  }
0x56: {  	_ =	shalt  }
0x57: {  	_ =	shalt  }
0x58: {  	_ =	shalt  }
0x59: {  	_ =	shalt  }
0x5a: {  	_ =	shalt  }
0x5b: {  	_ =	shalt  }
0x5c: {  	_ =	shalt  }
0x5d: {  	_ =	shalt  }
0x5e: {  	_ =	shalt  }
0x5f: {  	_ =	shalt  }
0x60: {  	_ =	shalt  }
0x61: {  	_ =	shalt  }
0x62: {  	_ =	shalt  }
0x63: {  	_ =	shalt  }
0x64: {  	_ =	shalt  }
0x65: {  	_ =	shalt  }
0x66: {  	_ =	shalt  }
0x67: {  	_ =	shalt  }
0x68: {  	_ =	shalt  }
0x69: {  	_ =	shalt  }
0x6a: {  	_ =	shalt  }
0x6b: {  	_ =	shalt  }
0x6c: {  	_ =	shalt  }
0x6d: {  	_ =	shalt  }
0x6e: {  	_ =	shalt  }
0x6f: {  	_ =	shalt  }
0x70: {  	_ =	shalt  }
0x71: {  	_ =	shalt  }
0x72: {  	_ =	shalt  }
0x73: {  	_ =	shalt  }
0x74: {  	_ =	shalt  }
0x75: {  	_ =	shalt  }
0x76: {  	_ =	shalt  }
0x77: {  	_ =	shalt  }
0x78: {  	_ =	shalt  }
0x79: {  	_ =	shalt  }
0x7a: {  	_ =	shalt  }
0x7b: {  	_ =	shalt  }
0x7c: {  	_ =	shalt  }
0x7d: {  	_ =	shalt  }
0x7e: {  	_ =	shalt  }
0x7f: {  	_ =	shalt  }
0x80: {  	_ =	shalt  }
0x81: {  	_ =	shalt  }
0x82: {  	_ =	shalt  }
0x83: {  	_ =	shalt  }
0x84: {  	_ =	shalt  }
0x85: {  	_ =	shalt  }
0x86: {  	_ =	shalt  }
0x87: {  	_ =	shalt  }
.Lfunc_end0:
.L_simem_size_0:
called_computation.2_lowered:
.L_overlay_start_0:
0x88: {  	s2 =	sld [smem:$0x3FD9]  }
0x89: {  	s3 =	sld [smem:$0x3FFE];
	_ =	sdelay $0x1  }
0x8a: {  	s1 =	srdreg.scid  }
0x8b: {  	s0 =	sand.u32 $0x1, s1  }
0x8c: {  	s16 =	sshll.u32 s0, $0xA;
	s2 =	sadd.s32 s3, s2  }
0x8d: {  	s2 =	sadd.s32 s2, s16  }
0x8e: {  	[smem:$0x3FBC] =	sst s2  }
0x8f: {  	_ = 	snop  }
0x90: {  	(tm) =	ssettm $0x1  }
0x91: {  	s17 =	sld [smem:$0x3FFB];
	_ =	sdelay $0x3  }
0x92: {  	_ =	strace s17  }
0x93: {  	s2 =	sld [smem:$0x3FFC];
	_ =	sdelay $0x3  }
0x94: {  	_ =	strace s2  }
0x95: {  	s2 =	sld [smem:$0x3FFD];
	_ =	sdelay $0x3  }
0x96: {  	_ =	strace s2  }
0x97: {  	_ =	strace $0x8FFFFFFF  }
0x98: {  	s18 =	sld [smem:$0x3FDB];
	_ =	sdelay $0x1  }
0x99: {  	s19 =	simm.s32 $_scs_section_size  }
0x9a: {  	s4 =	simm.s32 $_size__tile_overlayer_lowered;
	s5 =	simm.s32 $_tile_overlayer_lowered  }
0x9b: {  	s22 =	simm.s32 $0x1BFF;
	s21 =	sshll.u32 s5, $0x1;
	s2 =	sadd.s32 s19, s18  }
0x9c: {  	s6 =	simm.s32 $0x0;
	s20 =	sshll.u32 s4, $0x1;
	s4 =	sadd.s32 s21, s2  }
0x9d: {  	[timem:s6], [sflag:s22] =	dma.local [hbm:s4], s20  }
0x9e: {  	_ =	swait.ge [sflag:s22], s20  }
0x9f: {  	s3 =	ssub.s32 $0x0, s20;
	[sflag:s22] =	ssyncset.done $0x0  }
0xa0: {  	[sflag:s22] =	ssyncadd.s32 s3;
	_ =	sdelay $0x1  }
0xa1: {  	s23 =	simm.s32 $0x1B8B  }
0xa2: {  	_ =	swait.ge [sflag:s23], $0x1  }
0xa3: {  	[sflag:s23] =	ssyncset.done $0x0  }
0xa4: {  	s25 =	simm.s32 $0x1B8E;
	s24 =	sld [smem:$0x3FFE];
	[sflag:s23] =	ssyncadd.s32 $0xFFFFFFFF  }
0xa5: {  	s26 =	simm.s32 $execute0_lowered;
	[smem:$0x3FD2] =	sst s25  }
0xa6: {  	s4 =	sshll.u32 s26, $0x1;
	_ =	strace $0x8000004C;
	[dreg:$0x1] =	wrdreg $0xFFFFFFFF  }
0xa7: {  	s28 =	simm.s32 $_size_execute0_lowered;
	s2 =	sadd.s32 s2, s4;
	[dreg:$0x0] =	wrdreg $0x0  }
0xa8: {  	s4 =	sshll.u32 s28, $0x1;
	[dreg:$0x2] =	wrdreg s2  }
0xa9: {  	[dreg:$0x3] =	wrdreg s4  }
0xaa: {  	[dreg:$0x4] =	wrdreg $0xC0  }
0xab: {  	_ =	task [dreg:s6], $0x5FFFF  }
0xac: {  	[dreg:$0x1] =	wrdreg $0xFFFFFFFF  }
0xad: {  	[dreg:$0x0] =	wrdreg $0x60  }
0xae: {  	[dreg:$0x2] =	wrdreg s24  }
0xaf: {  	[dreg:$0x3] =	wrdreg $0x52800  }
0xb0: {  	[dreg:$0x4] =	wrdreg $0x9  }
0xb1: {  	_ =	task.clear_ibuf [dreg:s6], $0x5FFFF;
	_ =	strace $0x9000004C  }
0xb2: {  	s29 =	simm.s32 $0x9;
	_ =	strace $0x8000004E  }
0xb3: {  	_ =	swait.ge [sflag:s29], $0x1  }
0xb4: {  	[sflag:s29] =	ssyncadd.s32 $0xFFFFFFFF  }
0xb5: {  	_ =	strace $0x9000004E  }
0xb6: {  	_ =	sfence  }
0xb7: {  	s30 =	sld [smem:$0x0];
	_ =	sdelay $0x2  }
0xb8: {  	s31 =	sshll.u32 s1, $0xD;
	s1 =	sshrl.u32 s1, $0x2  }
0xb9: {  	s3 =	sand.u32 $0x4000, s31;
	s1 =	sadd.s32 s1, s30  }
0xba: {  	s0 =	sor.u32 s3, s0;
	s1 =	sshll.u32 s1, $0x11  }
0xbb: {  	s0 =	sor.u32 s1, s0  }
0xbc: {  	s0 =	sadd.s32 $0x8F2B, s0  }
0xbd: {  	[sflag:s0] =	ssyncadd.remote.s32 $0x1  }
0xbe: {  	_ =	sfence.sel $0xFFFF  }
0xbf: {  	[dreg:$0x0] =	wrdreg $0xFFFFFFFF;
	(pc) =	sbr.abs _section_cstart, $3  }
0xc0: {  	[dreg:$0x1] =	wrdreg $0xFFFFFFFF  }
0xc1: {  	_ =	task.clear_ibuf [dreg:s6], $0x2FFFF;
	_ =	strace $0x9FFFFFFF  }
0xc2: {  	(tm) =	ssettm $0x7FFFFFFF  }
0xc3: {  	_ =	shalt  }
tec
execute0_lowered:
.L_overlay_start_1:
0x0: {  	(tag) =	ssettag $0x1  }
0x1: {  	s0 =	rddreg [dreg:$0x0]  }
0x2: {  	s2 =	rddreg [dreg:$0x1]  }
0x3: {  	s1 =	srdreg.scid;
	s10 =	stileid.u32  }
0x4: {  	s3 =	simm.s32 $0x0;
	s1 =	sand.u32 $0x1, s1;
	s7 =	smul.u32 $0x1400, s10  }
0x5: {  	s31 =	simm.s32 $0xB;
	s26 =	smul.u32 $0x28000, s10;
	s29 =	ssub.s32 $0x2, s1  }
0x6: {  	[smem:$0x7FF] =	sst s3;
	s8 =	smul.u32 $0x14000, s1;
	s9 =	sshrl.u32 s29, $0x1  }
0x7: {  	s4 =	sadd.s32 $0xC400, s0;
	_ =	strace $0x8000004D;
	s9 =	ssub.s32 s29, s9  }
0x8: {  	s7 =	sadd.s32 s7, s8;
	s8 =	sshrl.u32 s26, $0x2;
	s24 =	smax.u32 s9, $0x1  }
0x9: {  	s1 =	sshll.u32 s1, $0x4;
	s26 =	sadd.s32 s8, s2;
	[dreg:$0x14] =	wrdreg s24  }
0xa: {  	s1 =	sor.u32 s10, s1;
	s10 =	sadd.s32 $0x1000, s26;
	[dreg:$0x3] =	wrdreg s26  }
0xb: {  	s5 =	sadd.s32 $0x2600, s0;
	s11 =	sadd.s32 $0x2000, s26;
	[dreg:$0x4] =	wrdreg s10  }
0xc: {  	s6 =	sadd.s32 $0x66200, s0;
	s12 =	sadd.s32 $0x3000, s26;
	[dreg:$0x5] =	wrdreg s11  }
0xd: {  	s30 =	smul.u32 $0x2710, s1;
	s13 =	sadd.s32 $0x4000, s26;
	[dreg:$0x6] =	wrdreg s12  }
0xe: {  	s0 =	sadd.s32 s7, s0;
	s14 =	sadd.s32 $0x5000, s26;
	[dreg:$0x7] =	wrdreg s13  }
0xf: {  	s7 =	simm.s32 $0xD;
	s15 =	sadd.s32 $0x6000, s26;
	[dreg:$0x8] =	wrdreg s14  }
0x10: {  	s9 =	simm.s32 $0x0;
	s16 =	sadd.s32 $0x7000, s26;
	[dreg:$0x9] =	wrdreg s15  }
0x11: {  	s17 =	sadd.s32 $0x8000, s26;
	s18 =	sshrl.u32 s30, $0x3;
	[dreg:$0xa] =	wrdreg s16  }
0x12: {  	s8 =	sadd.s32 $0x9000, s26;
	s0 =	sadd.s32 $0x79C00, s0;
	[dreg:$0xb] =	wrdreg s17  }
0x13: {  	s25 =	sadd.s32 $0x140, s30;
	s29 =	sadd.s32 $0x190, s30;
	[dreg:$0xc] =	wrdreg s8  }
0x14: {  	s28 =	smov.u32 s30;
	s30 =	sadd.s32 $0x1E0, s30;
	[dreg:$0x13] =	wrdreg s0  }
0x15: {  	s24 =	simm.s32 $0x7;
	s19 =	sadd.s32 s4, s18;
	[dreg:$0x15] =	wrdreg s25  }
0x16: {  	s20 =	sadd.s32 $0xA, s18;
	s21 =	sadd.s32 s5, s18;
	[dreg:$0x16] =	wrdreg s29  }
0x17: {  	s1 =	sadd.s32 $0x14, s18;
	[dreg:$0x17] =	wrdreg s30;
	s10 =	simm.s32 $0xA0  }
0x18: {  	s11 =	simm.s32 $0x1E0;
	s12 =	simm.s32 $0x1;
	s13 =	simm.s32 $0x2  }
0x19: {  	s14 =	simm.s32 $0x1680;
	s15 =	simm.s32 $0x5;
	s16 =	simm.s32 $0xF0  }
0x1a: {  	s17 =	simm.s32 $0x230;
	s18 =	simm.s32 $0x3;
	[dreg:$0xd] =	wrdreg s19  }
0x1b: {  	s25 =	simm.s32 $0xA;
	[dreg:$0xe] =	wrdreg s21;
	s22 =	sadd.s32 s4, s20  }
.Ltmp0:
0x1c: {  	s8 =	sadd.s32 s5, s20;
	[dreg:$0xf] =	wrdreg s22;
	(pc) =	sbr.rel .LBB2_1-.Ltmp0, $4  }
0x1d: {  	s23 =	sadd.s32 s4, s1;
	s1 =	sadd.s32 s5, s1;
	[dreg:$0x10] =	wrdreg s8  }
0x1e: {  	s19 =	simm.s32 $0x2A80;
	s20 =	simm.s32 $0x6;
	[dreg:$0x11] =	wrdreg s23  }
0x1f: {  	s21 =	simm.s32 $0x9;
	[dreg:$0x12] =	wrdreg s1;
	s1 =	simm.s32 $0x50  }
0x20: {  	v0 =	vimm.f32 $0.0e+00;
	s22 =	simm.s32 $0x4;
	s23 =	simm.s32 $0x3E80;
	s8 =	simm.s32 $0x8  }
.LBB2_6:
0x21: {  	_ =	swait.ge [sflag:s15], $0x1400  }
0x22: {  	[sflag:s15] =	ssyncset.done $0x0  }
0x23: {  	s0 =	simm.s32 $0xC;
	[sflag:s15] =	ssyncadd.s32 $0xFFFFEC00  }
0x24: {  	_ =	swait.ge [sflag:s0], $0x1400  }
0x25: {  	[sflag:s0] =	ssyncset.done $0x0  }
0x26: {  	s26 =	simm.s32 $0x280;
	s7 =	simm.s32 $0x140;
	[sflag:s0] =	ssyncadd.s32 $0xFFFFEC00  }
0x27: {  	[spmem:s2] =	stream.indirect.scatter.add.f32 [tilespmem:s26], [sflag:$0x9], $0x40, s7, s1, $0xb8;
	[tilespmem:$0xF280] =	vst v63  }
0x28: {  	_ =	swait.ge [sflag:s21], $0x1400  }
0x29: {  	[sflag:s21] =	ssyncset.done $0x0  }
0x2a: {  	s29 =	stileid.u32;
	[sflag:s21] =	ssyncadd.s32 $0xFFFFEC00  }
0x2b: {  	s0 =	sshll.u32 s29, $0x6;
	[bflag:$0x0] =	sbarrier.arrive $0xFFFF  }
0x2c: {  	s0 =	sor.u32 $0x1C0D, s0;
	s26 =	rddreg [dreg:$0x3]  }
0x2d: {  	s7 =	simm.s32 $0xD;
	s9 =	rddreg [dreg:$0x13];
	s30 =	sshrl.u32 s26, $0x3  }
0x2e: {  	[hbm:s9], [sflag:s0] =	dma.local [spmem:s30], $0x1400  }
0x2f: {  	_ =	swait.ge [sflag:s7], $0x1400  }
0x30: {  	s29 =	rddreg [dreg:$0x18]  }
0x31: {  	s30 =	rddreg [dreg:$0x14];
	s9 =	sadd.s32 $0x1, s29  }
0x32: {  	p0 =	sne.s32 s9, s30  }
.Ltmp1:
0x33: {  	_ = 	snop;
	(pc) =	sbr.rel @!p0 .LBB2_7-.Ltmp1, $3  }
0x34: {  	_ =	sdelay $0x1  }
0x35: {  	[sflag:s7] =	ssyncset.done $0x0  }
0x36: {  	[sflag:s7] =	ssyncadd.s32 $0xFFFFEC00  }
.LBB2_1:
0x37: {  	[dreg:$0x18] =	wrdreg s9;
	s9 =	simm.s32 $0x100;
	s0 =	simm.s32 $0x0  }
.LBB2_2:
0x38: {  	p0 =	sne.s32 s9, $0x4F00;
	[tilespmem:s0+$0x2B0] =	vst v0;
	s30 =	smov.u32 s9;
	s9 =	sadd.s32 $0x100, s9  }
.Ltmp2:
0x39: {  	[tilespmem:s0+$0x2A0] =	vst v0;
	(pc) =	sbr.rel @p0 .LBB2_2-.Ltmp2, $3  }
0x3a: {  	[tilespmem:s0+$0x280] =	vst v0  }
0x3b: {  	[tilespmem:s0+$0x290] =	vst v0;
	_ =	sdelay $0x1  }
0x3c: {  	s0 =	sshra.s32 s30, $0x2  }
0x3d: {  	[tilespmem:s0+$0x2B0] =	vst v0  }
0x3e: {  	[tilespmem:s0+$0x2A0] =	vst v0  }
0x3f: {  	[tilespmem:s0+$0x280] =	vst v0  }
0x40: {  	[tilespmem:s0+$0x290] =	vst v0;
	s9 =	simm.s32 $0x280  }
0x41: {  	[spmem:s26] =	stream.linear.scatter [tilespmem:s9], [sflag:$0xD], $0x1000, $0x38;
	[tilespmem:$0xF280] =	vst v63  }
0x42: {  	_ =	swait.ge [sflag:s7], $0x1000  }
0x43: {  	[sflag:s7] =	ssyncset.done $0x0  }
0x44: {  	s26 =	rddreg [dreg:$0x4];
	[sflag:s7] =	ssyncadd.s32 $0xFFFFF000  }
0x45: {  	[spmem:s26] =	stream.linear.scatter [tilespmem:s9], [sflag:$0xD], $0x1000, $0x38;
	[tilespmem:$0xF280] =	vst v63  }
0x46: {  	_ =	swait.ge [sflag:s7], $0x1000  }
0x47: {  	[sflag:s7] =	ssyncset.done $0x0  }
0x48: {  	s29 =	rddreg [dreg:$0x5];
	[sflag:s7] =	ssyncadd.s32 $0xFFFFF000  }
0x49: {  	[spmem:s29] =	stream.linear.scatter [tilespmem:s9], [sflag:$0xD], $0x1000, $0x38;
	[tilespmem:$0xF280] =	vst v63  }
0x4a: {  	_ =	swait.ge [sflag:s7], $0x1000  }
0x4b: {  	[sflag:s7] =	ssyncset.done $0x0  }
0x4c: {  	s30 =	rddreg [dreg:$0x6];
	[sflag:s7] =	ssyncadd.s32 $0xFFFFF000  }
0x4d: {  	[spmem:s30] =	stream.linear.scatter [tilespmem:s9], [sflag:$0xD], $0x1000, $0x38;
	[tilespmem:$0xF280] =	vst v63  }
0x4e: {  	_ =	swait.ge [sflag:s7], $0x1000  }
0x4f: {  	[sflag:s7] =	ssyncset.done $0x0  }
0x50: {  	s26 =	rddreg [dreg:$0x7];
	[sflag:s7] =	ssyncadd.s32 $0xFFFFF000  }
0x51: {  	[spmem:s26] =	stream.linear.scatter [tilespmem:s9], [sflag:$0xD], $0x1000, $0x38;
	[tilespmem:$0xF280] =	vst v63  }
0x52: {  	_ =	swait.ge [sflag:s7], $0x1000  }
0x53: {  	[sflag:s7] =	ssyncset.done $0x0  }
0x54: {  	s29 =	rddreg [dreg:$0x8];
	[sflag:s7] =	ssyncadd.s32 $0xFFFFF000  }
0x55: {  	[spmem:s29] =	stream.linear.scatter [tilespmem:s9], [sflag:$0xD], $0x1000, $0x38;
	[tilespmem:$0xF280] =	vst v63  }
0x56: {  	_ =	swait.ge [sflag:s7], $0x1000  }
0x57: {  	[sflag:s7] =	ssyncset.done $0x0  }
0x58: {  	s30 =	rddreg [dreg:$0x9];
	[sflag:s7] =	ssyncadd.s32 $0xFFFFF000  }
0x59: {  	[spmem:s30] =	stream.linear.scatter [tilespmem:s9], [sflag:$0xD], $0x1000, $0x38;
	[tilespmem:$0xF280] =	vst v63  }
0x5a: {  	_ =	swait.ge [sflag:s7], $0x1000  }
0x5b: {  	[sflag:s7] =	ssyncset.done $0x0  }
0x5c: {  	s26 =	rddreg [dreg:$0xa];
	[sflag:s7] =	ssyncadd.s32 $0xFFFFF000  }
0x5d: {  	[spmem:s26] =	stream.linear.scatter [tilespmem:s9], [sflag:$0xD], $0x1000, $0x38;
	[tilespmem:$0xF280] =	vst v63  }
0x5e: {  	_ =	swait.ge [sflag:s7], $0x1000  }
0x5f: {  	[sflag:s7] =	ssyncset.done $0x0  }
0x60: {  	s29 =	rddreg [dreg:$0xb];
	[sflag:s7] =	ssyncadd.s32 $0xFFFFF000  }
0x61: {  	[spmem:s29] =	stream.linear.scatter [tilespmem:s9], [sflag:$0xD], $0x1000, $0x38;
	[tilespmem:$0xF280] =	vst v63  }
0x62: {  	_ =	swait.ge [sflag:s7], $0x1000  }
0x63: {  	[sflag:s7] =	ssyncset.done $0x0  }
0x64: {  	s30 =	rddreg [dreg:$0xc];
	[sflag:s7] =	ssyncadd.s32 $0xFFFFF000  }
0x65: {  	[spmem:s30] =	stream.linear.scatter [tilespmem:s9], [sflag:$0xD], $0x1000, $0x38;
	[tilespmem:$0xF280] =	vst v63  }
0x66: {  	_ =	swait.ge [sflag:s7], $0x1000  }
0x67: {  	[sflag:s7] =	ssyncset.done $0x0  }
0x68: {  	[sflag:s7] =	ssyncadd.s32 $0xFFFFF000  }
0x69: {  	[bflag:$0x0] =	sbarrier.arrive $0xFFFF  }
0x6a: {  	s0 =	simm.s32 $0x0;
	s26 =	rddreg [dreg:$0xd]  }
0x6b: {  	[tilespmem:s0], [sflag:$0x1] =	stream.linear.gather [hbm4b:s26+s0], $0x50, $0x38;
	[tilespmem:$0xF280] =	vst v63  }
0x6c: {  	s30 =	simm.s32 $0x140;
	s29 =	rddreg [dreg:$0xe]  }
0x6d: {  	[tilespmem:s30], [sflag:$0x1] =	stream.linear.gather [hbm4b:s29+s0], $0x50, $0x38;
	[tilespmem:$0xF280] =	vst v63  }
0x6e: {  	s26 =	rddreg [dreg:$0xf]  }
0x6f: {  	[tilespmem:s1], [sflag:$0x2] =	stream.linear.gather [hbm4b:s26+s0], $0x50, $0x38;
	[tilespmem:$0xF280] =	vst v63  }
0x70: {  	s29 =	rddreg [dreg:$0x10];
	s30 =	simm.s32 $0x190  }
0x71: {  	[tilespmem:s30], [sflag:$0x2] =	stream.linear.gather [hbm4b:s29+s0], $0x50, $0x38;
	[tilespmem:$0xF280] =	vst v63  }
0x72: {  	s29 =	rddreg [dreg:$0x11]  }
0x73: {  	[tilespmem:s10], [sflag:$0x3] =	stream.linear.gather [hbm4b:s29+s0], $0x50, $0x38;
	[tilespmem:$0xF280] =	vst v63  }
0x74: {  	s30 =	rddreg [dreg:$0x12]  }
0x75: {  	[tilespmem:s11], [sflag:$0x3] =	stream.linear.gather [hbm4b:s30+s0], $0x50, $0x38;
	[tilespmem:$0xF280] =	vst v63  }
0x76: {  	_ =	swait.ge [sflag:s12], $0x50  }
0x77: {  	[sflag:s12] =	ssyncset.done $0x0  }
0x78: {  	[sflag:s12] =	ssyncadd.s32 $0xFFFFFFB0  }
0x79: {  	_ =	swait.ge [sflag:s12], $0x50  }
0x7a: {  	[sflag:s12] =	ssyncset.done $0x0  }
0x7b: {  	[sflag:s12] =	ssyncadd.s32 $0xFFFFFFB0  }
0x7c: {  	[tilespmem:s9], [sflag:$0x5] =	stream.indirect.gather [hbm4b:s6+s1], $0x40, s0, s1, $0xb8;
	[tilespmem:$0xF280] =	vst v63  }
.LBB2_4:
0x7d: {  	_ =	swait.ge [sflag:s13], $0x50  }
0x7e: {  	[sflag:s13] =	ssyncset.done $0x0  }
0x7f: {  	[sflag:s13] =	ssyncadd.s32 $0xFFFFFFB0  }
0x80: {  	_ =	swait.ge [sflag:s13], $0x50  }
0x81: {  	[sflag:s13] =	ssyncset.done $0x0  }
0x82: {  	[sflag:s13] =	ssyncadd.s32 $0xFFFFFFB0  }
0x83: {  	[tilespmem:s14], [sflag:$0x6] =	stream.indirect.gather [hbm4b:s6+s1], $0x40, s1, s1, $0xb8;
	[tilespmem:$0xF280] =	vst v63  }
0x84: {  	_ =	swait.ge [sflag:s15], $0x1400  }
0x85: {  	p0 =	sne.s32 s0, $0x0;
	[sflag:s15] =	ssyncset.done $0x0  }
0x86: {  	s9 =	simm.s32 @p0 $0xC;
	[sflag:s15] =	ssyncadd.s32 $0xFFFFEC00  }
0x87: {  	_ =	swait.ge @p0 [sflag:s9], $0x1400  }
0x88: {  	s30 =	simm.s32 @p0 $0x140;
	[sflag:s9] =	ssyncset.done @p0 $0x0  }
0x89: {  	s7 =	simm.s32 @p0 $0x280;
	[sflag:s9] =	ssyncadd.s32 @p0 $0xFFFFEC00;
	s9 =	simm.s32 @p0 $0x50  }
0x8a: {  	[spmem:s2] =	stream.indirect.scatter.add.f32 @p0 [tilespmem:s7], [sflag:$0x9], $0x40, s30, s9, $0xb8;
	[tilespmem:$0xF280] =	vst v63  }
0x8b: {  	s29 =	simm.s32 @!p0 $0x280;
	s7 =	sadd.s32 @p0 $0xF0, s0  }
0x8c: {  	s9 =	simm.s32 @!p0 $0x50;
	s30 =	simm.s32 @!p0 $0x140;
	s7 =	simm.s32 @!p0 $0xF0  }
0x8d: {  	[spmem:s2] =	stream.indirect.scatter.add.f32 @!p0 [tilespmem:s29], [sflag:$0x9], $0x40, s30, s9, $0xb8;
	[tilespmem:$0xF280] =	vst v63  }
0x8e: {  	s7 =	sadd.s32 s28, s7  }
0x8f: {  	s7 =	sshrl.u32 s7, $0x3  }
0x90: {  	s26 =	sadd.s32 s4, s7  }
0x91: {  	[tilespmem:s16], [sflag:$0x4] =	stream.linear.gather [hbm4b:s26+s3], $0x50, $0x38;
	[tilespmem:$0xF280] =	vst v63  }
0x92: {  	s7 =	sadd.s32 s5, s7  }
0x93: {  	[tilespmem:s17], [sflag:$0x4] =	stream.linear.gather [hbm4b:s7+s3], $0x50, $0x38;
	[tilespmem:$0xF280] =	vst v63  }
0x94: {  	_ =	swait.ge [sflag:s18], $0x50  }
0x95: {  	[sflag:s18] =	ssyncset.done $0x0  }
0x96: {  	[sflag:s18] =	ssyncadd.s32 $0xFFFFFFB0  }
0x97: {  	_ =	swait.ge [sflag:s18], $0x50  }
0x98: {  	[sflag:s18] =	ssyncset.done $0x0  }
0x99: {  	[sflag:s18] =	ssyncadd.s32 $0xFFFFFFB0  }
0x9a: {  	[tilespmem:s19], [sflag:$0x7] =	stream.indirect.gather [hbm4b:s6+s1], $0x40, s10, s1, $0xb8;
	[tilespmem:$0xF280] =	vst v63  }
0x9b: {  	_ =	swait.ge [sflag:s20], $0x1400  }
0x9c: {  	[sflag:s20] =	ssyncset.done $0x0  }
0x9d: {  	[sflag:s20] =	ssyncadd.s32 $0xFFFFEC00  }
0x9e: {  	s9 =	smov.u32 s0;
	_ =	swait.ge [sflag:s21], $0x1400  }
0x9f: {  	s9 =	simm.s32 @!p0 $0x0;
	[sflag:s21] =	ssyncset.done $0x0;
	s30 =	rddreg [dreg:$0x15]  }
0xa0: {  	s29 =	simm.s32 $0x190;
	[sflag:s21] =	ssyncadd.s32 $0xFFFFEC00;
	s7 =	sadd.s32 s9, s30  }
0xa1: {  	[spmem:s2] =	stream.indirect.scatter.add.f32 [tilespmem:s14], [sflag:$0xA], $0x40, s29, s1, $0xb8;
	[tilespmem:$0xF280] =	vst v63  }
0xa2: {  	s7 =	sshrl.u32 s7, $0x3  }
0xa3: {  	s26 =	sadd.s32 s4, s7  }
0xa4: {  	[tilespmem:s3], [sflag:$0x1] =	stream.linear.gather [hbm4b:s26+s3], $0x50, $0x38;
	[tilespmem:$0xF280] =	vst v63  }
0xa5: {  	s7 =	sadd.s32 s5, s7;
	s26 =	simm.s32 $0x140  }
0xa6: {  	[tilespmem:s26], [sflag:$0x1] =	stream.linear.gather [hbm4b:s7+s3], $0x50, $0x38;
	[tilespmem:$0xF280] =	vst v63  }
0xa7: {  	_ =	swait.ge [sflag:s22], $0x50  }
0xa8: {  	[sflag:s22] =	ssyncset.done $0x0  }
0xa9: {  	[sflag:s22] =	ssyncadd.s32 $0xFFFFFFB0  }
0xaa: {  	_ =	swait.ge [sflag:s22], $0x50  }
0xab: {  	[sflag:s22] =	ssyncset.done $0x0  }
0xac: {  	[sflag:s22] =	ssyncadd.s32 $0xFFFFFFB0  }
0xad: {  	[tilespmem:s23], [sflag:$0x8] =	stream.indirect.gather [hbm4b:s6+s1], $0x40, s16, s1, $0xb8;
	[tilespmem:$0xF280] =	vst v63  }
0xae: {  	_ =	swait.ge [sflag:s24], $0x1400  }
0xaf: {  	[sflag:s24] =	ssyncset.done $0x0  }
0xb0: {  	[sflag:s24] =	ssyncadd.s32 $0xFFFFEC00  }
0xb1: {  	_ =	swait.ge [sflag:s25], $0x1400  }
0xb2: {  	p0 =	seq.s32 s0, $0x2580;
	[sflag:s25] =	ssyncset.done $0x0;
	s7 =	rddreg [dreg:$0x16]  }
0xb3: {  	[sflag:s25] =	ssyncadd.s32 $0xFFFFEC00;
	s7 =	sadd.s32 @!p0 s9, s7  }
0xb4: {  	[spmem:s2] =	stream.indirect.scatter.add.f32 [tilespmem:s19], [sflag:$0xB], $0x40, s11, s1, $0xb8;
	[tilespmem:$0xF280] =	vst v63  }
0xb5: {  	s7 =	sshrl.u32 @!p0 s7, $0x3  }
0xb6: {  	s30 =	simm.s32 @!p0 $0x0;
	s26 =	simm.s32 @!p0 $0x50;
	s29 =	sadd.s32 @!p0 s4, s7  }
0xb7: {  	[tilespmem:s26], [sflag:$0x2] =	stream.linear.gather @!p0 [hbm4b:s29+s30], $0x50, $0x38;
	[tilespmem:$0xF280] =	vst v63  }
0xb8: {  	s7 =	sadd.s32 @!p0 s5, s7;
	s26 =	simm.s32 @!p0 $0x190  }
0xb9: {  	[tilespmem:s26], [sflag:$0x2] =	stream.linear.gather @!p0 [hbm4b:s7+s30], $0x50, $0x38;
	[tilespmem:$0xF280] =	vst v63  }
0xba: {  	_ =	swait.ge [sflag:s12], $0x50  }
0xbb: {  	[sflag:s12] =	ssyncset.done $0x0  }
0xbc: {  	[sflag:s12] =	ssyncadd.s32 $0xFFFFFFB0  }
0xbd: {  	_ =	swait.ge [sflag:s12], $0x50  }
0xbe: {  	[sflag:s12] =	ssyncset.done $0x0  }
0xbf: {  	s30 =	simm.s32 $0x280;
	[sflag:s12] =	ssyncadd.s32 $0xFFFFFFB0  }
0xc0: {  	[tilespmem:s30], [sflag:$0x5] =	stream.indirect.gather [hbm4b:s6+s1], $0x40, s3, s1, $0xb8;
	[tilespmem:$0xF280] =	vst v63  }
0xc1: {  	_ =	swait.ge [sflag:s8], $0x1400  }
0xc2: {  	[sflag:s8] =	ssyncset.done $0x0  }
.Ltmp3:
0xc3: {  	[sflag:s8] =	ssyncadd.s32 $0xFFFFEC00;
	(pc) =	sbr.rel @p0 .LBB2_6-.Ltmp3, $4  }
0xc4: {  	_ =	swait.ge [sflag:s31], $0x1400  }
0xc5: {  	[sflag:s31] =	ssyncset.done $0x0  }
0xc6: {  	[sflag:s31] =	ssyncadd.s32 $0xFFFFEC00  }
0xc7: {  	[spmem:s2] =	stream.indirect.scatter.add.f32 [tilespmem:s23], [sflag:$0xC], $0x40, s17, s1, $0xb8;
	[tilespmem:$0xF280] =	vst v63  }
0xc8: {  	s7 =	rddreg [dreg:$0x17]  }
0xc9: {  	s7 =	sadd.s32 s9, s7  }
.Ltmp4:
0xca: {  	s7 =	sshrl.u32 s7, $0x3;
	(pc) =	sbr.rel .LBB2_4-.Ltmp4, $4  }
0xcb: {  	s30 =	sadd.s32 s4, s7  }
0xcc: {  	[tilespmem:s10], [sflag:$0x3] =	stream.linear.gather [hbm4b:s30+s3], $0x50, $0x38;
	[tilespmem:$0xF280] =	vst v63  }
0xcd: {  	s0 =	sadd.s32 $0x140, s0;
	s7 =	sadd.s32 s5, s7  }
0xce: {  	[tilespmem:s11], [sflag:$0x3] =	stream.linear.gather [hbm4b:s7+s3], $0x50, $0x38;
	[tilespmem:$0xF280] =	vst v63  }
.LBB2_7:
0xcf: {  	_ =	sfence.sel $0x180000  }
0xd0: {  	[bflag:$0x0] =	sbarrier.arrive $0xFFFF  }
0xd1: {  	_ =	strace $0x9000004D  }
0xd2: {  	s0 =	stileid.u32;
	[bflag:$0x2] =	sbarrier.arrive $0xFFFF  }
0xd3: {  	p0 =	sne.s32 s0, $0x0;
	s0 =	rddreg [dreg:$0x2]  }
0xd4: {  	s0 =	sadd.s32 @!p0 $0x100000, s0  }
0xd5: {  	[sflag:s0] =	ssyncadd.tile.s32 @!p0 $0x1;
	_ =	shalt  }
.Lfunc_end2:
_tile_overlayer_lowered:
.L_overlay_start_2:
0xd6: {  	(tag) =	ssettag $0x2  }
0xd7: {  	s0 =	rddreg [dreg:$0x0];
	s2 =	stileid.u32  }
0xd8: {  	s1 =	rddreg [dreg:$0x1];
	p0 =	sne.s32 s2, $0x0  }
0xd9: {  	s3 =	rddreg [dreg:$0x2];
	[bflag:$0x3] =	sbarrier.arrive $0xFFFF;
	s2 =	simm.s32 @!p0 $0x1C0D  }
0xda: {  	[timem:s3], [sflag:s2] =	dma.local @!p0 [hbm:s0], s1  }
0xdb: {  	s0 =	simm.s32 @!p0 $0xD  }
0xdc: {  	_ =	swait.ge @!p0 [sflag:s0], s1  }
0xdd: {  	s1 =	ssub.s32 @!p0 $0x0, s1;
	[sflag:s0] =	ssyncset.done @!p0 $0x0  }
0xde: {  	[sflag:s0] =	ssyncadd.s32 @!p0 s1  }
0xdf: {  	[bflag:$0x3] =	sbarrier.arrive $0xFFFF  }
0xe0: {  	_ =	shalt  }

// kernel: kernel.19.cloned.1.call-start
scs
__scs_entry_jumppad:
0x0: {  	(pc) =	sbr.rel $0x88, $3  }
0x1: {  	(tag) =	ssettag $0x0;
	lr =	simm.s32 $0x1  }
0x2: {  	[smem:$0x3F95] =	sst lr;
	_ =	strace $0xD0000000  }
0x3: {  	_ = 	snop  }
0x4: {  	_ = 	snop  }
0x5: {  	_ = 	snop  }
0x6: {  	_ = 	snop  }
0x7: {  	_ = 	snop  }
__scs_overlays_trampoline_lowered:
0x8: {  	[smem:$0x3FA4] =	sst s0  }
0x9: {  	[smem:$0x3FA5] =	sst s1  }
0xa: {  	[smem:$0x3FA6] =	sst s2  }
0xb: {  	[smem:$0x3FA7] =	sst s3  }
0xc: {  	[smem:$0x3FA8] =	sst s4  }
0xd: {  	[smem:$0x3FA9] =	sst s5  }
0xe: {  	[smem:$0x3FAA] =	sst s6  }
0xf: {  	[smem:$0x3FAB] =	sst s7  }
0x10: {  	[smem:$0x3FAC] =	sst s8  }
0x11: {  	[smem:$0x3FAD] =	sst s9;
	s0 =	simm.s32 @!p0 $0x0  }
0x12: {  	s1 =	sld [smem:$0x3F93];
	s0 =	simm.s32 @p0 $0x1  }
0x13: {  	[smem:$0x3FAE] =	sst s0;
	s0 =	simm.s32 @!p1 $0x0  }
0x14: {  	s2 =	sld [smem:$0x3F92];
	s0 =	simm.s32 @p1 $0x1  }
0x15: {  	[smem:$0x3FAF] =	sst s0;
	s0 =	simm.s32 @!p2 $0x0  }
0x16: {  	s3 =	sld [smem:$0x3FDB];
	s0 =	simm.s32 @p2 $0x1  }
0x17: {  	s4 =	simm.s32 $0x1BF5;
	[smem:$0x3FB1] =	sst s0  }
0x18: {  	s0 =	sld [smem:$0x3F94];
	_ =	swait.ge [sflag:s4], $0x0  }
0x19: {  	s7 =	sld [smem:$0x3F95]  }
0x1a: {  	s8 =	sadd.s32 $0xFFFFE003, lr  }
0x1b: {  	s9 =	sadd.s32 $0xFFFFFEF7, lr;
	s5 =	simm.s32 $0xFFFFFFFF;
	p2 =	slt.u32 s8, $0xFFFFF086  }
0x1c: {  	p1 =	slt.u32 s9, $0xF7A;
	s5 =	simm.s32 @!p2 $0x0  }
0x1d: {  	s5 =	simm.s32 @p1 $0x1;
	p0 =	seq.s32 s7, s2  }
0x1e: {  	s7 =	smul.u32 @!p0 $0xF7A, s2;
	p2 =	seq.s32 @!p0 s5, $0x0  }
0x1f: {  	s9 =	smul.u32 $0xF7A, s1;
	s8 =	simm.s32 @!p0 $0x1BF5;
	p2 =	por !p2, p0  }
0x20: {  	[sflag:s8] =	ssyncset.s32 @!p0 $0xFFFFF086;
	s6 =	sadd.s32 @!p0 s3, s7;
	s7 =	simm.s32 @!p0 $0x108  }
0x21: {  	s3 =	sadd.s32 s3, s9;
	s6 =	sadd.s32 @!p0 $0x88, s6;
	s7 =	simm.s32 @p2 $0x1082  }
0x22: {  	[simem:s7], [sflag:s8] =	dma.local @!p0 [hbm:s6], $0xF7A  }
0x23: {  	s9 =	sor.u32 $0xD0000000, s2;
	s6 =	simm.s32 $0x108;
	_ =	swait.ge @!p0 [sflag:s8], $0x0  }
0x24: {  	s3 =	sadd.s32 $0x88, s3;
	s6 =	simm.s32 @!p1 $0x1082;
	[sflag:s4] =	ssyncset.s32 $0xFFFFF086  }
0x25: {  	[simem:s6], [sflag:s4] =	dma.local [hbm:s3], $0xF7A  }
0x26: {  	[smem:$0x3F95] =	sst s1;
	(tag) =	ssettag s2;
	_ =	strace s9  }
0x27: {  	s1 =	sld [smem:$0x3FA5]  }
0x28: {  	s2 =	sld [smem:$0x3FA6]  }
0x29: {  	s4 =	sld [smem:$0x3FA8]  }
0x2a: {  	p0 =	seq.s32 s5, $0x0;
	s5 =	sld [smem:$0x3FA9]  }
0x2b: {  	s6 =	sld [smem:$0x3FAA]  }
0x2c: {  	s7 =	sld [smem:$0x3FAB]  }
0x2d: {  	s3 =	simm.s32 $0x108;
	s8 =	sld [smem:$0x3FAC]  }
0x2e: {  	s3 =	simm.s32 @!p0 $0x1082;
	s9 =	sld [smem:$0x3FAD]  }
0x2f: {  	lr =	sadd.s32 s0, s3;
	s0 =	sld [smem:$0x3FA4]  }
0x30: {  	s3 =	sld [smem:$0x3FA7]  }
0x31: {  	[smem:$0x3FB0] =	sst s10  }
0x32: {  	s10 =	sld [smem:$0x3FAE];
	_ =	sdelay $0x3  }
0x33: {  	p0 =	seq.s32 s10, $0x1;
	s10 =	sld [smem:$0x3FB0];
	_ =	sdelay $0x3  }
0x34: {  	[smem:$0x3FB0] =	sst s10  }
0x35: {  	s10 =	sld [smem:$0x3FAF];
	_ =	sdelay $0x3  }
0x36: {  	p1 =	seq.s32 s10, $0x1;
	s10 =	sld [smem:$0x3FB0];
	_ =	sdelay $0x3  }
0x37: {  	[smem:$0x3FB0] =	sst s10  }
0x38: {  	s10 =	sld [smem:$0x3FB1]  }
0x39: {  	_ = 	snop;
	(pc) =	sbr.ind lr, $3  }
0x3a: {  	_ = 	snop  }
0x3b: {  	_ = 	snop  }
0x3c: {  	p2 =	seq.s32 s10, $0x1;
	s10 =	sld [smem:$0x3FB0]  }
0x3d: {  	_ =	shalt  }
0x3e: {  	_ =	shalt  }
0x3f: {  	_ =	shalt  }
0x40: {  	_ =	shalt  }
0x41: {  	_ =	shalt  }
0x42: {  	_ =	shalt  }
0x43: {  	_ =	shalt  }
0x44: {  	_ =	shalt  }
0x45: {  	_ =	shalt  }
0x46: {  	_ =	shalt  }
0x47: {  	_ =	shalt  }
0x48: {  	_ =	shalt  }
0x49: {  	_ =	shalt  }
0x4a: {  	_ =	shalt  }
0x4b: {  	_ =	shalt  }
0x4c: {  	_ =	shalt  }
0x4d: {  	_ =	shalt  }
0x4e: {  	_ =	shalt  }
0x4f: {  	_ =	shalt  }
0x50: {  	_ =	shalt  }
0x51: {  	_ =	shalt  }
0x52: {  	_ =	shalt  }
0x53: {  	_ =	shalt  }
0x54: {  	_ =	shalt  }
0x55: {  	_ =	shalt  }
0x56: {  	_ =	shalt  }
0x57: {  	_ =	shalt  }
0x58: {  	_ =	shalt  }
0x59: {  	_ =	shalt  }
0x5a: {  	_ =	shalt  }
0x5b: {  	_ =	shalt  }
0x5c: {  	_ =	shalt  }
0x5d: {  	_ =	shalt  }
0x5e: {  	_ =	shalt  }
0x5f: {  	_ =	shalt  }
0x60: {  	_ =	shalt  }
0x61: {  	_ =	shalt  }
0x62: {  	_ =	shalt  }
0x63: {  	_ =	shalt  }
0x64: {  	_ =	shalt  }
0x65: {  	_ =	shalt  }
0x66: {  	_ =	shalt  }
0x67: {  	_ =	shalt  }
0x68: {  	_ =	shalt  }
0x69: {  	_ =	shalt  }
0x6a: {  	_ =	shalt  }
0x6b: {  	_ =	shalt  }
0x6c: {  	_ =	shalt  }
0x6d: {  	_ =	shalt  }
0x6e: {  	_ =	shalt  }
0x6f: {  	_ =	shalt  }
0x70: {  	_ =	shalt  }
0x71: {  	_ =	shalt  }
0x72: {  	_ =	shalt  }
0x73: {  	_ =	shalt  }
0x74: {  	_ =	shalt  }
0x75: {  	_ =	shalt  }
0x76: {  	_ =	shalt  }
0x77: {  	_ =	shalt  }
0x78: {  	_ =	shalt  }
0x79: {  	_ =	shalt  }
0x7a: {  	_ =	shalt  }
0x7b: {  	_ =	shalt  }
0x7c: {  	_ =	shalt  }
0x7d: {  	_ =	shalt  }
0x7e: {  	_ =	shalt  }
0x7f: {  	_ =	shalt  }
0x80: {  	_ =	shalt  }
0x81: {  	_ =	shalt  }
0x82: {  	_ =	shalt  }
0x83: {  	_ =	shalt  }
0x84: {  	_ =	shalt  }
0x85: {  	_ =	shalt  }
0x86: {  	_ =	shalt  }
0x87: {  	_ =	shalt  }
.Lfunc_end0:
.L_simem_size_0:
called_computation.3_lowered:
.L_overlay_start_0:
0x88: {  	s2 =	sld [smem:$0x3FD9]  }
0x89: {  	s3 =	sld [smem:$0x3FFE];
	_ =	sdelay $0x1  }
0x8a: {  	s1 =	srdreg.scid  }
0x8b: {  	s0 =	sand.u32 $0x1, s1  }
0x8c: {  	s16 =	sshll.u32 s0, $0xA;
	s2 =	sadd.s32 s3, s2  }
0x8d: {  	s2 =	sadd.s32 s2, s16  }
0x8e: {  	[smem:$0x3FBC] =	sst s2  }
0x8f: {  	_ = 	snop  }
0x90: {  	(tm) =	ssettm $0x1  }
0x91: {  	s17 =	sld [smem:$0x3FFB];
	_ =	sdelay $0x3  }
0x92: {  	_ =	strace s17  }
0x93: {  	s2 =	sld [smem:$0x3FFC];
	_ =	sdelay $0x3  }
0x94: {  	_ =	strace s2  }
0x95: {  	s2 =	sld [smem:$0x3FFD];
	_ =	sdelay $0x3  }
0x96: {  	_ =	strace s2  }
0x97: {  	_ =	strace $0x8FFFFFFF  }
0x98: {  	s18 =	sld [smem:$0x3FDB];
	_ =	sdelay $0x1  }
0x99: {  	s19 =	simm.s32 $_scs_section_size  }
0x9a: {  	s4 =	simm.s32 $_size__tile_overlayer_lowered;
	s5 =	simm.s32 $_tile_overlayer_lowered  }
0x9b: {  	s22 =	simm.s32 $0x1BFF;
	s21 =	sshll.u32 s5, $0x1;
	s2 =	sadd.s32 s19, s18  }
0x9c: {  	s6 =	simm.s32 $0x0;
	s20 =	sshll.u32 s4, $0x1;
	s4 =	sadd.s32 s21, s2  }
0x9d: {  	[timem:s6], [sflag:s22] =	dma.local [hbm:s4], s20  }
0x9e: {  	_ =	swait.ge [sflag:s22], s20  }
0x9f: {  	s3 =	ssub.s32 $0x0, s20;
	[sflag:s22] =	ssyncset.done $0x0  }
0xa0: {  	[sflag:s22] =	ssyncadd.s32 s3;
	_ =	sdelay $0x1  }
0xa1: {  	s23 =	simm.s32 $0x1B8B  }
0xa2: {  	_ =	swait.ge [sflag:s23], $0x1  }
0xa3: {  	[sflag:s23] =	ssyncset.done $0x0  }
0xa4: {  	s25 =	simm.s32 $0x1B8E;
	s24 =	sld [smem:$0x3FFE];
	[sflag:s23] =	ssyncadd.s32 $0xFFFFFFFF  }
0xa5: {  	s26 =	simm.s32 $execute0_lowered;
	[smem:$0x3FD2] =	sst s25  }
0xa6: {  	s4 =	sshll.u32 s26, $0x1;
	_ =	strace $0x8000004F;
	[dreg:$0x1] =	wrdreg $0xFFFFFFFF  }
0xa7: {  	s28 =	simm.s32 $_size_execute0_lowered;
	s2 =	sadd.s32 s2, s4;
	[dreg:$0x0] =	wrdreg $0x0  }
0xa8: {  	s4 =	sshll.u32 s28, $0x1;
	[dreg:$0x2] =	wrdreg s2  }
0xa9: {  	[dreg:$0x3] =	wrdreg s4  }
0xaa: {  	[dreg:$0x4] =	wrdreg $0xC0  }
0xab: {  	_ =	task [dreg:s6], $0x5FFFF  }
0xac: {  	[dreg:$0x1] =	wrdreg $0xFFFFFFFF  }
0xad: {  	[dreg:$0x0] =	wrdreg $0x60  }
0xae: {  	[dreg:$0x2] =	wrdreg s24  }
0xaf: {  	[dreg:$0x3] =	wrdreg $0x52800  }
0xb0: {  	[dreg:$0x4] =	wrdreg $0x9  }
0xb1: {  	_ =	task.clear_ibuf [dreg:s6], $0x5FFFF;
	_ =	strace $0x9000004F  }
0xb2: {  	s29 =	simm.s32 $0x9;
	_ =	strace $0x80000051  }
0xb3: {  	_ =	swait.ge [sflag:s29], $0x1  }
0xb4: {  	[sflag:s29] =	ssyncadd.s32 $0xFFFFFFFF  }
0xb5: {  	_ =	strace $0x90000051  }
0xb6: {  	_ =	sfence  }
0xb7: {  	s30 =	sld [smem:$0x0];
	_ =	sdelay $0x2  }
0xb8: {  	s31 =	sshll.u32 s1, $0xD;
	s1 =	sshrl.u32 s1, $0x2  }
0xb9: {  	s3 =	sand.u32 $0x4000, s31;
	s1 =	sadd.s32 s1, s30  }
0xba: {  	s0 =	sor.u32 s3, s0;
	s1 =	sshll.u32 s1, $0x11  }
0xbb: {  	s0 =	sor.u32 s1, s0  }
0xbc: {  	s0 =	sadd.s32 $0x8F2B, s0  }
0xbd: {  	[sflag:s0] =	ssyncadd.remote.s32 $0x1  }
0xbe: {  	_ =	sfence.sel $0xFFFF  }
0xbf: {  	[dreg:$0x0] =	wrdreg $0xFFFFFFFF;
	(pc) =	sbr.abs _section_cstart, $3  }
0xc0: {  	[dreg:$0x1] =	wrdreg $0xFFFFFFFF  }
0xc1: {  	_ =	task.clear_ibuf [dreg:s6], $0x2FFFF;
	_ =	strace $0x9FFFFFFF  }
0xc2: {  	(tm) =	ssettm $0x7FFFFFFF  }
0xc3: {  	_ =	shalt  }
tec
execute0_lowered:
.L_overlay_start_1:
0x0: {  	(tag) =	ssettag $0x1  }
0x1: {  	s0 =	rddreg [dreg:$0x0]  }
0x2: {  	s2 =	rddreg [dreg:$0x1]  }
0x3: {  	s1 =	srdreg.scid;
	s10 =	stileid.u32  }
0x4: {  	s3 =	simm.s32 $0x0;
	s1 =	sand.u32 $0x1, s1;
	s7 =	smul.u32 $0x1400, s10  }
0x5: {  	s31 =	simm.s32 $0xB;
	s26 =	smul.u32 $0x28000, s10;
	s29 =	ssub.s32 $0x2, s1  }
0x6: {  	[smem:$0x7FF] =	sst s3;
	s8 =	smul.u32 $0x14000, s1;
	s9 =	sshrl.u32 s29, $0x1  }
0x7: {  	s4 =	sadd.s32 $0xC400, s0;
	_ =	strace $0x80000050;
	s9 =	ssub.s32 s29, s9  }
0x8: {  	s7 =	sadd.s32 s7, s8;
	s8 =	sshrl.u32 s26, $0x2;
	s24 =	smax.u32 s9, $0x1  }
0x9: {  	s1 =	sshll.u32 s1, $0x4;
	s26 =	sadd.s32 s8, s2;
	[dreg:$0x14] =	wrdreg s24  }
0xa: {  	s1 =	sor.u32 s10, s1;
	s10 =	sadd.s32 $0x1000, s26;
	[dreg:$0x3] =	wrdreg s26  }
0xb: {  	s5 =	sadd.s32 $0x2600, s0;
	s11 =	sadd.s32 $0x2000, s26;
	[dreg:$0x4] =	wrdreg s10  }
0xc: {  	s6 =	sadd.s32 $0x66200, s0;
	s12 =	sadd.s32 $0x3000, s26;
	[dreg:$0x5] =	wrdreg s11  }
0xd: {  	s30 =	smul.u32 $0x2710, s1;
	s13 =	sadd.s32 $0x4000, s26;
	[dreg:$0x6] =	wrdreg s12  }
0xe: {  	s0 =	sadd.s32 s7, s0;
	s14 =	sadd.s32 $0x5000, s26;
	[dreg:$0x7] =	wrdreg s13  }
0xf: {  	s7 =	simm.s32 $0xD;
	s15 =	sadd.s32 $0x6000, s26;
	[dreg:$0x8] =	wrdreg s14  }
0x10: {  	s9 =	simm.s32 $0x0;
	s16 =	sadd.s32 $0x7000, s26;
	[dreg:$0x9] =	wrdreg s15  }
0x11: {  	s17 =	sadd.s32 $0x8000, s26;
	s18 =	sshrl.u32 s30, $0x3;
	[dreg:$0xa] =	wrdreg s16  }
0x12: {  	s8 =	sadd.s32 $0x9000, s26;
	s0 =	sadd.s32 $0x79C00, s0;
	[dreg:$0xb] =	wrdreg s17  }
0x13: {  	s25 =	sadd.s32 $0x140, s30;
	s29 =	sadd.s32 $0x190, s30;
	[dreg:$0xc] =	wrdreg s8  }
0x14: {  	s28 =	smov.u32 s30;
	s30 =	sadd.s32 $0x1E0, s30;
	[dreg:$0x13] =	wrdreg s0  }
0x15: {  	s24 =	simm.s32 $0x7;
	s19 =	sadd.s32 s4, s18;
	[dreg:$0x15] =	wrdreg s25  }
0x16: {  	s20 =	sadd.s32 $0xA, s18;
	s21 =	sadd.s32 s5, s18;
	[dreg:$0x16] =	wrdreg s29  }
0x17: {  	s1 =	sadd.s32 $0x14, s18;
	[dreg:$0x17] =	wrdreg s30;
	s10 =	simm.s32 $0xA0  }
0x18: {  	s11 =	simm.s32 $0x1E0;
	s12 =	simm.s32 $0x1;
	s13 =	simm.s32 $0x2  }
0x19: {  	s14 =	simm.s32 $0x1680;
	s15 =	simm.s32 $0x5;
	s16 =	simm.s32 $0xF0  }
0x1a: {  	s17 =	simm.s32 $0x230;
	s18 =	simm.s32 $0x3;
	[dreg:$0xd] =	wrdreg s19  }
0x1b: {  	s25 =	simm.s32 $0xA;
	[dreg:$0xe] =	wrdreg s21;
	s22 =	sadd.s32 s4, s20  }
.Ltmp0:
0x1c: {  	s8 =	sadd.s32 s5, s20;
	[dreg:$0xf] =	wrdreg s22;
	(pc) =	sbr.rel .LBB2_1-.Ltmp0, $4  }
0x1d: {  	s23 =	sadd.s32 s4, s1;
	s1 =	sadd.s32 s5, s1;
	[dreg:$0x10] =	wrdreg s8  }
0x1e: {  	s19 =	simm.s32 $0x2A80;
	s20 =	simm.s32 $0x6;
	[dreg:$0x11] =	wrdreg s23  }
0x1f: {  	s21 =	simm.s32 $0x9;
	[dreg:$0x12] =	wrdreg s1;
	s1 =	simm.s32 $0x50  }
0x20: {  	v0 =	vimm.f32 $0.0e+00;
	s22 =	simm.s32 $0x4;
	s23 =	simm.s32 $0x3E80;
	s8 =	simm.s32 $0x8  }
.LBB2_6:
0x21: {  	_ =	swait.ge [sflag:s15], $0x1400  }
0x22: {  	[sflag:s15] =	ssyncset.done $0x0  }
0x23: {  	s0 =	simm.s32 $0xC;
	[sflag:s15] =	ssyncadd.s32 $0xFFFFEC00  }
0x24: {  	_ =	swait.ge [sflag:s0], $0x1400  }
0x25: {  	[sflag:s0] =	ssyncset.done $0x0  }
0x26: {  	s26 =	simm.s32 $0x280;
	s7 =	simm.s32 $0x140;
	[sflag:s0] =	ssyncadd.s32 $0xFFFFEC00  }
0x27: {  	[spmem:s2] =	stream.indirect.scatter.add.f32 [tilespmem:s26], [sflag:$0x9], $0x40, s7, s1, $0xb8;
	[tilespmem:$0xF280] =	vst v63  }
0x28: {  	_ =	swait.ge [sflag:s21], $0x1400  }
0x29: {  	[sflag:s21] =	ssyncset.done $0x0  }
0x2a: {  	s29 =	stileid.u32;
	[sflag:s21] =	ssyncadd.s32 $0xFFFFEC00  }
0x2b: {  	s0 =	sshll.u32 s29, $0x6;
	[bflag:$0x0] =	sbarrier.arrive $0xFFFF  }
0x2c: {  	s0 =	sor.u32 $0x1C0D, s0;
	s26 =	rddreg [dreg:$0x3]  }
0x2d: {  	s7 =	simm.s32 $0xD;
	s9 =	rddreg [dreg:$0x13];
	s30 =	sshrl.u32 s26, $0x3  }
0x2e: {  	[hbm:s9], [sflag:s0] =	dma.local [spmem:s30], $0x1400  }
0x2f: {  	_ =	swait.ge [sflag:s7], $0x1400  }
0x30: {  	s29 =	rddreg [dreg:$0x18]  }
0x31: {  	s30 =	rddreg [dreg:$0x14];
	s9 =	sadd.s32 $0x1, s29  }
0x32: {  	p0 =	sne.s32 s9, s30  }
.Ltmp1:
0x33: {  	_ = 	snop;
	(pc) =	sbr.rel @!p0 .LBB2_7-.Ltmp1, $3  }
0x34: {  	_ =	sdelay $0x1  }
0x35: {  	[sflag:s7] =	ssyncset.done $0x0  }
0x36: {  	[sflag:s7] =	ssyncadd.s32 $0xFFFFEC00  }
.LBB2_1:
0x37: {  	[dreg:$0x18] =	wrdreg s9;
	s9 =	simm.s32 $0x100;
	s0 =	simm.s32 $0x0  }
.LBB2_2:
0x38: {  	p0 =	sne.s32 s9, $0x4F00;
	[tilespmem:s0+$0x2B0] =	vst v0;
	s30 =	smov.u32 s9;
	s9 =	sadd.s32 $0x100, s9  }
.Ltmp2:
0x39: {  	[tilespmem:s0+$0x2A0] =	vst v0;
	(pc) =	sbr.rel @p0 .LBB2_2-.Ltmp2, $3  }
0x3a: {  	[tilespmem:s0+$0x280] =	vst v0  }
0x3b: {  	[tilespmem:s0+$0x290] =	vst v0;
	_ =	sdelay $0x1  }
0x3c: {  	s0 =	sshra.s32 s30, $0x2  }
0x3d: {  	[tilespmem:s0+$0x2B0] =	vst v0  }
0x3e: {  	[tilespmem:s0+$0x2A0] =	vst v0  }
0x3f: {  	[tilespmem:s0+$0x280] =	vst v0  }
0x40: {  	[tilespmem:s0+$0x290] =	vst v0;
	s9 =	simm.s32 $0x280  }
0x41: {  	[spmem:s26] =	stream.linear.scatter [tilespmem:s9], [sflag:$0xD], $0x1000, $0x38;
	[tilespmem:$0xF280] =	vst v63  }
0x42: {  	_ =	swait.ge [sflag:s7], $0x1000  }
0x43: {  	[sflag:s7] =	ssyncset.done $0x0  }
0x44: {  	s26 =	rddreg [dreg:$0x4];
	[sflag:s7] =	ssyncadd.s32 $0xFFFFF000  }
0x45: {  	[spmem:s26] =	stream.linear.scatter [tilespmem:s9], [sflag:$0xD], $0x1000, $0x38;
	[tilespmem:$0xF280] =	vst v63  }
0x46: {  	_ =	swait.ge [sflag:s7], $0x1000  }
0x47: {  	[sflag:s7] =	ssyncset.done $0x0  }
0x48: {  	s29 =	rddreg [dreg:$0x5];
	[sflag:s7] =	ssyncadd.s32 $0xFFFFF000  }
0x49: {  	[spmem:s29] =	stream.linear.scatter [tilespmem:s9], [sflag:$0xD], $0x1000, $0x38;
	[tilespmem:$0xF280] =	vst v63  }
0x4a: {  	_ =	swait.ge [sflag:s7], $0x1000  }
0x4b: {  	[sflag:s7] =	ssyncset.done $0x0  }
0x4c: {  	s30 =	rddreg [dreg:$0x6];
	[sflag:s7] =	ssyncadd.s32 $0xFFFFF000  }
0x4d: {  	[spmem:s30] =	stream.linear.scatter [tilespmem:s9], [sflag:$0xD], $0x1000, $0x38;
	[tilespmem:$0xF280] =	vst v63  }
0x4e: {  	_ =	swait.ge [sflag:s7], $0x1000  }
0x4f: {  	[sflag:s7] =	ssyncset.done $0x0  }
0x50: {  	s26 =	rddreg [dreg:$0x7];
	[sflag:s7] =	ssyncadd.s32 $0xFFFFF000  }
0x51: {  	[spmem:s26] =	stream.linear.scatter [tilespmem:s9], [sflag:$0xD], $0x1000, $0x38;
	[tilespmem:$0xF280] =	vst v63  }
0x52: {  	_ =	swait.ge [sflag:s7], $0x1000  }
0x53: {  	[sflag:s7] =	ssyncset.done $0x0  }
0x54: {  	s29 =	rddreg [dreg:$0x8];
	[sflag:s7] =	ssyncadd.s32 $0xFFFFF000  }
0x55: {  	[spmem:s29] =	stream.linear.scatter [tilespmem:s9], [sflag:$0xD], $0x1000, $0x38;
	[tilespmem:$0xF280] =	vst v63  }
0x56: {  	_ =	swait.ge [sflag:s7], $0x1000  }
0x57: {  	[sflag:s7] =	ssyncset.done $0x0  }
0x58: {  	s30 =	rddreg [dreg:$0x9];
	[sflag:s7] =	ssyncadd.s32 $0xFFFFF000  }
0x59: {  	[spmem:s30] =	stream.linear.scatter [tilespmem:s9], [sflag:$0xD], $0x1000, $0x38;
	[tilespmem:$0xF280] =	vst v63  }
0x5a: {  	_ =	swait.ge [sflag:s7], $0x1000  }
0x5b: {  	[sflag:s7] =	ssyncset.done $0x0  }
0x5c: {  	s26 =	rddreg [dreg:$0xa];
	[sflag:s7] =	ssyncadd.s32 $0xFFFFF000  }
0x5d: {  	[spmem:s26] =	stream.linear.scatter [tilespmem:s9], [sflag:$0xD], $0x1000, $0x38;
	[tilespmem:$0xF280] =	vst v63  }
0x5e: {  	_ =	swait.ge [sflag:s7], $0x1000  }
0x5f: {  	[sflag:s7] =	ssyncset.done $0x0  }
0x60: {  	s29 =	rddreg [dreg:$0xb];
	[sflag:s7] =	ssyncadd.s32 $0xFFFFF000  }
0x61: {  	[spmem:s29] =	stream.linear.scatter [tilespmem:s9], [sflag:$0xD], $0x1000, $0x38;
	[tilespmem:$0xF280] =	vst v63  }
0x62: {  	_ =	swait.ge [sflag:s7], $0x1000  }
0x63: {  	[sflag:s7] =	ssyncset.done $0x0  }
0x64: {  	s30 =	rddreg [dreg:$0xc];
	[sflag:s7] =	ssyncadd.s32 $0xFFFFF000  }
0x65: {  	[spmem:s30] =	stream.linear.scatter [tilespmem:s9], [sflag:$0xD], $0x1000, $0x38;
	[tilespmem:$0xF280] =	vst v63  }
0x66: {  	_ =	swait.ge [sflag:s7], $0x1000  }
0x67: {  	[sflag:s7] =	ssyncset.done $0x0  }
0x68: {  	[sflag:s7] =	ssyncadd.s32 $0xFFFFF000  }
0x69: {  	[bflag:$0x0] =	sbarrier.arrive $0xFFFF  }
0x6a: {  	s0 =	simm.s32 $0x0;
	s26 =	rddreg [dreg:$0xd]  }
0x6b: {  	[tilespmem:s0], [sflag:$0x1] =	stream.linear.gather [hbm4b:s26+s0], $0x50, $0x38;
	[tilespmem:$0xF280] =	vst v63  }
0x6c: {  	s30 =	simm.s32 $0x140;
	s29 =	rddreg [dreg:$0xe]  }
0x6d: {  	[tilespmem:s30], [sflag:$0x1] =	stream.linear.gather [hbm4b:s29+s0], $0x50, $0x38;
	[tilespmem:$0xF280] =	vst v63  }
0x6e: {  	s26 =	rddreg [dreg:$0xf]  }
0x6f: {  	[tilespmem:s1], [sflag:$0x2] =	stream.linear.gather [hbm4b:s26+s0], $0x50, $0x38;
	[tilespmem:$0xF280] =	vst v63  }
0x70: {  	s29 =	rddreg [dreg:$0x10];
	s30 =	simm.s32 $0x190  }
0x71: {  	[tilespmem:s30], [sflag:$0x2] =	stream.linear.gather [hbm4b:s29+s0], $0x50, $0x38;
	[tilespmem:$0xF280] =	vst v63  }
0x72: {  	s29 =	rddreg [dreg:$0x11]  }
0x73: {  	[tilespmem:s10], [sflag:$0x3] =	stream.linear.gather [hbm4b:s29+s0], $0x50, $0x38;
	[tilespmem:$0xF280] =	vst v63  }
0x74: {  	s30 =	rddreg [dreg:$0x12]  }
0x75: {  	[tilespmem:s11], [sflag:$0x3] =	stream.linear.gather [hbm4b:s30+s0], $0x50, $0x38;
	[tilespmem:$0xF280] =	vst v63  }
0x76: {  	_ =	swait.ge [sflag:s12], $0x50  }
0x77: {  	[sflag:s12] =	ssyncset.done $0x0  }
0x78: {  	[sflag:s12] =	ssyncadd.s32 $0xFFFFFFB0  }
0x79: {  	_ =	swait.ge [sflag:s12], $0x50  }
0x7a: {  	[sflag:s12] =	ssyncset.done $0x0  }
0x7b: {  	[sflag:s12] =	ssyncadd.s32 $0xFFFFFFB0  }
0x7c: {  	[tilespmem:s9], [sflag:$0x5] =	stream.indirect.gather [hbm4b:s6+s1], $0x40, s0, s1, $0xb8;
	[tilespmem:$0xF280] =	vst v63  }
.LBB2_4:
0x7d: {  	_ =	swait.ge [sflag:s13], $0x50  }
0x7e: {  	[sflag:s13] =	ssyncset.done $0x0  }
0x7f: {  	[sflag:s13] =	ssyncadd.s32 $0xFFFFFFB0  }
0x80: {  	_ =	swait.ge [sflag:s13], $0x50  }
0x81: {  	[sflag:s13] =	ssyncset.done $0x0  }
0x82: {  	[sflag:s13] =	ssyncadd.s32 $0xFFFFFFB0  }
0x83: {  	[tilespmem:s14], [sflag:$0x6] =	stream.indirect.gather [hbm4b:s6+s1], $0x40, s1, s1, $0xb8;
	[tilespmem:$0xF280] =	vst v63  }
0x84: {  	_ =	swait.ge [sflag:s15], $0x1400  }
0x85: {  	p0 =	sne.s32 s0, $0x0;
	[sflag:s15] =	ssyncset.done $0x0  }
0x86: {  	s9 =	simm.s32 @p0 $0xC;
	[sflag:s15] =	ssyncadd.s32 $0xFFFFEC00  }
0x87: {  	_ =	swait.ge @p0 [sflag:s9], $0x1400  }
0x88: {  	s30 =	simm.s32 @p0 $0x140;
	[sflag:s9] =	ssyncset.done @p0 $0x0  }
0x89: {  	s7 =	simm.s32 @p0 $0x280;
	[sflag:s9] =	ssyncadd.s32 @p0 $0xFFFFEC00;
	s9 =	simm.s32 @p0 $0x50  }
0x8a: {  	[spmem:s2] =	stream.indirect.scatter.add.f32 @p0 [tilespmem:s7], [sflag:$0x9], $0x40, s30, s9, $0xb8;
	[tilespmem:$0xF280] =	vst v63  }
0x8b: {  	s29 =	simm.s32 @!p0 $0x280;
	s7 =	sadd.s32 @p0 $0xF0, s0  }
0x8c: {  	s9 =	simm.s32 @!p0 $0x50;
	s30 =	simm.s32 @!p0 $0x140;
	s7 =	simm.s32 @!p0 $0xF0  }
0x8d: {  	[spmem:s2] =	stream.indirect.scatter.add.f32 @!p0 [tilespmem:s29], [sflag:$0x9], $0x40, s30, s9, $0xb8;
	[tilespmem:$0xF280] =	vst v63  }
0x8e: {  	s7 =	sadd.s32 s28, s7  }
0x8f: {  	s7 =	sshrl.u32 s7, $0x3  }
0x90: {  	s26 =	sadd.s32 s4, s7  }
0x91: {  	[tilespmem:s16], [sflag:$0x4] =	stream.linear.gather [hbm4b:s26+s3], $0x50, $0x38;
	[tilespmem:$0xF280] =	vst v63  }
0x92: {  	s7 =	sadd.s32 s5, s7  }
0x93: {  	[tilespmem:s17], [sflag:$0x4] =	stream.linear.gather [hbm4b:s7+s3], $0x50, $0x38;
	[tilespmem:$0xF280] =	vst v63  }
0x94: {  	_ =	swait.ge [sflag:s18], $0x50  }
0x95: {  	[sflag:s18] =	ssyncset.done $0x0  }
0x96: {  	[sflag:s18] =	ssyncadd.s32 $0xFFFFFFB0  }
0x97: {  	_ =	swait.ge [sflag:s18], $0x50  }
0x98: {  	[sflag:s18] =	ssyncset.done $0x0  }
0x99: {  	[sflag:s18] =	ssyncadd.s32 $0xFFFFFFB0  }
0x9a: {  	[tilespmem:s19], [sflag:$0x7] =	stream.indirect.gather [hbm4b:s6+s1], $0x40, s10, s1, $0xb8;
	[tilespmem:$0xF280] =	vst v63  }
0x9b: {  	_ =	swait.ge [sflag:s20], $0x1400  }
0x9c: {  	[sflag:s20] =	ssyncset.done $0x0  }
0x9d: {  	[sflag:s20] =	ssyncadd.s32 $0xFFFFEC00  }
0x9e: {  	s9 =	smov.u32 s0;
	_ =	swait.ge [sflag:s21], $0x1400  }
0x9f: {  	s9 =	simm.s32 @!p0 $0x0;
	[sflag:s21] =	ssyncset.done $0x0;
	s30 =	rddreg [dreg:$0x15]  }
0xa0: {  	s29 =	simm.s32 $0x190;
	[sflag:s21] =	ssyncadd.s32 $0xFFFFEC00;
	s7 =	sadd.s32 s9, s30  }
0xa1: {  	[spmem:s2] =	stream.indirect.scatter.add.f32 [tilespmem:s14], [sflag:$0xA], $0x40, s29, s1, $0xb8;
	[tilespmem:$0xF280] =	vst v63  }
0xa2: {  	s7 =	sshrl.u32 s7, $0x3  }
0xa3: {  	s26 =	sadd.s32 s4, s7  }
0xa4: {  	[tilespmem:s3], [sflag:$0x1] =	stream.linear.gather [hbm4b:s26+s3], $0x50, $0x38;
	[tilespmem:$0xF280] =	vst v63  }
0xa5: {  	s7 =	sadd.s32 s5, s7;
	s26 =	simm.s32 $0x140  }
0xa6: {  	[tilespmem:s26], [sflag:$0x1] =	stream.linear.gather [hbm4b:s7+s3], $0x50, $0x38;
	[tilespmem:$0xF280] =	vst v63  }
0xa7: {  	_ =	swait.ge [sflag:s22], $0x50  }
0xa8: {  	[sflag:s22] =	ssyncset.done $0x0  }
0xa9: {  	[sflag:s22] =	ssyncadd.s32 $0xFFFFFFB0  }
0xaa: {  	_ =	swait.ge [sflag:s22], $0x50  }
0xab: {  	[sflag:s22] =	ssyncset.done $0x0  }
0xac: {  	[sflag:s22] =	ssyncadd.s32 $0xFFFFFFB0  }
0xad: {  	[tilespmem:s23], [sflag:$0x8] =	stream.indirect.gather [hbm4b:s6+s1], $0x40, s16, s1, $0xb8;
	[tilespmem:$0xF280] =	vst v63  }
0xae: {  	_ =	swait.ge [sflag:s24], $0x1400  }
0xaf: {  	[sflag:s24] =	ssyncset.done $0x0  }
0xb0: {  	[sflag:s24] =	ssyncadd.s32 $0xFFFFEC00  }
0xb1: {  	_ =	swait.ge [sflag:s25], $0x1400  }
0xb2: {  	p0 =	seq.s32 s0, $0x2580;
	[sflag:s25] =	ssyncset.done $0x0;
	s7 =	rddreg [dreg:$0x16]  }
0xb3: {  	[sflag:s25] =	ssyncadd.s32 $0xFFFFEC00;
	s7 =	sadd.s32 @!p0 s9, s7  }
0xb4: {  	[spmem:s2] =	stream.indirect.scatter.add.f32 [tilespmem:s19], [sflag:$0xB], $0x40, s11, s1, $0xb8;
	[tilespmem:$0xF280] =	vst v63  }
0xb5: {  	s7 =	sshrl.u32 @!p0 s7, $0x3  }
0xb6: {  	s30 =	simm.s32 @!p0 $0x0;
	s26 =	simm.s32 @!p0 $0x50;
	s29 =	sadd.s32 @!p0 s4, s7  }
0xb7: {  	[tilespmem:s26], [sflag:$0x2] =	stream.linear.gather @!p0 [hbm4b:s29+s30], $0x50, $0x38;
	[tilespmem:$0xF280] =	vst v63  }
0xb8: {  	s7 =	sadd.s32 @!p0 s5, s7;
	s26 =	simm.s32 @!p0 $0x190  }
0xb9: {  	[tilespmem:s26], [sflag:$0x2] =	stream.linear.gather @!p0 [hbm4b:s7+s30], $0x50, $0x38;
	[tilespmem:$0xF280] =	vst v63  }
0xba: {  	_ =	swait.ge [sflag:s12], $0x50  }
0xbb: {  	[sflag:s12] =	ssyncset.done $0x0  }
0xbc: {  	[sflag:s12] =	ssyncadd.s32 $0xFFFFFFB0  }
0xbd: {  	_ =	swait.ge [sflag:s12], $0x50  }
0xbe: {  	[sflag:s12] =	ssyncset.done $0x0  }
0xbf: {  	s30 =	simm.s32 $0x280;
	[sflag:s12] =	ssyncadd.s32 $0xFFFFFFB0  }
0xc0: {  	[tilespmem:s30], [sflag:$0x5] =	stream.indirect.gather [hbm4b:s6+s1], $0x40, s3, s1, $0xb8;
	[tilespmem:$0xF280] =	vst v63  }
0xc1: {  	_ =	swait.ge [sflag:s8], $0x1400  }
0xc2: {  	[sflag:s8] =	ssyncset.done $0x0  }
.Ltmp3:
0xc3: {  	[sflag:s8] =	ssyncadd.s32 $0xFFFFEC00;
	(pc) =	sbr.rel @p0 .LBB2_6-.Ltmp3, $4  }
0xc4: {  	_ =	swait.ge [sflag:s31], $0x1400  }
0xc5: {  	[sflag:s31] =	ssyncset.done $0x0  }
0xc6: {  	[sflag:s31] =	ssyncadd.s32 $0xFFFFEC00  }
0xc7: {  	[spmem:s2] =	stream.indirect.scatter.add.f32 [tilespmem:s23], [sflag:$0xC], $0x40, s17, s1, $0xb8;
	[tilespmem:$0xF280] =	vst v63  }
0xc8: {  	s7 =	rddreg [dreg:$0x17]  }
0xc9: {  	s7 =	sadd.s32 s9, s7  }
.Ltmp4:
0xca: {  	s7 =	sshrl.u32 s7, $0x3;
	(pc) =	sbr.rel .LBB2_4-.Ltmp4, $4  }
0xcb: {  	s30 =	sadd.s32 s4, s7  }
0xcc: {  	[tilespmem:s10], [sflag:$0x3] =	stream.linear.gather [hbm4b:s30+s3], $0x50, $0x38;
	[tilespmem:$0xF280] =	vst v63  }
0xcd: {  	s0 =	sadd.s32 $0x140, s0;
	s7 =	sadd.s32 s5, s7  }
0xce: {  	[tilespmem:s11], [sflag:$0x3] =	stream.linear.gather [hbm4b:s7+s3], $0x50, $0x38;
	[tilespmem:$0xF280] =	vst v63  }
.LBB2_7:
0xcf: {  	_ =	sfence.sel $0x180000  }
0xd0: {  	[bflag:$0x0] =	sbarrier.arrive $0xFFFF  }
0xd1: {  	_ =	strace $0x90000050  }
0xd2: {  	s0 =	stileid.u32;
	[bflag:$0x2] =	sbarrier.arrive $0xFFFF  }
0xd3: {  	p0 =	sne.s32 s0, $0x0;
	s0 =	rddreg [dreg:$0x2]  }
0xd4: {  	s0 =	sadd.s32 @!p0 $0x100000, s0  }
0xd5: {  	[sflag:s0] =	ssyncadd.tile.s32 @!p0 $0x1;
	_ =	shalt  }
.Lfunc_end2:
_tile_overlayer_lowered:
.L_overlay_start_2:
0xd6: {  	(tag) =	ssettag $0x2  }
0xd7: {  	s0 =	rddreg [dreg:$0x0];
	s2 =	stileid.u32  }
0xd8: {  	s1 =	rddreg [dreg:$0x1];
	p0 =	sne.s32 s2, $0x0  }
0xd9: {  	s3 =	rddreg [dreg:$0x2];
	[bflag:$0x3] =	sbarrier.arrive $0xFFFF;
	s2 =	simm.s32 @!p0 $0x1C0D  }
0xda: {  	[timem:s3], [sflag:s2] =	dma.local @!p0 [hbm:s0], s1  }
0xdb: {  	s0 =	simm.s32 @!p0 $0xD  }
0xdc: {  	_ =	swait.ge @!p0 [sflag:s0], s1  }
0xdd: {  	s1 =	ssub.s32 @!p0 $0x0, s1;
	[sflag:s0] =	ssyncset.done @!p0 $0x0  }
0xde: {  	[sflag:s0] =	ssyncadd.s32 @!p0 s1  }
0xdf: {  	[bflag:$0x3] =	sbarrier.arrive $0xFFFF  }
0xe0: {  	_ =	shalt  }

</sc_bundles>
